<compile_context>
chip_gen: v7x
topology: tpu7x:2x2x1
jax: 0.10.2.dev20260603
libtpu: 0.0.44.dev20260713+nightly
codegen_flags: <defaults>
</compile_context>

<pallas_src>
import functools

import jax
import jax.numpy as jnp
from jax import lax
from jax.experimental import pallas as pl
from jax.experimental.pallas import tpu as pltpu
from jax.experimental.pallas import tpu_sc as plsc

_NC = 2
_NS = 16
_NW = _NC * _NS
_L = 16

_BOUNDS = (0.1, 0.2, 0.3, 0.4, 0.5, 0.6, 0.7, 0.8, 0.9)

_CHUNK = 25600
_NBUF = 2


@functools.cache
def _make_sc_call(n):
    assert n % (_NW * _L) == 0, n
    per_w = n // _NW
    chunk = min(_CHUNK, per_w)
    assert per_w % chunk == 0, (per_w, chunk)
    n_vec = chunk // _L
    mesh = plsc.VectorSubcoreMesh(
        core_axis_name="c", subcore_axis_name="s",
        num_cores=_NC, num_subcores=_NS,
    )

    @functools.partial(
        pl.kernel,
        out_type=jax.ShapeDtypeStruct((2 * n,), jnp.float32),
        mesh=mesh,
        compiler_params=pltpu.CompilerParams(needs_layout_passes=False),
        scratch_types=[
            [pltpu.VMEM((chunk,), jnp.float32)] * _NBUF,
            [pltpu.VMEM((chunk,), jnp.float32)] * _NBUF,
            [pltpu.VMEM((_L,), jnp.float32)] * 3,
            [pltpu.SemaphoreType.DMA] * _NBUF,
            [pltpu.SemaphoreType.DMA] * _NBUF,
            pltpu.SemaphoreType.DMA,
        ],
    )
    def sc_fn(w1_hbm, w2_hbm, bw1_hbm, bw2_hbm, extb_hbm, out_hbm,
              ins, outs, tables, sins, souts, sbw):
        wid = lax.axis_index("c") * _NS + lax.axis_index("s")
        base = wid * per_w
        bwv1, bwv2, extb = tables

        bw_copy1 = pltpu.async_copy(bw1_hbm, bwv1, sbw)
        bw_copy2 = pltpu.async_copy(bw2_hbm, bwv2, sbw)
        bw_copy3 = pltpu.async_copy(extb_hbm, extb, sbw)

        tasks = []
        for src, out_off, bw in ((w1_hbm, 0, bwv1), (w2_hbm, n, bwv2)):
            for c in range(per_w // chunk):
                off = base + c * chunk
                tasks.append((src, off, out_off + off, bw))
        T = len(tasks)

        def start_load(t):
            src, off, _, _ = tasks[t]
            return pltpu.async_copy(
                src.at[pl.ds(off, chunk)], ins[t % _NBUF], sins[t % _NBUF])

        def start_store(t):
            _, _, dst_off, _ = tasks[t]
            return pltpu.async_copy(
                outs[t % _NBUF], out_hbm.at[pl.ds(dst_off, chunk)],
                souts[t % _NBUF])

        pending = {}
        for t in range(min(_NBUF, T)):
            pending[t] = start_load(t)
        bw_copy1.wait()
        bw_copy2.wait()
        bw_copy3.wait()
        store_pending = {}
        for t in range(T):
            b = t % _NBUF
            pending.pop(t).wait()
            if t - _NBUF >= 0:
                store_pending.pop(t - _NBUF).wait()
            inb, outb = ins[b], outs[b]
            bw = tasks[t][3]

            @plsc.parallel_loop(0, n_vec, 1, unroll=12)
            def _(i):
                v = inb[pl.ds(i * _L, _L)]
                j = jnp.clip((v * 10.0).astype(jnp.int32), 0, 9)
                g = plsc.load_gather(extb, [j])
                cnt = j - (v <= g).astype(jnp.int32)
                outb[pl.ds(i * _L, _L)] = plsc.load_gather(bw, [cnt])

            store_pending[t] = start_store(t)
            if t + _NBUF < T:
                pending[t + _NBUF] = start_load(t + _NBUF)
        for t in sorted(store_pending):
            store_pending.pop(t).wait()

    return sc_fn


def kernel(weights_f1, weights_f2, bucket_w_f1, bucket_w_f2):
    n = weights_f1.shape[0]
    pad = jnp.zeros((_L - bucket_w_f1.shape[0],), jnp.float32)
    bw1 = jnp.concatenate([bucket_w_f1, pad])
    bw2 = jnp.concatenate([bucket_w_f2, pad])
    extb = jnp.concatenate([
        jnp.array([-1e30], jnp.float32),
        jnp.array(_BOUNDS, jnp.float32),
        jnp.zeros((_L - 10,), jnp.float32),
    ])
    return _make_sc_call(n)(weights_f1, weights_f2, bw1, bw2, extb)

# --- scband reference (transcript-rebuilt; emitter-appended) ---
"""Pipeline reference for scband-bucketize-mod-27908697490074 (READ-ONLY COPY).

The authoritative reference and input builder live on the scoring server;
editing this copy changes nothing except your own understanding.
"""

import jax, jax.numpy as jnp
import numpy as np

N = 3276800
BOUNDARIES_F1 = jnp.array([0.1, 0.2, 0.3, 0.4, 0.5, 0.6, 0.7, 0.8, 0.9], dtype=jnp.float32)
BOUNDARIES_F2 = jnp.array([0.1, 0.2, 0.3, 0.4, 0.5, 0.6, 0.7, 0.8, 0.9], dtype=jnp.float32)


def setup_inputs(seed: int = 0) -> dict:
    key = jax.random.key(seed)
    k1, k2 = jax.random.split(key, 2)
    weights_f1 = jax.random.uniform(k1, (N,), dtype=jnp.float32)
    weights_f2 = jax.random.uniform(k2, (N,), dtype=jnp.float32)
    # learned per-bucket weights, initialized to 1.0 as in the torch module
    bucket_w_f1 = jnp.ones((BOUNDARIES_F1.shape[0] + 1,), dtype=jnp.float32)
    bucket_w_f2 = jnp.ones((BOUNDARIES_F2.shape[0] + 1,), dtype=jnp.float32)
    return {
        "weights_f1": weights_f1,
        "weights_f2": weights_f2,
        "bucket_w_f1": bucket_w_f1,
        "bucket_w_f2": bucket_w_f2,
    }


def reference(weights_f1, weights_f2, bucket_w_f1, bucket_w_f2):
    # torch.bucketize(v, boundaries, right=False) == searchsorted(boundaries, v, side='left')
    b1 = jnp.searchsorted(BOUNDARIES_F1, weights_f1, side='left')
    w1 = jnp.take(bucket_w_f1, b1, axis=0)
    b2 = jnp.searchsorted(BOUNDARIES_F2, weights_f2, side='left')
    w2 = jnp.take(bucket_w_f2, b2, axis=0)
    # output KJT weights = concatenation of per-key bucketized weights
    return jnp.concatenate([w1, w2], axis=0)

if __name__ == "__main__":
    import jax
    _d = setup_inputs()
    print(jax.jit(kernel)(*tuple(_d.values())))

</pallas_src>

<mosaic_0001>
#map = affine_map<(d0, d1) -> (0)>
module attributes {stable_mosaic.version = 14 : i64} {
  func.func @sc_fn(%arg0: i32, %arg1: i32, %arg2: memref<3276800xf32, #tpu.memory_space<hbm>>, %arg3: memref<3276800xf32, #tpu.memory_space<hbm>>, %arg4: memref<16xf32, #tpu.memory_space<hbm>>, %arg5: memref<16xf32, #tpu.memory_space<hbm>>, %arg6: memref<16xf32, #tpu.memory_space<hbm>>, %arg7: memref<6553600xf32, #tpu.memory_space<hbm>>, %arg8: memref<25600xf32, #tpu.memory_space<vmem>>, %arg9: memref<25600xf32, #tpu.memory_space<vmem>>, %arg10: memref<25600xf32, #tpu.memory_space<vmem>>, %arg11: memref<25600xf32, #tpu.memory_space<vmem>>, %arg12: memref<16xf32, #tpu.memory_space<vmem>>, %arg13: memref<16xf32, #tpu.memory_space<vmem>>, %arg14: memref<16xf32, #tpu.memory_space<vmem>>, %arg15: memref<!tpu.dma_semaphore, #tpu.memory_space<semaphore_mem>>, %arg16: memref<!tpu.dma_semaphore, #tpu.memory_space<semaphore_mem>>, %arg17: memref<!tpu.dma_semaphore, #tpu.memory_space<semaphore_mem>>, %arg18: memref<!tpu.dma_semaphore, #tpu.memory_space<semaphore_mem>>, %arg19: memref<!tpu.dma_semaphore, #tpu.memory_space<semaphore_mem>>) attributes {dimension_semantics = [#tpu.dimension_semantics<core_parallel>, #tpu.dimension_semantics<subcore_parallel>], iteration_bounds = array<i64: 2, 16>, scalar_prefetch = 0 : i64, scratch_operands = 12 : i64, tpu.core_type = #tpu.core_type<sc_vector_subcore>, window_params = [{transform_indices = #map}, {transform_indices = #map}, {transform_indices = #map}, {transform_indices = #map}, {transform_indices = #map}, {transform_indices = #map}]} {
    %mul3A = arith.constant 16 : i32
    %mul3A_0 = arith.muli %arg0, %mul3A : i32
    %add3A = arith.addi %mul3A_0, %arg1 : i32
    %mul3A_1 = arith.constant 102400 : i32
    %mul3A_2 = arith.muli %add3A, %mul3A_1 : i32
    tpu.enqueue_dma source(%arg4 : memref<16xf32, #tpu.memory_space<hbm>>) target(%arg12 : memref<16xf32, #tpu.memory_space<vmem>>) target_semaphore(%arg19 : memref<!tpu.dma_semaphore, #tpu.memory_space<semaphore_mem>>)
    tpu.enqueue_dma source(%arg5 : memref<16xf32, #tpu.memory_space<hbm>>) target(%arg13 : memref<16xf32, #tpu.memory_space<vmem>>) target_semaphore(%arg19 : memref<!tpu.dma_semaphore, #tpu.memory_space<semaphore_mem>>)
    tpu.enqueue_dma source(%arg6 : memref<16xf32, #tpu.memory_space<hbm>>) target(%arg14 : memref<16xf32, #tpu.memory_space<vmem>>) target_semaphore(%arg19 : memref<!tpu.dma_semaphore, #tpu.memory_space<semaphore_mem>>)
    %add3A_3 = arith.constant 0 : i32
    %add3A_4 = arith.addi %mul3A_2, %add3A_3 : i32
    %add3A_5 = arith.constant 0 : i32
    %add3A_6 = arith.addi %add3A_5, %add3A_4 : i32
    %add3A_7 = arith.constant 25600 : i32
    %add3A_8 = arith.addi %mul3A_2, %add3A_7 : i32
    %add3A_9 = arith.constant 0 : i32
    %add3A_10 = arith.addi %add3A_9, %add3A_8 : i32
    %add3A_11 = arith.constant 51200 : i32
    %add3A_12 = arith.addi %mul3A_2, %add3A_11 : i32
    %add3A_13 = arith.constant 0 : i32
    %add3A_14 = arith.addi %add3A_13, %add3A_12 : i32
    %add3A_15 = arith.constant 76800 : i32
    %add3A_16 = arith.addi %mul3A_2, %add3A_15 : i32
    %add3A_17 = arith.constant 0 : i32
    %add3A_18 = arith.addi %add3A_17, %add3A_16 : i32
    %add3A_19 = arith.constant 0 : i32
    %add3A_20 = arith.addi %mul3A_2, %add3A_19 : i32
    %add3A_21 = arith.constant 3276800 : i32
    %add3A_22 = arith.addi %add3A_21, %add3A_20 : i32
    %add3A_23 = arith.constant 25600 : i32
    %add3A_24 = arith.addi %mul3A_2, %add3A_23 : i32
    %add3A_25 = arith.constant 3276800 : i32
    %add3A_26 = arith.addi %add3A_25, %add3A_24 : i32
    %add3A_27 = arith.constant 51200 : i32
    %add3A_28 = arith.addi %mul3A_2, %add3A_27 : i32
    %add3A_29 = arith.constant 3276800 : i32
    %add3A_30 = arith.addi %add3A_29, %add3A_28 : i32
    %add3A_31 = arith.constant 76800 : i32
    %add3A_32 = arith.addi %mul3A_2, %add3A_31 : i32
    %add3A_33 = arith.constant 3276800 : i32
    %add3A_34 = arith.addi %add3A_33, %add3A_32 : i32
    %dma_start3A = tpu.memref_slice %arg2[%add3A_4] : memref<3276800xf32, #tpu.memory_space<hbm>> -> memref<25600xf32, #tpu.memory_space<hbm>>
    %dma_start3A_35 = tpu.memref_slice %arg2[%add3A_4] : memref<3276800xf32, #tpu.memory_space<hbm>> -> memref<25600xf32, #tpu.memory_space<hbm>>
    tpu.enqueue_dma source(%dma_start3A_35 : memref<25600xf32, #tpu.memory_space<hbm>>) target(%arg8 : memref<25600xf32, #tpu.memory_space<vmem>>) target_semaphore(%arg15 : memref<!tpu.dma_semaphore, #tpu.memory_space<semaphore_mem>>)
    %dma_start3A_36 = tpu.memref_slice %arg2[%add3A_8] : memref<3276800xf32, #tpu.memory_space<hbm>> -> memref<25600xf32, #tpu.memory_space<hbm>>
    %dma_start3A_37 = tpu.memref_slice %arg2[%add3A_8] : memref<3276800xf32, #tpu.memory_space<hbm>> -> memref<25600xf32, #tpu.memory_space<hbm>>
    tpu.enqueue_dma source(%dma_start3A_37 : memref<25600xf32, #tpu.memory_space<hbm>>) target(%arg9 : memref<25600xf32, #tpu.memory_space<vmem>>) target_semaphore(%arg16 : memref<!tpu.dma_semaphore, #tpu.memory_space<semaphore_mem>>)
    tpu.wait_dma2 semaphore(%arg19 : memref<!tpu.dma_semaphore, #tpu.memory_space<semaphore_mem>>) src(%arg4 : memref<16xf32, #tpu.memory_space<hbm>>) dst(%arg12 : memref<16xf32, #tpu.memory_space<vmem>>)
    tpu.wait_dma2 semaphore(%arg19 : memref<!tpu.dma_semaphore, #tpu.memory_space<semaphore_mem>>) src(%arg5 : memref<16xf32, #tpu.memory_space<hbm>>) dst(%arg13 : memref<16xf32, #tpu.memory_space<vmem>>)
    tpu.wait_dma2 semaphore(%arg19 : memref<!tpu.dma_semaphore, #tpu.memory_space<semaphore_mem>>) src(%arg6 : memref<16xf32, #tpu.memory_space<hbm>>) dst(%arg14 : memref<16xf32, #tpu.memory_space<vmem>>)
    %dma_wait3A = tpu.memref_slice %arg2[%add3A_4] : memref<3276800xf32, #tpu.memory_space<hbm>> -> memref<25600xf32, #tpu.memory_space<hbm>>
    %dma_wait3A_38 = tpu.memref_slice %arg2[%add3A_4] : memref<3276800xf32, #tpu.memory_space<hbm>> -> memref<25600xf32, #tpu.memory_space<hbm>>
    tpu.wait_dma2 semaphore(%arg15 : memref<!tpu.dma_semaphore, #tpu.memory_space<semaphore_mem>>) src(%dma_wait3A_38 : memref<25600xf32, #tpu.memory_space<hbm>>) dst(%arg8 : memref<25600xf32, #tpu.memory_space<vmem>>)
    %parallel_loop3A = arith.constant 0 : i32
    %parallel_loop3A_39 = arith.constant 1600 : i32
    %parallel_loop3A_40 = arith.constant 1 : i32
    scf.for %parallel_loop3A_120 = %parallel_loop3A to %parallel_loop3A_39 step %parallel_loop3A_40  : i32 {
      %parallel_loop3A_121 = arith.constant 16 : i32
      %parallel_loop3A_122 = arith.muli %parallel_loop3A_120, %parallel_loop3A_121 : i32
      %parallel_loop3A_123 = arith.index_cast %parallel_loop3A_122 : i32 to index
      %parallel_loop3A_124 = tpu.vector_load %arg8[%parallel_loop3A_123] {strides = array<i32>} : memref<25600xf32, #tpu.memory_space<vmem>>, vector<16xf32>,
      %parallel_loop3A_125 = arith.constant 1.000000e+01 : f32
      %parallel_loop3A_126 = vector.broadcast %parallel_loop3A_125 : f32 to vector<16xf32>
      %parallel_loop3A_127 = arith.mulf %parallel_loop3A_124, %parallel_loop3A_126 : vector<16xf32>
      %parallel_loop3A_128 = arith.fptosi %parallel_loop3A_127 : vector<16xf32> to vector<16xi32>
      %parallel_loop3A_129 = arith.constant 0 : i32
      %parallel_loop3A_130 = arith.constant 9 : i32
      %parallel_loop3A_131 = vector.broadcast %parallel_loop3A_129 : i32 to vector<16xi32>
      %parallel_loop3A_132 = arith.maxsi %parallel_loop3A_131, %parallel_loop3A_128 : vector<16xi32>
      %parallel_loop3A_133 = vector.broadcast %parallel_loop3A_130 : i32 to vector<16xi32>
      %parallel_loop3A_134 = arith.minsi %parallel_loop3A_133, %parallel_loop3A_132 : vector<16xi32>
      %parallel_loop3A_135 = tpu.vector_load_idx %arg14[%parallel_loop3A_134] : memref<16xf32, #tpu.memory_space<vmem>>[vector<16xi32>], vector<16xf32>,
      %parallel_loop3A_136 = arith.cmpf ole, %parallel_loop3A_124, %parallel_loop3A_135 : vector<16xf32>
      %parallel_loop3A_137 = arith.extui %parallel_loop3A_136 : vector<16xi1> to vector<16xi32>
      %parallel_loop3A_138 = arith.subi %parallel_loop3A_134, %parallel_loop3A_137 : vector<16xi32>
      %parallel_loop3A_139 = tpu.vector_load_idx %arg12[%parallel_loop3A_138] : memref<16xf32, #tpu.memory_space<vmem>>[vector<16xi32>], vector<16xf32>,
      %parallel_loop3A_140 = arith.constant 16 : i32
      %parallel_loop3A_141 = arith.muli %parallel_loop3A_120, %parallel_loop3A_140 : i32
      %parallel_loop3A_142 = arith.index_cast %parallel_loop3A_141 : i32 to index
      %parallel_loop3A_143 = tpu.vector_load %arg10[%parallel_loop3A_142] {strides = array<i32>} : memref<25600xf32, #tpu.memory_space<vmem>>, vector<16xf32>,
      tpu.vector_store %arg10[%parallel_loop3A_142], %parallel_loop3A_139 {strides = array<i32>} : memref<25600xf32, #tpu.memory_space<vmem>>, vector<16xf32>,
    } {sc.loop_unroll_factor = 12 : i64, sc.parallel_access}
    %dma_start3A_41 = tpu.memref_slice %arg7[%add3A_6] : memref<6553600xf32, #tpu.memory_space<hbm>> -> memref<25600xf32, #tpu.memory_space<hbm>>
    %dma_start3A_42 = tpu.memref_slice %arg7[%add3A_6] : memref<6553600xf32, #tpu.memory_space<hbm>> -> memref<25600xf32, #tpu.memory_space<hbm>>
    tpu.enqueue_dma source(%arg10 : memref<25600xf32, #tpu.memory_space<vmem>>) target(%dma_start3A_42 : memref<25600xf32, #tpu.memory_space<hbm>>) target_semaphore(%arg17 : memref<!tpu.dma_semaphore, #tpu.memory_space<semaphore_mem>>)
    %dma_start3A_43 = tpu.memref_slice %arg2[%add3A_12] : memref<3276800xf32, #tpu.memory_space<hbm>> -> memref<25600xf32, #tpu.memory_space<hbm>>
    %dma_start3A_44 = tpu.memref_slice %arg2[%add3A_12] : memref<3276800xf32, #tpu.memory_space<hbm>> -> memref<25600xf32, #tpu.memory_space<hbm>>
    tpu.enqueue_dma source(%dma_start3A_44 : memref<25600xf32, #tpu.memory_space<hbm>>) target(%arg8 : memref<25600xf32, #tpu.memory_space<vmem>>) target_semaphore(%arg15 : memref<!tpu.dma_semaphore, #tpu.memory_space<semaphore_mem>>)
    %dma_wait3A_45 = tpu.memref_slice %arg2[%add3A_8] : memref<3276800xf32, #tpu.memory_space<hbm>> -> memref<25600xf32, #tpu.memory_space<hbm>>
    %dma_wait3A_46 = tpu.memref_slice %arg2[%add3A_8] : memref<3276800xf32, #tpu.memory_space<hbm>> -> memref<25600xf32, #tpu.memory_space<hbm>>
    tpu.wait_dma2 semaphore(%arg16 : memref<!tpu.dma_semaphore, #tpu.memory_space<semaphore_mem>>) src(%dma_wait3A_46 : memref<25600xf32, #tpu.memory_space<hbm>>) dst(%arg9 : memref<25600xf32, #tpu.memory_space<vmem>>)
    %parallel_loop3A_47 = arith.constant 0 : i32
    %parallel_loop3A_48 = arith.constant 1600 : i32
    %parallel_loop3A_49 = arith.constant 1 : i32
    scf.for %parallel_loop3A_120 = %parallel_loop3A_47 to %parallel_loop3A_48 step %parallel_loop3A_49  : i32 {
      %parallel_loop3A_121 = arith.constant 16 : i32
      %parallel_loop3A_122 = arith.muli %parallel_loop3A_120, %parallel_loop3A_121 : i32
      %parallel_loop3A_123 = arith.index_cast %parallel_loop3A_122 : i32 to index
      %parallel_loop3A_124 = tpu.vector_load %arg9[%parallel_loop3A_123] {strides = array<i32>} : memref<25600xf32, #tpu.memory_space<vmem>>, vector<16xf32>,
      %parallel_loop3A_125 = arith.constant 1.000000e+01 : f32
      %parallel_loop3A_126 = vector.broadcast %parallel_loop3A_125 : f32 to vector<16xf32>
      %parallel_loop3A_127 = arith.mulf %parallel_loop3A_124, %parallel_loop3A_126 : vector<16xf32>
      %parallel_loop3A_128 = arith.fptosi %parallel_loop3A_127 : vector<16xf32> to vector<16xi32>
      %parallel_loop3A_129 = arith.constant 0 : i32
      %parallel_loop3A_130 = arith.constant 9 : i32
      %parallel_loop3A_131 = vector.broadcast %parallel_loop3A_129 : i32 to vector<16xi32>
      %parallel_loop3A_132 = arith.maxsi %parallel_loop3A_131, %parallel_loop3A_128 : vector<16xi32>
      %parallel_loop3A_133 = vector.broadcast %parallel_loop3A_130 : i32 to vector<16xi32>
      %parallel_loop3A_134 = arith.minsi %parallel_loop3A_133, %parallel_loop3A_132 : vector<16xi32>
      %parallel_loop3A_135 = tpu.vector_load_idx %arg14[%parallel_loop3A_134] : memref<16xf32, #tpu.memory_space<vmem>>[vector<16xi32>], vector<16xf32>,
      %parallel_loop3A_136 = arith.cmpf ole, %parallel_loop3A_124, %parallel_loop3A_135 : vector<16xf32>
      %parallel_loop3A_137 = arith.extui %parallel_loop3A_136 : vector<16xi1> to vector<16xi32>
      %parallel_loop3A_138 = arith.subi %parallel_loop3A_134, %parallel_loop3A_137 : vector<16xi32>
      %parallel_loop3A_139 = tpu.vector_load_idx %arg12[%parallel_loop3A_138] : memref<16xf32, #tpu.memory_space<vmem>>[vector<16xi32>], vector<16xf32>,
      %parallel_loop3A_140 = arith.constant 16 : i32
      %parallel_loop3A_141 = arith.muli %parallel_loop3A_120, %parallel_loop3A_140 : i32
      %parallel_loop3A_142 = arith.index_cast %parallel_loop3A_141 : i32 to index
      %parallel_loop3A_143 = tpu.vector_load %arg11[%parallel_loop3A_142] {strides = array<i32>} : memref<25600xf32, #tpu.memory_space<vmem>>, vector<16xf32>,
      tpu.vector_store %arg11[%parallel_loop3A_142], %parallel_loop3A_139 {strides = array<i32>} : memref<25600xf32, #tpu.memory_space<vmem>>, vector<16xf32>,
    } {sc.loop_unroll_factor = 12 : i64, sc.parallel_access}
    %dma_start3A_50 = tpu.memref_slice %arg7[%add3A_10] : memref<6553600xf32, #tpu.memory_space<hbm>> -> memref<25600xf32, #tpu.memory_space<hbm>>
    %dma_start3A_51 = tpu.memref_slice %arg7[%add3A_10] : memref<6553600xf32, #tpu.memory_space<hbm>> -> memref<25600xf32, #tpu.memory_space<hbm>>
    tpu.enqueue_dma source(%arg11 : memref<25600xf32, #tpu.memory_space<vmem>>) target(%dma_start3A_51 : memref<25600xf32, #tpu.memory_space<hbm>>) target_semaphore(%arg18 : memref<!tpu.dma_semaphore, #tpu.memory_space<semaphore_mem>>)
    %dma_start3A_52 = tpu.memref_slice %arg2[%add3A_16] : memref<3276800xf32, #tpu.memory_space<hbm>> -> memref<25600xf32, #tpu.memory_space<hbm>>
    %dma_start3A_53 = tpu.memref_slice %arg2[%add3A_16] : memref<3276800xf32, #tpu.memory_space<hbm>> -> memref<25600xf32, #tpu.memory_space<hbm>>
    tpu.enqueue_dma source(%dma_start3A_53 : memref<25600xf32, #tpu.memory_space<hbm>>) target(%arg9 : memref<25600xf32, #tpu.memory_space<vmem>>) target_semaphore(%arg16 : memref<!tpu.dma_semaphore, #tpu.memory_space<semaphore_mem>>)
    %dma_wait3A_54 = tpu.memref_slice %arg2[%add3A_12] : memref<3276800xf32, #tpu.memory_space<hbm>> -> memref<25600xf32, #tpu.memory_space<hbm>>
    %dma_wait3A_55 = tpu.memref_slice %arg2[%add3A_12] : memref<3276800xf32, #tpu.memory_space<hbm>> -> memref<25600xf32, #tpu.memory_space<hbm>>
    tpu.wait_dma2 semaphore(%arg15 : memref<!tpu.dma_semaphore, #tpu.memory_space<semaphore_mem>>) src(%dma_wait3A_55 : memref<25600xf32, #tpu.memory_space<hbm>>) dst(%arg8 : memref<25600xf32, #tpu.memory_space<vmem>>)
    %dma_wait3A_56 = tpu.memref_slice %arg7[%add3A_6] : memref<6553600xf32, #tpu.memory_space<hbm>> -> memref<25600xf32, #tpu.memory_space<hbm>>
    %dma_wait3A_57 = tpu.memref_slice %arg7[%add3A_6] : memref<6553600xf32, #tpu.memory_space<hbm>> -> memref<25600xf32, #tpu.memory_space<hbm>>
    tpu.wait_dma2 semaphore(%arg17 : memref<!tpu.dma_semaphore, #tpu.memory_space<semaphore_mem>>) src(%arg10 : memref<25600xf32, #tpu.memory_space<vmem>>) dst(%dma_wait3A_57 : memref<25600xf32, #tpu.memory_space<hbm>>)
    %parallel_loop3A_58 = arith.constant 0 : i32
    %parallel_loop3A_59 = arith.constant 1600 : i32
    %parallel_loop3A_60 = arith.constant 1 : i32
    scf.for %parallel_loop3A_120 = %parallel_loop3A_58 to %parallel_loop3A_59 step %parallel_loop3A_60  : i32 {
      %parallel_loop3A_121 = arith.constant 16 : i32
      %parallel_loop3A_122 = arith.muli %parallel_loop3A_120, %parallel_loop3A_121 : i32
      %parallel_loop3A_123 = arith.index_cast %parallel_loop3A_122 : i32 to index
      %parallel_loop3A_124 = tpu.vector_load %arg8[%parallel_loop3A_123] {strides = array<i32>} : memref<25600xf32, #tpu.memory_space<vmem>>, vector<16xf32>,
      %parallel_loop3A_125 = arith.constant 1.000000e+01 : f32
      %parallel_loop3A_126 = vector.broadcast %parallel_loop3A_125 : f32 to vector<16xf32>
      %parallel_loop3A_127 = arith.mulf %parallel_loop3A_124, %parallel_loop3A_126 : vector<16xf32>
      %parallel_loop3A_128 = arith.fptosi %parallel_loop3A_127 : vector<16xf32> to vector<16xi32>
      %parallel_loop3A_129 = arith.constant 0 : i32
      %parallel_loop3A_130 = arith.constant 9 : i32
      %parallel_loop3A_131 = vector.broadcast %parallel_loop3A_129 : i32 to vector<16xi32>
      %parallel_loop3A_132 = arith.maxsi %parallel_loop3A_131, %parallel_loop3A_128 : vector<16xi32>
      %parallel_loop3A_133 = vector.broadcast %parallel_loop3A_130 : i32 to vector<16xi32>
      %parallel_loop3A_134 = arith.minsi %parallel_loop3A_133, %parallel_loop3A_132 : vector<16xi32>
      %parallel_loop3A_135 = tpu.vector_load_idx %arg14[%parallel_loop3A_134] : memref<16xf32, #tpu.memory_space<vmem>>[vector<16xi32>], vector<16xf32>,
      %parallel_loop3A_136 = arith.cmpf ole, %parallel_loop3A_124, %parallel_loop3A_135 : vector<16xf32>
      %parallel_loop3A_137 = arith.extui %parallel_loop3A_136 : vector<16xi1> to vector<16xi32>
      %parallel_loop3A_138 = arith.subi %parallel_loop3A_134, %parallel_loop3A_137 : vector<16xi32>
      %parallel_loop3A_139 = tpu.vector_load_idx %arg12[%parallel_loop3A_138] : memref<16xf32, #tpu.memory_space<vmem>>[vector<16xi32>], vector<16xf32>,
      %parallel_loop3A_140 = arith.constant 16 : i32
      %parallel_loop3A_141 = arith.muli %parallel_loop3A_120, %parallel_loop3A_140 : i32
      %parallel_loop3A_142 = arith.index_cast %parallel_loop3A_141 : i32 to index
      %parallel_loop3A_143 = tpu.vector_load %arg10[%parallel_loop3A_142] {strides = array<i32>} : memref<25600xf32, #tpu.memory_space<vmem>>, vector<16xf32>,
      tpu.vector_store %arg10[%parallel_loop3A_142], %parallel_loop3A_139 {strides = array<i32>} : memref<25600xf32, #tpu.memory_space<vmem>>, vector<16xf32>,
    } {sc.loop_unroll_factor = 12 : i64, sc.parallel_access}
    %dma_start3A_61 = tpu.memref_slice %arg7[%add3A_14] : memref<6553600xf32, #tpu.memory_space<hbm>> -> memref<25600xf32, #tpu.memory_space<hbm>>
    %dma_start3A_62 = tpu.memref_slice %arg7[%add3A_14] : memref<6553600xf32, #tpu.memory_space<hbm>> -> memref<25600xf32, #tpu.memory_space<hbm>>
    tpu.enqueue_dma source(%arg10 : memref<25600xf32, #tpu.memory_space<vmem>>) target(%dma_start3A_62 : memref<25600xf32, #tpu.memory_space<hbm>>) target_semaphore(%arg17 : memref<!tpu.dma_semaphore, #tpu.memory_space<semaphore_mem>>)
    %dma_start3A_63 = tpu.memref_slice %arg3[%add3A_20] : memref<3276800xf32, #tpu.memory_space<hbm>> -> memref<25600xf32, #tpu.memory_space<hbm>>
    %dma_start3A_64 = tpu.memref_slice %arg3[%add3A_20] : memref<3276800xf32, #tpu.memory_space<hbm>> -> memref<25600xf32, #tpu.memory_space<hbm>>
    tpu.enqueue_dma source(%dma_start3A_64 : memref<25600xf32, #tpu.memory_space<hbm>>) target(%arg8 : memref<25600xf32, #tpu.memory_space<vmem>>) target_semaphore(%arg15 : memref<!tpu.dma_semaphore, #tpu.memory_space<semaphore_mem>>)
    %dma_wait3A_65 = tpu.memref_slice %arg2[%add3A_16] : memref<3276800xf32, #tpu.memory_space<hbm>> -> memref<25600xf32, #tpu.memory_space<hbm>>
    %dma_wait3A_66 = tpu.memref_slice %arg2[%add3A_16] : memref<3276800xf32, #tpu.memory_space<hbm>> -> memref<25600xf32, #tpu.memory_space<hbm>>
    tpu.wait_dma2 semaphore(%arg16 : memref<!tpu.dma_semaphore, #tpu.memory_space<semaphore_mem>>) src(%dma_wait3A_66 : memref<25600xf32, #tpu.memory_space<hbm>>) dst(%arg9 : memref<25600xf32, #tpu.memory_space<vmem>>)
    %dma_wait3A_67 = tpu.memref_slice %arg7[%add3A_10] : memref<6553600xf32, #tpu.memory_space<hbm>> -> memref<25600xf32, #tpu.memory_space<hbm>>
    %dma_wait3A_68 = tpu.memref_slice %arg7[%add3A_10] : memref<6553600xf32, #tpu.memory_space<hbm>> -> memref<25600xf32, #tpu.memory_space<hbm>>
    tpu.wait_dma2 semaphore(%arg18 : memref<!tpu.dma_semaphore, #tpu.memory_space<semaphore_mem>>) src(%arg11 : memref<25600xf32, #tpu.memory_space<vmem>>) dst(%dma_wait3A_68 : memref<25600xf32, #tpu.memory_space<hbm>>)
    %parallel_loop3A_69 = arith.constant 0 : i32
    %parallel_loop3A_70 = arith.constant 1600 : i32
    %parallel_loop3A_71 = arith.constant 1 : i32
    scf.for %parallel_loop3A_120 = %parallel_loop3A_69 to %parallel_loop3A_70 step %parallel_loop3A_71  : i32 {
      %parallel_loop3A_121 = arith.constant 16 : i32
      %parallel_loop3A_122 = arith.muli %parallel_loop3A_120, %parallel_loop3A_121 : i32
      %parallel_loop3A_123 = arith.index_cast %parallel_loop3A_122 : i32 to index
      %parallel_loop3A_124 = tpu.vector_load %arg9[%parallel_loop3A_123] {strides = array<i32>} : memref<25600xf32, #tpu.memory_space<vmem>>, vector<16xf32>,
      %parallel_loop3A_125 = arith.constant 1.000000e+01 : f32
      %parallel_loop3A_126 = vector.broadcast %parallel_loop3A_125 : f32 to vector<16xf32>
      %parallel_loop3A_127 = arith.mulf %parallel_loop3A_124, %parallel_loop3A_126 : vector<16xf32>
      %parallel_loop3A_128 = arith.fptosi %parallel_loop3A_127 : vector<16xf32> to vector<16xi32>
      %parallel_loop3A_129 = arith.constant 0 : i32
      %parallel_loop3A_130 = arith.constant 9 : i32
      %parallel_loop3A_131 = vector.broadcast %parallel_loop3A_129 : i32 to vector<16xi32>
      %parallel_loop3A_132 = arith.maxsi %parallel_loop3A_131, %parallel_loop3A_128 : vector<16xi32>
      %parallel_loop3A_133 = vector.broadcast %parallel_loop3A_130 : i32 to vector<16xi32>
      %parallel_loop3A_134 = arith.minsi %parallel_loop3A_133, %parallel_loop3A_132 : vector<16xi32>
      %parallel_loop3A_135 = tpu.vector_load_idx %arg14[%parallel_loop3A_134] : memref<16xf32, #tpu.memory_space<vmem>>[vector<16xi32>], vector<16xf32>,
      %parallel_loop3A_136 = arith.cmpf ole, %parallel_loop3A_124, %parallel_loop3A_135 : vector<16xf32>
      %parallel_loop3A_137 = arith.extui %parallel_loop3A_136 : vector<16xi1> to vector<16xi32>
      %parallel_loop3A_138 = arith.subi %parallel_loop3A_134, %parallel_loop3A_137 : vector<16xi32>
      %parallel_loop3A_139 = tpu.vector_load_idx %arg12[%parallel_loop3A_138] : memref<16xf32, #tpu.memory_space<vmem>>[vector<16xi32>], vector<16xf32>,
      %parallel_loop3A_140 = arith.constant 16 : i32
      %parallel_loop3A_141 = arith.muli %parallel_loop3A_120, %parallel_loop3A_140 : i32
      %parallel_loop3A_142 = arith.index_cast %parallel_loop3A_141 : i32 to index
      %parallel_loop3A_143 = tpu.vector_load %arg11[%parallel_loop3A_142] {strides = array<i32>} : memref<25600xf32, #tpu.memory_space<vmem>>, vector<16xf32>,
      tpu.vector_store %arg11[%parallel_loop3A_142], %parallel_loop3A_139 {strides = array<i32>} : memref<25600xf32, #tpu.memory_space<vmem>>, vector<16xf32>,
    } {sc.loop_unroll_factor = 12 : i64, sc.parallel_access}
    %dma_start3A_72 = tpu.memref_slice %arg7[%add3A_18] : memref<6553600xf32, #tpu.memory_space<hbm>> -> memref<25600xf32, #tpu.memory_space<hbm>>
    %dma_start3A_73 = tpu.memref_slice %arg7[%add3A_18] : memref<6553600xf32, #tpu.memory_space<hbm>> -> memref<25600xf32, #tpu.memory_space<hbm>>
    tpu.enqueue_dma source(%arg11 : memref<25600xf32, #tpu.memory_space<vmem>>) target(%dma_start3A_73 : memref<25600xf32, #tpu.memory_space<hbm>>) target_semaphore(%arg18 : memref<!tpu.dma_semaphore, #tpu.memory_space<semaphore_mem>>)
    %dma_start3A_74 = tpu.memref_slice %arg3[%add3A_24] : memref<3276800xf32, #tpu.memory_space<hbm>> -> memref<25600xf32, #tpu.memory_space<hbm>>
    %dma_start3A_75 = tpu.memref_slice %arg3[%add3A_24] : memref<3276800xf32, #tpu.memory_space<hbm>> -> memref<25600xf32, #tpu.memory_space<hbm>>
    tpu.enqueue_dma source(%dma_start3A_75 : memref<25600xf32, #tpu.memory_space<hbm>>) target(%arg9 : memref<25600xf32, #tpu.memory_space<vmem>>) target_semaphore(%arg16 : memref<!tpu.dma_semaphore, #tpu.memory_space<semaphore_mem>>)
    %dma_wait3A_76 = tpu.memref_slice %arg3[%add3A_20] : memref<3276800xf32, #tpu.memory_space<hbm>> -> memref<25600xf32, #tpu.memory_space<hbm>>
    %dma_wait3A_77 = tpu.memref_slice %arg3[%add3A_20] : memref<3276800xf32, #tpu.memory_space<hbm>> -> memref<25600xf32, #tpu.memory_space<hbm>>
    tpu.wait_dma2 semaphore(%arg15 : memref<!tpu.dma_semaphore, #tpu.memory_space<semaphore_mem>>) src(%dma_wait3A_77 : memref<25600xf32, #tpu.memory_space<hbm>>) dst(%arg8 : memref<25600xf32, #tpu.memory_space<vmem>>)
    %dma_wait3A_78 = tpu.memref_slice %arg7[%add3A_14] : memref<6553600xf32, #tpu.memory_space<hbm>> -> memref<25600xf32, #tpu.memory_space<hbm>>
    %dma_wait3A_79 = tpu.memref_slice %arg7[%add3A_14] : memref<6553600xf32, #tpu.memory_space<hbm>> -> memref<25600xf32, #tpu.memory_space<hbm>>
    tpu.wait_dma2 semaphore(%arg17 : memref<!tpu.dma_semaphore, #tpu.memory_space<semaphore_mem>>) src(%arg10 : memref<25600xf32, #tpu.memory_space<vmem>>) dst(%dma_wait3A_79 : memref<25600xf32, #tpu.memory_space<hbm>>)
    %parallel_loop3A_80 = arith.constant 0 : i32
    %parallel_loop3A_81 = arith.constant 1600 : i32
    %parallel_loop3A_82 = arith.constant 1 : i32
    scf.for %parallel_loop3A_120 = %parallel_loop3A_80 to %parallel_loop3A_81 step %parallel_loop3A_82  : i32 {
      %parallel_loop3A_121 = arith.constant 16 : i32
      %parallel_loop3A_122 = arith.muli %parallel_loop3A_120, %parallel_loop3A_121 : i32
      %parallel_loop3A_123 = arith.index_cast %parallel_loop3A_122 : i32 to index
      %parallel_loop3A_124 = tpu.vector_load %arg8[%parallel_loop3A_123] {strides = array<i32>} : memref<25600xf32, #tpu.memory_space<vmem>>, vector<16xf32>,
      %parallel_loop3A_125 = arith.constant 1.000000e+01 : f32
      %parallel_loop3A_126 = vector.broadcast %parallel_loop3A_125 : f32 to vector<16xf32>
      %parallel_loop3A_127 = arith.mulf %parallel_loop3A_124, %parallel_loop3A_126 : vector<16xf32>
      %parallel_loop3A_128 = arith.fptosi %parallel_loop3A_127 : vector<16xf32> to vector<16xi32>
      %parallel_loop3A_129 = arith.constant 0 : i32
      %parallel_loop3A_130 = arith.constant 9 : i32
      %parallel_loop3A_131 = vector.broadcast %parallel_loop3A_129 : i32 to vector<16xi32>
      %parallel_loop3A_132 = arith.maxsi %parallel_loop3A_131, %parallel_loop3A_128 : vector<16xi32>
      %parallel_loop3A_133 = vector.broadcast %parallel_loop3A_130 : i32 to vector<16xi32>
      %parallel_loop3A_134 = arith.minsi %parallel_loop3A_133, %parallel_loop3A_132 : vector<16xi32>
      %parallel_loop3A_135 = tpu.vector_load_idx %arg14[%parallel_loop3A_134] : memref<16xf32, #tpu.memory_space<vmem>>[vector<16xi32>], vector<16xf32>,
      %parallel_loop3A_136 = arith.cmpf ole, %parallel_loop3A_124, %parallel_loop3A_135 : vector<16xf32>
      %parallel_loop3A_137 = arith.extui %parallel_loop3A_136 : vector<16xi1> to vector<16xi32>
      %parallel_loop3A_138 = arith.subi %parallel_loop3A_134, %parallel_loop3A_137 : vector<16xi32>
      %parallel_loop3A_139 = tpu.vector_load_idx %arg13[%parallel_loop3A_138] : memref<16xf32, #tpu.memory_space<vmem>>[vector<16xi32>], vector<16xf32>,
      %parallel_loop3A_140 = arith.constant 16 : i32
      %parallel_loop3A_141 = arith.muli %parallel_loop3A_120, %parallel_loop3A_140 : i32
      %parallel_loop3A_142 = arith.index_cast %parallel_loop3A_141 : i32 to index
      %parallel_loop3A_143 = tpu.vector_load %arg10[%parallel_loop3A_142] {strides = array<i32>} : memref<25600xf32, #tpu.memory_space<vmem>>, vector<16xf32>,
      tpu.vector_store %arg10[%parallel_loop3A_142], %parallel_loop3A_139 {strides = array<i32>} : memref<25600xf32, #tpu.memory_space<vmem>>, vector<16xf32>,
    } {sc.loop_unroll_factor = 12 : i64, sc.parallel_access}
    %dma_start3A_83 = tpu.memref_slice %arg7[%add3A_22] : memref<6553600xf32, #tpu.memory_space<hbm>> -> memref<25600xf32, #tpu.memory_space<hbm>>
    %dma_start3A_84 = tpu.memref_slice %arg7[%add3A_22] : memref<6553600xf32, #tpu.memory_space<hbm>> -> memref<25600xf32, #tpu.memory_space<hbm>>
    tpu.enqueue_dma source(%arg10 : memref<25600xf32, #tpu.memory_space<vmem>>) target(%dma_start3A_84 : memref<25600xf32, #tpu.memory_space<hbm>>) target_semaphore(%arg17 : memref<!tpu.dma_semaphore, #tpu.memory_space<semaphore_mem>>)
    %dma_start3A_85 = tpu.memref_slice %arg3[%add3A_28] : memref<3276800xf32, #tpu.memory_space<hbm>> -> memref<25600xf32, #tpu.memory_space<hbm>>
    %dma_start3A_86 = tpu.memref_slice %arg3[%add3A_28] : memref<3276800xf32, #tpu.memory_space<hbm>> -> memref<25600xf32, #tpu.memory_space<hbm>>
    tpu.enqueue_dma source(%dma_start3A_86 : memref<25600xf32, #tpu.memory_space<hbm>>) target(%arg8 : memref<25600xf32, #tpu.memory_space<vmem>>) target_semaphore(%arg15 : memref<!tpu.dma_semaphore, #tpu.memory_space<semaphore_mem>>)
    %dma_wait3A_87 = tpu.memref_slice %arg3[%add3A_24] : memref<3276800xf32, #tpu.memory_space<hbm>> -> memref<25600xf32, #tpu.memory_space<hbm>>
    %dma_wait3A_88 = tpu.memref_slice %arg3[%add3A_24] : memref<3276800xf32, #tpu.memory_space<hbm>> -> memref<25600xf32, #tpu.memory_space<hbm>>
    tpu.wait_dma2 semaphore(%arg16 : memref<!tpu.dma_semaphore, #tpu.memory_space<semaphore_mem>>) src(%dma_wait3A_88 : memref<25600xf32, #tpu.memory_space<hbm>>) dst(%arg9 : memref<25600xf32, #tpu.memory_space<vmem>>)
    %dma_wait3A_89 = tpu.memref_slice %arg7[%add3A_18] : memref<6553600xf32, #tpu.memory_space<hbm>> -> memref<25600xf32, #tpu.memory_space<hbm>>
    %dma_wait3A_90 = tpu.memref_slice %arg7[%add3A_18] : memref<6553600xf32, #tpu.memory_space<hbm>> -> memref<25600xf32, #tpu.memory_space<hbm>>
    tpu.wait_dma2 semaphore(%arg18 : memref<!tpu.dma_semaphore, #tpu.memory_space<semaphore_mem>>) src(%arg11 : memref<25600xf32, #tpu.memory_space<vmem>>) dst(%dma_wait3A_90 : memref<25600xf32, #tpu.memory_space<hbm>>)
    %parallel_loop3A_91 = arith.constant 0 : i32
    %parallel_loop3A_92 = arith.constant 1600 : i32
    %parallel_loop3A_93 = arith.constant 1 : i32
    scf.for %parallel_loop3A_120 = %parallel_loop3A_91 to %parallel_loop3A_92 step %parallel_loop3A_93  : i32 {
      %parallel_loop3A_121 = arith.constant 16 : i32
      %parallel_loop3A_122 = arith.muli %parallel_loop3A_120, %parallel_loop3A_121 : i32
      %parallel_loop3A_123 = arith.index_cast %parallel_loop3A_122 : i32 to index
      %parallel_loop3A_124 = tpu.vector_load %arg9[%parallel_loop3A_123] {strides = array<i32>} : memref<25600xf32, #tpu.memory_space<vmem>>, vector<16xf32>,
      %parallel_loop3A_125 = arith.constant 1.000000e+01 : f32
      %parallel_loop3A_126 = vector.broadcast %parallel_loop3A_125 : f32 to vector<16xf32>
      %parallel_loop3A_127 = arith.mulf %parallel_loop3A_124, %parallel_loop3A_126 : vector<16xf32>
      %parallel_loop3A_128 = arith.fptosi %parallel_loop3A_127 : vector<16xf32> to vector<16xi32>
      %parallel_loop3A_129 = arith.constant 0 : i32
      %parallel_loop3A_130 = arith.constant 9 : i32
      %parallel_loop3A_131 = vector.broadcast %parallel_loop3A_129 : i32 to vector<16xi32>
      %parallel_loop3A_132 = arith.maxsi %parallel_loop3A_131, %parallel_loop3A_128 : vector<16xi32>
      %parallel_loop3A_133 = vector.broadcast %parallel_loop3A_130 : i32 to vector<16xi32>
      %parallel_loop3A_134 = arith.minsi %parallel_loop3A_133, %parallel_loop3A_132 : vector<16xi32>
      %parallel_loop3A_135 = tpu.vector_load_idx %arg14[%parallel_loop3A_134] : memref<16xf32, #tpu.memory_space<vmem>>[vector<16xi32>], vector<16xf32>,
      %parallel_loop3A_136 = arith.cmpf ole, %parallel_loop3A_124, %parallel_loop3A_135 : vector<16xf32>
      %parallel_loop3A_137 = arith.extui %parallel_loop3A_136 : vector<16xi1> to vector<16xi32>
      %parallel_loop3A_138 = arith.subi %parallel_loop3A_134, %parallel_loop3A_137 : vector<16xi32>
      %parallel_loop3A_139 = tpu.vector_load_idx %arg13[%parallel_loop3A_138] : memref<16xf32, #tpu.memory_space<vmem>>[vector<16xi32>], vector<16xf32>,
      %parallel_loop3A_140 = arith.constant 16 : i32
      %parallel_loop3A_141 = arith.muli %parallel_loop3A_120, %parallel_loop3A_140 : i32
      %parallel_loop3A_142 = arith.index_cast %parallel_loop3A_141 : i32 to index
      %parallel_loop3A_143 = tpu.vector_load %arg11[%parallel_loop3A_142] {strides = array<i32>} : memref<25600xf32, #tpu.memory_space<vmem>>, vector<16xf32>,
      tpu.vector_store %arg11[%parallel_loop3A_142], %parallel_loop3A_139 {strides = array<i32>} : memref<25600xf32, #tpu.memory_space<vmem>>, vector<16xf32>,
    } {sc.loop_unroll_factor = 12 : i64, sc.parallel_access}
    %dma_start3A_94 = tpu.memref_slice %arg7[%add3A_26] : memref<6553600xf32, #tpu.memory_space<hbm>> -> memref<25600xf32, #tpu.memory_space<hbm>>
    %dma_start3A_95 = tpu.memref_slice %arg7[%add3A_26] : memref<6553600xf32, #tpu.memory_space<hbm>> -> memref<25600xf32, #tpu.memory_space<hbm>>
    tpu.enqueue_dma source(%arg11 : memref<25600xf32, #tpu.memory_space<vmem>>) target(%dma_start3A_95 : memref<25600xf32, #tpu.memory_space<hbm>>) target_semaphore(%arg18 : memref<!tpu.dma_semaphore, #tpu.memory_space<semaphore_mem>>)
    %dma_start3A_96 = tpu.memref_slice %arg3[%add3A_32] : memref<3276800xf32, #tpu.memory_space<hbm>> -> memref<25600xf32, #tpu.memory_space<hbm>>
    %dma_start3A_97 = tpu.memref_slice %arg3[%add3A_32] : memref<3276800xf32, #tpu.memory_space<hbm>> -> memref<25600xf32, #tpu.memory_space<hbm>>
    tpu.enqueue_dma source(%dma_start3A_97 : memref<25600xf32, #tpu.memory_space<hbm>>) target(%arg9 : memref<25600xf32, #tpu.memory_space<vmem>>) target_semaphore(%arg16 : memref<!tpu.dma_semaphore, #tpu.memory_space<semaphore_mem>>)
    %dma_wait3A_98 = tpu.memref_slice %arg3[%add3A_28] : memref<3276800xf32, #tpu.memory_space<hbm>> -> memref<25600xf32, #tpu.memory_space<hbm>>
    %dma_wait3A_99 = tpu.memref_slice %arg3[%add3A_28] : memref<3276800xf32, #tpu.memory_space<hbm>> -> memref<25600xf32, #tpu.memory_space<hbm>>
    tpu.wait_dma2 semaphore(%arg15 : memref<!tpu.dma_semaphore, #tpu.memory_space<semaphore_mem>>) src(%dma_wait3A_99 : memref<25600xf32, #tpu.memory_space<hbm>>) dst(%arg8 : memref<25600xf32, #tpu.memory_space<vmem>>)
    %dma_wait3A_100 = tpu.memref_slice %arg7[%add3A_22] : memref<6553600xf32, #tpu.memory_space<hbm>> -> memref<25600xf32, #tpu.memory_space<hbm>>
    %dma_wait3A_101 = tpu.memref_slice %arg7[%add3A_22] : memref<6553600xf32, #tpu.memory_space<hbm>> -> memref<25600xf32, #tpu.memory_space<hbm>>
    tpu.wait_dma2 semaphore(%arg17 : memref<!tpu.dma_semaphore, #tpu.memory_space<semaphore_mem>>) src(%arg10 : memref<25600xf32, #tpu.memory_space<vmem>>) dst(%dma_wait3A_101 : memref<25600xf32, #tpu.memory_space<hbm>>)
    %parallel_loop3A_102 = arith.constant 0 : i32
    %parallel_loop3A_103 = arith.constant 1600 : i32
    %parallel_loop3A_104 = arith.constant 1 : i32
    scf.for %parallel_loop3A_120 = %parallel_loop3A_102 to %parallel_loop3A_103 step %parallel_loop3A_104  : i32 {
      %parallel_loop3A_121 = arith.constant 16 : i32
      %parallel_loop3A_122 = arith.muli %parallel_loop3A_120, %parallel_loop3A_121 : i32
      %parallel_loop3A_123 = arith.index_cast %parallel_loop3A_122 : i32 to index
      %parallel_loop3A_124 = tpu.vector_load %arg8[%parallel_loop3A_123] {strides = array<i32>} : memref<25600xf32, #tpu.memory_space<vmem>>, vector<16xf32>,
      %parallel_loop3A_125 = arith.constant 1.000000e+01 : f32
      %parallel_loop3A_126 = vector.broadcast %parallel_loop3A_125 : f32 to vector<16xf32>
      %parallel_loop3A_127 = arith.mulf %parallel_loop3A_124, %parallel_loop3A_126 : vector<16xf32>
      %parallel_loop3A_128 = arith.fptosi %parallel_loop3A_127 : vector<16xf32> to vector<16xi32>
      %parallel_loop3A_129 = arith.constant 0 : i32
      %parallel_loop3A_130 = arith.constant 9 : i32
      %parallel_loop3A_131 = vector.broadcast %parallel_loop3A_129 : i32 to vector<16xi32>
      %parallel_loop3A_132 = arith.maxsi %parallel_loop3A_131, %parallel_loop3A_128 : vector<16xi32>
      %parallel_loop3A_133 = vector.broadcast %parallel_loop3A_130 : i32 to vector<16xi32>
      %parallel_loop3A_134 = arith.minsi %parallel_loop3A_133, %parallel_loop3A_132 : vector<16xi32>
      %parallel_loop3A_135 = tpu.vector_load_idx %arg14[%parallel_loop3A_134] : memref<16xf32, #tpu.memory_space<vmem>>[vector<16xi32>], vector<16xf32>,
      %parallel_loop3A_136 = arith.cmpf ole, %parallel_loop3A_124, %parallel_loop3A_135 : vector<16xf32>
      %parallel_loop3A_137 = arith.extui %parallel_loop3A_136 : vector<16xi1> to vector<16xi32>
      %parallel_loop3A_138 = arith.subi %parallel_loop3A_134, %parallel_loop3A_137 : vector<16xi32>
      %parallel_loop3A_139 = tpu.vector_load_idx %arg13[%parallel_loop3A_138] : memref<16xf32, #tpu.memory_space<vmem>>[vector<16xi32>], vector<16xf32>,
      %parallel_loop3A_140 = arith.constant 16 : i32
      %parallel_loop3A_141 = arith.muli %parallel_loop3A_120, %parallel_loop3A_140 : i32
      %parallel_loop3A_142 = arith.index_cast %parallel_loop3A_141 : i32 to index
      %parallel_loop3A_143 = tpu.vector_load %arg10[%parallel_loop3A_142] {strides = array<i32>} : memref<25600xf32, #tpu.memory_space<vmem>>, vector<16xf32>,
      tpu.vector_store %arg10[%parallel_loop3A_142], %parallel_loop3A_139 {strides = array<i32>} : memref<25600xf32, #tpu.memory_space<vmem>>, vector<16xf32>,
    } {sc.loop_unroll_factor = 12 : i64, sc.parallel_access}
    %dma_start3A_105 = tpu.memref_slice %arg7[%add3A_30] : memref<6553600xf32, #tpu.memory_space<hbm>> -> memref<25600xf32, #tpu.memory_space<hbm>>
    %dma_start3A_106 = tpu.memref_slice %arg7[%add3A_30] : memref<6553600xf32, #tpu.memory_space<hbm>> -> memref<25600xf32, #tpu.memory_space<hbm>>
    tpu.enqueue_dma source(%arg10 : memref<25600xf32, #tpu.memory_space<vmem>>) target(%dma_start3A_106 : memref<25600xf32, #tpu.memory_space<hbm>>) target_semaphore(%arg17 : memref<!tpu.dma_semaphore, #tpu.memory_space<semaphore_mem>>)
    %dma_wait3A_107 = tpu.memref_slice %arg3[%add3A_32] : memref<3276800xf32, #tpu.memory_space<hbm>> -> memref<25600xf32, #tpu.memory_space<hbm>>
    %dma_wait3A_108 = tpu.memref_slice %arg3[%add3A_32] : memref<3276800xf32, #tpu.memory_space<hbm>> -> memref<25600xf32, #tpu.memory_space<hbm>>
    tpu.wait_dma2 semaphore(%arg16 : memref<!tpu.dma_semaphore, #tpu.memory_space<semaphore_mem>>) src(%dma_wait3A_108 : memref<25600xf32, #tpu.memory_space<hbm>>) dst(%arg9 : memref<25600xf32, #tpu.memory_space<vmem>>)
    %dma_wait3A_109 = tpu.memref_slice %arg7[%add3A_26] : memref<6553600xf32, #tpu.memory_space<hbm>> -> memref<25600xf32, #tpu.memory_space<hbm>>
    %dma_wait3A_110 = tpu.memref_slice %arg7[%add3A_26] : memref<6553600xf32, #tpu.memory_space<hbm>> -> memref<25600xf32, #tpu.memory_space<hbm>>
    tpu.wait_dma2 semaphore(%arg18 : memref<!tpu.dma_semaphore, #tpu.memory_space<semaphore_mem>>) src(%arg11 : memref<25600xf32, #tpu.memory_space<vmem>>) dst(%dma_wait3A_110 : memref<25600xf32, #tpu.memory_space<hbm>>)
    %parallel_loop3A_111 = arith.constant 0 : i32
    %parallel_loop3A_112 = arith.constant 1600 : i32
    %parallel_loop3A_113 = arith.constant 1 : i32
    scf.for %parallel_loop3A_120 = %parallel_loop3A_111 to %parallel_loop3A_112 step %parallel_loop3A_113  : i32 {
      %parallel_loop3A_121 = arith.constant 16 : i32
      %parallel_loop3A_122 = arith.muli %parallel_loop3A_120, %parallel_loop3A_121 : i32
      %parallel_loop3A_123 = arith.index_cast %parallel_loop3A_122 : i32 to index
      %parallel_loop3A_124 = tpu.vector_load %arg9[%parallel_loop3A_123] {strides = array<i32>} : memref<25600xf32, #tpu.memory_space<vmem>>, vector<16xf32>,
      %parallel_loop3A_125 = arith.constant 1.000000e+01 : f32
      %parallel_loop3A_126 = vector.broadcast %parallel_loop3A_125 : f32 to vector<16xf32>
      %parallel_loop3A_127 = arith.mulf %parallel_loop3A_124, %parallel_loop3A_126 : vector<16xf32>
      %parallel_loop3A_128 = arith.fptosi %parallel_loop3A_127 : vector<16xf32> to vector<16xi32>
      %parallel_loop3A_129 = arith.constant 0 : i32
      %parallel_loop3A_130 = arith.constant 9 : i32
      %parallel_loop3A_131 = vector.broadcast %parallel_loop3A_129 : i32 to vector<16xi32>
      %parallel_loop3A_132 = arith.maxsi %parallel_loop3A_131, %parallel_loop3A_128 : vector<16xi32>
      %parallel_loop3A_133 = vector.broadcast %parallel_loop3A_130 : i32 to vector<16xi32>
      %parallel_loop3A_134 = arith.minsi %parallel_loop3A_133, %parallel_loop3A_132 : vector<16xi32>
      %parallel_loop3A_135 = tpu.vector_load_idx %arg14[%parallel_loop3A_134] : memref<16xf32, #tpu.memory_space<vmem>>[vector<16xi32>], vector<16xf32>,
      %parallel_loop3A_136 = arith.cmpf ole, %parallel_loop3A_124, %parallel_loop3A_135 : vector<16xf32>
      %parallel_loop3A_137 = arith.extui %parallel_loop3A_136 : vector<16xi1> to vector<16xi32>
      %parallel_loop3A_138 = arith.subi %parallel_loop3A_134, %parallel_loop3A_137 : vector<16xi32>
      %parallel_loop3A_139 = tpu.vector_load_idx %arg13[%parallel_loop3A_138] : memref<16xf32, #tpu.memory_space<vmem>>[vector<16xi32>], vector<16xf32>,
      %parallel_loop3A_140 = arith.constant 16 : i32
      %parallel_loop3A_141 = arith.muli %parallel_loop3A_120, %parallel_loop3A_140 : i32
      %parallel_loop3A_142 = arith.index_cast %parallel_loop3A_141 : i32 to index
      %parallel_loop3A_143 = tpu.vector_load %arg11[%parallel_loop3A_142] {strides = array<i32>} : memref<25600xf32, #tpu.memory_space<vmem>>, vector<16xf32>,
      tpu.vector_store %arg11[%parallel_loop3A_142], %parallel_loop3A_139 {strides = array<i32>} : memref<25600xf32, #tpu.memory_space<vmem>>, vector<16xf32>,
    } {sc.loop_unroll_factor = 12 : i64, sc.parallel_access}
    %dma_start3A_114 = tpu.memref_slice %arg7[%add3A_34] : memref<6553600xf32, #tpu.memory_space<hbm>> -> memref<25600xf32, #tpu.memory_space<hbm>>
    %dma_start3A_115 = tpu.memref_slice %arg7[%add3A_34] : memref<6553600xf32, #tpu.memory_space<hbm>> -> memref<25600xf32, #tpu.memory_space<hbm>>
    tpu.enqueue_dma source(%arg11 : memref<25600xf32, #tpu.memory_space<vmem>>) target(%dma_start3A_115 : memref<25600xf32, #tpu.memory_space<hbm>>) target_semaphore(%arg18 : memref<!tpu.dma_semaphore, #tpu.memory_space<semaphore_mem>>)
    %dma_wait3A_116 = tpu.memref_slice %arg7[%add3A_30] : memref<6553600xf32, #tpu.memory_space<hbm>> -> memref<25600xf32, #tpu.memory_space<hbm>>
    %dma_wait3A_117 = tpu.memref_slice %arg7[%add3A_30] : memref<6553600xf32, #tpu.memory_space<hbm>> -> memref<25600xf32, #tpu.memory_space<hbm>>
    tpu.wait_dma2 semaphore(%arg17 : memref<!tpu.dma_semaphore, #tpu.memory_space<semaphore_mem>>) src(%arg10 : memref<25600xf32, #tpu.memory_space<vmem>>) dst(%dma_wait3A_117 : memref<25600xf32, #tpu.memory_space<hbm>>)
    %dma_wait3A_118 = tpu.memref_slice %arg7[%add3A_34] : memref<6553600xf32, #tpu.memory_space<hbm>> -> memref<25600xf32, #tpu.memory_space<hbm>>
    %dma_wait3A_119 = tpu.memref_slice %arg7[%add3A_34] : memref<6553600xf32, #tpu.memory_space<hbm>> -> memref<25600xf32, #tpu.memory_space<hbm>>
    tpu.wait_dma2 semaphore(%arg18 : memref<!tpu.dma_semaphore, #tpu.memory_space<semaphore_mem>>) src(%arg11 : memref<25600xf32, #tpu.memory_space<vmem>>) dst(%dma_wait3A_119 : memref<25600xf32, #tpu.memory_space<hbm>>)
    return
  }
}

</mosaic_0001>

<sc_bundles>
// kernel: kernel.3.cloned.1.call-start
scs
__scs_entry_jumppad:
0x0: {  	(pc) =	sbr.rel $0x88, $3  }
0x1: {  	(tag) =	ssettag $0x0;
	lr =	simm.s32 $0x1  }
0x2: {  	[smem:$0x3F9D] =	sst lr;
	_ =	strace $0xD0000000  }
0x3: {  	_ = 	snop  }
0x4: {  	_ = 	snop  }
0x5: {  	_ = 	snop  }
0x6: {  	_ = 	snop  }
0x7: {  	_ = 	snop  }
__scs_overlays_trampoline_lowered:
0x8: {  	[smem:$0x3FAC] =	sst s0  }
0x9: {  	[smem:$0x3FAD] =	sst s1  }
0xa: {  	[smem:$0x3FAE] =	sst s2  }
0xb: {  	[smem:$0x3FAF] =	sst s3  }
0xc: {  	[smem:$0x3FB0] =	sst s4  }
0xd: {  	[smem:$0x3FB1] =	sst s5  }
0xe: {  	[smem:$0x3FB2] =	sst s6  }
0xf: {  	[smem:$0x3FB3] =	sst s7  }
0x10: {  	[smem:$0x3FB4] =	sst s8  }
0x11: {  	[smem:$0x3FB5] =	sst s9;
	s0 =	simm.s32 @!p0 $0x0  }
0x12: {  	s1 =	sld [smem:$0x3F9B];
	s0 =	simm.s32 @p0 $0x1  }
0x13: {  	[smem:$0x3FB6] =	sst s0;
	s0 =	simm.s32 @!p1 $0x0  }
0x14: {  	s2 =	sld [smem:$0x3F9A];
	s0 =	simm.s32 @p1 $0x1  }
0x15: {  	[smem:$0x3FB7] =	sst s0;
	s0 =	simm.s32 @!p2 $0x0  }
0x16: {  	s3 =	sld [smem:$0x3FDB];
	s0 =	simm.s32 @p2 $0x1  }
0x17: {  	s4 =	simm.s32 $0x1BF5;
	[smem:$0x3FB9] =	sst s0  }
0x18: {  	s0 =	sld [smem:$0x3F9C];
	_ =	swait.ge [sflag:s4], $0x0  }
0x19: {  	s7 =	sld [smem:$0x3F9D]  }
0x1a: {  	s8 =	sadd.s32 $0xFFFFE003, lr  }
0x1b: {  	s9 =	sadd.s32 $0xFFFFFEF7, lr;
	s5 =	simm.s32 $0xFFFFFFFF;
	p2 =	slt.u32 s8, $0xFFFFF086  }
0x1c: {  	p1 =	slt.u32 s9, $0xF7A;
	s5 =	simm.s32 @!p2 $0x0  }
0x1d: {  	s5 =	simm.s32 @p1 $0x1;
	p0 =	seq.s32 s7, s2  }
0x1e: {  	s7 =	smul.u32 @!p0 $0xF7A, s2;
	p2 =	seq.s32 @!p0 s5, $0x0  }
0x1f: {  	s9 =	smul.u32 $0xF7A, s1;
	s8 =	simm.s32 @!p0 $0x1BF5;
	p2 =	por !p2, p0  }
0x20: {  	[sflag:s8] =	ssyncset.s32 @!p0 $0xFFFFF086;
	s6 =	sadd.s32 @!p0 s3, s7;
	s7 =	simm.s32 @!p0 $0x108  }
0x21: {  	s3 =	sadd.s32 s3, s9;
	s6 =	sadd.s32 @!p0 $0x88, s6;
	s7 =	simm.s32 @p2 $0x1082  }
0x22: {  	[simem:s7], [sflag:s8] =	dma.local @!p0 [hbm:s6], $0xF7A  }
0x23: {  	s9 =	sor.u32 $0xD0000000, s2;
	s6 =	simm.s32 $0x108;
	_ =	swait.ge @!p0 [sflag:s8], $0x0  }
0x24: {  	s3 =	sadd.s32 $0x88, s3;
	s6 =	simm.s32 @!p1 $0x1082;
	[sflag:s4] =	ssyncset.s32 $0xFFFFF086  }
0x25: {  	[simem:s6], [sflag:s4] =	dma.local [hbm:s3], $0xF7A  }
0x26: {  	[smem:$0x3F9D] =	sst s1;
	(tag) =	ssettag s2;
	_ =	strace s9  }
0x27: {  	s1 =	sld [smem:$0x3FAD]  }
0x28: {  	s2 =	sld [smem:$0x3FAE]  }
0x29: {  	s4 =	sld [smem:$0x3FB0]  }
0x2a: {  	p0 =	seq.s32 s5, $0x0;
	s5 =	sld [smem:$0x3FB1]  }
0x2b: {  	s6 =	sld [smem:$0x3FB2]  }
0x2c: {  	s7 =	sld [smem:$0x3FB3]  }
0x2d: {  	s3 =	simm.s32 $0x108;
	s8 =	sld [smem:$0x3FB4]  }
0x2e: {  	s3 =	simm.s32 @!p0 $0x1082;
	s9 =	sld [smem:$0x3FB5]  }
0x2f: {  	lr =	sadd.s32 s0, s3;
	s0 =	sld [smem:$0x3FAC]  }
0x30: {  	s3 =	sld [smem:$0x3FAF]  }
0x31: {  	[smem:$0x3FB8] =	sst s10  }
0x32: {  	s10 =	sld [smem:$0x3FB6];
	_ =	sdelay $0x3  }
0x33: {  	p0 =	seq.s32 s10, $0x1;
	s10 =	sld [smem:$0x3FB8];
	_ =	sdelay $0x3  }
0x34: {  	[smem:$0x3FB8] =	sst s10  }
0x35: {  	s10 =	sld [smem:$0x3FB7];
	_ =	sdelay $0x3  }
0x36: {  	p1 =	seq.s32 s10, $0x1;
	s10 =	sld [smem:$0x3FB8];
	_ =	sdelay $0x3  }
0x37: {  	[smem:$0x3FB8] =	sst s10  }
0x38: {  	s10 =	sld [smem:$0x3FB9]  }
0x39: {  	_ = 	snop;
	(pc) =	sbr.ind lr, $3  }
0x3a: {  	_ = 	snop  }
0x3b: {  	_ = 	snop  }
0x3c: {  	p2 =	seq.s32 s10, $0x1;
	s10 =	sld [smem:$0x3FB8]  }
0x3d: {  	_ =	shalt  }
0x3e: {  	_ =	shalt  }
0x3f: {  	_ =	shalt  }
0x40: {  	_ =	shalt  }
0x41: {  	_ =	shalt  }
0x42: {  	_ =	shalt  }
0x43: {  	_ =	shalt  }
0x44: {  	_ =	shalt  }
0x45: {  	_ =	shalt  }
0x46: {  	_ =	shalt  }
0x47: {  	_ =	shalt  }
0x48: {  	_ =	shalt  }
0x49: {  	_ =	shalt  }
0x4a: {  	_ =	shalt  }
0x4b: {  	_ =	shalt  }
0x4c: {  	_ =	shalt  }
0x4d: {  	_ =	shalt  }
0x4e: {  	_ =	shalt  }
0x4f: {  	_ =	shalt  }
0x50: {  	_ =	shalt  }
0x51: {  	_ =	shalt  }
0x52: {  	_ =	shalt  }
0x53: {  	_ =	shalt  }
0x54: {  	_ =	shalt  }
0x55: {  	_ =	shalt  }
0x56: {  	_ =	shalt  }
0x57: {  	_ =	shalt  }
0x58: {  	_ =	shalt  }
0x59: {  	_ =	shalt  }
0x5a: {  	_ =	shalt  }
0x5b: {  	_ =	shalt  }
0x5c: {  	_ =	shalt  }
0x5d: {  	_ =	shalt  }
0x5e: {  	_ =	shalt  }
0x5f: {  	_ =	shalt  }
0x60: {  	_ =	shalt  }
0x61: {  	_ =	shalt  }
0x62: {  	_ =	shalt  }
0x63: {  	_ =	shalt  }
0x64: {  	_ =	shalt  }
0x65: {  	_ =	shalt  }
0x66: {  	_ =	shalt  }
0x67: {  	_ =	shalt  }
0x68: {  	_ =	shalt  }
0x69: {  	_ =	shalt  }
0x6a: {  	_ =	shalt  }
0x6b: {  	_ =	shalt  }
0x6c: {  	_ =	shalt  }
0x6d: {  	_ =	shalt  }
0x6e: {  	_ =	shalt  }
0x6f: {  	_ =	shalt  }
0x70: {  	_ =	shalt  }
0x71: {  	_ =	shalt  }
0x72: {  	_ =	shalt  }
0x73: {  	_ =	shalt  }
0x74: {  	_ =	shalt  }
0x75: {  	_ =	shalt  }
0x76: {  	_ =	shalt  }
0x77: {  	_ =	shalt  }
0x78: {  	_ =	shalt  }
0x79: {  	_ =	shalt  }
0x7a: {  	_ =	shalt  }
0x7b: {  	_ =	shalt  }
0x7c: {  	_ =	shalt  }
0x7d: {  	_ =	shalt  }
0x7e: {  	_ =	shalt  }
0x7f: {  	_ =	shalt  }
0x80: {  	_ =	shalt  }
0x81: {  	_ =	shalt  }
0x82: {  	_ =	shalt  }
0x83: {  	_ =	shalt  }
0x84: {  	_ =	shalt  }
0x85: {  	_ =	shalt  }
0x86: {  	_ =	shalt  }
0x87: {  	_ =	shalt  }
.Lfunc_end0:
.L_simem_size_0:
called_computation_lowered:
.L_overlay_start_0:
0x88: {  	s2 =	sld [smem:$0x3FD9]  }
0x89: {  	s3 =	sld [smem:$0x3FFE];
	_ =	sdelay $0x1  }
0x8a: {  	s1 =	srdreg.scid  }
0x8b: {  	s0 =	sand.u32 $0x1, s1  }
0x8c: {  	s17 =	sshll.u32 s0, $0xA;
	s2 =	sadd.s32 s3, s2  }
0x8d: {  	s2 =	sadd.s32 s2, s17  }
0x8e: {  	[smem:$0x3FC4] =	sst s2  }
0x8f: {  	_ = 	snop  }
0x90: {  	s2 =	sld [smem:$0x3FC9]  }
0x91: {  	s18 =	sld [smem:$0x3FC8]  }
0x92: {  	s4 =	sld [smem:$0x3FD0];
	(tm) =	ssettm $0x1  }
0x93: {  	s5 =	sld [smem:$0x3FFB];
	_ =	sdelay $0x3  }
0x94: {  	_ =	strace s5  }
0x95: {  	s5 =	sld [smem:$0x3FFC];
	_ =	sdelay $0x3  }
0x96: {  	_ =	strace s5  }
0x97: {  	s5 =	sld [smem:$0x3FFD];
	_ =	sdelay $0x3  }
0x98: {  	_ =	strace s5  }
0x99: {  	_ =	strace $0x8FFFFFFF  }
0x9a: {  	s19 =	sld [smem:$0x3FDB];
	_ =	sdelay $0x1  }
0x9b: {  	s6 =	simm.s32 $_scs_section_size  }
0x9c: {  	s7 =	simm.s32 $_size__tile_overlayer_lowered;
	s8 =	simm.s32 $_tile_overlayer_lowered  }
0x9d: {  	s22 =	simm.s32 $0x1BFF;
	s21 =	sshll.u32 s8, $0x1;
	s5 =	sadd.s32 s6, s19  }
0x9e: {  	s9 =	simm.s32 $0x0;
	s20 =	sshll.u32 s7, $0x1;
	s7 =	sadd.s32 s21, s5  }
0x9f: {  	[timem:s9], [sflag:s22] =	dma.local [hbm:s7], s20  }
0xa0: {  	_ =	swait.ge [sflag:s22], s20  }
0xa1: {  	s6 =	ssub.s32 $0x0, s20;
	[sflag:s22] =	ssyncset.done $0x0  }
0xa2: {  	[sflag:s22] =	ssyncadd.s32 s6;
	_ =	sdelay $0x1  }
0xa3: {  	s23 =	simm.s32 $0x1B8B  }
0xa4: {  	_ =	swait.ge [sflag:s23], $0x1  }
0xa5: {  	[sflag:s23] =	ssyncset.done $0x0  }
0xa6: {  	s25 =	simm.s32 $0x1B8E;
	s24 =	sld [smem:$0x3FFE];
	[sflag:s23] =	ssyncadd.s32 $0xFFFFFFFF  }
0xa7: {  	s26 =	simm.s32 $execute0_lowered;
	[smem:$0x3FD2] =	sst s25  }
0xa8: {  	s7 =	sshll.u32 s26, $0x1;
	_ =	strace $0x80000046;
	[dreg:$0x1] =	wrdreg $0xFFFFFFFF  }
0xa9: {  	s28 =	simm.s32 $_size_execute0_lowered;
	s5 =	sadd.s32 s5, s7;
	[dreg:$0x0] =	wrdreg $0x0  }
0xaa: {  	s7 =	sshll.u32 s28, $0x1;
	[dreg:$0x2] =	wrdreg s5  }
0xab: {  	[dreg:$0x3] =	wrdreg s7  }
0xac: {  	[dreg:$0x4] =	wrdreg $0xC0  }
0xad: {  	_ =	task [dreg:s9], $0x5FFFF  }
0xae: {  	[dreg:$0x1] =	wrdreg $0xFFFFFFFF  }
0xaf: {  	[dreg:$0x0] =	wrdreg $0x60  }
0xb0: {  	[dreg:$0x2] =	wrdreg s2  }
0xb1: {  	[dreg:$0x3] =	wrdreg s18  }
0xb2: {  	[dreg:$0x4] =	wrdreg s24  }
0xb3: {  	[dreg:$0x5] =	wrdreg s4  }
0xb4: {  	[dreg:$0x6] =	wrdreg $0x9  }
0xb5: {  	_ =	task.clear_ibuf [dreg:s9], $0x7FFFF;
	_ =	strace $0x90000046  }
0xb6: {  	s29 =	simm.s32 $0x9;
	_ =	strace $0x80000048  }
0xb7: {  	_ =	swait.ge [sflag:s29], $0x1  }
0xb8: {  	[sflag:s29] =	ssyncadd.s32 $0xFFFFFFFF  }
0xb9: {  	_ =	strace $0x90000048  }
0xba: {  	_ =	sfence  }
0xbb: {  	s30 =	sld [smem:$0x0];
	_ =	sdelay $0x2  }
0xbc: {  	s31 =	sshll.u32 s1, $0xD;
	s1 =	sshrl.u32 s1, $0x2  }
0xbd: {  	s3 =	sand.u32 $0x4000, s31;
	s1 =	sadd.s32 s1, s30  }
0xbe: {  	s0 =	sor.u32 s3, s0;
	s1 =	sshll.u32 s1, $0x11  }
0xbf: {  	s0 =	sor.u32 s1, s0  }
0xc0: {  	s0 =	sadd.s32 $0x8F2B, s0  }
0xc1: {  	[sflag:s0] =	ssyncadd.remote.s32 $0x1  }
0xc2: {  	_ =	sfence.sel $0xFFFF  }
0xc3: {  	[dreg:$0x0] =	wrdreg $0xFFFFFFFF;
	(pc) =	sbr.abs _section_cstart, $3  }
0xc4: {  	[dreg:$0x1] =	wrdreg $0xFFFFFFFF  }
0xc5: {  	_ =	task.clear_ibuf [dreg:s9], $0x2FFFF;
	_ =	strace $0x9FFFFFFF  }
0xc6: {  	(tm) =	ssettm $0x7FFFFFFF  }
0xc7: {  	_ =	shalt  }
tec
execute0_lowered:
.L_overlay_start_1:
0x0: {  	(tag) =	ssettag $0x1  }
0x1: {  	s0 =	rddreg [dreg:$0x0]  }
0x2: {  	s1 =	rddreg [dreg:$0x1]  }
0x3: {  	s3 =	rddreg [dreg:$0x2]  }
0x4: {  	s4 =	rddreg [dreg:$0x3]  }
0x5: {  	s2 =	srdreg.scid;
	s7 =	stileid.u32  }
0x6: {  	s28 =	simm.s32 $0x5;
	s29 =	simm.s32 $0x1;
	s30 =	simm.s32 $0xC800  }
0x7: {  	s31 =	simm.s32 $0x2;
	s5 =	sand.u32 $0x1, s2;
	s2 =	simm.s32 $0x0  }
0x8: {  	s15 =	sadd.s32 $0x400, s3;
	s16 =	sadd.s32 $0x600, s3;
	s6 =	sshll.u32 s5, $0x4  }
0x9: {  	[smem:$0x7FF] =	sst s2;
	s5 =	ssub.s32 $0x2, s5;
	s6 =	sor.u32 s7, s6  }
0xa: {  	_ =	strace $0x80000047;
	[dreg:$0x5] =	wrdreg s15;
	s6 =	smul.u32 $0x19000, s6  }
0xb: {  	s3 =	sadd.s32 $0x800, s3;
	[dreg:$0x6] =	wrdreg s16;
	s17 =	sshrl.u32 s5, $0x1  }
0xc: {  	[dreg:$0x7] =	wrdreg s3;
	s3 =	ssub.s32 s5, s17;
	s6 =	sshrl.u32 s6, $0x3  }
0xd: {  	s18 =	sadd.s32 s0, s6;
	s19 =	sadd.s32 $0xC80, s6;
	s8 =	sadd.s32 s4, s6  }
0xe: {  	s21 =	sadd.s32 $0x1900, s6;
	s23 =	sadd.s32 $0x2580, s6;
	s25 =	sadd.s32 s1, s6  }
0xf: {  	[dreg:$0x8] =	wrdreg s18;
	s20 =	sadd.s32 s0, s19;
	s9 =	sadd.s32 s0, s21  }
0x10: {  	s22 =	sadd.s32 s4, s19;
	s0 =	sadd.s32 s0, s23;
	[dreg:$0xe] =	wrdreg s25  }
0x11: {  	s24 =	sadd.s32 s4, s21;
	s26 =	sadd.s32 s4, s23;
	[dreg:$0x9] =	wrdreg s20  }
0x12: {  	s15 =	sadd.s32 s1, s19;
	s16 =	sadd.s32 $0x64000, s8;
	[dreg:$0xa] =	wrdreg s9  }
0x13: {  	s17 =	sadd.s32 s1, s21;
	s18 =	sadd.s32 $0x64C80, s8;
	[dreg:$0xb] =	wrdreg s22  }
0x14: {  	s19 =	sadd.s32 s1, s23;
	s21 =	sadd.s32 $0x66580, s8;
	[dreg:$0xc] =	wrdreg s0  }
0x15: {  	s23 =	simm.s32 $0x19000;
	s25 =	simm.s32 $0x19100;
	[dreg:$0xd] =	wrdreg s24  }
0x16: {  	s1 =	simm.s32 $0x3;
	s4 =	simm.s32 $0x0;
	[dreg:$0xf] =	wrdreg s26  }
0x17: {  	s20 =	sadd.s32 $0x65900, s8;
	s22 =	smax.u32 s3, $0x1;
	s24 =	simm.s32 $0x19080  }
0x18: {  	v0 =	vimm.s32 $0x0;
	s26 =	simm.s32 $0x6400;
	s0 =	simm.s32 $0x12C00;
	s3 =	simm.s32 $0x4  }
.LBB2_1:
0x19: {  	s5 =	rddreg [dreg:$0x5]  }
0x1a: {  	[tilespmem:s23], [sflag:$0x5] =	stream.linear.gather [hbm4b:s5+s2], $0x80, $0x38;
	[tilespmem:$0x19180] =	vst v63  }
0x1b: {  	s7 =	rddreg [dreg:$0x6]  }
0x1c: {  	[tilespmem:s24], [sflag:$0x5] =	stream.linear.gather [hbm4b:s7+s2], $0x80, $0x38;
	[tilespmem:$0x19180] =	vst v63  }
0x1d: {  	s9 =	rddreg [dreg:$0x7]  }
0x1e: {  	[tilespmem:s25], [sflag:$0x5] =	stream.linear.gather [hbm4b:s9+s2], $0x80, $0x38;
	[tilespmem:$0x19180] =	vst v63  }
0x1f: {  	s10 =	rddreg [dreg:$0x8]  }
0x20: {  	[tilespmem:s2], [sflag:$0x1] =	stream.linear.gather [hbm4b:s10+s2], $0x6400, $0x38;
	[tilespmem:$0x19180] =	vst v63  }
0x21: {  	s11 =	rddreg [dreg:$0x9]  }
0x22: {  	[tilespmem:s26], [sflag:$0x2] =	stream.linear.gather [hbm4b:s11+s2], $0x6400, $0x38;
	[tilespmem:$0x19180] =	vst v63  }
0x23: {  	_ =	swait.ge [sflag:s28], $0x80  }
0x24: {  	[sflag:s28] =	ssyncset.done $0x0  }
0x25: {  	[sflag:s28] =	ssyncadd.s32 $0xFFFFFF80  }
0x26: {  	_ =	swait.ge [sflag:s28], $0x80  }
0x27: {  	[sflag:s28] =	ssyncset.done $0x0  }
0x28: {  	[sflag:s28] =	ssyncadd.s32 $0xFFFFFF80  }
0x29: {  	_ =	swait.ge [sflag:s28], $0x80  }
0x2a: {  	[sflag:s28] =	ssyncset.done $0x0  }
0x2b: {  	[sflag:s28] =	ssyncadd.s32 $0xFFFFFF80  }
0x2c: {  	_ =	swait.ge [sflag:s29], $0x6400  }
0x2d: {  	[sflag:s29] =	ssyncset.done $0x0  }
0x2e: {  	s12 =	simm.s32 $0x60;
	[sflag:s29] =	ssyncadd.s32 $0xFFFF9C00  }
0x2f: {  	s6 =	sand.u32 $0x7FC0, s2;
	v1 =	vld [tilespmem:s12+$0x50]  }
0x30: {  	v2 =	vld [tilespmem:s6+$0x80]  }
0x31: {  	v11 =	vld [tilespmem:s12+$0xFFFFFFB0]  }
0x32: {  	v8 =	vld [tilespmem:s12+$0xFFFFFFC0]  }
0x33: {  	v7 =	vld [tilespmem:s12+$0xFFFFFFD0]  }
0x34: {  	v9 =	vld [tilespmem:s12+$0xFFFFFFE0]  }
0x35: {  	v10 =	vld [tilespmem:s12+$0xFFFFFFF0]  }
0x36: {  	v15 =	vld [tilespmem:s12+$0x0]  }
0x37: {  	v18 =	vld [tilespmem:s12+$0x10]  }
0x38: {  	v19 =	vld [tilespmem:s12+$0x30]  }
0x39: {  	s7 =	simm.s32 $0xC0;
	v23 =	vld [tilespmem:s12+$0x40]  }
0x3a: {  	s7 =	sand.u32 $0x7FC0, s7;
	v14 =	vld [tilespmem:s12+$0xFFFFFFA0];
	v3 =	vmul.f32 $1.000000000e+01, v1  }
0x3b: {  	s13 =	simm.s32 $0x120;
	v40 =	vld [tilespmem:s7+$0x80];
	v4 =	vmul.f32 $1.000000000e+01, v2;
	v5 =	vmul.f32 $1.000000000e+01, v11  }
0x3c: {  	v29 =	vld [tilespmem:s13+$0xFFFFFFB0];
	v6 =	vmul.f32 $1.000000000e+01, v8;
	v12 =	vmul.f32 $1.000000000e+01, v7  }
0x3d: {  	v13 =	vmul.f32 $1.000000000e+01, v9;
	v16 =	vmul.f32 $1.000000000e+01, v10  }
0x3e: {  	v17 =	vmul.f32 $1.000000000e+01, v15;
	v20 =	vmul.f32 $1.000000000e+01, v18  }
0x3f: {  	v21 =	vmul.f32 $1.000000000e+01, v19;
	v22 =	vmul.f32 $1.000000000e+01, v23  }
0x40: {  	v24 =	vmul.f32 $1.000000000e+01, v14;
	v31 =	vmul.f32 $1.000000000e+01, v40  }
0x41: {  	v33 =	vmul.f32 $1.000000000e+01, v29;
	v3 =	vtrunc.f32 v3  }
0x42: {  	v4 =	vtrunc.f32 v4;
	v3 =	vcvt.f32.s32 v3  }
0x43: {  	v5 =	vtrunc.f32 v5;
	v4 =	vcvt.f32.s32 v4  }
0x44: {  	v6 =	vtrunc.f32 v6;
	v12 =	vtrunc.f32 v12;
	vm0 =	vgt.s32 v3, $0x0  }
0x45: {  	v13 =	vtrunc.f32 v13;
	vm1 =	vgt.s32 v4, $0x0;
	v3 =	vnsel vm0, $0x0, v3  }
0x46: {  	v16 =	vtrunc.f32 v16;
	v4 =	vnsel vm1, $0x0, v4;
	v3 =	vmin.u32 v3, $0x9  }
0x47: {  	v17 =	vtrunc.f32 v17;
	v24 =	vtrunc.f32 v24;
	v4 =	vmin.u32 v4, $0x9  }
0x48: {  	v20 =	vtrunc.f32 v20;
	v21 =	vtrunc.f32 v21  }
0x49: {  	v22 =	vtrunc.f32 v22;
	v44 =	vtrunc.f32 v33  }
0x4a: {  	v24 =	vcvt.f32.s32 v24;
	v5 =	vcvt.f32.s32 v5  }
0x4b: {  	v6 =	vcvt.f32.s32 v6;
	v12 =	vcvt.f32.s32 v12;
	v25 =	vld.idx.msk [tilespmem:v3+s25+$0x0], $0xffff  }
0x4c: {  	v13 =	vcvt.f32.s32 v13;
	v16 =	vcvt.f32.s32 v16;
	v26 =	vld.idx.msk [tilespmem:v4+s25+$0x0], $0xffff  }
0x4d: {  	v17 =	vcvt.f32.s32 v17;
	v20 =	vcvt.f32.s32 v20  }
0x4e: {  	v22 =	vcvt.f32.s32 v22;
	v44 =	vcvt.f32.s32 v44;
	vm3 =	vgt.s32 v12, $0x0  }
0x4f: {  	v27 =	vld [tilespmem:s13+$0xFFFFFFD0];
	vm4 =	vgt.s32 v13, $0x0;
	vm5 =	vgt.s32 v16, $0x0;
	vm6 =	vgt.s32 v17, $0x0  }
0x50: {  	vm7 =	vgt.s32 v20, $0x0;
	vm0 =	vgt.s32 v24, $0x0;
	vm1 =	vle.f32 v1, v25  }
0x51: {  	vm2 =	vle.f32 v2, v26;
	v1 =	vcvt.f32.s32 v21;
	v2 =	vsel vm1, $0xFFFFFFFF, v0  }
0x52: {  	v21 =	vsel vm2, $0xFFFFFFFF, v0;
	vm1 =	vgt.s32 v5, $0x0;
	vm2 =	vgt.s32 v6, $0x0  }
0x53: {  	v30 =	vld [tilespmem:s13+$0xFFFFFFC0];
	v37 =	vadd.s32 v2, v3;
	v28 =	vadd.s32 v21, v4;
	vm8 =	vgt.s32 v1, $0x0  }
0x54: {  	v21 =	vld [tilespmem:s13+$0x50];
	v2 =	vnsel vm0, $0x0, v24;
	v3 =	vnsel vm1, $0x0, v5;
	v4 =	vnsel vm2, $0x0, v6;
	[tilespmem:$0x1FFF0] =	vst v27  }
0x55: {  	v6 =	vnsel vm4, $0x0, v13;
	v13 =	vnsel vm6, $0x0, v17;
	v17 =	vnsel vm8, $0x0, v1;
	v1 =	vld [tilespmem:s13+$0xFFFFFFE0]  }
0x56: {  	vm0 =	vgt.s32 v22, $0x0;
	v5 =	vnsel vm3, $0x0, v12;
	v24 =	vmin.u32 v2, $0x9;
	v2 =	vld [tilespmem:s13+$0xFFFFFFF0]  }
0x57: {  	v12 =	vnsel vm5, $0x0, v16;
	v39 =	vmin.u32 v3, $0x9;
	v36 =	vmin.u32 v4, $0x9;
	v4 =	vld [tilespmem:s13+$0x0]  }
0x58: {  	v26 =	vmin.u32 v6, $0x9;
	v3 =	vld [tilespmem:s13+$0x10];
	v6 =	vtrunc.f32 v31;
	v32 =	vmin.u32 v12, $0x9  }
0x59: {  	v12 =	vmul.f32 $1.000000000e+01, v30;
	v31 =	vmin.u32 v13, $0x9;
	v13 =	vmul.f32 $1.000000000e+01, v27;
	v38 =	vld [tilespmem:s13+$0xFFFFFFA0]  }
0x5a: {  	v16 =	vnsel vm7, $0x0, v20;
	v20 =	vnsel vm0, $0x0, v22;
	v34 =	vcvt.f32.s32 v6;
	v6 =	vld [tilespmem:s13+$0x30]  }
0x5b: {  	v25 =	vmin.u32 v5, $0x9;
	v12 =	vtrunc.f32 v12;
	v13 =	vtrunc.f32 v13  }
0x5c: {  	v33 =	vmin.u32 v16, $0x9;
	v22 =	vmul.f32 $1.000000000e+01, v21;
	v35 =	vmul.f32 $1.000000000e+01, v1  }
0x5d: {  	vm1 =	vgt.s32 v34, $0x0;
	v41 =	vmul.f32 $1.000000000e+01, v2;
	v42 =	vmul.f32 $1.000000000e+01, v4  }
0x5e: {  	v34 =	vnsel vm1, $0x0, v34;
	v45 =	vmul.f32 $1.000000000e+01, v3;
	v47 =	vld.idx.msk [tilespmem:v39+s25+$0x0], $0xffff;
	v50 =	vmul.f32 $1.000000000e+01, v38  }
0x5f: {  	v46 =	vmin.u32 v34, $0x9;
	v16 =	vld.idx.msk [tilespmem:v36+s25+$0x0], $0xffff;
	v5 =	vtrunc.f32 v22;
	v48 =	vmul.f32 $1.000000000e+01, v6  }
0x60: {  	v34 =	vmin.u32 v17, $0x9;
	v17 =	vld.idx.msk [tilespmem:v25+s25+$0x0], $0xffff;
	v22 =	vcvt.f32.s32 v5;
	v51 =	vtrunc.f32 v35  }
0x61: {  	v43 =	vld.idx.msk [tilespmem:v24+s25+$0x0], $0xffff;
	v35 =	vmin.u32 v20, $0x9;
	v20 =	vtrunc.f32 v41;
	v55 =	vtrunc.f32 v42  }
0x62: {  	v62 =	vld.idx.msk [tilespmem:v31+s25+$0x0], $0xffff;
	v50 =	vtrunc.f32 v50;
	v45 =	vtrunc.f32 v45;
	vm0 =	vgt.s32 v22, $0x0  }
0x63: {  	v5 =	vld [tilespmem:s13+$0x40];
	v57 =	vtrunc.f32 v48;
	v22 =	vnsel vm0, $0x0, v22;
	vm1 =	vle.f32 v11, v47  }
0x64: {  	v11 =	vcvt.f32.s32 v50;
	vm2 =	vle.f32 v8, v16;
	v8 =	vcvt.f32.s32 v12  }
0x65: {  	v12 =	vcvt.f32.s32 v13;
	vm3 =	vle.f32 v7, v17;
	v7 =	vcvt.f32.s32 v51  }
0x66: {  	vm0 =	vle.f32 v14, v43;
	v13 =	vcvt.f32.s32 v20;
	v16 =	vcvt.f32.s32 v55  }
0x67: {  	v17 =	vcvt.f32.s32 v45;
	vm15 =	vle.f32 v15, v62;
	v22 =	vmin.u32 v22, $0x9  }
0x68: {  	v14 =	vld.idx.msk [tilespmem:v46+s25+$0x0], $0xffff;
	v47 =	vsel vm15, $0xFFFFFFFF, v0;
	v49 =	vmul.f32 $1.000000000e+01, v5;
	vm4 =	vgt.s32 v11, $0x0  }
0x69: {  	s9 =	simm.s32 $0x1E0;
	v54 =	vld.idx.msk [tilespmem:v34+s25+$0x0], $0xffff;
	vm6 =	vgt.s32 v8, $0x0;
	vm7 =	vgt.s32 v12, $0x0;
	vm8 =	vgt.s32 v7, $0x0  }
0x6a: {  	v51 =	vld [tilespmem:s9+$0x50];
	vm9 =	vgt.s32 v13, $0x0;
	vm10 =	vgt.s32 v16, $0x0;
	vm11 =	vgt.s32 v17, $0x0  }
0x6b: {  	v15 =	vld [tilespmem:s9+$0xFFFFFFE0];
	v31 =	vadd.s32 v47, v31;
	v11 =	vnsel vm4, $0x0, v11;
	v8 =	vnsel vm6, $0x0, v8  }
0x6c: {  	v12 =	vnsel vm7, $0x0, v12;
	v7 =	vnsel vm8, $0x0, v7;
	v13 =	vnsel vm9, $0x0, v13  }
0x6d: {  	v60 =	vld.idx.msk [tilespmem:v26+s25+$0x0], $0xffff;
	v55 =	vnsel vm10, $0x0, v16;
	v58 =	vtrunc.f32 v49;
	v16 =	vmin.u32 v7, $0x9  }
0x6e: {  	v37 =	vld.idx.msk [tilespmem:v37+s23+$0x0], $0xffff;
	vm14 =	vle.f32 v40, v14;
	v14 =	vcvt.f32.s32 v57;
	v59 =	vcvt.f32.s32 v58  }
0x6f: {  	v61 =	vld.idx.msk [tilespmem:v32+s25+$0x0], $0xffff;
	vm13 =	vle.f32 v19, v54;
	v58 =	vsel vm1, $0xFFFFFFFF, v0;
	v52 =	vmul.f32 $1.000000000e+01, v51  }
0x70: {  	v56 =	vld.idx.msk [tilespmem:v22+s25+$0x0], $0xffff;
	v50 =	vsel vm13, $0xFFFFFFFF, v0;
	v39 =	vadd.s32 v58, v39;
	v58 =	vmul.f32 $1.000000000e+01, v15  }
0x71: {  	s14 =	simm.s32 $0x180;
	v57 =	vld.idx.msk [tilespmem:v35+s25+$0x0], $0xffff;
	vm12 =	vgt.s32 v14, $0x0;
	vm4 =	vgt.s32 v59, $0x0;
	v62 =	vtrunc.f32 v52  }
0x72: {  	s5 =	sand.u32 $0x7FC0, s14;
	v63 =	vld.idx.msk [tilespmem:v33+s25+$0x0], $0xffff;
	v50 =	vadd.s32 v50, v34;
	v40 =	vnsel vm4, $0x0, v59;
	vm4 =	vle.f32 v9, v60  }
0x73: {  	v48 =	vld [tilespmem:s5+$0x80];
	v59 =	vsel vm2, $0xFFFFFFFF, v0;
	v60 =	vsel vm3, $0xFFFFFFFF, v0;
	v58 =	vtrunc.f32 v58  }
0x74: {  	v19 =	vld [tilespmem:s9+$0x0];
	v7 =	vmin.u32 v40, $0x9;
	v43 =	vadd.s32 v59, v36;
	v36 =	vcvt.f32.s32 v62  }
0x75: {  	v9 =	vld [tilespmem:s9+$0xFFFFFFD0];
	v58 =	vcvt.f32.s32 v58;
	vm5 =	vle.f32 v21, v56;
	v21 =	vsel vm14, $0xFFFFFFFF, v0  }
0x76: {  	vm14 =	vle.f32 v23, v57;
	v23 =	vsel vm0, $0xFFFFFFFF, v0;
	v39 =	vld.idx.msk [tilespmem:v39+s23+$0x0], $0xffff;
	v42 =	vadd.s32 v21, v46  }
0x77: {  	v21 =	vmin.u32 v11, $0x9;
	v11 =	vnsel vm12, $0x0, v14;
	vm12 =	vle.f32 v18, v63;
	v18 =	vld [tilespmem:s9+$0xFFFFFFF0]  }
0x78: {  	v20 =	vsel vm5, $0xFFFFFFFF, v0;
	vm5 =	vgt.s32 v44, $0x0;
	v53 =	vadd.s32 v23, v24;
	v23 =	vld [tilespmem:s9+$0x10]  }
0x79: {  	v41 =	vadd.s32 v20, v22;
	v20 =	vnsel vm5, $0x0, v44;
	vm5 =	vle.f32 v10, v61;
	v10 =	vld [tilespmem:s9+$0xFFFFFFC0]  }
0x7a: {  	v56 =	vnsel vm11, $0x0, v17;
	v24 =	vmul.f32 $1.000000000e+01, v48;
	v44 =	vadd.s32 v60, v25;
	v25 =	vld [tilespmem:s9+$0x40]  }
0x7b: {  	v14 =	vmin.u32 v13, $0x9;
	v22 =	vmin.u32 v20, $0x9;
	v20 =	vmin.u32 v8, $0x9;
	v8 =	vld [tilespmem:s9+$0xFFFFFFB0]  }
0x7c: {  	v13 =	vmin.u32 v55, $0x9;
	v61 =	vsel vm4, $0xFFFFFFFF, v0;
	v63 =	vtrunc.f32 v24;
	v24 =	vld [tilespmem:s9+$0x30]  }
0x7d: {  	v17 =	vmin.u32 v12, $0x9;
	vm0 =	vgt.s32 v36, $0x0;
	v45 =	vadd.s32 v61, v26;
	v26 =	vld [tilespmem:s9+$0xFFFFFFA0]  }
0x7e: {  	vm8 =	vgt.s32 v58, $0x0;
	v12 =	vmin.u32 v56, $0x9;
	v57 =	vmul.f32 $1.000000000e+01, v9;
	v55 =	vld.idx.msk [tilespmem:v21+s25+$0x0], $0xffff  }
0x7f: {  	v36 =	vnsel vm0, $0x0, v36;
	v49 =	vsel vm12, $0xFFFFFFFF, v0;
	v46 =	vsel vm5, $0xFFFFFFFF, v0;
	v43 =	vld.idx.msk [tilespmem:v43+s23+$0x0], $0xffff  }
0x80: {  	v49 =	vadd.s32 v49, v33;
	v52 =	vcvt.f32.s32 v63;
	v57 =	vtrunc.f32 v57;
	v42 =	vld.idx.msk [tilespmem:v42+s23+$0x0], $0xffff  }
0x81: {  	v46 =	vadd.s32 v46, v32;
	v57 =	vcvt.f32.s32 v57;
	v59 =	vmul.f32 $1.000000000e+01, v18;
	v33 =	vld.idx.msk [tilespmem:v13+s25+$0x0], $0xffff  }
0x82: {  	vm1 =	vgt.s32 v52, $0x0;
	v56 =	vmul.f32 $1.000000000e+01, v10;
	v40 =	vmul.f32 $1.000000000e+01, v8;
	v60 =	vld.idx.msk [tilespmem:v22+s25+$0x0], $0xffff  }
0x83: {  	vm0 =	vle.f32 v38, v55;
	v38 =	vld.idx.msk [tilespmem:v28+s23+$0x0], $0xffff;
	v28 =	vnsel vm1, $0x0, v52;
	v52 =	vmin.u32 v36, $0x9  }
0x84: {  	v61 =	vld.idx.msk [tilespmem:v20+s25+$0x0], $0xffff;
	v32 =	vmul.f32 $1.000000000e+01, v24;
	v47 =	vtrunc.f32 v59;
	v62 =	vmin.u32 v28, $0x9  }
0x85: {  	v54 =	vsel vm14, $0xFFFFFFFF, v0;
	v34 =	vld.idx.msk [tilespmem:v12+s25+$0x0], $0xffff;
	v56 =	vtrunc.f32 v56;
	v36 =	vtrunc.f32 v40  }
0x86: {  	v11 =	vmin.u32 v11, $0x9;
	v47 =	vcvt.f32.s32 v47;
	v27 =	vcvt.f32.s32 v36;
	v36 =	vld [tilespmem:$0x1FFF0]  }
0x87: {  	v63 =	vtrunc.f32 v32;
	v56 =	vcvt.f32.s32 v56;
	vm1 =	vle.f32 v29, v60;
	v60 =	vld.idx.msk [tilespmem:v17+s25+$0x0], $0xffff  }
0x88: {  	v54 =	vadd.s32 v54, v35;
	v55 =	vmul.f32 $1.000000000e+01, v19;
	v40 =	vmul.f32 $1.000000000e+01, v23;
	v59 =	vld.idx.msk [tilespmem:v52+s25+$0x0], $0xffff  }
0x89: {  	v29 =	vmul.f32 $1.000000000e+01, v25;
	vm2 =	vle.f32 v30, v61;
	v30 =	vmul.f32 $1.000000000e+01, v26;
	v61 =	vld.idx.msk [tilespmem:v62+s25+$0x0], $0xffff  }
0x8a: {  	v53 =	vld.idx.msk [tilespmem:v53+s23+$0x0], $0xffff;
	vm7 =	vgt.s32 v57, $0x0;
	v55 =	vtrunc.f32 v55;
	v40 =	vtrunc.f32 v40  }
0x8b: {  	v41 =	vld.idx.msk [tilespmem:v41+s23+$0x0], $0xffff;
	vm9 =	vgt.s32 v47, $0x0;
	v55 =	vcvt.f32.s32 v55;
	v40 =	vcvt.f32.s32 v40  }
0x8c: {  	v35 =	vld.idx.msk [tilespmem:v11+s25+$0x0], $0xffff;
	vm6 =	vgt.s32 v56, $0x0;
	v30 =	vtrunc.f32 v30;
	v29 =	vtrunc.f32 v29  }
0x8d: {  	v32 =	vld.idx.msk [tilespmem:v14+s25+$0x0], $0xffff;
	v30 =	vcvt.f32.s32 v30;
	v29 =	vcvt.f32.s32 v29;
	vm5 =	vle.f32 v51, v59  }
0x8e: {  	v28 =	vld.idx.msk [tilespmem:v16+s25+$0x0], $0xffff;
	vm3 =	vle.f32 v36, v60;
	vm15 =	vle.f32 v48, v61;
	v60 =	vsel vm5, $0xFFFFFFFF, v0  }
0x8f: {  	s9 =	simm.s32 $0xC860;
	[tilespmem:s6+$0xC880] =	vst v38;
	v38 =	vld.idx.msk [tilespmem:v44+s23+$0x0], $0xffff;
	vm10 =	vgt.s32 v55, $0x0;
	v61 =	vsel vm15, $0xFFFFFFFF, v0;
	v48 =	vadd.s32 v60, v52  }
0x90: {  	[tilespmem:s9+$0x50] =	vst v37;
	vm11 =	vgt.s32 v40, $0x0;
	v36 =	vld.idx.msk [tilespmem:v7+s25+$0x0], $0xffff;
	v51 =	vcvt.f32.s32 v63;
	v63 =	vadd.s32 v61, v62  }
0x91: {  	[tilespmem:s7+$0xC880] =	vst v42;
	v55 =	vnsel vm10, $0x0, v55;
	vm4 =	vgt.s32 v30, $0x0;
	v59 =	vld.idx.msk [tilespmem:v46+s23+$0x0], $0xffff;
	v46 =	vnsel vm7, $0x0, v57  }
0x92: {  	[tilespmem:s9+$0xFFFFFFB0] =	vst v39;
	v30 =	vnsel vm4, $0x0, v30;
	vm4 =	vgt.s32 v29, $0x0;
	v39 =	vmin.u32 v46, $0x9;
	v46 =	vld.idx.msk [tilespmem:v50+s23+$0x0], $0xffff  }
0x93: {  	[tilespmem:s9+$0xFFFFFFA0] =	vst v53;
	v42 =	vmin.u32 v30, $0x9;
	vm5 =	vgt.s32 v27, $0x0;
	vm12 =	vgt.s32 v51, $0x0;
	v52 =	vld.idx.msk [tilespmem:v45+s23+$0x0], $0xffff  }
0x94: {  	[tilespmem:s9+$0xFFFFFFC0] =	vst v43;
	s6 =	simm.s32 $0xC920;
	v27 =	vnsel vm5, $0x0, v27;
	v45 =	vnsel vm6, $0x0, v56;
	v60 =	vnsel vm8, $0x0, v58;
	v44 =	vld.idx.msk [tilespmem:v48+s23+$0x0], $0xffff  }
0x95: {  	[tilespmem:s6+$0x50] =	vst v41;
	v61 =	vnsel vm9, $0x0, v47;
	v62 =	vnsel vm11, $0x0, v40;
	v51 =	vnsel vm12, $0x0, v51;
	v48 =	vld.idx.msk [tilespmem:v63+s23+$0x0], $0xffff  }
0x96: {  	[tilespmem:s9+$0xFFFFFFD0] =	vst v38;
	v47 =	vld.idx.msk [tilespmem:v31+s23+$0x0], $0xffff;
	v41 =	vmin.u32 v27, $0x9;
	v40 =	vmin.u32 v45, $0x9;
	v38 =	vmin.u32 v60, $0x9  }
0x97: {  	s10 =	simm.s32 $0x18;
	v45 =	vld.idx.msk [tilespmem:v49+s23+$0x0], $0xffff;
	v31 =	vmin.u32 v55, $0x9;
	v37 =	vmin.u32 v61, $0x9;
	[tilespmem:s9+$0xFFFFFFF0] =	vst v59;
	v63 =	vnsel vm4, $0x0, v29  }
0x98: {  	s11 =	simm.s32 $0x2A0;
	s12 =	simm.s32 $0x240;
	s7 =	simm.s32 $0xC9E0;
	v49 =	vld.idx.msk [tilespmem:v54+s23+$0x0], $0xffff;
	v30 =	vmin.u32 v62, $0x9;
	[tilespmem:s9+$0xFFFFFFE0] =	vst v52;
	v29 =	vmin.u32 v51, $0x9;
	v27 =	vmin.u32 v63, $0x9  }
.LBB2_2:
0x99: {  	s13 =	sand.u32 $0x7FC0, s12;
	v43 =	vld [tilespmem:s11+$0x50];
	s10 =	sadd.s32 $0xC, s10;
	[tilespmem:s7+$0x50] =	vst v44;
	vm4 =	vle.f32 v1, v28;
	vm5 =	vle.f32 v2, v32;
	vm6 =	vle.f32 v4, v33  }
0x9a: {  	vm7 =	vle.f32 v3, v34;
	vm8 =	vle.f32 v6, v35;
	vm9 =	vle.f32 v5, v36;
	v44 =	vld [tilespmem:s13+$0x80];
	p0 =	slt.u32 s10, $0x630;
	[tilespmem:s5+$0xC880] =	vst v48;
	s5 =	smov.u32 s13  }
0x9b: {  	v28 =	vsel vm0, $0xFFFFFFFF, v0;
	v32 =	vsel vm1, $0xFFFFFFFF, v0;
	v34 =	vsel vm2, $0xFFFFFFFF, v0;
	v1 =	vmovc v15;
	v2 =	vmovc v18;
	v33 =	vld [tilespmem:s11+$0xFFFFFFB0];
	[tilespmem:s9+$0x0] =	vst v47  }
0x9c: {  	v36 =	vsel vm3, $0xFFFFFFFF, v0;
	v4 =	vmovc v19;
	v3 =	vmovc v23;
	v48 =	vsel vm5, $0xFFFFFFFF, v0;
	v47 =	vsel vm4, $0xFFFFFFFF, v0;
	v35 =	vld [tilespmem:s11+$0xFFFFFFC0];
	[tilespmem:s9+$0x10] =	vst v45  }
0x9d: {  	v6 =	vmovc v24;
	v5 =	vmovc v25;
	v50 =	vsel vm6, $0xFFFFFFFF, v0;
	v51 =	vsel vm7, $0xFFFFFFFF, v0;
	v52 =	vsel vm8, $0xFFFFFFFF, v0;
	v45 =	vld [tilespmem:s11+$0xFFFFFFD0];
	[tilespmem:s9+$0x30] =	vst v46  }
0x9e: {  	v53 =	vsel vm9, $0xFFFFFFFF, v0;
	v46 =	vadd.s32 v28, v21;
	v21 =	vmovc v42;
	v15 =	vld [tilespmem:s11+$0xFFFFFFE0];
	v23 =	vmul.f32 $1.000000000e+01, v43;
	[tilespmem:s9+$0x40] =	vst v49;
	s9 =	smov.u32 s6;
	s6 =	smov.u32 s7  }
0x9f: {  	v42 =	vadd.s32 v32, v22;
	v22 =	vmovc v41;
	v49 =	vadd.s32 v34, v20;
	v20 =	vmovc v40;
	v18 =	vld [tilespmem:s11+$0xFFFFFFF0];
	v24 =	vmul.f32 $1.000000000e+01, v44  }
0xa0: {  	v40 =	vadd.s32 v36, v17;
	v17 =	vmovc v39;
	v28 =	vmul.f32 $1.000000000e+01, v33;
	v19 =	vld [tilespmem:s11+$0x0];
	v25 =	vtrunc.f32 v23  }
0xa1: {  	v39 =	vadd.s32 v47, v16;
	v16 =	vmovc v38;
	v23 =	vld [tilespmem:s11+$0x10];
	v24 =	vtrunc.f32 v24;
	v32 =	vcvt.f32.s32 v25  }
0xa2: {  	v38 =	vadd.s32 v48, v14;
	v14 =	vmovc v37;
	v34 =	vmul.f32 $1.000000000e+01, v35;
	v36 =	vcvt.f32.s32 v24;
	v24 =	vld [tilespmem:s11+$0x30]  }
0xa3: {  	v37 =	vmul.f32 $1.000000000e+01, v45;
	v41 =	vmul.f32 $1.000000000e+01, v15;
	v25 =	vld [tilespmem:s11+$0x40];
	vm0 =	vgt.s32 v32, $0x0  }
0xa4: {  	v47 =	vld [tilespmem:s11+$0xFFFFFFA0];
	v48 =	vmul.f32 $1.000000000e+01, v18;
	vm1 =	vgt.s32 v36, $0x0;
	v32 =	vnsel vm0, $0x0, v32  }
0xa5: {  	v54 =	vmul.f32 $1.000000000e+01, v19;
	v36 =	vnsel vm1, $0x0, v36;
	v55 =	vmin.u32 v32, $0x9;
	v32 =	vld.idx.msk [tilespmem:v21+s25+$0x0], $0xffff  }
0xa6: {  	v56 =	vtrunc.f32 v28;
	v57 =	vmul.f32 $1.000000000e+01, v23;
	v58 =	vmin.u32 v36, $0x9;
	v36 =	vld.idx.msk [tilespmem:v22+s25+$0x0], $0xffff  }
0xa7: {  	v50 =	vadd.s32 v50, v13;
	v13 =	vmovc v31;
	v34 =	vtrunc.f32 v34;
	v59 =	vmul.f32 $1.000000000e+01, v24;
	v60 =	vld.idx.msk [tilespmem:v20+s25+$0x0], $0xffff  }
0xa8: {  	v51 =	vadd.s32 v51, v12;
	v12 =	vmovc v30;
	v31 =	vtrunc.f32 v37;
	v37 =	vmul.f32 $1.000000000e+01, v25;
	v61 =	vld.idx.msk [tilespmem:v17+s25+$0x0], $0xffff  }
0xa9: {  	v52 =	vadd.s32 v52, v11;
	v11 =	vmovc v29;
	v41 =	vtrunc.f32 v41;
	v30 =	vmul.f32 $1.000000000e+01, v47;
	v28 =	vld.idx.msk [tilespmem:v16+s25+$0x0], $0xffff  }
0xaa: {  	v53 =	vadd.s32 v53, v7;
	v7 =	vmovc v27;
	v29 =	vtrunc.f32 v48;
	v48 =	vtrunc.f32 v54;
	v54 =	vld.idx.msk [tilespmem:v55+s25+$0x0], $0xffff  }
0xab: {  	vm0 =	vle.f32 v26, v32;
	v26 =	vmovc v47;
	v27 =	vtrunc.f32 v30;
	v30 =	vtrunc.f32 v57;
	v57 =	vld.idx.msk [tilespmem:v58+s25+$0x0], $0xffff  }
0xac: {  	v47 =	vtrunc.f32 v59;
	v37 =	vtrunc.f32 v37;
	vm1 =	vle.f32 v8, v36;
	v8 =	vmovc v33;
	v32 =	vld.idx.msk [tilespmem:v14+s25+$0x0], $0xffff  }
0xad: {  	v56 =	vcvt.f32.s32 v56;
	v27 =	vcvt.f32.s32 v27;
	vm2 =	vle.f32 v10, v60;
	v10 =	vmovc v35;
	v33 =	vld.idx.msk [tilespmem:v13+s25+$0x0], $0xffff  }
0xae: {  	v31 =	vcvt.f32.s32 v31;
	v59 =	vcvt.f32.s32 v34;
	vm3 =	vle.f32 v9, v61;
	v9 =	vmovc v45;
	v34 =	vld.idx.msk [tilespmem:v12+s25+$0x0], $0xffff  }
0xaf: {  	v41 =	vcvt.f32.s32 v41;
	v29 =	vcvt.f32.s32 v29;
	vm4 =	vgt.s32 v27, $0x0;
	v35 =	vld.idx.msk [tilespmem:v11+s25+$0x0], $0xffff  }
0xb0: {  	v30 =	vcvt.f32.s32 v30;
	v45 =	vcvt.f32.s32 v48;
	vm5 =	vle.f32 v43, v54;
	v36 =	vld.idx.msk [tilespmem:v7+s25+$0x0], $0xffff  }
0xb1: {  	v43 =	vcvt.f32.s32 v47;
	vm6 =	vle.f32 v44, v57;
	v44 =	vsel vm5, $0xFFFFFFFF, v0;
	v46 =	vld.idx.msk [tilespmem:v46+s23+$0x0], $0xffff  }
0xb2: {  	v37 =	vcvt.f32.s32 v37;
	v47 =	vsel vm6, $0xFFFFFFFF, v0;
	v44 =	vadd.s32 v44, v55;
	v42 =	vld.idx.msk [tilespmem:v42+s23+$0x0], $0xffff  }
0xb3: {  	vm5 =	vgt.s32 v56, $0x0;
	vm6 =	vgt.s32 v59, $0x0;
	v47 =	vadd.s32 v47, v58;
	v49 =	vld.idx.msk [tilespmem:v49+s23+$0x0], $0xffff  }
0xb4: {  	vm7 =	vgt.s32 v31, $0x0;
	vm8 =	vgt.s32 v41, $0x0;
	vm9 =	vgt.s32 v29, $0x0;
	v54 =	vld.idx.msk [tilespmem:v40+s23+$0x0], $0xffff  }
0xb5: {  	vm11 =	vgt.s32 v30, $0x0;
	vm10 =	vgt.s32 v45, $0x0;
	vm12 =	vgt.s32 v43, $0x0;
	v55 =	vld.idx.msk [tilespmem:v39+s23+$0x0], $0xffff  }
0xb6: {  	v27 =	vnsel vm4, $0x0, v27;
	vm4 =	vgt.s32 v37, $0x0;
	v39 =	vnsel vm5, $0x0, v56;
	v56 =	vld.idx.msk [tilespmem:v38+s23+$0x0], $0xffff  }
0xb7: {  	v31 =	vnsel vm7, $0x0, v31;
	v57 =	vnsel vm8, $0x0, v41;
	v38 =	vnsel vm6, $0x0, v59;
	v44 =	vld.idx.msk [tilespmem:v44+s23+$0x0], $0xffff;
	[tilespmem:s9+$0xFFFFFFA0] =	vst v46  }
.Ltmp0:
0xb8: {  	v29 =	vnsel vm9, $0x0, v29;
	v30 =	vnsel vm11, $0x0, v30;
	v46 =	vnsel vm10, $0x0, v45;
	v48 =	vld.idx.msk [tilespmem:v47+s23+$0x0], $0xffff;
	[tilespmem:s9+$0xFFFFFFB0] =	vst v42;
	(pc) =	sbr.rel @p0 .LBB2_2-.Ltmp0, $4  }
0xb9: {  	v42 =	vmin.u32 v27, $0x9;
	v27 =	vnsel vm12, $0x0, v43;
	v43 =	vnsel vm4, $0x0, v37;
	[tilespmem:s9+$0xFFFFFFC0] =	vst v49;
	v47 =	vld.idx.msk [tilespmem:v50+s23+$0x0], $0xffff  }
0xba: {  	v41 =	vmin.u32 v39, $0x9;
	v39 =	vmin.u32 v31, $0x9;
	v40 =	vmin.u32 v38, $0x9;
	[tilespmem:s9+$0xFFFFFFD0] =	vst v54;
	v45 =	vld.idx.msk [tilespmem:v51+s23+$0x0], $0xffff  }
0xbb: {  	v38 =	vmin.u32 v57, $0x9;
	v37 =	vmin.u32 v29, $0x9;
	v31 =	vmin.u32 v46, $0x9;
	[tilespmem:s9+$0xFFFFFFE0] =	vst v55;
	v46 =	vld.idx.msk [tilespmem:v52+s23+$0x0], $0xffff  }
0xbc: {  	s12 =	sadd.s32 $0xC0, s12;
	s7 =	sadd.s32 $0xC0, s7;
	s11 =	sadd.s32 $0xC0, s11;
	v30 =	vmin.u32 v30, $0x9;
	v29 =	vmin.u32 v27, $0x9;
	v27 =	vmin.u32 v43, $0x9;
	[tilespmem:s9+$0xFFFFFFF0] =	vst v56;
	v49 =	vld.idx.msk [tilespmem:v53+s23+$0x0], $0xffff  }
0xbd: {  	_ =	sdelay $0x3  }
0xbe: {  	v43 =	vld.idx.msk [tilespmem:v42+s25+$0x0], $0xffff  }
0xbf: {  	v50 =	vld.idx.msk [tilespmem:v41+s25+$0x0], $0xffff  }
0xc0: {  	v51 =	vld.idx.msk [tilespmem:v40+s25+$0x0], $0xffff  }
0xc1: {  	v52 =	vld.idx.msk [tilespmem:v39+s25+$0x0], $0xffff  }
0xc2: {  	v53 =	vsel vm0, $0xFFFFFFFF, v0;
	v54 =	vld.idx.msk [tilespmem:v38+s25+$0x0], $0xffff  }
0xc3: {  	v55 =	vsel vm1, $0xFFFFFFFF, v0;
	v56 =	vsel vm2, $0xFFFFFFFF, v0;
	v60 =	vld.idx.msk [tilespmem:v31+s25+$0x0], $0xffff;
	v21 =	vadd.s32 v53, v21  }
0xc4: {  	vm12 =	vle.f32 v1, v28;
	v1 =	vsel vm3, $0xFFFFFFFF, v0;
	v61 =	vld.idx.msk [tilespmem:v30+s25+$0x0], $0xffff;
	v22 =	vadd.s32 v55, v22  }
0xc5: {  	vm13 =	vle.f32 v2, v32;
	v62 =	vld.idx.msk [tilespmem:v29+s25+$0x0], $0xffff;
	vm14 =	vle.f32 v4, v33;
	v20 =	vadd.s32 v56, v20  }
0xc6: {  	v32 =	vld.idx.msk [tilespmem:v27+s25+$0x0], $0xffff;
	vm15 =	vle.f32 v3, v34;
	v2 =	vsel vm12, $0xFFFFFFFF, v0;
	v1 =	vadd.s32 v1, v17  }
0xc7: {  	[tilespmem:s7+$0x50] =	vst v44;
	vm4 =	vle.f32 v6, v35;
	v53 =	vld.idx.msk [tilespmem:v37+s25+$0x0], $0xffff;
	v63 =	vsel vm13, $0xFFFFFFFF, v0;
	v2 =	vadd.s32 v2, v16  }
0xc8: {  	[tilespmem:s5+$0xC880] =	vst v48;
	vm5 =	vle.f32 v5, v36;
	v33 =	vsel vm14, $0xFFFFFFFF, v0;
	v3 =	vadd.s32 v63, v14;
	v34 =	vld.idx.msk [tilespmem:v21+s23+$0x0], $0xffff  }
0xc9: {  	[tilespmem:s9+$0x0] =	vst v47;
	v35 =	vsel vm15, $0xFFFFFFFF, v0;
	v48 =	vsel vm5, $0xFFFFFFFF, v0;
	v4 =	vadd.s32 v33, v13;
	v44 =	vld.idx.msk [tilespmem:v22+s23+$0x0], $0xffff  }
0xca: {  	[tilespmem:s9+$0x10] =	vst v45;
	v45 =	vsel vm4, $0xFFFFFFFF, v0;
	v6 =	vadd.s32 v35, v12;
	v7 =	vadd.s32 v48, v7;
	v47 =	vld.idx.msk [tilespmem:v20+s23+$0x0], $0xffff  }
0xcb: {  	[tilespmem:s9+$0x30] =	vst v46;
	v5 =	vadd.s32 v45, v11;
	vm6 =	vle.f32 v26, v43;
	v1 =	vld.idx.msk [tilespmem:v1+s23+$0x0], $0xffff  }
0xcc: {  	[tilespmem:s9+$0x40] =	vst v49;
	vm7 =	vle.f32 v8, v50;
	vm8 =	vle.f32 v10, v51;
	v50 =	vsel vm6, $0xFFFFFFFF, v0;
	v2 =	vld.idx.msk [tilespmem:v2+s23+$0x0], $0xffff  }
0xcd: {  	vm9 =	vle.f32 v9, v52;
	v56 =	vsel vm7, $0xFFFFFFFF, v0;
	v3 =	vld.idx.msk [tilespmem:v3+s23+$0x0], $0xffff;
	v8 =	vadd.s32 v50, v42;
	[tilespmem:s6+$0xFFFFFFA0] =	vst v34  }
0xce: {  	vm10 =	vle.f32 v15, v54;
	v57 =	vsel vm8, $0xFFFFFFFF, v0;
	v4 =	vld.idx.msk [tilespmem:v4+s23+$0x0], $0xffff;
	v10 =	vadd.s32 v56, v41;
	[tilespmem:s6+$0xFFFFFFB0] =	vst v44  }
0xcf: {  	vm12 =	vle.f32 v19, v60;
	v58 =	vsel vm9, $0xFFFFFFFF, v0;
	v6 =	vld.idx.msk [tilespmem:v6+s23+$0x0], $0xffff;
	v9 =	vadd.s32 v57, v40;
	[tilespmem:s6+$0xFFFFFFC0] =	vst v47  }
0xd0: {  	vm11 =	vle.f32 v18, v53;
	v59 =	vsel vm10, $0xFFFFFFFF, v0;
	v11 =	vadd.s32 v58, v39;
	[tilespmem:s6+$0xFFFFFFD0] =	vst v1;
	v1 =	vld.idx.msk [tilespmem:v5+s23+$0x0], $0xffff  }
0xd1: {  	vm13 =	vle.f32 v23, v61;
	v60 =	vsel vm11, $0xFFFFFFFF, v0;
	v5 =	vadd.s32 v59, v38;
	[tilespmem:s6+$0xFFFFFFE0] =	vst v2;
	v2 =	vld.idx.msk [tilespmem:v7+s23+$0x0], $0xffff  }
0xd2: {  	vm14 =	vle.f32 v24, v62;
	v61 =	vsel vm13, $0xFFFFFFFF, v0;
	[tilespmem:s6+$0xFFFFFFF0] =	vst v3;
	v7 =	vadd.s32 v60, v37;
	v8 =	vld.idx.msk [tilespmem:v8+s23+$0x0], $0xffff  }
0xd3: {  	v62 =	vsel vm14, $0xFFFFFFFF, v0;
	[tilespmem:s6+$0x0] =	vst v4;
	v10 =	vld.idx.msk [tilespmem:v10+s23+$0x0], $0xffff;
	v4 =	vadd.s32 v61, v30  }
0xd4: {  	vm15 =	vle.f32 v25, v32;
	v3 =	vsel vm12, $0xFFFFFFFF, v0;
	[tilespmem:s6+$0x10] =	vst v6;
	v9 =	vld.idx.msk [tilespmem:v9+s23+$0x0], $0xffff;
	v6 =	vadd.s32 v62, v29  }
0xd5: {  	v11 =	vld.idx.msk [tilespmem:v11+s23+$0x0], $0xffff;
	v3 =	vadd.s32 v3, v31;
	[tilespmem:s6+$0x30] =	vst v1;
	v1 =	vsel vm15, $0xFFFFFFFF, v0  }
0xd6: {  	[tilespmem:s6+$0x40] =	vst v2;
	v1 =	vadd.s32 v1, v27;
	v2 =	vld.idx.msk [tilespmem:v5+s23+$0x0], $0xffff  }
0xd7: {  	v63 =	vld.idx.msk [tilespmem:v7+s23+$0x0], $0xffff;
	[tilespmem:s7+$0xFFFFFFA0] =	vst v8  }
0xd8: {  	[tilespmem:s7+$0xFFFFFFB0] =	vst v10;
	v4 =	vld.idx.msk [tilespmem:v4+s23+$0x0], $0xffff  }
0xd9: {  	[tilespmem:s7+$0xFFFFFFC0] =	vst v9;
	v6 =	vld.idx.msk [tilespmem:v6+s23+$0x0], $0xffff  }
0xda: {  	[tilespmem:s7+$0xFFFFFFD0] =	vst v11;
	v3 =	vld.idx.msk [tilespmem:v3+s23+$0x0], $0xffff  }
0xdb: {  	[tilespmem:s7+$0xFFFFFFE0] =	vst v2;
	v1 =	vld.idx.msk [tilespmem:v1+s23+$0x0], $0xffff  }
0xdc: {  	[tilespmem:s7+$0xFFFFFFF0] =	vst v63  }
0xdd: {  	[tilespmem:s7+$0x10] =	vst v4  }
0xde: {  	[tilespmem:s7+$0x30] =	vst v6  }
0xdf: {  	[tilespmem:s7+$0x0] =	vst v3  }
0xe0: {  	s5 =	simm.s32 $0x0;
	[tilespmem:s7+$0x40] =	vst v1  }
.LBB2_4:
0xe1: {  	s6 =	sshra.s32 s5, $0x2  }
0xe2: {  	v1 =	vld [tilespmem:s6+$0x63C0];
	_ =	sdelay $0x4  }
0xe3: {  	v2 =	vmul.f32 $1.000000000e+01, v1;
	_ =	sdelay $0x1  }
0xe4: {  	v2 =	vtrunc.f32 v2  }
0xe5: {  	v2 =	vcvt.f32.s32 v2;
	_ =	sdelay $0x1  }
0xe6: {  	vm0 =	vgt.s32 v2, $0x0  }
0xe7: {  	v2 =	vnsel vm0, $0x0, v2  }
0xe8: {  	v2 =	vmin.u32 v2, $0x9;
	_ =	sdelay $0x4  }
0xe9: {  	v3 =	vld.idx.msk [tilespmem:v2+s25+$0x0], $0xffff;
	_ =	sdelay $0x4  }
0xea: {  	vm15 =	vle.f32 v1, v3  }
0xeb: {  	v1 =	vsel vm15, $0xFFFFFFFF, v0  }
0xec: {  	v1 =	vadd.s32 v1, v2;
	_ =	sdelay $0x4  }
0xed: {  	p0 =	sne.s32 s5, $0xC0;
	v1 =	vld.idx.msk [tilespmem:v1+s23+$0x0], $0xffff  }
.Ltmp1:
0xee: {  	_ = 	snop;
	(pc) =	sbr.rel @p0 .LBB2_4-.Ltmp1, $2  }
0xef: {  	_ =	sdelay $0x2  }
0xf0: {  	s5 =	sadd.s32 $0x40, s5;
	[tilespmem:s6+$0x12BC0] =	vst v1  }
0xf1: {  	s5 =	simm.s32 $0x0  }
0xf2: {  	[hbm4b:s8+s5] =	stream.linear.scatter [tilespmem:s30], [sflag:$0x3], $0x6400, $0x38;
	[tilespmem:$0x19180] =	vst v63  }
0xf3: {  	s6 =	rddreg [dreg:$0xa]  }
0xf4: {  	[tilespmem:s5], [sflag:$0x1] =	stream.linear.gather [hbm4b:s6+s5], $0x6400, $0x38;
	[tilespmem:$0x19180] =	vst v63  }
0xf5: {  	_ =	swait.ge [sflag:s31], $0x6400  }
0xf6: {  	[sflag:s31] =	ssyncset.done $0x0  }
0xf7: {  	s12 =	simm.s32 $0x6460;
	[sflag:s31] =	ssyncadd.s32 $0xFFFF9C00  }
0xf8: {  	s7 =	sand.u32 $0x7FC0, s5;
	v1 =	vld [tilespmem:s12+$0x50]  }
0xf9: {  	v2 =	vld [tilespmem:s7+$0x6480]  }
0xfa: {  	v11 =	vld [tilespmem:s12+$0xFFFFFFB0]  }
0xfb: {  	v8 =	vld [tilespmem:s12+$0xFFFFFFC0]  }
0xfc: {  	v7 =	vld [tilespmem:s12+$0xFFFFFFD0]  }
0xfd: {  	v9 =	vld [tilespmem:s12+$0xFFFFFFE0]  }
0xfe: {  	v10 =	vld [tilespmem:s12+$0xFFFFFFF0]  }
0xff: {  	v15 =	vld [tilespmem:s12+$0x0]  }
0x100: {  	v18 =	vld [tilespmem:s12+$0x10]  }
0x101: {  	v19 =	vld [tilespmem:s12+$0x30]  }
0x102: {  	s9 =	simm.s32 $0xC0;
	v23 =	vld [tilespmem:s12+$0x40]  }
0x103: {  	s9 =	sand.u32 $0x7FC0, s9;
	v14 =	vld [tilespmem:s12+$0xFFFFFFA0];
	v3 =	vmul.f32 $1.000000000e+01, v1  }
0x104: {  	s13 =	simm.s32 $0x6520;
	v40 =	vld [tilespmem:s9+$0x6480];
	v4 =	vmul.f32 $1.000000000e+01, v2;
	v5 =	vmul.f32 $1.000000000e+01, v11  }
0x105: {  	v29 =	vld [tilespmem:s13+$0xFFFFFFB0];
	v6 =	vmul.f32 $1.000000000e+01, v8;
	v12 =	vmul.f32 $1.000000000e+01, v7  }
0x106: {  	v13 =	vmul.f32 $1.000000000e+01, v9;
	v16 =	vmul.f32 $1.000000000e+01, v10  }
0x107: {  	v17 =	vmul.f32 $1.000000000e+01, v15;
	v20 =	vmul.f32 $1.000000000e+01, v18  }
0x108: {  	v21 =	vmul.f32 $1.000000000e+01, v19;
	v22 =	vmul.f32 $1.000000000e+01, v23  }
0x109: {  	v24 =	vmul.f32 $1.000000000e+01, v14;
	v31 =	vmul.f32 $1.000000000e+01, v40  }
0x10a: {  	v33 =	vmul.f32 $1.000000000e+01, v29;
	v3 =	vtrunc.f32 v3  }
0x10b: {  	v4 =	vtrunc.f32 v4;
	v3 =	vcvt.f32.s32 v3  }
0x10c: {  	v5 =	vtrunc.f32 v5;
	v4 =	vcvt.f32.s32 v4  }
0x10d: {  	v6 =	vtrunc.f32 v6;
	v12 =	vtrunc.f32 v12;
	vm0 =	vgt.s32 v3, $0x0  }
0x10e: {  	v13 =	vtrunc.f32 v13;
	vm1 =	vgt.s32 v4, $0x0;
	v3 =	vnsel vm0, $0x0, v3  }
0x10f: {  	v16 =	vtrunc.f32 v16;
	v4 =	vnsel vm1, $0x0, v4;
	v3 =	vmin.u32 v3, $0x9  }
0x110: {  	v17 =	vtrunc.f32 v17;
	v24 =	vtrunc.f32 v24;
	v4 =	vmin.u32 v4, $0x9  }
0x111: {  	v20 =	vtrunc.f32 v20;
	v21 =	vtrunc.f32 v21  }
0x112: {  	v22 =	vtrunc.f32 v22;
	v44 =	vtrunc.f32 v33  }
0x113: {  	v24 =	vcvt.f32.s32 v24;
	v5 =	vcvt.f32.s32 v5  }
0x114: {  	v6 =	vcvt.f32.s32 v6;
	v12 =	vcvt.f32.s32 v12;
	v25 =	vld.idx.msk [tilespmem:v3+s25+$0x0], $0xffff  }
0x115: {  	v13 =	vcvt.f32.s32 v13;
	v16 =	vcvt.f32.s32 v16;
	v26 =	vld.idx.msk [tilespmem:v4+s25+$0x0], $0xffff  }
0x116: {  	v17 =	vcvt.f32.s32 v17;
	v20 =	vcvt.f32.s32 v20  }
0x117: {  	v22 =	vcvt.f32.s32 v22;
	v44 =	vcvt.f32.s32 v44;
	vm3 =	vgt.s32 v12, $0x0  }
0x118: {  	v27 =	vld [tilespmem:s13+$0xFFFFFFD0];
	vm4 =	vgt.s32 v13, $0x0;
	vm5 =	vgt.s32 v16, $0x0;
	vm6 =	vgt.s32 v17, $0x0  }
0x119: {  	vm7 =	vgt.s32 v20, $0x0;
	vm0 =	vgt.s32 v24, $0x0;
	vm1 =	vle.f32 v1, v25  }
0x11a: {  	vm2 =	vle.f32 v2, v26;
	v1 =	vcvt.f32.s32 v21;
	v2 =	vsel vm1, $0xFFFFFFFF, v0  }
0x11b: {  	v21 =	vsel vm2, $0xFFFFFFFF, v0;
	vm1 =	vgt.s32 v5, $0x0;
	vm2 =	vgt.s32 v6, $0x0  }
0x11c: {  	v30 =	vld [tilespmem:s13+$0xFFFFFFC0];
	v37 =	vadd.s32 v2, v3;
	v28 =	vadd.s32 v21, v4;
	vm8 =	vgt.s32 v1, $0x0  }
0x11d: {  	v21 =	vld [tilespmem:s13+$0x50];
	v2 =	vnsel vm0, $0x0, v24;
	v3 =	vnsel vm1, $0x0, v5;
	v4 =	vnsel vm2, $0x0, v6;
	[tilespmem:$0x1FFE0] =	vst v27  }
0x11e: {  	v6 =	vnsel vm4, $0x0, v13;
	v13 =	vnsel vm6, $0x0, v17;
	v17 =	vnsel vm8, $0x0, v1;
	v1 =	vld [tilespmem:s13+$0xFFFFFFE0]  }
0x11f: {  	vm0 =	vgt.s32 v22, $0x0;
	v5 =	vnsel vm3, $0x0, v12;
	v24 =	vmin.u32 v2, $0x9;
	v2 =	vld [tilespmem:s13+$0xFFFFFFF0]  }
0x120: {  	v12 =	vnsel vm5, $0x0, v16;
	v39 =	vmin.u32 v3, $0x9;
	v36 =	vmin.u32 v4, $0x9;
	v4 =	vld [tilespmem:s13+$0x0]  }
0x121: {  	v26 =	vmin.u32 v6, $0x9;
	v3 =	vld [tilespmem:s13+$0x10];
	v6 =	vtrunc.f32 v31;
	v32 =	vmin.u32 v12, $0x9  }
0x122: {  	v12 =	vmul.f32 $1.000000000e+01, v30;
	v31 =	vmin.u32 v13, $0x9;
	v13 =	vmul.f32 $1.000000000e+01, v27;
	v38 =	vld [tilespmem:s13+$0xFFFFFFA0]  }
0x123: {  	v16 =	vnsel vm7, $0x0, v20;
	v20 =	vnsel vm0, $0x0, v22;
	v34 =	vcvt.f32.s32 v6;
	v6 =	vld [tilespmem:s13+$0x30]  }
0x124: {  	v25 =	vmin.u32 v5, $0x9;
	v12 =	vtrunc.f32 v12;
	v13 =	vtrunc.f32 v13  }
0x125: {  	v33 =	vmin.u32 v16, $0x9;
	v22 =	vmul.f32 $1.000000000e+01, v21;
	v35 =	vmul.f32 $1.000000000e+01, v1  }
0x126: {  	vm1 =	vgt.s32 v34, $0x0;
	v41 =	vmul.f32 $1.000000000e+01, v2;
	v42 =	vmul.f32 $1.000000000e+01, v4  }
0x127: {  	v34 =	vnsel vm1, $0x0, v34;
	v45 =	vmul.f32 $1.000000000e+01, v3;
	v47 =	vld.idx.msk [tilespmem:v39+s25+$0x0], $0xffff;
	v50 =	vmul.f32 $1.000000000e+01, v38  }
0x128: {  	v46 =	vmin.u32 v34, $0x9;
	v16 =	vld.idx.msk [tilespmem:v36+s25+$0x0], $0xffff;
	v5 =	vtrunc.f32 v22;
	v48 =	vmul.f32 $1.000000000e+01, v6  }
0x129: {  	v34 =	vmin.u32 v17, $0x9;
	v17 =	vld.idx.msk [tilespmem:v25+s25+$0x0], $0xffff;
	v22 =	vcvt.f32.s32 v5;
	v51 =	vtrunc.f32 v35  }
0x12a: {  	v43 =	vld.idx.msk [tilespmem:v24+s25+$0x0], $0xffff;
	v35 =	vmin.u32 v20, $0x9;
	v20 =	vtrunc.f32 v41;
	v55 =	vtrunc.f32 v42  }
0x12b: {  	v62 =	vld.idx.msk [tilespmem:v31+s25+$0x0], $0xffff;
	v50 =	vtrunc.f32 v50;
	v45 =	vtrunc.f32 v45;
	vm0 =	vgt.s32 v22, $0x0  }
0x12c: {  	v5 =	vld [tilespmem:s13+$0x40];
	v57 =	vtrunc.f32 v48;
	v22 =	vnsel vm0, $0x0, v22;
	vm1 =	vle.f32 v11, v47  }
0x12d: {  	v11 =	vcvt.f32.s32 v50;
	vm2 =	vle.f32 v8, v16;
	v8 =	vcvt.f32.s32 v12  }
0x12e: {  	v12 =	vcvt.f32.s32 v13;
	vm3 =	vle.f32 v7, v17;
	v7 =	vcvt.f32.s32 v51  }
0x12f: {  	vm0 =	vle.f32 v14, v43;
	v13 =	vcvt.f32.s32 v20;
	v16 =	vcvt.f32.s32 v55  }
0x130: {  	v17 =	vcvt.f32.s32 v45;
	vm15 =	vle.f32 v15, v62;
	v22 =	vmin.u32 v22, $0x9  }
0x131: {  	v14 =	vld.idx.msk [tilespmem:v46+s25+$0x0], $0xffff;
	v47 =	vsel vm15, $0xFFFFFFFF, v0;
	v49 =	vmul.f32 $1.000000000e+01, v5;
	vm4 =	vgt.s32 v11, $0x0  }
0x132: {  	s10 =	simm.s32 $0x65E0;
	v54 =	vld.idx.msk [tilespmem:v34+s25+$0x0], $0xffff;
	vm6 =	vgt.s32 v8, $0x0;
	vm7 =	vgt.s32 v12, $0x0;
	vm8 =	vgt.s32 v7, $0x0  }
0x133: {  	v51 =	vld [tilespmem:s10+$0x50];
	vm9 =	vgt.s32 v13, $0x0;
	vm10 =	vgt.s32 v16, $0x0;
	vm11 =	vgt.s32 v17, $0x0  }
0x134: {  	v15 =	vld [tilespmem:s10+$0xFFFFFFE0];
	v31 =	vadd.s32 v47, v31;
	v11 =	vnsel vm4, $0x0, v11;
	v8 =	vnsel vm6, $0x0, v8  }
0x135: {  	v12 =	vnsel vm7, $0x0, v12;
	v7 =	vnsel vm8, $0x0, v7;
	v13 =	vnsel vm9, $0x0, v13  }
0x136: {  	v60 =	vld.idx.msk [tilespmem:v26+s25+$0x0], $0xffff;
	v55 =	vnsel vm10, $0x0, v16;
	v58 =	vtrunc.f32 v49;
	v16 =	vmin.u32 v7, $0x9  }
0x137: {  	v37 =	vld.idx.msk [tilespmem:v37+s23+$0x0], $0xffff;
	vm14 =	vle.f32 v40, v14;
	v14 =	vcvt.f32.s32 v57;
	v59 =	vcvt.f32.s32 v58  }
0x138: {  	v61 =	vld.idx.msk [tilespmem:v32+s25+$0x0], $0xffff;
	vm13 =	vle.f32 v19, v54;
	v58 =	vsel vm1, $0xFFFFFFFF, v0;
	v52 =	vmul.f32 $1.000000000e+01, v51  }
0x139: {  	v56 =	vld.idx.msk [tilespmem:v22+s25+$0x0], $0xffff;
	v50 =	vsel vm13, $0xFFFFFFFF, v0;
	v39 =	vadd.s32 v58, v39;
	v58 =	vmul.f32 $1.000000000e+01, v15  }
0x13a: {  	s14 =	simm.s32 $0x180;
	v57 =	vld.idx.msk [tilespmem:v35+s25+$0x0], $0xffff;
	vm12 =	vgt.s32 v14, $0x0;
	vm4 =	vgt.s32 v59, $0x0;
	v62 =	vtrunc.f32 v52  }
0x13b: {  	s6 =	sand.u32 $0x7FC0, s14;
	v63 =	vld.idx.msk [tilespmem:v33+s25+$0x0], $0xffff;
	v50 =	vadd.s32 v50, v34;
	v40 =	vnsel vm4, $0x0, v59;
	vm4 =	vle.f32 v9, v60  }
0x13c: {  	v48 =	vld [tilespmem:s6+$0x6480];
	v59 =	vsel vm2, $0xFFFFFFFF, v0;
	v60 =	vsel vm3, $0xFFFFFFFF, v0;
	v58 =	vtrunc.f32 v58  }
0x13d: {  	v19 =	vld [tilespmem:s10+$0x0];
	v7 =	vmin.u32 v40, $0x9;
	v43 =	vadd.s32 v59, v36;
	v36 =	vcvt.f32.s32 v62  }
0x13e: {  	v9 =	vld [tilespmem:s10+$0xFFFFFFD0];
	v58 =	vcvt.f32.s32 v58;
	vm5 =	vle.f32 v21, v56;
	v21 =	vsel vm14, $0xFFFFFFFF, v0  }
0x13f: {  	vm14 =	vle.f32 v23, v57;
	v23 =	vsel vm0, $0xFFFFFFFF, v0;
	v39 =	vld.idx.msk [tilespmem:v39+s23+$0x0], $0xffff;
	v42 =	vadd.s32 v21, v46  }
0x140: {  	v21 =	vmin.u32 v11, $0x9;
	v11 =	vnsel vm12, $0x0, v14;
	vm12 =	vle.f32 v18, v63;
	v18 =	vld [tilespmem:s10+$0xFFFFFFF0]  }
0x141: {  	v20 =	vsel vm5, $0xFFFFFFFF, v0;
	vm5 =	vgt.s32 v44, $0x0;
	v53 =	vadd.s32 v23, v24;
	v23 =	vld [tilespmem:s10+$0x10]  }
0x142: {  	v41 =	vadd.s32 v20, v22;
	v20 =	vnsel vm5, $0x0, v44;
	vm5 =	vle.f32 v10, v61;
	v10 =	vld [tilespmem:s10+$0xFFFFFFC0]  }
0x143: {  	v56 =	vnsel vm11, $0x0, v17;
	v24 =	vmul.f32 $1.000000000e+01, v48;
	v44 =	vadd.s32 v60, v25;
	v25 =	vld [tilespmem:s10+$0x40]  }
0x144: {  	v14 =	vmin.u32 v13, $0x9;
	v22 =	vmin.u32 v20, $0x9;
	v20 =	vmin.u32 v8, $0x9;
	v8 =	vld [tilespmem:s10+$0xFFFFFFB0]  }
0x145: {  	v13 =	vmin.u32 v55, $0x9;
	v61 =	vsel vm4, $0xFFFFFFFF, v0;
	v63 =	vtrunc.f32 v24;
	v24 =	vld [tilespmem:s10+$0x30]  }
0x146: {  	v17 =	vmin.u32 v12, $0x9;
	vm0 =	vgt.s32 v36, $0x0;
	v45 =	vadd.s32 v61, v26;
	v26 =	vld [tilespmem:s10+$0xFFFFFFA0]  }
0x147: {  	vm8 =	vgt.s32 v58, $0x0;
	v12 =	vmin.u32 v56, $0x9;
	v57 =	vmul.f32 $1.000000000e+01, v9;
	v55 =	vld.idx.msk [tilespmem:v21+s25+$0x0], $0xffff  }
0x148: {  	v36 =	vnsel vm0, $0x0, v36;
	v49 =	vsel vm12, $0xFFFFFFFF, v0;
	v46 =	vsel vm5, $0xFFFFFFFF, v0;
	v43 =	vld.idx.msk [tilespmem:v43+s23+$0x0], $0xffff  }
0x149: {  	v49 =	vadd.s32 v49, v33;
	v52 =	vcvt.f32.s32 v63;
	v57 =	vtrunc.f32 v57;
	v42 =	vld.idx.msk [tilespmem:v42+s23+$0x0], $0xffff  }
0x14a: {  	v46 =	vadd.s32 v46, v32;
	v57 =	vcvt.f32.s32 v57;
	v59 =	vmul.f32 $1.000000000e+01, v18;
	v33 =	vld.idx.msk [tilespmem:v13+s25+$0x0], $0xffff  }
0x14b: {  	vm1 =	vgt.s32 v52, $0x0;
	v56 =	vmul.f32 $1.000000000e+01, v10;
	v40 =	vmul.f32 $1.000000000e+01, v8;
	v60 =	vld.idx.msk [tilespmem:v22+s25+$0x0], $0xffff  }
0x14c: {  	vm0 =	vle.f32 v38, v55;
	v38 =	vld.idx.msk [tilespmem:v28+s23+$0x0], $0xffff;
	v28 =	vnsel vm1, $0x0, v52;
	v52 =	vmin.u32 v36, $0x9  }
0x14d: {  	v61 =	vld.idx.msk [tilespmem:v20+s25+$0x0], $0xffff;
	v32 =	vmul.f32 $1.000000000e+01, v24;
	v47 =	vtrunc.f32 v59;
	v62 =	vmin.u32 v28, $0x9  }
0x14e: {  	v54 =	vsel vm14, $0xFFFFFFFF, v0;
	v34 =	vld.idx.msk [tilespmem:v12+s25+$0x0], $0xffff;
	v56 =	vtrunc.f32 v56;
	v36 =	vtrunc.f32 v40  }
0x14f: {  	v11 =	vmin.u32 v11, $0x9;
	v47 =	vcvt.f32.s32 v47;
	v27 =	vcvt.f32.s32 v36;
	v36 =	vld [tilespmem:$0x1FFE0]  }
0x150: {  	v63 =	vtrunc.f32 v32;
	v56 =	vcvt.f32.s32 v56;
	vm1 =	vle.f32 v29, v60;
	v60 =	vld.idx.msk [tilespmem:v17+s25+$0x0], $0xffff  }
0x151: {  	v54 =	vadd.s32 v54, v35;
	v55 =	vmul.f32 $1.000000000e+01, v19;
	v40 =	vmul.f32 $1.000000000e+01, v23;
	v59 =	vld.idx.msk [tilespmem:v52+s25+$0x0], $0xffff  }
0x152: {  	v29 =	vmul.f32 $1.000000000e+01, v25;
	vm2 =	vle.f32 v30, v61;
	v30 =	vmul.f32 $1.000000000e+01, v26;
	v61 =	vld.idx.msk [tilespmem:v62+s25+$0x0], $0xffff  }
0x153: {  	v53 =	vld.idx.msk [tilespmem:v53+s23+$0x0], $0xffff;
	vm7 =	vgt.s32 v57, $0x0;
	v55 =	vtrunc.f32 v55;
	v40 =	vtrunc.f32 v40  }
0x154: {  	v41 =	vld.idx.msk [tilespmem:v41+s23+$0x0], $0xffff;
	vm9 =	vgt.s32 v47, $0x0;
	v55 =	vcvt.f32.s32 v55;
	v40 =	vcvt.f32.s32 v40  }
0x155: {  	v35 =	vld.idx.msk [tilespmem:v11+s25+$0x0], $0xffff;
	vm6 =	vgt.s32 v56, $0x0;
	v30 =	vtrunc.f32 v30;
	v29 =	vtrunc.f32 v29  }
0x156: {  	v32 =	vld.idx.msk [tilespmem:v14+s25+$0x0], $0xffff;
	v30 =	vcvt.f32.s32 v30;
	v29 =	vcvt.f32.s32 v29;
	vm5 =	vle.f32 v51, v59  }
0x157: {  	v28 =	vld.idx.msk [tilespmem:v16+s25+$0x0], $0xffff;
	vm3 =	vle.f32 v36, v60;
	vm15 =	vle.f32 v48, v61;
	v60 =	vsel vm5, $0xFFFFFFFF, v0  }
0x158: {  	s10 =	simm.s32 $0x12C60;
	[tilespmem:s7+$0x12C80] =	vst v38;
	v38 =	vld.idx.msk [tilespmem:v44+s23+$0x0], $0xffff;
	vm10 =	vgt.s32 v55, $0x0;
	v61 =	vsel vm15, $0xFFFFFFFF, v0;
	v48 =	vadd.s32 v60, v52  }
0x159: {  	[tilespmem:s10+$0x50] =	vst v37;
	vm11 =	vgt.s32 v40, $0x0;
	v36 =	vld.idx.msk [tilespmem:v7+s25+$0x0], $0xffff;
	v51 =	vcvt.f32.s32 v63;
	v63 =	vadd.s32 v61, v62  }
0x15a: {  	[tilespmem:s9+$0x12C80] =	vst v42;
	v55 =	vnsel vm10, $0x0, v55;
	vm4 =	vgt.s32 v30, $0x0;
	v59 =	vld.idx.msk [tilespmem:v46+s23+$0x0], $0xffff;
	v46 =	vnsel vm7, $0x0, v57  }
0x15b: {  	[tilespmem:s10+$0xFFFFFFB0] =	vst v39;
	v30 =	vnsel vm4, $0x0, v30;
	vm4 =	vgt.s32 v29, $0x0;
	v39 =	vmin.u32 v46, $0x9;
	v46 =	vld.idx.msk [tilespmem:v50+s23+$0x0], $0xffff  }
0x15c: {  	[tilespmem:s10+$0xFFFFFFA0] =	vst v53;
	v42 =	vmin.u32 v30, $0x9;
	vm5 =	vgt.s32 v27, $0x0;
	vm12 =	vgt.s32 v51, $0x0;
	v52 =	vld.idx.msk [tilespmem:v45+s23+$0x0], $0xffff  }
0x15d: {  	[tilespmem:s10+$0xFFFFFFC0] =	vst v43;
	s7 =	simm.s32 $0x12D20;
	v27 =	vnsel vm5, $0x0, v27;
	v45 =	vnsel vm6, $0x0, v56;
	v60 =	vnsel vm8, $0x0, v58;
	v44 =	vld.idx.msk [tilespmem:v48+s23+$0x0], $0xffff  }
0x15e: {  	[tilespmem:s7+$0x50] =	vst v41;
	v61 =	vnsel vm9, $0x0, v47;
	v62 =	vnsel vm11, $0x0, v40;
	v51 =	vnsel vm12, $0x0, v51;
	v48 =	vld.idx.msk [tilespmem:v63+s23+$0x0], $0xffff  }
0x15f: {  	[tilespmem:s10+$0xFFFFFFD0] =	vst v38;
	v47 =	vld.idx.msk [tilespmem:v31+s23+$0x0], $0xffff;
	v41 =	vmin.u32 v27, $0x9;
	v40 =	vmin.u32 v45, $0x9;
	v38 =	vmin.u32 v60, $0x9  }
0x160: {  	s11 =	simm.s32 $0x18;
	v45 =	vld.idx.msk [tilespmem:v49+s23+$0x0], $0xffff;
	v31 =	vmin.u32 v55, $0x9;
	v37 =	vmin.u32 v61, $0x9;
	[tilespmem:s10+$0xFFFFFFF0] =	vst v59;
	v63 =	vnsel vm4, $0x0, v29  }
0x161: {  	s12 =	simm.s32 $0x66A0;
	s13 =	simm.s32 $0x240;
	s9 =	simm.s32 $0x12DE0;
	v49 =	vld.idx.msk [tilespmem:v54+s23+$0x0], $0xffff;
	v30 =	vmin.u32 v62, $0x9;
	[tilespmem:s10+$0xFFFFFFE0] =	vst v52;
	v29 =	vmin.u32 v51, $0x9;
	v27 =	vmin.u32 v63, $0x9  }
.LBB2_6:
0x162: {  	s14 =	sand.u32 $0x7FC0, s13;
	v43 =	vld [tilespmem:s12+$0x50];
	s11 =	sadd.s32 $0xC, s11;
	[tilespmem:s9+$0x50] =	vst v44;
	vm4 =	vle.f32 v1, v28;
	vm5 =	vle.f32 v2, v32;
	vm6 =	vle.f32 v4, v33  }
0x163: {  	vm7 =	vle.f32 v3, v34;
	vm8 =	vle.f32 v6, v35;
	vm9 =	vle.f32 v5, v36;
	v44 =	vld [tilespmem:s14+$0x6480];
	p0 =	slt.u32 s11, $0x630;
	[tilespmem:s6+$0x12C80] =	vst v48;
	s6 =	smov.u32 s14  }
0x164: {  	v28 =	vsel vm0, $0xFFFFFFFF, v0;
	v32 =	vsel vm1, $0xFFFFFFFF, v0;
	v34 =	vsel vm2, $0xFFFFFFFF, v0;
	v1 =	vmovc v15;
	v2 =	vmovc v18;
	v33 =	vld [tilespmem:s12+$0xFFFFFFB0];
	[tilespmem:s10+$0x0] =	vst v47  }
0x165: {  	v36 =	vsel vm3, $0xFFFFFFFF, v0;
	v4 =	vmovc v19;
	v3 =	vmovc v23;
	v48 =	vsel vm5, $0xFFFFFFFF, v0;
	v47 =	vsel vm4, $0xFFFFFFFF, v0;
	v35 =	vld [tilespmem:s12+$0xFFFFFFC0];
	[tilespmem:s10+$0x10] =	vst v45  }
0x166: {  	v6 =	vmovc v24;
	v5 =	vmovc v25;
	v50 =	vsel vm6, $0xFFFFFFFF, v0;
	v51 =	vsel vm7, $0xFFFFFFFF, v0;
	v52 =	vsel vm8, $0xFFFFFFFF, v0;
	v45 =	vld [tilespmem:s12+$0xFFFFFFD0];
	[tilespmem:s10+$0x30] =	vst v46  }
0x167: {  	v53 =	vsel vm9, $0xFFFFFFFF, v0;
	v46 =	vadd.s32 v28, v21;
	v21 =	vmovc v42;
	v15 =	vld [tilespmem:s12+$0xFFFFFFE0];
	v23 =	vmul.f32 $1.000000000e+01, v43;
	[tilespmem:s10+$0x40] =	vst v49;
	s10 =	smov.u32 s7;
	s7 =	smov.u32 s9  }
0x168: {  	v42 =	vadd.s32 v32, v22;
	v22 =	vmovc v41;
	v49 =	vadd.s32 v34, v20;
	v20 =	vmovc v40;
	v18 =	vld [tilespmem:s12+$0xFFFFFFF0];
	v24 =	vmul.f32 $1.000000000e+01, v44  }
0x169: {  	v40 =	vadd.s32 v36, v17;
	v17 =	vmovc v39;
	v28 =	vmul.f32 $1.000000000e+01, v33;
	v19 =	vld [tilespmem:s12+$0x0];
	v25 =	vtrunc.f32 v23  }
0x16a: {  	v39 =	vadd.s32 v47, v16;
	v16 =	vmovc v38;
	v23 =	vld [tilespmem:s12+$0x10];
	v24 =	vtrunc.f32 v24;
	v32 =	vcvt.f32.s32 v25  }
0x16b: {  	v38 =	vadd.s32 v48, v14;
	v14 =	vmovc v37;
	v34 =	vmul.f32 $1.000000000e+01, v35;
	v36 =	vcvt.f32.s32 v24;
	v24 =	vld [tilespmem:s12+$0x30]  }
0x16c: {  	v37 =	vmul.f32 $1.000000000e+01, v45;
	v41 =	vmul.f32 $1.000000000e+01, v15;
	v25 =	vld [tilespmem:s12+$0x40];
	vm0 =	vgt.s32 v32, $0x0  }
0x16d: {  	v47 =	vld [tilespmem:s12+$0xFFFFFFA0];
	v48 =	vmul.f32 $1.000000000e+01, v18;
	vm1 =	vgt.s32 v36, $0x0;
	v32 =	vnsel vm0, $0x0, v32  }
0x16e: {  	v54 =	vmul.f32 $1.000000000e+01, v19;
	v36 =	vnsel vm1, $0x0, v36;
	v55 =	vmin.u32 v32, $0x9;
	v32 =	vld.idx.msk [tilespmem:v21+s25+$0x0], $0xffff  }
0x16f: {  	v56 =	vtrunc.f32 v28;
	v57 =	vmul.f32 $1.000000000e+01, v23;
	v58 =	vmin.u32 v36, $0x9;
	v36 =	vld.idx.msk [tilespmem:v22+s25+$0x0], $0xffff  }
0x170: {  	v50 =	vadd.s32 v50, v13;
	v13 =	vmovc v31;
	v34 =	vtrunc.f32 v34;
	v59 =	vmul.f32 $1.000000000e+01, v24;
	v60 =	vld.idx.msk [tilespmem:v20+s25+$0x0], $0xffff  }
0x171: {  	v51 =	vadd.s32 v51, v12;
	v12 =	vmovc v30;
	v31 =	vtrunc.f32 v37;
	v37 =	vmul.f32 $1.000000000e+01, v25;
	v61 =	vld.idx.msk [tilespmem:v17+s25+$0x0], $0xffff  }
0x172: {  	v52 =	vadd.s32 v52, v11;
	v11 =	vmovc v29;
	v41 =	vtrunc.f32 v41;
	v30 =	vmul.f32 $1.000000000e+01, v47;
	v28 =	vld.idx.msk [tilespmem:v16+s25+$0x0], $0xffff  }
0x173: {  	v53 =	vadd.s32 v53, v7;
	v7 =	vmovc v27;
	v29 =	vtrunc.f32 v48;
	v48 =	vtrunc.f32 v54;
	v54 =	vld.idx.msk [tilespmem:v55+s25+$0x0], $0xffff  }
0x174: {  	vm0 =	vle.f32 v26, v32;
	v26 =	vmovc v47;
	v27 =	vtrunc.f32 v30;
	v30 =	vtrunc.f32 v57;
	v57 =	vld.idx.msk [tilespmem:v58+s25+$0x0], $0xffff  }
0x175: {  	v47 =	vtrunc.f32 v59;
	v37 =	vtrunc.f32 v37;
	vm1 =	vle.f32 v8, v36;
	v8 =	vmovc v33;
	v32 =	vld.idx.msk [tilespmem:v14+s25+$0x0], $0xffff  }
0x176: {  	v56 =	vcvt.f32.s32 v56;
	v27 =	vcvt.f32.s32 v27;
	vm2 =	vle.f32 v10, v60;
	v10 =	vmovc v35;
	v33 =	vld.idx.msk [tilespmem:v13+s25+$0x0], $0xffff  }
0x177: {  	v31 =	vcvt.f32.s32 v31;
	v59 =	vcvt.f32.s32 v34;
	vm3 =	vle.f32 v9, v61;
	v9 =	vmovc v45;
	v34 =	vld.idx.msk [tilespmem:v12+s25+$0x0], $0xffff  }
0x178: {  	v41 =	vcvt.f32.s32 v41;
	v29 =	vcvt.f32.s32 v29;
	vm4 =	vgt.s32 v27, $0x0;
	v35 =	vld.idx.msk [tilespmem:v11+s25+$0x0], $0xffff  }
0x179: {  	v30 =	vcvt.f32.s32 v30;
	v45 =	vcvt.f32.s32 v48;
	vm5 =	vle.f32 v43, v54;
	v36 =	vld.idx.msk [tilespmem:v7+s25+$0x0], $0xffff  }
0x17a: {  	v43 =	vcvt.f32.s32 v47;
	vm6 =	vle.f32 v44, v57;
	v44 =	vsel vm5, $0xFFFFFFFF, v0;
	v46 =	vld.idx.msk [tilespmem:v46+s23+$0x0], $0xffff  }
0x17b: {  	v37 =	vcvt.f32.s32 v37;
	v47 =	vsel vm6, $0xFFFFFFFF, v0;
	v44 =	vadd.s32 v44, v55;
	v42 =	vld.idx.msk [tilespmem:v42+s23+$0x0], $0xffff  }
0x17c: {  	vm5 =	vgt.s32 v56, $0x0;
	vm6 =	vgt.s32 v59, $0x0;
	v47 =	vadd.s32 v47, v58;
	v49 =	vld.idx.msk [tilespmem:v49+s23+$0x0], $0xffff  }
0x17d: {  	vm7 =	vgt.s32 v31, $0x0;
	vm8 =	vgt.s32 v41, $0x0;
	vm9 =	vgt.s32 v29, $0x0;
	v54 =	vld.idx.msk [tilespmem:v40+s23+$0x0], $0xffff  }
0x17e: {  	vm11 =	vgt.s32 v30, $0x0;
	vm10 =	vgt.s32 v45, $0x0;
	vm12 =	vgt.s32 v43, $0x0;
	v55 =	vld.idx.msk [tilespmem:v39+s23+$0x0], $0xffff  }
0x17f: {  	v27 =	vnsel vm4, $0x0, v27;
	vm4 =	vgt.s32 v37, $0x0;
	v39 =	vnsel vm5, $0x0, v56;
	v56 =	vld.idx.msk [tilespmem:v38+s23+$0x0], $0xffff  }
0x180: {  	v31 =	vnsel vm7, $0x0, v31;
	v57 =	vnsel vm8, $0x0, v41;
	v38 =	vnsel vm6, $0x0, v59;
	v44 =	vld.idx.msk [tilespmem:v44+s23+$0x0], $0xffff;
	[tilespmem:s10+$0xFFFFFFA0] =	vst v46  }
.Ltmp2:
0x181: {  	v29 =	vnsel vm9, $0x0, v29;
	v30 =	vnsel vm11, $0x0, v30;
	v46 =	vnsel vm10, $0x0, v45;
	v48 =	vld.idx.msk [tilespmem:v47+s23+$0x0], $0xffff;
	[tilespmem:s10+$0xFFFFFFB0] =	vst v42;
	(pc) =	sbr.rel @p0 .LBB2_6-.Ltmp2, $4  }
0x182: {  	v42 =	vmin.u32 v27, $0x9;
	v27 =	vnsel vm12, $0x0, v43;
	v43 =	vnsel vm4, $0x0, v37;
	[tilespmem:s10+$0xFFFFFFC0] =	vst v49;
	v47 =	vld.idx.msk [tilespmem:v50+s23+$0x0], $0xffff  }
0x183: {  	v41 =	vmin.u32 v39, $0x9;
	v39 =	vmin.u32 v31, $0x9;
	v40 =	vmin.u32 v38, $0x9;
	[tilespmem:s10+$0xFFFFFFD0] =	vst v54;
	v45 =	vld.idx.msk [tilespmem:v51+s23+$0x0], $0xffff  }
0x184: {  	v38 =	vmin.u32 v57, $0x9;
	v37 =	vmin.u32 v29, $0x9;
	v31 =	vmin.u32 v46, $0x9;
	[tilespmem:s10+$0xFFFFFFE0] =	vst v55;
	v46 =	vld.idx.msk [tilespmem:v52+s23+$0x0], $0xffff  }
0x185: {  	s13 =	sadd.s32 $0xC0, s13;
	s9 =	sadd.s32 $0xC0, s9;
	s12 =	sadd.s32 $0xC0, s12;
	v30 =	vmin.u32 v30, $0x9;
	v29 =	vmin.u32 v27, $0x9;
	v27 =	vmin.u32 v43, $0x9;
	[tilespmem:s10+$0xFFFFFFF0] =	vst v56;
	v49 =	vld.idx.msk [tilespmem:v53+s23+$0x0], $0xffff  }
0x186: {  	_ =	sdelay $0x3  }
0x187: {  	v43 =	vld.idx.msk [tilespmem:v42+s25+$0x0], $0xffff  }
0x188: {  	v50 =	vld.idx.msk [tilespmem:v41+s25+$0x0], $0xffff  }
0x189: {  	v51 =	vld.idx.msk [tilespmem:v40+s25+$0x0], $0xffff  }
0x18a: {  	v52 =	vld.idx.msk [tilespmem:v39+s25+$0x0], $0xffff  }
0x18b: {  	v53 =	vsel vm0, $0xFFFFFFFF, v0;
	v54 =	vld.idx.msk [tilespmem:v38+s25+$0x0], $0xffff  }
0x18c: {  	v55 =	vsel vm1, $0xFFFFFFFF, v0;
	v56 =	vsel vm2, $0xFFFFFFFF, v0;
	v60 =	vld.idx.msk [tilespmem:v31+s25+$0x0], $0xffff;
	v21 =	vadd.s32 v53, v21  }
0x18d: {  	vm12 =	vle.f32 v1, v28;
	v1 =	vsel vm3, $0xFFFFFFFF, v0;
	v61 =	vld.idx.msk [tilespmem:v30+s25+$0x0], $0xffff;
	v22 =	vadd.s32 v55, v22  }
0x18e: {  	vm13 =	vle.f32 v2, v32;
	v62 =	vld.idx.msk [tilespmem:v29+s25+$0x0], $0xffff;
	vm14 =	vle.f32 v4, v33;
	v20 =	vadd.s32 v56, v20  }
0x18f: {  	v32 =	vld.idx.msk [tilespmem:v27+s25+$0x0], $0xffff;
	vm15 =	vle.f32 v3, v34;
	v2 =	vsel vm12, $0xFFFFFFFF, v0;
	v1 =	vadd.s32 v1, v17  }
0x190: {  	[tilespmem:s9+$0x50] =	vst v44;
	vm4 =	vle.f32 v6, v35;
	v53 =	vld.idx.msk [tilespmem:v37+s25+$0x0], $0xffff;
	v63 =	vsel vm13, $0xFFFFFFFF, v0;
	v2 =	vadd.s32 v2, v16  }
0x191: {  	[tilespmem:s6+$0x12C80] =	vst v48;
	vm5 =	vle.f32 v5, v36;
	v33 =	vsel vm14, $0xFFFFFFFF, v0;
	v3 =	vadd.s32 v63, v14;
	v34 =	vld.idx.msk [tilespmem:v21+s23+$0x0], $0xffff  }
0x192: {  	[tilespmem:s10+$0x0] =	vst v47;
	v35 =	vsel vm15, $0xFFFFFFFF, v0;
	v48 =	vsel vm5, $0xFFFFFFFF, v0;
	v4 =	vadd.s32 v33, v13;
	v44 =	vld.idx.msk [tilespmem:v22+s23+$0x0], $0xffff  }
0x193: {  	[tilespmem:s10+$0x10] =	vst v45;
	v45 =	vsel vm4, $0xFFFFFFFF, v0;
	v6 =	vadd.s32 v35, v12;
	v7 =	vadd.s32 v48, v7;
	v47 =	vld.idx.msk [tilespmem:v20+s23+$0x0], $0xffff  }
0x194: {  	[tilespmem:s10+$0x30] =	vst v46;
	v5 =	vadd.s32 v45, v11;
	vm6 =	vle.f32 v26, v43;
	v1 =	vld.idx.msk [tilespmem:v1+s23+$0x0], $0xffff  }
0x195: {  	[tilespmem:s10+$0x40] =	vst v49;
	vm7 =	vle.f32 v8, v50;
	vm8 =	vle.f32 v10, v51;
	v50 =	vsel vm6, $0xFFFFFFFF, v0;
	v2 =	vld.idx.msk [tilespmem:v2+s23+$0x0], $0xffff  }
0x196: {  	vm9 =	vle.f32 v9, v52;
	v56 =	vsel vm7, $0xFFFFFFFF, v0;
	v3 =	vld.idx.msk [tilespmem:v3+s23+$0x0], $0xffff;
	v8 =	vadd.s32 v50, v42;
	[tilespmem:s7+$0xFFFFFFA0] =	vst v34  }
0x197: {  	vm10 =	vle.f32 v15, v54;
	v57 =	vsel vm8, $0xFFFFFFFF, v0;
	v4 =	vld.idx.msk [tilespmem:v4+s23+$0x0], $0xffff;
	v10 =	vadd.s32 v56, v41;
	[tilespmem:s7+$0xFFFFFFB0] =	vst v44  }
0x198: {  	vm12 =	vle.f32 v19, v60;
	v58 =	vsel vm9, $0xFFFFFFFF, v0;
	v6 =	vld.idx.msk [tilespmem:v6+s23+$0x0], $0xffff;
	v9 =	vadd.s32 v57, v40;
	[tilespmem:s7+$0xFFFFFFC0] =	vst v47  }
0x199: {  	vm11 =	vle.f32 v18, v53;
	v59 =	vsel vm10, $0xFFFFFFFF, v0;
	v11 =	vadd.s32 v58, v39;
	[tilespmem:s7+$0xFFFFFFD0] =	vst v1;
	v1 =	vld.idx.msk [tilespmem:v5+s23+$0x0], $0xffff  }
0x19a: {  	vm13 =	vle.f32 v23, v61;
	v60 =	vsel vm11, $0xFFFFFFFF, v0;
	v5 =	vadd.s32 v59, v38;
	[tilespmem:s7+$0xFFFFFFE0] =	vst v2;
	v2 =	vld.idx.msk [tilespmem:v7+s23+$0x0], $0xffff  }
0x19b: {  	vm14 =	vle.f32 v24, v62;
	v61 =	vsel vm13, $0xFFFFFFFF, v0;
	[tilespmem:s7+$0xFFFFFFF0] =	vst v3;
	v7 =	vadd.s32 v60, v37;
	v8 =	vld.idx.msk [tilespmem:v8+s23+$0x0], $0xffff  }
0x19c: {  	v62 =	vsel vm14, $0xFFFFFFFF, v0;
	[tilespmem:s7+$0x0] =	vst v4;
	v10 =	vld.idx.msk [tilespmem:v10+s23+$0x0], $0xffff;
	v4 =	vadd.s32 v61, v30  }
0x19d: {  	vm15 =	vle.f32 v25, v32;
	v3 =	vsel vm12, $0xFFFFFFFF, v0;
	[tilespmem:s7+$0x10] =	vst v6;
	v9 =	vld.idx.msk [tilespmem:v9+s23+$0x0], $0xffff;
	v6 =	vadd.s32 v62, v29  }
0x19e: {  	v11 =	vld.idx.msk [tilespmem:v11+s23+$0x0], $0xffff;
	v3 =	vadd.s32 v3, v31;
	[tilespmem:s7+$0x30] =	vst v1;
	v1 =	vsel vm15, $0xFFFFFFFF, v0  }
0x19f: {  	[tilespmem:s7+$0x40] =	vst v2;
	v1 =	vadd.s32 v1, v27;
	v2 =	vld.idx.msk [tilespmem:v5+s23+$0x0], $0xffff  }
0x1a0: {  	v63 =	vld.idx.msk [tilespmem:v7+s23+$0x0], $0xffff;
	[tilespmem:s9+$0xFFFFFFA0] =	vst v8  }
0x1a1: {  	[tilespmem:s9+$0xFFFFFFB0] =	vst v10;
	v4 =	vld.idx.msk [tilespmem:v4+s23+$0x0], $0xffff  }
0x1a2: {  	[tilespmem:s9+$0xFFFFFFC0] =	vst v9;
	v6 =	vld.idx.msk [tilespmem:v6+s23+$0x0], $0xffff  }
0x1a3: {  	[tilespmem:s9+$0xFFFFFFD0] =	vst v11;
	v3 =	vld.idx.msk [tilespmem:v3+s23+$0x0], $0xffff  }
0x1a4: {  	[tilespmem:s9+$0xFFFFFFE0] =	vst v2;
	v1 =	vld.idx.msk [tilespmem:v1+s23+$0x0], $0xffff  }
0x1a5: {  	[tilespmem:s9+$0xFFFFFFF0] =	vst v63  }
0x1a6: {  	[tilespmem:s9+$0x10] =	vst v4  }
0x1a7: {  	[tilespmem:s9+$0x30] =	vst v6  }
0x1a8: {  	[tilespmem:s9+$0x0] =	vst v3  }
0x1a9: {  	[tilespmem:s9+$0x40] =	vst v1  }
.LBB2_8:
0x1aa: {  	s6 =	sshra.s32 s5, $0x2  }
0x1ab: {  	v1 =	vld [tilespmem:s6+$0xC7C0];
	_ =	sdelay $0x4  }
0x1ac: {  	v2 =	vmul.f32 $1.000000000e+01, v1;
	_ =	sdelay $0x1  }
0x1ad: {  	v2 =	vtrunc.f32 v2  }
0x1ae: {  	v2 =	vcvt.f32.s32 v2;
	_ =	sdelay $0x1  }
0x1af: {  	vm0 =	vgt.s32 v2, $0x0  }
0x1b0: {  	v2 =	vnsel vm0, $0x0, v2  }
0x1b1: {  	v2 =	vmin.u32 v2, $0x9;
	_ =	sdelay $0x4  }
0x1b2: {  	v3 =	vld.idx.msk [tilespmem:v2+s25+$0x0], $0xffff;
	_ =	sdelay $0x4  }
0x1b3: {  	vm15 =	vle.f32 v1, v3  }
0x1b4: {  	v1 =	vsel vm15, $0xFFFFFFFF, v0  }
0x1b5: {  	v1 =	vadd.s32 v1, v2;
	_ =	sdelay $0x4  }
0x1b6: {  	p0 =	sne.s32 s5, $0xC0;
	v1 =	vld.idx.msk [tilespmem:v1+s23+$0x0], $0xffff  }
.Ltmp3:
0x1b7: {  	_ = 	snop;
	(pc) =	sbr.rel @p0 .LBB2_8-.Ltmp3, $2  }
0x1b8: {  	_ =	sdelay $0x2  }
0x1b9: {  	s5 =	sadd.s32 $0x40, s5;
	[tilespmem:s6+$0x18FC0] =	vst v1  }
0x1ba: {  	s5 =	simm.s32 $0x0;
	s6 =	rddreg [dreg:$0xb]  }
0x1bb: {  	[hbm4b:s6+s5] =	stream.linear.scatter [tilespmem:s0], [sflag:$0x4], $0x6400, $0x38;
	[tilespmem:$0x19180] =	vst v63  }
0x1bc: {  	s11 =	rddreg [dreg:$0xc]  }
0x1bd: {  	[tilespmem:s26], [sflag:$0x2] =	stream.linear.gather [hbm4b:s11+s5], $0x6400, $0x38;
	[tilespmem:$0x19180] =	vst v63  }
0x1be: {  	_ =	swait.ge [sflag:s29], $0x6400  }
0x1bf: {  	[sflag:s29] =	ssyncset.done $0x0  }
0x1c0: {  	[sflag:s29] =	ssyncadd.s32 $0xFFFF9C00  }
0x1c1: {  	_ =	swait.ge [sflag:s1], $0x6400  }
0x1c2: {  	[sflag:s1] =	ssyncset.done $0x0  }
0x1c3: {  	s12 =	simm.s32 $0x60;
	[sflag:s1] =	ssyncadd.s32 $0xFFFF9C00  }
0x1c4: {  	s7 =	sand.u32 $0x7FC0, s5;
	v1 =	vld [tilespmem:s12+$0x50]  }
0x1c5: {  	v2 =	vld [tilespmem:s7+$0x80]  }
0x1c6: {  	v11 =	vld [tilespmem:s12+$0xFFFFFFB0]  }
0x1c7: {  	v8 =	vld [tilespmem:s12+$0xFFFFFFC0]  }
0x1c8: {  	v7 =	vld [tilespmem:s12+$0xFFFFFFD0]  }
0x1c9: {  	v9 =	vld [tilespmem:s12+$0xFFFFFFE0]  }
0x1ca: {  	v10 =	vld [tilespmem:s12+$0xFFFFFFF0]  }
0x1cb: {  	v15 =	vld [tilespmem:s12+$0x0]  }
0x1cc: {  	v18 =	vld [tilespmem:s12+$0x10]  }
0x1cd: {  	v19 =	vld [tilespmem:s12+$0x30]  }
0x1ce: {  	s9 =	simm.s32 $0xC0;
	v23 =	vld [tilespmem:s12+$0x40]  }
0x1cf: {  	s9 =	sand.u32 $0x7FC0, s9;
	v14 =	vld [tilespmem:s12+$0xFFFFFFA0];
	v3 =	vmul.f32 $1.000000000e+01, v1  }
0x1d0: {  	s13 =	simm.s32 $0x120;
	v40 =	vld [tilespmem:s9+$0x80];
	v4 =	vmul.f32 $1.000000000e+01, v2;
	v5 =	vmul.f32 $1.000000000e+01, v11  }
0x1d1: {  	v29 =	vld [tilespmem:s13+$0xFFFFFFB0];
	v6 =	vmul.f32 $1.000000000e+01, v8;
	v12 =	vmul.f32 $1.000000000e+01, v7  }
0x1d2: {  	v13 =	vmul.f32 $1.000000000e+01, v9;
	v16 =	vmul.f32 $1.000000000e+01, v10  }
0x1d3: {  	v17 =	vmul.f32 $1.000000000e+01, v15;
	v20 =	vmul.f32 $1.000000000e+01, v18  }
0x1d4: {  	v21 =	vmul.f32 $1.000000000e+01, v19;
	v22 =	vmul.f32 $1.000000000e+01, v23  }
0x1d5: {  	v24 =	vmul.f32 $1.000000000e+01, v14;
	v31 =	vmul.f32 $1.000000000e+01, v40  }
0x1d6: {  	v33 =	vmul.f32 $1.000000000e+01, v29;
	v3 =	vtrunc.f32 v3  }
0x1d7: {  	v4 =	vtrunc.f32 v4;
	v3 =	vcvt.f32.s32 v3  }
0x1d8: {  	v5 =	vtrunc.f32 v5;
	v4 =	vcvt.f32.s32 v4  }
0x1d9: {  	v6 =	vtrunc.f32 v6;
	v12 =	vtrunc.f32 v12;
	vm0 =	vgt.s32 v3, $0x0  }
0x1da: {  	v13 =	vtrunc.f32 v13;
	vm1 =	vgt.s32 v4, $0x0;
	v3 =	vnsel vm0, $0x0, v3  }
0x1db: {  	v16 =	vtrunc.f32 v16;
	v4 =	vnsel vm1, $0x0, v4;
	v3 =	vmin.u32 v3, $0x9  }
0x1dc: {  	v17 =	vtrunc.f32 v17;
	v24 =	vtrunc.f32 v24;
	v4 =	vmin.u32 v4, $0x9  }
0x1dd: {  	v20 =	vtrunc.f32 v20;
	v21 =	vtrunc.f32 v21  }
0x1de: {  	v22 =	vtrunc.f32 v22;
	v44 =	vtrunc.f32 v33  }
0x1df: {  	v24 =	vcvt.f32.s32 v24;
	v5 =	vcvt.f32.s32 v5  }
0x1e0: {  	v6 =	vcvt.f32.s32 v6;
	v12 =	vcvt.f32.s32 v12;
	v25 =	vld.idx.msk [tilespmem:v3+s25+$0x0], $0xffff  }
0x1e1: {  	v13 =	vcvt.f32.s32 v13;
	v16 =	vcvt.f32.s32 v16;
	v26 =	vld.idx.msk [tilespmem:v4+s25+$0x0], $0xffff  }
0x1e2: {  	v17 =	vcvt.f32.s32 v17;
	v20 =	vcvt.f32.s32 v20  }
0x1e3: {  	v22 =	vcvt.f32.s32 v22;
	v44 =	vcvt.f32.s32 v44;
	vm3 =	vgt.s32 v12, $0x0  }
0x1e4: {  	v27 =	vld [tilespmem:s13+$0xFFFFFFD0];
	vm4 =	vgt.s32 v13, $0x0;
	vm5 =	vgt.s32 v16, $0x0;
	vm6 =	vgt.s32 v17, $0x0  }
0x1e5: {  	vm7 =	vgt.s32 v20, $0x0;
	vm0 =	vgt.s32 v24, $0x0;
	vm1 =	vle.f32 v1, v25  }
0x1e6: {  	vm2 =	vle.f32 v2, v26;
	v1 =	vcvt.f32.s32 v21;
	v2 =	vsel vm1, $0xFFFFFFFF, v0  }
0x1e7: {  	v21 =	vsel vm2, $0xFFFFFFFF, v0;
	vm1 =	vgt.s32 v5, $0x0;
	vm2 =	vgt.s32 v6, $0x0  }
0x1e8: {  	v30 =	vld [tilespmem:s13+$0xFFFFFFC0];
	v37 =	vadd.s32 v2, v3;
	v28 =	vadd.s32 v21, v4;
	vm8 =	vgt.s32 v1, $0x0  }
0x1e9: {  	v21 =	vld [tilespmem:s13+$0x50];
	v2 =	vnsel vm0, $0x0, v24;
	v3 =	vnsel vm1, $0x0, v5;
	v4 =	vnsel vm2, $0x0, v6;
	[tilespmem:$0x1FFD0] =	vst v27  }
0x1ea: {  	v6 =	vnsel vm4, $0x0, v13;
	v13 =	vnsel vm6, $0x0, v17;
	v17 =	vnsel vm8, $0x0, v1;
	v1 =	vld [tilespmem:s13+$0xFFFFFFE0]  }
0x1eb: {  	vm0 =	vgt.s32 v22, $0x0;
	v5 =	vnsel vm3, $0x0, v12;
	v24 =	vmin.u32 v2, $0x9;
	v2 =	vld [tilespmem:s13+$0xFFFFFFF0]  }
0x1ec: {  	v12 =	vnsel vm5, $0x0, v16;
	v39 =	vmin.u32 v3, $0x9;
	v36 =	vmin.u32 v4, $0x9;
	v4 =	vld [tilespmem:s13+$0x0]  }
0x1ed: {  	v26 =	vmin.u32 v6, $0x9;
	v3 =	vld [tilespmem:s13+$0x10];
	v6 =	vtrunc.f32 v31;
	v32 =	vmin.u32 v12, $0x9  }
0x1ee: {  	v12 =	vmul.f32 $1.000000000e+01, v30;
	v31 =	vmin.u32 v13, $0x9;
	v13 =	vmul.f32 $1.000000000e+01, v27;
	v38 =	vld [tilespmem:s13+$0xFFFFFFA0]  }
0x1ef: {  	v16 =	vnsel vm7, $0x0, v20;
	v20 =	vnsel vm0, $0x0, v22;
	v34 =	vcvt.f32.s32 v6;
	v6 =	vld [tilespmem:s13+$0x30]  }
0x1f0: {  	v25 =	vmin.u32 v5, $0x9;
	v12 =	vtrunc.f32 v12;
	v13 =	vtrunc.f32 v13  }
0x1f1: {  	v33 =	vmin.u32 v16, $0x9;
	v22 =	vmul.f32 $1.000000000e+01, v21;
	v35 =	vmul.f32 $1.000000000e+01, v1  }
0x1f2: {  	vm1 =	vgt.s32 v34, $0x0;
	v41 =	vmul.f32 $1.000000000e+01, v2;
	v42 =	vmul.f32 $1.000000000e+01, v4  }
0x1f3: {  	v34 =	vnsel vm1, $0x0, v34;
	v45 =	vmul.f32 $1.000000000e+01, v3;
	v47 =	vld.idx.msk [tilespmem:v39+s25+$0x0], $0xffff;
	v50 =	vmul.f32 $1.000000000e+01, v38  }
0x1f4: {  	v46 =	vmin.u32 v34, $0x9;
	v16 =	vld.idx.msk [tilespmem:v36+s25+$0x0], $0xffff;
	v5 =	vtrunc.f32 v22;
	v48 =	vmul.f32 $1.000000000e+01, v6  }
0x1f5: {  	v34 =	vmin.u32 v17, $0x9;
	v17 =	vld.idx.msk [tilespmem:v25+s25+$0x0], $0xffff;
	v22 =	vcvt.f32.s32 v5;
	v51 =	vtrunc.f32 v35  }
0x1f6: {  	v43 =	vld.idx.msk [tilespmem:v24+s25+$0x0], $0xffff;
	v35 =	vmin.u32 v20, $0x9;
	v20 =	vtrunc.f32 v41;
	v55 =	vtrunc.f32 v42  }
0x1f7: {  	v62 =	vld.idx.msk [tilespmem:v31+s25+$0x0], $0xffff;
	v50 =	vtrunc.f32 v50;
	v45 =	vtrunc.f32 v45;
	vm0 =	vgt.s32 v22, $0x0  }
0x1f8: {  	v5 =	vld [tilespmem:s13+$0x40];
	v57 =	vtrunc.f32 v48;
	v22 =	vnsel vm0, $0x0, v22;
	vm1 =	vle.f32 v11, v47  }
0x1f9: {  	v11 =	vcvt.f32.s32 v50;
	vm2 =	vle.f32 v8, v16;
	v8 =	vcvt.f32.s32 v12  }
0x1fa: {  	v12 =	vcvt.f32.s32 v13;
	vm3 =	vle.f32 v7, v17;
	v7 =	vcvt.f32.s32 v51  }
0x1fb: {  	vm0 =	vle.f32 v14, v43;
	v13 =	vcvt.f32.s32 v20;
	v16 =	vcvt.f32.s32 v55  }
0x1fc: {  	v17 =	vcvt.f32.s32 v45;
	vm15 =	vle.f32 v15, v62;
	v22 =	vmin.u32 v22, $0x9  }
0x1fd: {  	v14 =	vld.idx.msk [tilespmem:v46+s25+$0x0], $0xffff;
	v47 =	vsel vm15, $0xFFFFFFFF, v0;
	v49 =	vmul.f32 $1.000000000e+01, v5;
	vm4 =	vgt.s32 v11, $0x0  }
0x1fe: {  	s10 =	simm.s32 $0x1E0;
	v54 =	vld.idx.msk [tilespmem:v34+s25+$0x0], $0xffff;
	vm6 =	vgt.s32 v8, $0x0;
	vm7 =	vgt.s32 v12, $0x0;
	vm8 =	vgt.s32 v7, $0x0  }
0x1ff: {  	v51 =	vld [tilespmem:s10+$0x50];
	vm9 =	vgt.s32 v13, $0x0;
	vm10 =	vgt.s32 v16, $0x0;
	vm11 =	vgt.s32 v17, $0x0  }
0x200: {  	v15 =	vld [tilespmem:s10+$0xFFFFFFE0];
	v31 =	vadd.s32 v47, v31;
	v11 =	vnsel vm4, $0x0, v11;
	v8 =	vnsel vm6, $0x0, v8  }
0x201: {  	v12 =	vnsel vm7, $0x0, v12;
	v7 =	vnsel vm8, $0x0, v7;
	v13 =	vnsel vm9, $0x0, v13  }
0x202: {  	v60 =	vld.idx.msk [tilespmem:v26+s25+$0x0], $0xffff;
	v55 =	vnsel vm10, $0x0, v16;
	v58 =	vtrunc.f32 v49;
	v16 =	vmin.u32 v7, $0x9  }
0x203: {  	v37 =	vld.idx.msk [tilespmem:v37+s23+$0x0], $0xffff;
	vm14 =	vle.f32 v40, v14;
	v14 =	vcvt.f32.s32 v57;
	v59 =	vcvt.f32.s32 v58  }
0x204: {  	v61 =	vld.idx.msk [tilespmem:v32+s25+$0x0], $0xffff;
	vm13 =	vle.f32 v19, v54;
	v58 =	vsel vm1, $0xFFFFFFFF, v0;
	v52 =	vmul.f32 $1.000000000e+01, v51  }
0x205: {  	v56 =	vld.idx.msk [tilespmem:v22+s25+$0x0], $0xffff;
	v50 =	vsel vm13, $0xFFFFFFFF, v0;
	v39 =	vadd.s32 v58, v39;
	v58 =	vmul.f32 $1.000000000e+01, v15  }
0x206: {  	s14 =	simm.s32 $0x180;
	v57 =	vld.idx.msk [tilespmem:v35+s25+$0x0], $0xffff;
	vm12 =	vgt.s32 v14, $0x0;
	vm4 =	vgt.s32 v59, $0x0;
	v62 =	vtrunc.f32 v52  }
0x207: {  	s6 =	sand.u32 $0x7FC0, s14;
	v63 =	vld.idx.msk [tilespmem:v33+s25+$0x0], $0xffff;
	v50 =	vadd.s32 v50, v34;
	v40 =	vnsel vm4, $0x0, v59;
	vm4 =	vle.f32 v9, v60  }
0x208: {  	v48 =	vld [tilespmem:s6+$0x80];
	v59 =	vsel vm2, $0xFFFFFFFF, v0;
	v60 =	vsel vm3, $0xFFFFFFFF, v0;
	v58 =	vtrunc.f32 v58  }
0x209: {  	v19 =	vld [tilespmem:s10+$0x0];
	v7 =	vmin.u32 v40, $0x9;
	v43 =	vadd.s32 v59, v36;
	v36 =	vcvt.f32.s32 v62  }
0x20a: {  	v9 =	vld [tilespmem:s10+$0xFFFFFFD0];
	v58 =	vcvt.f32.s32 v58;
	vm5 =	vle.f32 v21, v56;
	v21 =	vsel vm14, $0xFFFFFFFF, v0  }
0x20b: {  	vm14 =	vle.f32 v23, v57;
	v23 =	vsel vm0, $0xFFFFFFFF, v0;
	v39 =	vld.idx.msk [tilespmem:v39+s23+$0x0], $0xffff;
	v42 =	vadd.s32 v21, v46  }
0x20c: {  	v21 =	vmin.u32 v11, $0x9;
	v11 =	vnsel vm12, $0x0, v14;
	vm12 =	vle.f32 v18, v63;
	v18 =	vld [tilespmem:s10+$0xFFFFFFF0]  }
0x20d: {  	v20 =	vsel vm5, $0xFFFFFFFF, v0;
	vm5 =	vgt.s32 v44, $0x0;
	v53 =	vadd.s32 v23, v24;
	v23 =	vld [tilespmem:s10+$0x10]  }
0x20e: {  	v41 =	vadd.s32 v20, v22;
	v20 =	vnsel vm5, $0x0, v44;
	vm5 =	vle.f32 v10, v61;
	v10 =	vld [tilespmem:s10+$0xFFFFFFC0]  }
0x20f: {  	v56 =	vnsel vm11, $0x0, v17;
	v24 =	vmul.f32 $1.000000000e+01, v48;
	v44 =	vadd.s32 v60, v25;
	v25 =	vld [tilespmem:s10+$0x40]  }
0x210: {  	v14 =	vmin.u32 v13, $0x9;
	v22 =	vmin.u32 v20, $0x9;
	v20 =	vmin.u32 v8, $0x9;
	v8 =	vld [tilespmem:s10+$0xFFFFFFB0]  }
0x211: {  	v13 =	vmin.u32 v55, $0x9;
	v61 =	vsel vm4, $0xFFFFFFFF, v0;
	v63 =	vtrunc.f32 v24;
	v24 =	vld [tilespmem:s10+$0x30]  }
0x212: {  	v17 =	vmin.u32 v12, $0x9;
	vm0 =	vgt.s32 v36, $0x0;
	v45 =	vadd.s32 v61, v26;
	v26 =	vld [tilespmem:s10+$0xFFFFFFA0]  }
0x213: {  	vm8 =	vgt.s32 v58, $0x0;
	v12 =	vmin.u32 v56, $0x9;
	v57 =	vmul.f32 $1.000000000e+01, v9;
	v55 =	vld.idx.msk [tilespmem:v21+s25+$0x0], $0xffff  }
0x214: {  	v36 =	vnsel vm0, $0x0, v36;
	v49 =	vsel vm12, $0xFFFFFFFF, v0;
	v46 =	vsel vm5, $0xFFFFFFFF, v0;
	v43 =	vld.idx.msk [tilespmem:v43+s23+$0x0], $0xffff  }
0x215: {  	v49 =	vadd.s32 v49, v33;
	v52 =	vcvt.f32.s32 v63;
	v57 =	vtrunc.f32 v57;
	v42 =	vld.idx.msk [tilespmem:v42+s23+$0x0], $0xffff  }
0x216: {  	v46 =	vadd.s32 v46, v32;
	v57 =	vcvt.f32.s32 v57;
	v59 =	vmul.f32 $1.000000000e+01, v18;
	v33 =	vld.idx.msk [tilespmem:v13+s25+$0x0], $0xffff  }
0x217: {  	vm1 =	vgt.s32 v52, $0x0;
	v56 =	vmul.f32 $1.000000000e+01, v10;
	v40 =	vmul.f32 $1.000000000e+01, v8;
	v60 =	vld.idx.msk [tilespmem:v22+s25+$0x0], $0xffff  }
0x218: {  	vm0 =	vle.f32 v38, v55;
	v38 =	vld.idx.msk [tilespmem:v28+s23+$0x0], $0xffff;
	v28 =	vnsel vm1, $0x0, v52;
	v52 =	vmin.u32 v36, $0x9  }
0x219: {  	v61 =	vld.idx.msk [tilespmem:v20+s25+$0x0], $0xffff;
	v32 =	vmul.f32 $1.000000000e+01, v24;
	v47 =	vtrunc.f32 v59;
	v62 =	vmin.u32 v28, $0x9  }
0x21a: {  	v54 =	vsel vm14, $0xFFFFFFFF, v0;
	v34 =	vld.idx.msk [tilespmem:v12+s25+$0x0], $0xffff;
	v56 =	vtrunc.f32 v56;
	v36 =	vtrunc.f32 v40  }
0x21b: {  	v11 =	vmin.u32 v11, $0x9;
	v47 =	vcvt.f32.s32 v47;
	v27 =	vcvt.f32.s32 v36;
	v36 =	vld [tilespmem:$0x1FFD0]  }
0x21c: {  	v63 =	vtrunc.f32 v32;
	v56 =	vcvt.f32.s32 v56;
	vm1 =	vle.f32 v29, v60;
	v60 =	vld.idx.msk [tilespmem:v17+s25+$0x0], $0xffff  }
0x21d: {  	v54 =	vadd.s32 v54, v35;
	v55 =	vmul.f32 $1.000000000e+01, v19;
	v40 =	vmul.f32 $1.000000000e+01, v23;
	v59 =	vld.idx.msk [tilespmem:v52+s25+$0x0], $0xffff  }
0x21e: {  	v29 =	vmul.f32 $1.000000000e+01, v25;
	vm2 =	vle.f32 v30, v61;
	v30 =	vmul.f32 $1.000000000e+01, v26;
	v61 =	vld.idx.msk [tilespmem:v62+s25+$0x0], $0xffff  }
0x21f: {  	v53 =	vld.idx.msk [tilespmem:v53+s23+$0x0], $0xffff;
	vm7 =	vgt.s32 v57, $0x0;
	v55 =	vtrunc.f32 v55;
	v40 =	vtrunc.f32 v40  }
0x220: {  	v41 =	vld.idx.msk [tilespmem:v41+s23+$0x0], $0xffff;
	vm9 =	vgt.s32 v47, $0x0;
	v55 =	vcvt.f32.s32 v55;
	v40 =	vcvt.f32.s32 v40  }
0x221: {  	v35 =	vld.idx.msk [tilespmem:v11+s25+$0x0], $0xffff;
	vm6 =	vgt.s32 v56, $0x0;
	v30 =	vtrunc.f32 v30;
	v29 =	vtrunc.f32 v29  }
0x222: {  	v32 =	vld.idx.msk [tilespmem:v14+s25+$0x0], $0xffff;
	v30 =	vcvt.f32.s32 v30;
	v29 =	vcvt.f32.s32 v29;
	vm5 =	vle.f32 v51, v59  }
0x223: {  	v28 =	vld.idx.msk [tilespmem:v16+s25+$0x0], $0xffff;
	vm3 =	vle.f32 v36, v60;
	vm15 =	vle.f32 v48, v61;
	v60 =	vsel vm5, $0xFFFFFFFF, v0  }
0x224: {  	s10 =	simm.s32 $0xC860;
	[tilespmem:s7+$0xC880] =	vst v38;
	v38 =	vld.idx.msk [tilespmem:v44+s23+$0x0], $0xffff;
	vm10 =	vgt.s32 v55, $0x0;
	v61 =	vsel vm15, $0xFFFFFFFF, v0;
	v48 =	vadd.s32 v60, v52  }
0x225: {  	[tilespmem:s10+$0x50] =	vst v37;
	vm11 =	vgt.s32 v40, $0x0;
	v36 =	vld.idx.msk [tilespmem:v7+s25+$0x0], $0xffff;
	v51 =	vcvt.f32.s32 v63;
	v63 =	vadd.s32 v61, v62  }
0x226: {  	[tilespmem:s9+$0xC880] =	vst v42;
	v55 =	vnsel vm10, $0x0, v55;
	vm4 =	vgt.s32 v30, $0x0;
	v59 =	vld.idx.msk [tilespmem:v46+s23+$0x0], $0xffff;
	v46 =	vnsel vm7, $0x0, v57  }
0x227: {  	[tilespmem:s10+$0xFFFFFFB0] =	vst v39;
	v30 =	vnsel vm4, $0x0, v30;
	vm4 =	vgt.s32 v29, $0x0;
	v39 =	vmin.u32 v46, $0x9;
	v46 =	vld.idx.msk [tilespmem:v50+s23+$0x0], $0xffff  }
0x228: {  	[tilespmem:s10+$0xFFFFFFA0] =	vst v53;
	v42 =	vmin.u32 v30, $0x9;
	vm5 =	vgt.s32 v27, $0x0;
	vm12 =	vgt.s32 v51, $0x0;
	v52 =	vld.idx.msk [tilespmem:v45+s23+$0x0], $0xffff  }
0x229: {  	[tilespmem:s10+$0xFFFFFFC0] =	vst v43;
	s7 =	simm.s32 $0xC920;
	v27 =	vnsel vm5, $0x0, v27;
	v45 =	vnsel vm6, $0x0, v56;
	v60 =	vnsel vm8, $0x0, v58;
	v44 =	vld.idx.msk [tilespmem:v48+s23+$0x0], $0xffff  }
0x22a: {  	[tilespmem:s7+$0x50] =	vst v41;
	v61 =	vnsel vm9, $0x0, v47;
	v62 =	vnsel vm11, $0x0, v40;
	v51 =	vnsel vm12, $0x0, v51;
	v48 =	vld.idx.msk [tilespmem:v63+s23+$0x0], $0xffff  }
0x22b: {  	[tilespmem:s10+$0xFFFFFFD0] =	vst v38;
	v47 =	vld.idx.msk [tilespmem:v31+s23+$0x0], $0xffff;
	v41 =	vmin.u32 v27, $0x9;
	v40 =	vmin.u32 v45, $0x9;
	v38 =	vmin.u32 v60, $0x9  }
0x22c: {  	s11 =	simm.s32 $0x18;
	v45 =	vld.idx.msk [tilespmem:v49+s23+$0x0], $0xffff;
	v31 =	vmin.u32 v55, $0x9;
	v37 =	vmin.u32 v61, $0x9;
	[tilespmem:s10+$0xFFFFFFF0] =	vst v59;
	v63 =	vnsel vm4, $0x0, v29  }
0x22d: {  	s12 =	simm.s32 $0x2A0;
	s13 =	simm.s32 $0x240;
	s9 =	simm.s32 $0xC9E0;
	v49 =	vld.idx.msk [tilespmem:v54+s23+$0x0], $0xffff;
	v30 =	vmin.u32 v62, $0x9;
	[tilespmem:s10+$0xFFFFFFE0] =	vst v52;
	v29 =	vmin.u32 v51, $0x9;
	v27 =	vmin.u32 v63, $0x9  }
.LBB2_10:
0x22e: {  	s14 =	sand.u32 $0x7FC0, s13;
	v43 =	vld [tilespmem:s12+$0x50];
	s11 =	sadd.s32 $0xC, s11;
	[tilespmem:s9+$0x50] =	vst v44;
	vm4 =	vle.f32 v1, v28;
	vm5 =	vle.f32 v2, v32;
	vm6 =	vle.f32 v4, v33  }
0x22f: {  	vm7 =	vle.f32 v3, v34;
	vm8 =	vle.f32 v6, v35;
	vm9 =	vle.f32 v5, v36;
	v44 =	vld [tilespmem:s14+$0x80];
	p0 =	slt.u32 s11, $0x630;
	[tilespmem:s6+$0xC880] =	vst v48;
	s6 =	smov.u32 s14  }
0x230: {  	v28 =	vsel vm0, $0xFFFFFFFF, v0;
	v32 =	vsel vm1, $0xFFFFFFFF, v0;
	v34 =	vsel vm2, $0xFFFFFFFF, v0;
	v1 =	vmovc v15;
	v2 =	vmovc v18;
	v33 =	vld [tilespmem:s12+$0xFFFFFFB0];
	[tilespmem:s10+$0x0] =	vst v47  }
0x231: {  	v36 =	vsel vm3, $0xFFFFFFFF, v0;
	v4 =	vmovc v19;
	v3 =	vmovc v23;
	v48 =	vsel vm5, $0xFFFFFFFF, v0;
	v47 =	vsel vm4, $0xFFFFFFFF, v0;
	v35 =	vld [tilespmem:s12+$0xFFFFFFC0];
	[tilespmem:s10+$0x10] =	vst v45  }
0x232: {  	v6 =	vmovc v24;
	v5 =	vmovc v25;
	v50 =	vsel vm6, $0xFFFFFFFF, v0;
	v51 =	vsel vm7, $0xFFFFFFFF, v0;
	v52 =	vsel vm8, $0xFFFFFFFF, v0;
	v45 =	vld [tilespmem:s12+$0xFFFFFFD0];
	[tilespmem:s10+$0x30] =	vst v46  }
0x233: {  	v53 =	vsel vm9, $0xFFFFFFFF, v0;
	v46 =	vadd.s32 v28, v21;
	v21 =	vmovc v42;
	v15 =	vld [tilespmem:s12+$0xFFFFFFE0];
	v23 =	vmul.f32 $1.000000000e+01, v43;
	[tilespmem:s10+$0x40] =	vst v49;
	s10 =	smov.u32 s7;
	s7 =	smov.u32 s9  }
0x234: {  	v42 =	vadd.s32 v32, v22;
	v22 =	vmovc v41;
	v49 =	vadd.s32 v34, v20;
	v20 =	vmovc v40;
	v18 =	vld [tilespmem:s12+$0xFFFFFFF0];
	v24 =	vmul.f32 $1.000000000e+01, v44  }
0x235: {  	v40 =	vadd.s32 v36, v17;
	v17 =	vmovc v39;
	v28 =	vmul.f32 $1.000000000e+01, v33;
	v19 =	vld [tilespmem:s12+$0x0];
	v25 =	vtrunc.f32 v23  }
0x236: {  	v39 =	vadd.s32 v47, v16;
	v16 =	vmovc v38;
	v23 =	vld [tilespmem:s12+$0x10];
	v24 =	vtrunc.f32 v24;
	v32 =	vcvt.f32.s32 v25  }
0x237: {  	v38 =	vadd.s32 v48, v14;
	v14 =	vmovc v37;
	v34 =	vmul.f32 $1.000000000e+01, v35;
	v36 =	vcvt.f32.s32 v24;
	v24 =	vld [tilespmem:s12+$0x30]  }
0x238: {  	v37 =	vmul.f32 $1.000000000e+01, v45;
	v41 =	vmul.f32 $1.000000000e+01, v15;
	v25 =	vld [tilespmem:s12+$0x40];
	vm0 =	vgt.s32 v32, $0x0  }
0x239: {  	v47 =	vld [tilespmem:s12+$0xFFFFFFA0];
	v48 =	vmul.f32 $1.000000000e+01, v18;
	vm1 =	vgt.s32 v36, $0x0;
	v32 =	vnsel vm0, $0x0, v32  }
0x23a: {  	v54 =	vmul.f32 $1.000000000e+01, v19;
	v36 =	vnsel vm1, $0x0, v36;
	v55 =	vmin.u32 v32, $0x9;
	v32 =	vld.idx.msk [tilespmem:v21+s25+$0x0], $0xffff  }
0x23b: {  	v56 =	vtrunc.f32 v28;
	v57 =	vmul.f32 $1.000000000e+01, v23;
	v58 =	vmin.u32 v36, $0x9;
	v36 =	vld.idx.msk [tilespmem:v22+s25+$0x0], $0xffff  }
0x23c: {  	v50 =	vadd.s32 v50, v13;
	v13 =	vmovc v31;
	v34 =	vtrunc.f32 v34;
	v59 =	vmul.f32 $1.000000000e+01, v24;
	v60 =	vld.idx.msk [tilespmem:v20+s25+$0x0], $0xffff  }
0x23d: {  	v51 =	vadd.s32 v51, v12;
	v12 =	vmovc v30;
	v31 =	vtrunc.f32 v37;
	v37 =	vmul.f32 $1.000000000e+01, v25;
	v61 =	vld.idx.msk [tilespmem:v17+s25+$0x0], $0xffff  }
0x23e: {  	v52 =	vadd.s32 v52, v11;
	v11 =	vmovc v29;
	v41 =	vtrunc.f32 v41;
	v30 =	vmul.f32 $1.000000000e+01, v47;
	v28 =	vld.idx.msk [tilespmem:v16+s25+$0x0], $0xffff  }
0x23f: {  	v53 =	vadd.s32 v53, v7;
	v7 =	vmovc v27;
	v29 =	vtrunc.f32 v48;
	v48 =	vtrunc.f32 v54;
	v54 =	vld.idx.msk [tilespmem:v55+s25+$0x0], $0xffff  }
0x240: {  	vm0 =	vle.f32 v26, v32;
	v26 =	vmovc v47;
	v27 =	vtrunc.f32 v30;
	v30 =	vtrunc.f32 v57;
	v57 =	vld.idx.msk [tilespmem:v58+s25+$0x0], $0xffff  }
0x241: {  	v47 =	vtrunc.f32 v59;
	v37 =	vtrunc.f32 v37;
	vm1 =	vle.f32 v8, v36;
	v8 =	vmovc v33;
	v32 =	vld.idx.msk [tilespmem:v14+s25+$0x0], $0xffff  }
0x242: {  	v56 =	vcvt.f32.s32 v56;
	v27 =	vcvt.f32.s32 v27;
	vm2 =	vle.f32 v10, v60;
	v10 =	vmovc v35;
	v33 =	vld.idx.msk [tilespmem:v13+s25+$0x0], $0xffff  }
0x243: {  	v31 =	vcvt.f32.s32 v31;
	v59 =	vcvt.f32.s32 v34;
	vm3 =	vle.f32 v9, v61;
	v9 =	vmovc v45;
	v34 =	vld.idx.msk [tilespmem:v12+s25+$0x0], $0xffff  }
0x244: {  	v41 =	vcvt.f32.s32 v41;
	v29 =	vcvt.f32.s32 v29;
	vm4 =	vgt.s32 v27, $0x0;
	v35 =	vld.idx.msk [tilespmem:v11+s25+$0x0], $0xffff  }
0x245: {  	v30 =	vcvt.f32.s32 v30;
	v45 =	vcvt.f32.s32 v48;
	vm5 =	vle.f32 v43, v54;
	v36 =	vld.idx.msk [tilespmem:v7+s25+$0x0], $0xffff  }
0x246: {  	v43 =	vcvt.f32.s32 v47;
	vm6 =	vle.f32 v44, v57;
	v44 =	vsel vm5, $0xFFFFFFFF, v0;
	v46 =	vld.idx.msk [tilespmem:v46+s23+$0x0], $0xffff  }
0x247: {  	v37 =	vcvt.f32.s32 v37;
	v47 =	vsel vm6, $0xFFFFFFFF, v0;
	v44 =	vadd.s32 v44, v55;
	v42 =	vld.idx.msk [tilespmem:v42+s23+$0x0], $0xffff  }
0x248: {  	vm5 =	vgt.s32 v56, $0x0;
	vm6 =	vgt.s32 v59, $0x0;
	v47 =	vadd.s32 v47, v58;
	v49 =	vld.idx.msk [tilespmem:v49+s23+$0x0], $0xffff  }
0x249: {  	vm7 =	vgt.s32 v31, $0x0;
	vm8 =	vgt.s32 v41, $0x0;
	vm9 =	vgt.s32 v29, $0x0;
	v54 =	vld.idx.msk [tilespmem:v40+s23+$0x0], $0xffff  }
0x24a: {  	vm11 =	vgt.s32 v30, $0x0;
	vm10 =	vgt.s32 v45, $0x0;
	vm12 =	vgt.s32 v43, $0x0;
	v55 =	vld.idx.msk [tilespmem:v39+s23+$0x0], $0xffff  }
0x24b: {  	v27 =	vnsel vm4, $0x0, v27;
	vm4 =	vgt.s32 v37, $0x0;
	v39 =	vnsel vm5, $0x0, v56;
	v56 =	vld.idx.msk [tilespmem:v38+s23+$0x0], $0xffff  }
0x24c: {  	v31 =	vnsel vm7, $0x0, v31;
	v57 =	vnsel vm8, $0x0, v41;
	v38 =	vnsel vm6, $0x0, v59;
	v44 =	vld.idx.msk [tilespmem:v44+s23+$0x0], $0xffff;
	[tilespmem:s10+$0xFFFFFFA0] =	vst v46  }
.Ltmp4:
0x24d: {  	v29 =	vnsel vm9, $0x0, v29;
	v30 =	vnsel vm11, $0x0, v30;
	v46 =	vnsel vm10, $0x0, v45;
	v48 =	vld.idx.msk [tilespmem:v47+s23+$0x0], $0xffff;
	[tilespmem:s10+$0xFFFFFFB0] =	vst v42;
	(pc) =	sbr.rel @p0 .LBB2_10-.Ltmp4, $4  }
0x24e: {  	v42 =	vmin.u32 v27, $0x9;
	v27 =	vnsel vm12, $0x0, v43;
	v43 =	vnsel vm4, $0x0, v37;
	[tilespmem:s10+$0xFFFFFFC0] =	vst v49;
	v47 =	vld.idx.msk [tilespmem:v50+s23+$0x0], $0xffff  }
0x24f: {  	v41 =	vmin.u32 v39, $0x9;
	v39 =	vmin.u32 v31, $0x9;
	v40 =	vmin.u32 v38, $0x9;
	[tilespmem:s10+$0xFFFFFFD0] =	vst v54;
	v45 =	vld.idx.msk [tilespmem:v51+s23+$0x0], $0xffff  }
0x250: {  	v38 =	vmin.u32 v57, $0x9;
	v37 =	vmin.u32 v29, $0x9;
	v31 =	vmin.u32 v46, $0x9;
	[tilespmem:s10+$0xFFFFFFE0] =	vst v55;
	v46 =	vld.idx.msk [tilespmem:v52+s23+$0x0], $0xffff  }
0x251: {  	s13 =	sadd.s32 $0xC0, s13;
	s9 =	sadd.s32 $0xC0, s9;
	s12 =	sadd.s32 $0xC0, s12;
	v30 =	vmin.u32 v30, $0x9;
	v29 =	vmin.u32 v27, $0x9;
	v27 =	vmin.u32 v43, $0x9;
	[tilespmem:s10+$0xFFFFFFF0] =	vst v56;
	v49 =	vld.idx.msk [tilespmem:v53+s23+$0x0], $0xffff  }
0x252: {  	_ =	sdelay $0x3  }
0x253: {  	v43 =	vld.idx.msk [tilespmem:v42+s25+$0x0], $0xffff  }
0x254: {  	v50 =	vld.idx.msk [tilespmem:v41+s25+$0x0], $0xffff  }
0x255: {  	v51 =	vld.idx.msk [tilespmem:v40+s25+$0x0], $0xffff  }
0x256: {  	v52 =	vld.idx.msk [tilespmem:v39+s25+$0x0], $0xffff  }
0x257: {  	v53 =	vsel vm0, $0xFFFFFFFF, v0;
	v54 =	vld.idx.msk [tilespmem:v38+s25+$0x0], $0xffff  }
0x258: {  	v55 =	vsel vm1, $0xFFFFFFFF, v0;
	v56 =	vsel vm2, $0xFFFFFFFF, v0;
	v60 =	vld.idx.msk [tilespmem:v31+s25+$0x0], $0xffff;
	v21 =	vadd.s32 v53, v21  }
0x259: {  	vm12 =	vle.f32 v1, v28;
	v1 =	vsel vm3, $0xFFFFFFFF, v0;
	v61 =	vld.idx.msk [tilespmem:v30+s25+$0x0], $0xffff;
	v22 =	vadd.s32 v55, v22  }
0x25a: {  	vm13 =	vle.f32 v2, v32;
	v62 =	vld.idx.msk [tilespmem:v29+s25+$0x0], $0xffff;
	vm14 =	vle.f32 v4, v33;
	v20 =	vadd.s32 v56, v20  }
0x25b: {  	v32 =	vld.idx.msk [tilespmem:v27+s25+$0x0], $0xffff;
	vm15 =	vle.f32 v3, v34;
	v2 =	vsel vm12, $0xFFFFFFFF, v0;
	v1 =	vadd.s32 v1, v17  }
0x25c: {  	[tilespmem:s9+$0x50] =	vst v44;
	vm4 =	vle.f32 v6, v35;
	v53 =	vld.idx.msk [tilespmem:v37+s25+$0x0], $0xffff;
	v63 =	vsel vm13, $0xFFFFFFFF, v0;
	v2 =	vadd.s32 v2, v16  }
0x25d: {  	[tilespmem:s6+$0xC880] =	vst v48;
	vm5 =	vle.f32 v5, v36;
	v33 =	vsel vm14, $0xFFFFFFFF, v0;
	v3 =	vadd.s32 v63, v14;
	v34 =	vld.idx.msk [tilespmem:v21+s23+$0x0], $0xffff  }
0x25e: {  	[tilespmem:s10+$0x0] =	vst v47;
	v35 =	vsel vm15, $0xFFFFFFFF, v0;
	v48 =	vsel vm5, $0xFFFFFFFF, v0;
	v4 =	vadd.s32 v33, v13;
	v44 =	vld.idx.msk [tilespmem:v22+s23+$0x0], $0xffff  }
0x25f: {  	[tilespmem:s10+$0x10] =	vst v45;
	v45 =	vsel vm4, $0xFFFFFFFF, v0;
	v6 =	vadd.s32 v35, v12;
	v7 =	vadd.s32 v48, v7;
	v47 =	vld.idx.msk [tilespmem:v20+s23+$0x0], $0xffff  }
0x260: {  	[tilespmem:s10+$0x30] =	vst v46;
	v5 =	vadd.s32 v45, v11;
	vm6 =	vle.f32 v26, v43;
	v1 =	vld.idx.msk [tilespmem:v1+s23+$0x0], $0xffff  }
0x261: {  	[tilespmem:s10+$0x40] =	vst v49;
	vm7 =	vle.f32 v8, v50;
	vm8 =	vle.f32 v10, v51;
	v50 =	vsel vm6, $0xFFFFFFFF, v0;
	v2 =	vld.idx.msk [tilespmem:v2+s23+$0x0], $0xffff  }
0x262: {  	vm9 =	vle.f32 v9, v52;
	v56 =	vsel vm7, $0xFFFFFFFF, v0;
	v3 =	vld.idx.msk [tilespmem:v3+s23+$0x0], $0xffff;
	v8 =	vadd.s32 v50, v42;
	[tilespmem:s7+$0xFFFFFFA0] =	vst v34  }
0x263: {  	vm10 =	vle.f32 v15, v54;
	v57 =	vsel vm8, $0xFFFFFFFF, v0;
	v4 =	vld.idx.msk [tilespmem:v4+s23+$0x0], $0xffff;
	v10 =	vadd.s32 v56, v41;
	[tilespmem:s7+$0xFFFFFFB0] =	vst v44  }
0x264: {  	vm12 =	vle.f32 v19, v60;
	v58 =	vsel vm9, $0xFFFFFFFF, v0;
	v6 =	vld.idx.msk [tilespmem:v6+s23+$0x0], $0xffff;
	v9 =	vadd.s32 v57, v40;
	[tilespmem:s7+$0xFFFFFFC0] =	vst v47  }
0x265: {  	vm11 =	vle.f32 v18, v53;
	v59 =	vsel vm10, $0xFFFFFFFF, v0;
	v11 =	vadd.s32 v58, v39;
	[tilespmem:s7+$0xFFFFFFD0] =	vst v1;
	v1 =	vld.idx.msk [tilespmem:v5+s23+$0x0], $0xffff  }
0x266: {  	vm13 =	vle.f32 v23, v61;
	v60 =	vsel vm11, $0xFFFFFFFF, v0;
	v5 =	vadd.s32 v59, v38;
	[tilespmem:s7+$0xFFFFFFE0] =	vst v2;
	v2 =	vld.idx.msk [tilespmem:v7+s23+$0x0], $0xffff  }
0x267: {  	vm14 =	vle.f32 v24, v62;
	v61 =	vsel vm13, $0xFFFFFFFF, v0;
	[tilespmem:s7+$0xFFFFFFF0] =	vst v3;
	v7 =	vadd.s32 v60, v37;
	v8 =	vld.idx.msk [tilespmem:v8+s23+$0x0], $0xffff  }
0x268: {  	v62 =	vsel vm14, $0xFFFFFFFF, v0;
	[tilespmem:s7+$0x0] =	vst v4;
	v10 =	vld.idx.msk [tilespmem:v10+s23+$0x0], $0xffff;
	v4 =	vadd.s32 v61, v30  }
0x269: {  	vm15 =	vle.f32 v25, v32;
	v3 =	vsel vm12, $0xFFFFFFFF, v0;
	[tilespmem:s7+$0x10] =	vst v6;
	v9 =	vld.idx.msk [tilespmem:v9+s23+$0x0], $0xffff;
	v6 =	vadd.s32 v62, v29  }
0x26a: {  	v11 =	vld.idx.msk [tilespmem:v11+s23+$0x0], $0xffff;
	v3 =	vadd.s32 v3, v31;
	[tilespmem:s7+$0x30] =	vst v1;
	v1 =	vsel vm15, $0xFFFFFFFF, v0  }
0x26b: {  	[tilespmem:s7+$0x40] =	vst v2;
	v1 =	vadd.s32 v1, v27;
	v2 =	vld.idx.msk [tilespmem:v5+s23+$0x0], $0xffff  }
0x26c: {  	v63 =	vld.idx.msk [tilespmem:v7+s23+$0x0], $0xffff;
	[tilespmem:s9+$0xFFFFFFA0] =	vst v8  }
0x26d: {  	[tilespmem:s9+$0xFFFFFFB0] =	vst v10;
	v4 =	vld.idx.msk [tilespmem:v4+s23+$0x0], $0xffff  }
0x26e: {  	[tilespmem:s9+$0xFFFFFFC0] =	vst v9;
	v6 =	vld.idx.msk [tilespmem:v6+s23+$0x0], $0xffff  }
0x26f: {  	[tilespmem:s9+$0xFFFFFFD0] =	vst v11;
	v3 =	vld.idx.msk [tilespmem:v3+s23+$0x0], $0xffff  }
0x270: {  	[tilespmem:s9+$0xFFFFFFE0] =	vst v2;
	v1 =	vld.idx.msk [tilespmem:v1+s23+$0x0], $0xffff  }
0x271: {  	[tilespmem:s9+$0xFFFFFFF0] =	vst v63  }
0x272: {  	[tilespmem:s9+$0x10] =	vst v4  }
0x273: {  	[tilespmem:s9+$0x30] =	vst v6  }
0x274: {  	[tilespmem:s9+$0x0] =	vst v3  }
0x275: {  	[tilespmem:s9+$0x40] =	vst v1  }
.LBB2_12:
0x276: {  	s6 =	sshra.s32 s5, $0x2  }
0x277: {  	v1 =	vld [tilespmem:s6+$0x63C0];
	_ =	sdelay $0x4  }
0x278: {  	v2 =	vmul.f32 $1.000000000e+01, v1;
	_ =	sdelay $0x1  }
0x279: {  	v2 =	vtrunc.f32 v2  }
0x27a: {  	v2 =	vcvt.f32.s32 v2;
	_ =	sdelay $0x1  }
0x27b: {  	vm0 =	vgt.s32 v2, $0x0  }
0x27c: {  	v2 =	vnsel vm0, $0x0, v2  }
0x27d: {  	v2 =	vmin.u32 v2, $0x9;
	_ =	sdelay $0x4  }
0x27e: {  	v3 =	vld.idx.msk [tilespmem:v2+s25+$0x0], $0xffff;
	_ =	sdelay $0x4  }
0x27f: {  	vm15 =	vle.f32 v1, v3  }
0x280: {  	v1 =	vsel vm15, $0xFFFFFFFF, v0  }
0x281: {  	v1 =	vadd.s32 v1, v2;
	_ =	sdelay $0x4  }
0x282: {  	p0 =	sne.s32 s5, $0xC0;
	v1 =	vld.idx.msk [tilespmem:v1+s23+$0x0], $0xffff  }
.Ltmp5:
0x283: {  	_ = 	snop;
	(pc) =	sbr.rel @p0 .LBB2_12-.Ltmp5, $2  }
0x284: {  	_ =	sdelay $0x2  }
0x285: {  	s5 =	sadd.s32 $0x40, s5;
	[tilespmem:s6+$0x12BC0] =	vst v1  }
0x286: {  	s5 =	simm.s32 $0x0;
	s6 =	rddreg [dreg:$0xd]  }
0x287: {  	[hbm4b:s6+s5] =	stream.linear.scatter [tilespmem:s30], [sflag:$0x3], $0x6400, $0x38;
	[tilespmem:$0x19180] =	vst v63  }
0x288: {  	s11 =	rddreg [dreg:$0xe]  }
0x289: {  	[tilespmem:s5], [sflag:$0x1] =	stream.linear.gather [hbm4b:s11+s5], $0x6400, $0x38;
	[tilespmem:$0x19180] =	vst v63  }
0x28a: {  	_ =	swait.ge [sflag:s31], $0x6400  }
0x28b: {  	[sflag:s31] =	ssyncset.done $0x0  }
0x28c: {  	[sflag:s31] =	ssyncadd.s32 $0xFFFF9C00  }
0x28d: {  	_ =	swait.ge [sflag:s3], $0x6400  }
0x28e: {  	[sflag:s3] =	ssyncset.done $0x0  }
0x28f: {  	s12 =	simm.s32 $0x6460;
	[sflag:s3] =	ssyncadd.s32 $0xFFFF9C00  }
0x290: {  	s7 =	sand.u32 $0x7FC0, s5;
	v1 =	vld [tilespmem:s12+$0x50]  }
0x291: {  	v2 =	vld [tilespmem:s7+$0x6480]  }
0x292: {  	v11 =	vld [tilespmem:s12+$0xFFFFFFB0]  }
0x293: {  	v8 =	vld [tilespmem:s12+$0xFFFFFFC0]  }
0x294: {  	v7 =	vld [tilespmem:s12+$0xFFFFFFD0]  }
0x295: {  	v9 =	vld [tilespmem:s12+$0xFFFFFFE0]  }
0x296: {  	v10 =	vld [tilespmem:s12+$0xFFFFFFF0]  }
0x297: {  	v15 =	vld [tilespmem:s12+$0x0]  }
0x298: {  	v18 =	vld [tilespmem:s12+$0x10]  }
0x299: {  	v19 =	vld [tilespmem:s12+$0x30]  }
0x29a: {  	s9 =	simm.s32 $0xC0;
	v23 =	vld [tilespmem:s12+$0x40]  }
0x29b: {  	s9 =	sand.u32 $0x7FC0, s9;
	v14 =	vld [tilespmem:s12+$0xFFFFFFA0];
	v3 =	vmul.f32 $1.000000000e+01, v1  }
0x29c: {  	s13 =	simm.s32 $0x6520;
	v40 =	vld [tilespmem:s9+$0x6480];
	v4 =	vmul.f32 $1.000000000e+01, v2;
	v5 =	vmul.f32 $1.000000000e+01, v11  }
0x29d: {  	v29 =	vld [tilespmem:s13+$0xFFFFFFB0];
	v6 =	vmul.f32 $1.000000000e+01, v8;
	v12 =	vmul.f32 $1.000000000e+01, v7  }
0x29e: {  	v13 =	vmul.f32 $1.000000000e+01, v9;
	v16 =	vmul.f32 $1.000000000e+01, v10  }
0x29f: {  	v17 =	vmul.f32 $1.000000000e+01, v15;
	v20 =	vmul.f32 $1.000000000e+01, v18  }
0x2a0: {  	v21 =	vmul.f32 $1.000000000e+01, v19;
	v22 =	vmul.f32 $1.000000000e+01, v23  }
0x2a1: {  	v24 =	vmul.f32 $1.000000000e+01, v14;
	v31 =	vmul.f32 $1.000000000e+01, v40  }
0x2a2: {  	v33 =	vmul.f32 $1.000000000e+01, v29;
	v3 =	vtrunc.f32 v3  }
0x2a3: {  	v4 =	vtrunc.f32 v4;
	v3 =	vcvt.f32.s32 v3  }
0x2a4: {  	v5 =	vtrunc.f32 v5;
	v4 =	vcvt.f32.s32 v4  }
0x2a5: {  	v6 =	vtrunc.f32 v6;
	v12 =	vtrunc.f32 v12;
	vm0 =	vgt.s32 v3, $0x0  }
0x2a6: {  	v13 =	vtrunc.f32 v13;
	vm1 =	vgt.s32 v4, $0x0;
	v3 =	vnsel vm0, $0x0, v3  }
0x2a7: {  	v16 =	vtrunc.f32 v16;
	v4 =	vnsel vm1, $0x0, v4;
	v3 =	vmin.u32 v3, $0x9  }
0x2a8: {  	v17 =	vtrunc.f32 v17;
	v24 =	vtrunc.f32 v24;
	v4 =	vmin.u32 v4, $0x9  }
0x2a9: {  	v20 =	vtrunc.f32 v20;
	v21 =	vtrunc.f32 v21  }
0x2aa: {  	v22 =	vtrunc.f32 v22;
	v44 =	vtrunc.f32 v33  }
0x2ab: {  	v24 =	vcvt.f32.s32 v24;
	v5 =	vcvt.f32.s32 v5  }
0x2ac: {  	v6 =	vcvt.f32.s32 v6;
	v12 =	vcvt.f32.s32 v12;
	v25 =	vld.idx.msk [tilespmem:v3+s25+$0x0], $0xffff  }
0x2ad: {  	v13 =	vcvt.f32.s32 v13;
	v16 =	vcvt.f32.s32 v16;
	v26 =	vld.idx.msk [tilespmem:v4+s25+$0x0], $0xffff  }
0x2ae: {  	v17 =	vcvt.f32.s32 v17;
	v20 =	vcvt.f32.s32 v20  }
0x2af: {  	v22 =	vcvt.f32.s32 v22;
	v44 =	vcvt.f32.s32 v44;
	vm3 =	vgt.s32 v12, $0x0  }
0x2b0: {  	v27 =	vld [tilespmem:s13+$0xFFFFFFD0];
	vm4 =	vgt.s32 v13, $0x0;
	vm5 =	vgt.s32 v16, $0x0;
	vm6 =	vgt.s32 v17, $0x0  }
0x2b1: {  	vm7 =	vgt.s32 v20, $0x0;
	vm0 =	vgt.s32 v24, $0x0;
	vm1 =	vle.f32 v1, v25  }
0x2b2: {  	vm2 =	vle.f32 v2, v26;
	v1 =	vcvt.f32.s32 v21;
	v2 =	vsel vm1, $0xFFFFFFFF, v0  }
0x2b3: {  	v21 =	vsel vm2, $0xFFFFFFFF, v0;
	vm1 =	vgt.s32 v5, $0x0;
	vm2 =	vgt.s32 v6, $0x0  }
0x2b4: {  	v30 =	vld [tilespmem:s13+$0xFFFFFFC0];
	v37 =	vadd.s32 v2, v3;
	v28 =	vadd.s32 v21, v4;
	vm8 =	vgt.s32 v1, $0x0  }
0x2b5: {  	v21 =	vld [tilespmem:s13+$0x50];
	v2 =	vnsel vm0, $0x0, v24;
	v3 =	vnsel vm1, $0x0, v5;
	v4 =	vnsel vm2, $0x0, v6;
	[tilespmem:$0x1FFC0] =	vst v27  }
0x2b6: {  	v6 =	vnsel vm4, $0x0, v13;
	v13 =	vnsel vm6, $0x0, v17;
	v17 =	vnsel vm8, $0x0, v1;
	v1 =	vld [tilespmem:s13+$0xFFFFFFE0]  }
0x2b7: {  	vm0 =	vgt.s32 v22, $0x0;
	v5 =	vnsel vm3, $0x0, v12;
	v24 =	vmin.u32 v2, $0x9;
	v2 =	vld [tilespmem:s13+$0xFFFFFFF0]  }
0x2b8: {  	v12 =	vnsel vm5, $0x0, v16;
	v39 =	vmin.u32 v3, $0x9;
	v36 =	vmin.u32 v4, $0x9;
	v4 =	vld [tilespmem:s13+$0x0]  }
0x2b9: {  	v26 =	vmin.u32 v6, $0x9;
	v3 =	vld [tilespmem:s13+$0x10];
	v6 =	vtrunc.f32 v31;
	v32 =	vmin.u32 v12, $0x9  }
0x2ba: {  	v12 =	vmul.f32 $1.000000000e+01, v30;
	v31 =	vmin.u32 v13, $0x9;
	v13 =	vmul.f32 $1.000000000e+01, v27;
	v38 =	vld [tilespmem:s13+$0xFFFFFFA0]  }
0x2bb: {  	v16 =	vnsel vm7, $0x0, v20;
	v20 =	vnsel vm0, $0x0, v22;
	v34 =	vcvt.f32.s32 v6;
	v6 =	vld [tilespmem:s13+$0x30]  }
0x2bc: {  	v25 =	vmin.u32 v5, $0x9;
	v12 =	vtrunc.f32 v12;
	v13 =	vtrunc.f32 v13  }
0x2bd: {  	v33 =	vmin.u32 v16, $0x9;
	v22 =	vmul.f32 $1.000000000e+01, v21;
	v35 =	vmul.f32 $1.000000000e+01, v1  }
0x2be: {  	vm1 =	vgt.s32 v34, $0x0;
	v41 =	vmul.f32 $1.000000000e+01, v2;
	v42 =	vmul.f32 $1.000000000e+01, v4  }
0x2bf: {  	v34 =	vnsel vm1, $0x0, v34;
	v45 =	vmul.f32 $1.000000000e+01, v3;
	v47 =	vld.idx.msk [tilespmem:v39+s25+$0x0], $0xffff;
	v50 =	vmul.f32 $1.000000000e+01, v38  }
0x2c0: {  	v46 =	vmin.u32 v34, $0x9;
	v16 =	vld.idx.msk [tilespmem:v36+s25+$0x0], $0xffff;
	v5 =	vtrunc.f32 v22;
	v48 =	vmul.f32 $1.000000000e+01, v6  }
0x2c1: {  	v34 =	vmin.u32 v17, $0x9;
	v17 =	vld.idx.msk [tilespmem:v25+s25+$0x0], $0xffff;
	v22 =	vcvt.f32.s32 v5;
	v51 =	vtrunc.f32 v35  }
0x2c2: {  	v43 =	vld.idx.msk [tilespmem:v24+s25+$0x0], $0xffff;
	v35 =	vmin.u32 v20, $0x9;
	v20 =	vtrunc.f32 v41;
	v55 =	vtrunc.f32 v42  }
0x2c3: {  	v62 =	vld.idx.msk [tilespmem:v31+s25+$0x0], $0xffff;
	v50 =	vtrunc.f32 v50;
	v45 =	vtrunc.f32 v45;
	vm0 =	vgt.s32 v22, $0x0  }
0x2c4: {  	v5 =	vld [tilespmem:s13+$0x40];
	v57 =	vtrunc.f32 v48;
	v22 =	vnsel vm0, $0x0, v22;
	vm1 =	vle.f32 v11, v47  }
0x2c5: {  	v11 =	vcvt.f32.s32 v50;
	vm2 =	vle.f32 v8, v16;
	v8 =	vcvt.f32.s32 v12  }
0x2c6: {  	v12 =	vcvt.f32.s32 v13;
	vm3 =	vle.f32 v7, v17;
	v7 =	vcvt.f32.s32 v51  }
0x2c7: {  	vm0 =	vle.f32 v14, v43;
	v13 =	vcvt.f32.s32 v20;
	v16 =	vcvt.f32.s32 v55  }
0x2c8: {  	v17 =	vcvt.f32.s32 v45;
	vm15 =	vle.f32 v15, v62;
	v22 =	vmin.u32 v22, $0x9  }
0x2c9: {  	v14 =	vld.idx.msk [tilespmem:v46+s25+$0x0], $0xffff;
	v47 =	vsel vm15, $0xFFFFFFFF, v0;
	v49 =	vmul.f32 $1.000000000e+01, v5;
	vm4 =	vgt.s32 v11, $0x0  }
0x2ca: {  	s10 =	simm.s32 $0x65E0;
	v54 =	vld.idx.msk [tilespmem:v34+s25+$0x0], $0xffff;
	vm6 =	vgt.s32 v8, $0x0;
	vm7 =	vgt.s32 v12, $0x0;
	vm8 =	vgt.s32 v7, $0x0  }
0x2cb: {  	v51 =	vld [tilespmem:s10+$0x50];
	vm9 =	vgt.s32 v13, $0x0;
	vm10 =	vgt.s32 v16, $0x0;
	vm11 =	vgt.s32 v17, $0x0  }
0x2cc: {  	v15 =	vld [tilespmem:s10+$0xFFFFFFE0];
	v31 =	vadd.s32 v47, v31;
	v11 =	vnsel vm4, $0x0, v11;
	v8 =	vnsel vm6, $0x0, v8  }
0x2cd: {  	v12 =	vnsel vm7, $0x0, v12;
	v7 =	vnsel vm8, $0x0, v7;
	v13 =	vnsel vm9, $0x0, v13  }
0x2ce: {  	v60 =	vld.idx.msk [tilespmem:v26+s25+$0x0], $0xffff;
	v55 =	vnsel vm10, $0x0, v16;
	v58 =	vtrunc.f32 v49;
	v16 =	vmin.u32 v7, $0x9  }
0x2cf: {  	v37 =	vld.idx.msk [tilespmem:v37+s23+$0x0], $0xffff;
	vm14 =	vle.f32 v40, v14;
	v14 =	vcvt.f32.s32 v57;
	v59 =	vcvt.f32.s32 v58  }
0x2d0: {  	v61 =	vld.idx.msk [tilespmem:v32+s25+$0x0], $0xffff;
	vm13 =	vle.f32 v19, v54;
	v58 =	vsel vm1, $0xFFFFFFFF, v0;
	v52 =	vmul.f32 $1.000000000e+01, v51  }
0x2d1: {  	v56 =	vld.idx.msk [tilespmem:v22+s25+$0x0], $0xffff;
	v50 =	vsel vm13, $0xFFFFFFFF, v0;
	v39 =	vadd.s32 v58, v39;
	v58 =	vmul.f32 $1.000000000e+01, v15  }
0x2d2: {  	s14 =	simm.s32 $0x180;
	v57 =	vld.idx.msk [tilespmem:v35+s25+$0x0], $0xffff;
	vm12 =	vgt.s32 v14, $0x0;
	vm4 =	vgt.s32 v59, $0x0;
	v62 =	vtrunc.f32 v52  }
0x2d3: {  	s6 =	sand.u32 $0x7FC0, s14;
	v63 =	vld.idx.msk [tilespmem:v33+s25+$0x0], $0xffff;
	v50 =	vadd.s32 v50, v34;
	v40 =	vnsel vm4, $0x0, v59;
	vm4 =	vle.f32 v9, v60  }
0x2d4: {  	v48 =	vld [tilespmem:s6+$0x6480];
	v59 =	vsel vm2, $0xFFFFFFFF, v0;
	v60 =	vsel vm3, $0xFFFFFFFF, v0;
	v58 =	vtrunc.f32 v58  }
0x2d5: {  	v19 =	vld [tilespmem:s10+$0x0];
	v7 =	vmin.u32 v40, $0x9;
	v43 =	vadd.s32 v59, v36;
	v36 =	vcvt.f32.s32 v62  }
0x2d6: {  	v9 =	vld [tilespmem:s10+$0xFFFFFFD0];
	v58 =	vcvt.f32.s32 v58;
	vm5 =	vle.f32 v21, v56;
	v21 =	vsel vm14, $0xFFFFFFFF, v0  }
0x2d7: {  	vm14 =	vle.f32 v23, v57;
	v23 =	vsel vm0, $0xFFFFFFFF, v0;
	v39 =	vld.idx.msk [tilespmem:v39+s23+$0x0], $0xffff;
	v42 =	vadd.s32 v21, v46  }
0x2d8: {  	v21 =	vmin.u32 v11, $0x9;
	v11 =	vnsel vm12, $0x0, v14;
	vm12 =	vle.f32 v18, v63;
	v18 =	vld [tilespmem:s10+$0xFFFFFFF0]  }
0x2d9: {  	v20 =	vsel vm5, $0xFFFFFFFF, v0;
	vm5 =	vgt.s32 v44, $0x0;
	v53 =	vadd.s32 v23, v24;
	v23 =	vld [tilespmem:s10+$0x10]  }
0x2da: {  	v41 =	vadd.s32 v20, v22;
	v20 =	vnsel vm5, $0x0, v44;
	vm5 =	vle.f32 v10, v61;
	v10 =	vld [tilespmem:s10+$0xFFFFFFC0]  }
0x2db: {  	v56 =	vnsel vm11, $0x0, v17;
	v24 =	vmul.f32 $1.000000000e+01, v48;
	v44 =	vadd.s32 v60, v25;
	v25 =	vld [tilespmem:s10+$0x40]  }
0x2dc: {  	v14 =	vmin.u32 v13, $0x9;
	v22 =	vmin.u32 v20, $0x9;
	v20 =	vmin.u32 v8, $0x9;
	v8 =	vld [tilespmem:s10+$0xFFFFFFB0]  }
0x2dd: {  	v13 =	vmin.u32 v55, $0x9;
	v61 =	vsel vm4, $0xFFFFFFFF, v0;
	v63 =	vtrunc.f32 v24;
	v24 =	vld [tilespmem:s10+$0x30]  }
0x2de: {  	v17 =	vmin.u32 v12, $0x9;
	vm0 =	vgt.s32 v36, $0x0;
	v45 =	vadd.s32 v61, v26;
	v26 =	vld [tilespmem:s10+$0xFFFFFFA0]  }
0x2df: {  	vm8 =	vgt.s32 v58, $0x0;
	v12 =	vmin.u32 v56, $0x9;
	v57 =	vmul.f32 $1.000000000e+01, v9;
	v55 =	vld.idx.msk [tilespmem:v21+s25+$0x0], $0xffff  }
0x2e0: {  	v36 =	vnsel vm0, $0x0, v36;
	v49 =	vsel vm12, $0xFFFFFFFF, v0;
	v46 =	vsel vm5, $0xFFFFFFFF, v0;
	v43 =	vld.idx.msk [tilespmem:v43+s23+$0x0], $0xffff  }
0x2e1: {  	v49 =	vadd.s32 v49, v33;
	v52 =	vcvt.f32.s32 v63;
	v57 =	vtrunc.f32 v57;
	v42 =	vld.idx.msk [tilespmem:v42+s23+$0x0], $0xffff  }
0x2e2: {  	v46 =	vadd.s32 v46, v32;
	v57 =	vcvt.f32.s32 v57;
	v59 =	vmul.f32 $1.000000000e+01, v18;
	v33 =	vld.idx.msk [tilespmem:v13+s25+$0x0], $0xffff  }
0x2e3: {  	vm1 =	vgt.s32 v52, $0x0;
	v56 =	vmul.f32 $1.000000000e+01, v10;
	v40 =	vmul.f32 $1.000000000e+01, v8;
	v60 =	vld.idx.msk [tilespmem:v22+s25+$0x0], $0xffff  }
0x2e4: {  	vm0 =	vle.f32 v38, v55;
	v38 =	vld.idx.msk [tilespmem:v28+s23+$0x0], $0xffff;
	v28 =	vnsel vm1, $0x0, v52;
	v52 =	vmin.u32 v36, $0x9  }
0x2e5: {  	v61 =	vld.idx.msk [tilespmem:v20+s25+$0x0], $0xffff;
	v32 =	vmul.f32 $1.000000000e+01, v24;
	v47 =	vtrunc.f32 v59;
	v62 =	vmin.u32 v28, $0x9  }
0x2e6: {  	v54 =	vsel vm14, $0xFFFFFFFF, v0;
	v34 =	vld.idx.msk [tilespmem:v12+s25+$0x0], $0xffff;
	v56 =	vtrunc.f32 v56;
	v36 =	vtrunc.f32 v40  }
0x2e7: {  	v11 =	vmin.u32 v11, $0x9;
	v47 =	vcvt.f32.s32 v47;
	v27 =	vcvt.f32.s32 v36;
	v36 =	vld [tilespmem:$0x1FFC0]  }
0x2e8: {  	v63 =	vtrunc.f32 v32;
	v56 =	vcvt.f32.s32 v56;
	vm1 =	vle.f32 v29, v60;
	v60 =	vld.idx.msk [tilespmem:v17+s25+$0x0], $0xffff  }
0x2e9: {  	v54 =	vadd.s32 v54, v35;
	v55 =	vmul.f32 $1.000000000e+01, v19;
	v40 =	vmul.f32 $1.000000000e+01, v23;
	v59 =	vld.idx.msk [tilespmem:v52+s25+$0x0], $0xffff  }
0x2ea: {  	v29 =	vmul.f32 $1.000000000e+01, v25;
	vm2 =	vle.f32 v30, v61;
	v30 =	vmul.f32 $1.000000000e+01, v26;
	v61 =	vld.idx.msk [tilespmem:v62+s25+$0x0], $0xffff  }
0x2eb: {  	v53 =	vld.idx.msk [tilespmem:v53+s23+$0x0], $0xffff;
	vm7 =	vgt.s32 v57, $0x0;
	v55 =	vtrunc.f32 v55;
	v40 =	vtrunc.f32 v40  }
0x2ec: {  	v41 =	vld.idx.msk [tilespmem:v41+s23+$0x0], $0xffff;
	vm9 =	vgt.s32 v47, $0x0;
	v55 =	vcvt.f32.s32 v55;
	v40 =	vcvt.f32.s32 v40  }
0x2ed: {  	v35 =	vld.idx.msk [tilespmem:v11+s25+$0x0], $0xffff;
	vm6 =	vgt.s32 v56, $0x0;
	v30 =	vtrunc.f32 v30;
	v29 =	vtrunc.f32 v29  }
0x2ee: {  	v32 =	vld.idx.msk [tilespmem:v14+s25+$0x0], $0xffff;
	v30 =	vcvt.f32.s32 v30;
	v29 =	vcvt.f32.s32 v29;
	vm5 =	vle.f32 v51, v59  }
0x2ef: {  	v28 =	vld.idx.msk [tilespmem:v16+s25+$0x0], $0xffff;
	vm3 =	vle.f32 v36, v60;
	vm15 =	vle.f32 v48, v61;
	v60 =	vsel vm5, $0xFFFFFFFF, v0  }
0x2f0: {  	s10 =	simm.s32 $0x12C60;
	[tilespmem:s7+$0x12C80] =	vst v38;
	v38 =	vld.idx.msk [tilespmem:v44+s23+$0x0], $0xffff;
	vm10 =	vgt.s32 v55, $0x0;
	v61 =	vsel vm15, $0xFFFFFFFF, v0;
	v48 =	vadd.s32 v60, v52  }
0x2f1: {  	[tilespmem:s10+$0x50] =	vst v37;
	vm11 =	vgt.s32 v40, $0x0;
	v36 =	vld.idx.msk [tilespmem:v7+s25+$0x0], $0xffff;
	v51 =	vcvt.f32.s32 v63;
	v63 =	vadd.s32 v61, v62  }
0x2f2: {  	[tilespmem:s9+$0x12C80] =	vst v42;
	v55 =	vnsel vm10, $0x0, v55;
	vm4 =	vgt.s32 v30, $0x0;
	v59 =	vld.idx.msk [tilespmem:v46+s23+$0x0], $0xffff;
	v46 =	vnsel vm7, $0x0, v57  }
0x2f3: {  	[tilespmem:s10+$0xFFFFFFB0] =	vst v39;
	v30 =	vnsel vm4, $0x0, v30;
	vm4 =	vgt.s32 v29, $0x0;
	v39 =	vmin.u32 v46, $0x9;
	v46 =	vld.idx.msk [tilespmem:v50+s23+$0x0], $0xffff  }
0x2f4: {  	[tilespmem:s10+$0xFFFFFFA0] =	vst v53;
	v42 =	vmin.u32 v30, $0x9;
	vm5 =	vgt.s32 v27, $0x0;
	vm12 =	vgt.s32 v51, $0x0;
	v52 =	vld.idx.msk [tilespmem:v45+s23+$0x0], $0xffff  }
0x2f5: {  	[tilespmem:s10+$0xFFFFFFC0] =	vst v43;
	s7 =	simm.s32 $0x12D20;
	v27 =	vnsel vm5, $0x0, v27;
	v45 =	vnsel vm6, $0x0, v56;
	v60 =	vnsel vm8, $0x0, v58;
	v44 =	vld.idx.msk [tilespmem:v48+s23+$0x0], $0xffff  }
0x2f6: {  	[tilespmem:s7+$0x50] =	vst v41;
	v61 =	vnsel vm9, $0x0, v47;
	v62 =	vnsel vm11, $0x0, v40;
	v51 =	vnsel vm12, $0x0, v51;
	v48 =	vld.idx.msk [tilespmem:v63+s23+$0x0], $0xffff  }
0x2f7: {  	[tilespmem:s10+$0xFFFFFFD0] =	vst v38;
	v47 =	vld.idx.msk [tilespmem:v31+s23+$0x0], $0xffff;
	v41 =	vmin.u32 v27, $0x9;
	v40 =	vmin.u32 v45, $0x9;
	v38 =	vmin.u32 v60, $0x9  }
0x2f8: {  	s11 =	simm.s32 $0x18;
	v45 =	vld.idx.msk [tilespmem:v49+s23+$0x0], $0xffff;
	v31 =	vmin.u32 v55, $0x9;
	v37 =	vmin.u32 v61, $0x9;
	[tilespmem:s10+$0xFFFFFFF0] =	vst v59;
	v63 =	vnsel vm4, $0x0, v29  }
0x2f9: {  	s12 =	simm.s32 $0x66A0;
	s13 =	simm.s32 $0x240;
	s9 =	simm.s32 $0x12DE0;
	v49 =	vld.idx.msk [tilespmem:v54+s23+$0x0], $0xffff;
	v30 =	vmin.u32 v62, $0x9;
	[tilespmem:s10+$0xFFFFFFE0] =	vst v52;
	v29 =	vmin.u32 v51, $0x9;
	v27 =	vmin.u32 v63, $0x9  }
.LBB2_14:
0x2fa: {  	s14 =	sand.u32 $0x7FC0, s13;
	v43 =	vld [tilespmem:s12+$0x50];
	s11 =	sadd.s32 $0xC, s11;
	[tilespmem:s9+$0x50] =	vst v44;
	vm4 =	vle.f32 v1, v28;
	vm5 =	vle.f32 v2, v32;
	vm6 =	vle.f32 v4, v33  }
0x2fb: {  	vm7 =	vle.f32 v3, v34;
	vm8 =	vle.f32 v6, v35;
	vm9 =	vle.f32 v5, v36;
	v44 =	vld [tilespmem:s14+$0x6480];
	p0 =	slt.u32 s11, $0x630;
	[tilespmem:s6+$0x12C80] =	vst v48;
	s6 =	smov.u32 s14  }
0x2fc: {  	v28 =	vsel vm0, $0xFFFFFFFF, v0;
	v32 =	vsel vm1, $0xFFFFFFFF, v0;
	v34 =	vsel vm2, $0xFFFFFFFF, v0;
	v1 =	vmovc v15;
	v2 =	vmovc v18;
	v33 =	vld [tilespmem:s12+$0xFFFFFFB0];
	[tilespmem:s10+$0x0] =	vst v47  }
0x2fd: {  	v36 =	vsel vm3, $0xFFFFFFFF, v0;
	v4 =	vmovc v19;
	v3 =	vmovc v23;
	v48 =	vsel vm5, $0xFFFFFFFF, v0;
	v47 =	vsel vm4, $0xFFFFFFFF, v0;
	v35 =	vld [tilespmem:s12+$0xFFFFFFC0];
	[tilespmem:s10+$0x10] =	vst v45  }
0x2fe: {  	v6 =	vmovc v24;
	v5 =	vmovc v25;
	v50 =	vsel vm6, $0xFFFFFFFF, v0;
	v51 =	vsel vm7, $0xFFFFFFFF, v0;
	v52 =	vsel vm8, $0xFFFFFFFF, v0;
	v45 =	vld [tilespmem:s12+$0xFFFFFFD0];
	[tilespmem:s10+$0x30] =	vst v46  }
0x2ff: {  	v53 =	vsel vm9, $0xFFFFFFFF, v0;
	v46 =	vadd.s32 v28, v21;
	v21 =	vmovc v42;
	v15 =	vld [tilespmem:s12+$0xFFFFFFE0];
	v23 =	vmul.f32 $1.000000000e+01, v43;
	[tilespmem:s10+$0x40] =	vst v49;
	s10 =	smov.u32 s7;
	s7 =	smov.u32 s9  }
0x300: {  	v42 =	vadd.s32 v32, v22;
	v22 =	vmovc v41;
	v49 =	vadd.s32 v34, v20;
	v20 =	vmovc v40;
	v18 =	vld [tilespmem:s12+$0xFFFFFFF0];
	v24 =	vmul.f32 $1.000000000e+01, v44  }
0x301: {  	v40 =	vadd.s32 v36, v17;
	v17 =	vmovc v39;
	v28 =	vmul.f32 $1.000000000e+01, v33;
	v19 =	vld [tilespmem:s12+$0x0];
	v25 =	vtrunc.f32 v23  }
0x302: {  	v39 =	vadd.s32 v47, v16;
	v16 =	vmovc v38;
	v23 =	vld [tilespmem:s12+$0x10];
	v24 =	vtrunc.f32 v24;
	v32 =	vcvt.f32.s32 v25  }
0x303: {  	v38 =	vadd.s32 v48, v14;
	v14 =	vmovc v37;
	v34 =	vmul.f32 $1.000000000e+01, v35;
	v36 =	vcvt.f32.s32 v24;
	v24 =	vld [tilespmem:s12+$0x30]  }
0x304: {  	v37 =	vmul.f32 $1.000000000e+01, v45;
	v41 =	vmul.f32 $1.000000000e+01, v15;
	v25 =	vld [tilespmem:s12+$0x40];
	vm0 =	vgt.s32 v32, $0x0  }
0x305: {  	v47 =	vld [tilespmem:s12+$0xFFFFFFA0];
	v48 =	vmul.f32 $1.000000000e+01, v18;
	vm1 =	vgt.s32 v36, $0x0;
	v32 =	vnsel vm0, $0x0, v32  }
0x306: {  	v54 =	vmul.f32 $1.000000000e+01, v19;
	v36 =	vnsel vm1, $0x0, v36;
	v55 =	vmin.u32 v32, $0x9;
	v32 =	vld.idx.msk [tilespmem:v21+s25+$0x0], $0xffff  }
0x307: {  	v56 =	vtrunc.f32 v28;
	v57 =	vmul.f32 $1.000000000e+01, v23;
	v58 =	vmin.u32 v36, $0x9;
	v36 =	vld.idx.msk [tilespmem:v22+s25+$0x0], $0xffff  }
0x308: {  	v50 =	vadd.s32 v50, v13;
	v13 =	vmovc v31;
	v34 =	vtrunc.f32 v34;
	v59 =	vmul.f32 $1.000000000e+01, v24;
	v60 =	vld.idx.msk [tilespmem:v20+s25+$0x0], $0xffff  }
0x309: {  	v51 =	vadd.s32 v51, v12;
	v12 =	vmovc v30;
	v31 =	vtrunc.f32 v37;
	v37 =	vmul.f32 $1.000000000e+01, v25;
	v61 =	vld.idx.msk [tilespmem:v17+s25+$0x0], $0xffff  }
0x30a: {  	v52 =	vadd.s32 v52, v11;
	v11 =	vmovc v29;
	v41 =	vtrunc.f32 v41;
	v30 =	vmul.f32 $1.000000000e+01, v47;
	v28 =	vld.idx.msk [tilespmem:v16+s25+$0x0], $0xffff  }
0x30b: {  	v53 =	vadd.s32 v53, v7;
	v7 =	vmovc v27;
	v29 =	vtrunc.f32 v48;
	v48 =	vtrunc.f32 v54;
	v54 =	vld.idx.msk [tilespmem:v55+s25+$0x0], $0xffff  }
0x30c: {  	vm0 =	vle.f32 v26, v32;
	v26 =	vmovc v47;
	v27 =	vtrunc.f32 v30;
	v30 =	vtrunc.f32 v57;
	v57 =	vld.idx.msk [tilespmem:v58+s25+$0x0], $0xffff  }
0x30d: {  	v47 =	vtrunc.f32 v59;
	v37 =	vtrunc.f32 v37;
	vm1 =	vle.f32 v8, v36;
	v8 =	vmovc v33;
	v32 =	vld.idx.msk [tilespmem:v14+s25+$0x0], $0xffff  }
0x30e: {  	v56 =	vcvt.f32.s32 v56;
	v27 =	vcvt.f32.s32 v27;
	vm2 =	vle.f32 v10, v60;
	v10 =	vmovc v35;
	v33 =	vld.idx.msk [tilespmem:v13+s25+$0x0], $0xffff  }
0x30f: {  	v31 =	vcvt.f32.s32 v31;
	v59 =	vcvt.f32.s32 v34;
	vm3 =	vle.f32 v9, v61;
	v9 =	vmovc v45;
	v34 =	vld.idx.msk [tilespmem:v12+s25+$0x0], $0xffff  }
0x310: {  	v41 =	vcvt.f32.s32 v41;
	v29 =	vcvt.f32.s32 v29;
	vm4 =	vgt.s32 v27, $0x0;
	v35 =	vld.idx.msk [tilespmem:v11+s25+$0x0], $0xffff  }
0x311: {  	v30 =	vcvt.f32.s32 v30;
	v45 =	vcvt.f32.s32 v48;
	vm5 =	vle.f32 v43, v54;
	v36 =	vld.idx.msk [tilespmem:v7+s25+$0x0], $0xffff  }
0x312: {  	v43 =	vcvt.f32.s32 v47;
	vm6 =	vle.f32 v44, v57;
	v44 =	vsel vm5, $0xFFFFFFFF, v0;
	v46 =	vld.idx.msk [tilespmem:v46+s23+$0x0], $0xffff  }
0x313: {  	v37 =	vcvt.f32.s32 v37;
	v47 =	vsel vm6, $0xFFFFFFFF, v0;
	v44 =	vadd.s32 v44, v55;
	v42 =	vld.idx.msk [tilespmem:v42+s23+$0x0], $0xffff  }
0x314: {  	vm5 =	vgt.s32 v56, $0x0;
	vm6 =	vgt.s32 v59, $0x0;
	v47 =	vadd.s32 v47, v58;
	v49 =	vld.idx.msk [tilespmem:v49+s23+$0x0], $0xffff  }
0x315: {  	vm7 =	vgt.s32 v31, $0x0;
	vm8 =	vgt.s32 v41, $0x0;
	vm9 =	vgt.s32 v29, $0x0;
	v54 =	vld.idx.msk [tilespmem:v40+s23+$0x0], $0xffff  }
0x316: {  	vm11 =	vgt.s32 v30, $0x0;
	vm10 =	vgt.s32 v45, $0x0;
	vm12 =	vgt.s32 v43, $0x0;
	v55 =	vld.idx.msk [tilespmem:v39+s23+$0x0], $0xffff  }
0x317: {  	v27 =	vnsel vm4, $0x0, v27;
	vm4 =	vgt.s32 v37, $0x0;
	v39 =	vnsel vm5, $0x0, v56;
	v56 =	vld.idx.msk [tilespmem:v38+s23+$0x0], $0xffff  }
0x318: {  	v31 =	vnsel vm7, $0x0, v31;
	v57 =	vnsel vm8, $0x0, v41;
	v38 =	vnsel vm6, $0x0, v59;
	v44 =	vld.idx.msk [tilespmem:v44+s23+$0x0], $0xffff;
	[tilespmem:s10+$0xFFFFFFA0] =	vst v46  }
.Ltmp6:
0x319: {  	v29 =	vnsel vm9, $0x0, v29;
	v30 =	vnsel vm11, $0x0, v30;
	v46 =	vnsel vm10, $0x0, v45;
	v48 =	vld.idx.msk [tilespmem:v47+s23+$0x0], $0xffff;
	[tilespmem:s10+$0xFFFFFFB0] =	vst v42;
	(pc) =	sbr.rel @p0 .LBB2_14-.Ltmp6, $4  }
0x31a: {  	v42 =	vmin.u32 v27, $0x9;
	v27 =	vnsel vm12, $0x0, v43;
	v43 =	vnsel vm4, $0x0, v37;
	[tilespmem:s10+$0xFFFFFFC0] =	vst v49;
	v47 =	vld.idx.msk [tilespmem:v50+s23+$0x0], $0xffff  }
0x31b: {  	v41 =	vmin.u32 v39, $0x9;
	v39 =	vmin.u32 v31, $0x9;
	v40 =	vmin.u32 v38, $0x9;
	[tilespmem:s10+$0xFFFFFFD0] =	vst v54;
	v45 =	vld.idx.msk [tilespmem:v51+s23+$0x0], $0xffff  }
0x31c: {  	v38 =	vmin.u32 v57, $0x9;
	v37 =	vmin.u32 v29, $0x9;
	v31 =	vmin.u32 v46, $0x9;
	[tilespmem:s10+$0xFFFFFFE0] =	vst v55;
	v46 =	vld.idx.msk [tilespmem:v52+s23+$0x0], $0xffff  }
0x31d: {  	s13 =	sadd.s32 $0xC0, s13;
	s9 =	sadd.s32 $0xC0, s9;
	s12 =	sadd.s32 $0xC0, s12;
	v30 =	vmin.u32 v30, $0x9;
	v29 =	vmin.u32 v27, $0x9;
	v27 =	vmin.u32 v43, $0x9;
	[tilespmem:s10+$0xFFFFFFF0] =	vst v56;
	v49 =	vld.idx.msk [tilespmem:v53+s23+$0x0], $0xffff  }
0x31e: {  	_ =	sdelay $0x3  }
0x31f: {  	v43 =	vld.idx.msk [tilespmem:v42+s25+$0x0], $0xffff  }
0x320: {  	v50 =	vld.idx.msk [tilespmem:v41+s25+$0x0], $0xffff  }
0x321: {  	v51 =	vld.idx.msk [tilespmem:v40+s25+$0x0], $0xffff  }
0x322: {  	v52 =	vld.idx.msk [tilespmem:v39+s25+$0x0], $0xffff  }
0x323: {  	v53 =	vsel vm0, $0xFFFFFFFF, v0;
	v54 =	vld.idx.msk [tilespmem:v38+s25+$0x0], $0xffff  }
0x324: {  	v55 =	vsel vm1, $0xFFFFFFFF, v0;
	v56 =	vsel vm2, $0xFFFFFFFF, v0;
	v60 =	vld.idx.msk [tilespmem:v31+s25+$0x0], $0xffff;
	v21 =	vadd.s32 v53, v21  }
0x325: {  	vm12 =	vle.f32 v1, v28;
	v1 =	vsel vm3, $0xFFFFFFFF, v0;
	v61 =	vld.idx.msk [tilespmem:v30+s25+$0x0], $0xffff;
	v22 =	vadd.s32 v55, v22  }
0x326: {  	vm13 =	vle.f32 v2, v32;
	v62 =	vld.idx.msk [tilespmem:v29+s25+$0x0], $0xffff;
	vm14 =	vle.f32 v4, v33;
	v20 =	vadd.s32 v56, v20  }
0x327: {  	v32 =	vld.idx.msk [tilespmem:v27+s25+$0x0], $0xffff;
	vm15 =	vle.f32 v3, v34;
	v2 =	vsel vm12, $0xFFFFFFFF, v0;
	v1 =	vadd.s32 v1, v17  }
0x328: {  	[tilespmem:s9+$0x50] =	vst v44;
	vm4 =	vle.f32 v6, v35;
	v53 =	vld.idx.msk [tilespmem:v37+s25+$0x0], $0xffff;
	v63 =	vsel vm13, $0xFFFFFFFF, v0;
	v2 =	vadd.s32 v2, v16  }
0x329: {  	[tilespmem:s6+$0x12C80] =	vst v48;
	vm5 =	vle.f32 v5, v36;
	v33 =	vsel vm14, $0xFFFFFFFF, v0;
	v3 =	vadd.s32 v63, v14;
	v34 =	vld.idx.msk [tilespmem:v21+s23+$0x0], $0xffff  }
0x32a: {  	[tilespmem:s10+$0x0] =	vst v47;
	v35 =	vsel vm15, $0xFFFFFFFF, v0;
	v48 =	vsel vm5, $0xFFFFFFFF, v0;
	v4 =	vadd.s32 v33, v13;
	v44 =	vld.idx.msk [tilespmem:v22+s23+$0x0], $0xffff  }
0x32b: {  	[tilespmem:s10+$0x10] =	vst v45;
	v45 =	vsel vm4, $0xFFFFFFFF, v0;
	v6 =	vadd.s32 v35, v12;
	v7 =	vadd.s32 v48, v7;
	v47 =	vld.idx.msk [tilespmem:v20+s23+$0x0], $0xffff  }
0x32c: {  	[tilespmem:s10+$0x30] =	vst v46;
	v5 =	vadd.s32 v45, v11;
	vm6 =	vle.f32 v26, v43;
	v1 =	vld.idx.msk [tilespmem:v1+s23+$0x0], $0xffff  }
0x32d: {  	[tilespmem:s10+$0x40] =	vst v49;
	vm7 =	vle.f32 v8, v50;
	vm8 =	vle.f32 v10, v51;
	v50 =	vsel vm6, $0xFFFFFFFF, v0;
	v2 =	vld.idx.msk [tilespmem:v2+s23+$0x0], $0xffff  }
0x32e: {  	vm9 =	vle.f32 v9, v52;
	v56 =	vsel vm7, $0xFFFFFFFF, v0;
	v3 =	vld.idx.msk [tilespmem:v3+s23+$0x0], $0xffff;
	v8 =	vadd.s32 v50, v42;
	[tilespmem:s7+$0xFFFFFFA0] =	vst v34  }
0x32f: {  	vm10 =	vle.f32 v15, v54;
	v57 =	vsel vm8, $0xFFFFFFFF, v0;
	v4 =	vld.idx.msk [tilespmem:v4+s23+$0x0], $0xffff;
	v10 =	vadd.s32 v56, v41;
	[tilespmem:s7+$0xFFFFFFB0] =	vst v44  }
0x330: {  	vm12 =	vle.f32 v19, v60;
	v58 =	vsel vm9, $0xFFFFFFFF, v0;
	v6 =	vld.idx.msk [tilespmem:v6+s23+$0x0], $0xffff;
	v9 =	vadd.s32 v57, v40;
	[tilespmem:s7+$0xFFFFFFC0] =	vst v47  }
0x331: {  	vm11 =	vle.f32 v18, v53;
	v59 =	vsel vm10, $0xFFFFFFFF, v0;
	v11 =	vadd.s32 v58, v39;
	[tilespmem:s7+$0xFFFFFFD0] =	vst v1;
	v1 =	vld.idx.msk [tilespmem:v5+s23+$0x0], $0xffff  }
0x332: {  	vm13 =	vle.f32 v23, v61;
	v60 =	vsel vm11, $0xFFFFFFFF, v0;
	v5 =	vadd.s32 v59, v38;
	[tilespmem:s7+$0xFFFFFFE0] =	vst v2;
	v2 =	vld.idx.msk [tilespmem:v7+s23+$0x0], $0xffff  }
0x333: {  	vm14 =	vle.f32 v24, v62;
	v61 =	vsel vm13, $0xFFFFFFFF, v0;
	[tilespmem:s7+$0xFFFFFFF0] =	vst v3;
	v7 =	vadd.s32 v60, v37;
	v8 =	vld.idx.msk [tilespmem:v8+s23+$0x0], $0xffff  }
0x334: {  	v62 =	vsel vm14, $0xFFFFFFFF, v0;
	[tilespmem:s7+$0x0] =	vst v4;
	v10 =	vld.idx.msk [tilespmem:v10+s23+$0x0], $0xffff;
	v4 =	vadd.s32 v61, v30  }
0x335: {  	vm15 =	vle.f32 v25, v32;
	v3 =	vsel vm12, $0xFFFFFFFF, v0;
	[tilespmem:s7+$0x10] =	vst v6;
	v9 =	vld.idx.msk [tilespmem:v9+s23+$0x0], $0xffff;
	v6 =	vadd.s32 v62, v29  }
0x336: {  	v11 =	vld.idx.msk [tilespmem:v11+s23+$0x0], $0xffff;
	v3 =	vadd.s32 v3, v31;
	[tilespmem:s7+$0x30] =	vst v1;
	v1 =	vsel vm15, $0xFFFFFFFF, v0  }
0x337: {  	[tilespmem:s7+$0x40] =	vst v2;
	v1 =	vadd.s32 v1, v27;
	v2 =	vld.idx.msk [tilespmem:v5+s23+$0x0], $0xffff  }
0x338: {  	v63 =	vld.idx.msk [tilespmem:v7+s23+$0x0], $0xffff;
	[tilespmem:s9+$0xFFFFFFA0] =	vst v8  }
0x339: {  	[tilespmem:s9+$0xFFFFFFB0] =	vst v10;
	v4 =	vld.idx.msk [tilespmem:v4+s23+$0x0], $0xffff  }
0x33a: {  	[tilespmem:s9+$0xFFFFFFC0] =	vst v9;
	v6 =	vld.idx.msk [tilespmem:v6+s23+$0x0], $0xffff  }
0x33b: {  	[tilespmem:s9+$0xFFFFFFD0] =	vst v11;
	v3 =	vld.idx.msk [tilespmem:v3+s23+$0x0], $0xffff  }
0x33c: {  	[tilespmem:s9+$0xFFFFFFE0] =	vst v2;
	v1 =	vld.idx.msk [tilespmem:v1+s23+$0x0], $0xffff  }
0x33d: {  	[tilespmem:s9+$0xFFFFFFF0] =	vst v63  }
0x33e: {  	[tilespmem:s9+$0x10] =	vst v4  }
0x33f: {  	[tilespmem:s9+$0x30] =	vst v6  }
0x340: {  	[tilespmem:s9+$0x0] =	vst v3  }
0x341: {  	[tilespmem:s9+$0x40] =	vst v1  }
.LBB2_16:
0x342: {  	s6 =	sshra.s32 s5, $0x2  }
0x343: {  	v1 =	vld [tilespmem:s6+$0xC7C0];
	_ =	sdelay $0x4  }
0x344: {  	v2 =	vmul.f32 $1.000000000e+01, v1;
	_ =	sdelay $0x1  }
0x345: {  	v2 =	vtrunc.f32 v2  }
0x346: {  	v2 =	vcvt.f32.s32 v2;
	_ =	sdelay $0x1  }
0x347: {  	vm0 =	vgt.s32 v2, $0x0  }
0x348: {  	v2 =	vnsel vm0, $0x0, v2  }
0x349: {  	v2 =	vmin.u32 v2, $0x9;
	_ =	sdelay $0x4  }
0x34a: {  	v3 =	vld.idx.msk [tilespmem:v2+s25+$0x0], $0xffff;
	_ =	sdelay $0x4  }
0x34b: {  	vm15 =	vle.f32 v1, v3  }
0x34c: {  	v1 =	vsel vm15, $0xFFFFFFFF, v0  }
0x34d: {  	v1 =	vadd.s32 v1, v2;
	_ =	sdelay $0x4  }
0x34e: {  	p0 =	sne.s32 s5, $0xC0;
	v1 =	vld.idx.msk [tilespmem:v1+s23+$0x0], $0xffff  }
.Ltmp7:
0x34f: {  	_ = 	snop;
	(pc) =	sbr.rel @p0 .LBB2_16-.Ltmp7, $2  }
0x350: {  	_ =	sdelay $0x2  }
0x351: {  	s5 =	sadd.s32 $0x40, s5;
	[tilespmem:s6+$0x18FC0] =	vst v1  }
0x352: {  	s5 =	simm.s32 $0x0;
	s6 =	rddreg [dreg:$0xf]  }
0x353: {  	[hbm4b:s6+s5] =	stream.linear.scatter [tilespmem:s0], [sflag:$0x4], $0x6400, $0x38;
	[tilespmem:$0x19180] =	vst v63  }
0x354: {  	_ = 	snop  }
0x355: {  	[tilespmem:s26], [sflag:$0x2] =	stream.linear.gather [hbm4b:s15+s5], $0x6400, $0x38;
	[tilespmem:$0x19180] =	vst v63  }
0x356: {  	_ =	swait.ge [sflag:s29], $0x6400  }
0x357: {  	[sflag:s29] =	ssyncset.done $0x0  }
0x358: {  	[sflag:s29] =	ssyncadd.s32 $0xFFFF9C00  }
0x359: {  	_ =	swait.ge [sflag:s1], $0x6400  }
0x35a: {  	[sflag:s1] =	ssyncset.done $0x0  }
0x35b: {  	s12 =	simm.s32 $0x60;
	[sflag:s1] =	ssyncadd.s32 $0xFFFF9C00  }
0x35c: {  	s7 =	sand.u32 $0x7FC0, s5;
	v1 =	vld [tilespmem:s12+$0x50]  }
0x35d: {  	v2 =	vld [tilespmem:s7+$0x80]  }
0x35e: {  	v11 =	vld [tilespmem:s12+$0xFFFFFFB0]  }
0x35f: {  	v8 =	vld [tilespmem:s12+$0xFFFFFFC0]  }
0x360: {  	v7 =	vld [tilespmem:s12+$0xFFFFFFD0]  }
0x361: {  	v9 =	vld [tilespmem:s12+$0xFFFFFFE0]  }
0x362: {  	v10 =	vld [tilespmem:s12+$0xFFFFFFF0]  }
0x363: {  	v15 =	vld [tilespmem:s12+$0x0]  }
0x364: {  	v18 =	vld [tilespmem:s12+$0x10]  }
0x365: {  	v19 =	vld [tilespmem:s12+$0x30]  }
0x366: {  	s9 =	simm.s32 $0xC0;
	v23 =	vld [tilespmem:s12+$0x40]  }
0x367: {  	s9 =	sand.u32 $0x7FC0, s9;
	v14 =	vld [tilespmem:s12+$0xFFFFFFA0];
	v3 =	vmul.f32 $1.000000000e+01, v1  }
0x368: {  	s13 =	simm.s32 $0x120;
	v40 =	vld [tilespmem:s9+$0x80];
	v4 =	vmul.f32 $1.000000000e+01, v2;
	v5 =	vmul.f32 $1.000000000e+01, v11  }
0x369: {  	v29 =	vld [tilespmem:s13+$0xFFFFFFB0];
	v6 =	vmul.f32 $1.000000000e+01, v8;
	v12 =	vmul.f32 $1.000000000e+01, v7  }
0x36a: {  	v13 =	vmul.f32 $1.000000000e+01, v9;
	v16 =	vmul.f32 $1.000000000e+01, v10  }
0x36b: {  	v17 =	vmul.f32 $1.000000000e+01, v15;
	v20 =	vmul.f32 $1.000000000e+01, v18  }
0x36c: {  	v21 =	vmul.f32 $1.000000000e+01, v19;
	v22 =	vmul.f32 $1.000000000e+01, v23  }
0x36d: {  	v24 =	vmul.f32 $1.000000000e+01, v14;
	v31 =	vmul.f32 $1.000000000e+01, v40  }
0x36e: {  	v33 =	vmul.f32 $1.000000000e+01, v29;
	v3 =	vtrunc.f32 v3  }
0x36f: {  	v4 =	vtrunc.f32 v4;
	v3 =	vcvt.f32.s32 v3  }
0x370: {  	v5 =	vtrunc.f32 v5;
	v4 =	vcvt.f32.s32 v4  }
0x371: {  	v6 =	vtrunc.f32 v6;
	v12 =	vtrunc.f32 v12;
	vm0 =	vgt.s32 v3, $0x0  }
0x372: {  	v13 =	vtrunc.f32 v13;
	vm1 =	vgt.s32 v4, $0x0;
	v3 =	vnsel vm0, $0x0, v3  }
0x373: {  	v16 =	vtrunc.f32 v16;
	v4 =	vnsel vm1, $0x0, v4;
	v3 =	vmin.u32 v3, $0x9  }
0x374: {  	v17 =	vtrunc.f32 v17;
	v24 =	vtrunc.f32 v24;
	v4 =	vmin.u32 v4, $0x9  }
0x375: {  	v20 =	vtrunc.f32 v20;
	v21 =	vtrunc.f32 v21  }
0x376: {  	v22 =	vtrunc.f32 v22;
	v44 =	vtrunc.f32 v33  }
0x377: {  	v24 =	vcvt.f32.s32 v24;
	v5 =	vcvt.f32.s32 v5  }
0x378: {  	v6 =	vcvt.f32.s32 v6;
	v12 =	vcvt.f32.s32 v12;
	v25 =	vld.idx.msk [tilespmem:v3+s25+$0x0], $0xffff  }
0x379: {  	v13 =	vcvt.f32.s32 v13;
	v16 =	vcvt.f32.s32 v16;
	v26 =	vld.idx.msk [tilespmem:v4+s25+$0x0], $0xffff  }
0x37a: {  	v17 =	vcvt.f32.s32 v17;
	v20 =	vcvt.f32.s32 v20  }
0x37b: {  	v22 =	vcvt.f32.s32 v22;
	v44 =	vcvt.f32.s32 v44;
	vm3 =	vgt.s32 v12, $0x0  }
0x37c: {  	v27 =	vld [tilespmem:s13+$0xFFFFFFD0];
	vm4 =	vgt.s32 v13, $0x0;
	vm5 =	vgt.s32 v16, $0x0;
	vm6 =	vgt.s32 v17, $0x0  }
0x37d: {  	vm7 =	vgt.s32 v20, $0x0;
	vm0 =	vgt.s32 v24, $0x0;
	vm1 =	vle.f32 v1, v25  }
0x37e: {  	vm2 =	vle.f32 v2, v26;
	v1 =	vcvt.f32.s32 v21;
	v2 =	vsel vm1, $0xFFFFFFFF, v0  }
0x37f: {  	v21 =	vsel vm2, $0xFFFFFFFF, v0;
	vm1 =	vgt.s32 v5, $0x0;
	vm2 =	vgt.s32 v6, $0x0  }
0x380: {  	v30 =	vld [tilespmem:s13+$0xFFFFFFC0];
	v37 =	vadd.s32 v2, v3;
	v28 =	vadd.s32 v21, v4;
	vm8 =	vgt.s32 v1, $0x0  }
0x381: {  	v21 =	vld [tilespmem:s13+$0x50];
	v2 =	vnsel vm0, $0x0, v24;
	v3 =	vnsel vm1, $0x0, v5;
	v4 =	vnsel vm2, $0x0, v6;
	[tilespmem:$0x1FFB0] =	vst v27  }
0x382: {  	v6 =	vnsel vm4, $0x0, v13;
	v13 =	vnsel vm6, $0x0, v17;
	v17 =	vnsel vm8, $0x0, v1;
	v1 =	vld [tilespmem:s13+$0xFFFFFFE0]  }
0x383: {  	vm0 =	vgt.s32 v22, $0x0;
	v5 =	vnsel vm3, $0x0, v12;
	v24 =	vmin.u32 v2, $0x9;
	v2 =	vld [tilespmem:s13+$0xFFFFFFF0]  }
0x384: {  	v12 =	vnsel vm5, $0x0, v16;
	v39 =	vmin.u32 v3, $0x9;
	v36 =	vmin.u32 v4, $0x9;
	v4 =	vld [tilespmem:s13+$0x0]  }
0x385: {  	v26 =	vmin.u32 v6, $0x9;
	v3 =	vld [tilespmem:s13+$0x10];
	v6 =	vtrunc.f32 v31;
	v32 =	vmin.u32 v12, $0x9  }
0x386: {  	v12 =	vmul.f32 $1.000000000e+01, v30;
	v31 =	vmin.u32 v13, $0x9;
	v13 =	vmul.f32 $1.000000000e+01, v27;
	v38 =	vld [tilespmem:s13+$0xFFFFFFA0]  }
0x387: {  	v16 =	vnsel vm7, $0x0, v20;
	v20 =	vnsel vm0, $0x0, v22;
	v34 =	vcvt.f32.s32 v6;
	v6 =	vld [tilespmem:s13+$0x30]  }
0x388: {  	v25 =	vmin.u32 v5, $0x9;
	v12 =	vtrunc.f32 v12;
	v13 =	vtrunc.f32 v13  }
0x389: {  	v33 =	vmin.u32 v16, $0x9;
	v22 =	vmul.f32 $1.000000000e+01, v21;
	v35 =	vmul.f32 $1.000000000e+01, v1  }
0x38a: {  	vm1 =	vgt.s32 v34, $0x0;
	v41 =	vmul.f32 $1.000000000e+01, v2;
	v42 =	vmul.f32 $1.000000000e+01, v4  }
0x38b: {  	v34 =	vnsel vm1, $0x0, v34;
	v45 =	vmul.f32 $1.000000000e+01, v3;
	v47 =	vld.idx.msk [tilespmem:v39+s25+$0x0], $0xffff;
	v50 =	vmul.f32 $1.000000000e+01, v38  }
0x38c: {  	v46 =	vmin.u32 v34, $0x9;
	v16 =	vld.idx.msk [tilespmem:v36+s25+$0x0], $0xffff;
	v5 =	vtrunc.f32 v22;
	v48 =	vmul.f32 $1.000000000e+01, v6  }
0x38d: {  	v34 =	vmin.u32 v17, $0x9;
	v17 =	vld.idx.msk [tilespmem:v25+s25+$0x0], $0xffff;
	v22 =	vcvt.f32.s32 v5;
	v51 =	vtrunc.f32 v35  }
0x38e: {  	v43 =	vld.idx.msk [tilespmem:v24+s25+$0x0], $0xffff;
	v35 =	vmin.u32 v20, $0x9;
	v20 =	vtrunc.f32 v41;
	v55 =	vtrunc.f32 v42  }
0x38f: {  	v62 =	vld.idx.msk [tilespmem:v31+s25+$0x0], $0xffff;
	v50 =	vtrunc.f32 v50;
	v45 =	vtrunc.f32 v45;
	vm0 =	vgt.s32 v22, $0x0  }
0x390: {  	v5 =	vld [tilespmem:s13+$0x40];
	v57 =	vtrunc.f32 v48;
	v22 =	vnsel vm0, $0x0, v22;
	vm1 =	vle.f32 v11, v47  }
0x391: {  	v11 =	vcvt.f32.s32 v50;
	vm2 =	vle.f32 v8, v16;
	v8 =	vcvt.f32.s32 v12  }
0x392: {  	v12 =	vcvt.f32.s32 v13;
	vm3 =	vle.f32 v7, v17;
	v7 =	vcvt.f32.s32 v51  }
0x393: {  	vm0 =	vle.f32 v14, v43;
	v13 =	vcvt.f32.s32 v20;
	v16 =	vcvt.f32.s32 v55  }
0x394: {  	v17 =	vcvt.f32.s32 v45;
	vm15 =	vle.f32 v15, v62;
	v22 =	vmin.u32 v22, $0x9  }
0x395: {  	v14 =	vld.idx.msk [tilespmem:v46+s25+$0x0], $0xffff;
	v47 =	vsel vm15, $0xFFFFFFFF, v0;
	v49 =	vmul.f32 $1.000000000e+01, v5;
	vm4 =	vgt.s32 v11, $0x0  }
0x396: {  	s10 =	simm.s32 $0x1E0;
	v54 =	vld.idx.msk [tilespmem:v34+s25+$0x0], $0xffff;
	vm6 =	vgt.s32 v8, $0x0;
	vm7 =	vgt.s32 v12, $0x0;
	vm8 =	vgt.s32 v7, $0x0  }
0x397: {  	v51 =	vld [tilespmem:s10+$0x50];
	vm9 =	vgt.s32 v13, $0x0;
	vm10 =	vgt.s32 v16, $0x0;
	vm11 =	vgt.s32 v17, $0x0  }
0x398: {  	v15 =	vld [tilespmem:s10+$0xFFFFFFE0];
	v31 =	vadd.s32 v47, v31;
	v11 =	vnsel vm4, $0x0, v11;
	v8 =	vnsel vm6, $0x0, v8  }
0x399: {  	v12 =	vnsel vm7, $0x0, v12;
	v7 =	vnsel vm8, $0x0, v7;
	v13 =	vnsel vm9, $0x0, v13  }
0x39a: {  	v60 =	vld.idx.msk [tilespmem:v26+s25+$0x0], $0xffff;
	v55 =	vnsel vm10, $0x0, v16;
	v58 =	vtrunc.f32 v49;
	v16 =	vmin.u32 v7, $0x9  }
0x39b: {  	v37 =	vld.idx.msk [tilespmem:v37+s24+$0x0], $0xffff;
	vm14 =	vle.f32 v40, v14;
	v14 =	vcvt.f32.s32 v57;
	v59 =	vcvt.f32.s32 v58  }
0x39c: {  	v61 =	vld.idx.msk [tilespmem:v32+s25+$0x0], $0xffff;
	vm13 =	vle.f32 v19, v54;
	v58 =	vsel vm1, $0xFFFFFFFF, v0;
	v52 =	vmul.f32 $1.000000000e+01, v51  }
0x39d: {  	v56 =	vld.idx.msk [tilespmem:v22+s25+$0x0], $0xffff;
	v50 =	vsel vm13, $0xFFFFFFFF, v0;
	v39 =	vadd.s32 v58, v39;
	v58 =	vmul.f32 $1.000000000e+01, v15  }
0x39e: {  	s14 =	simm.s32 $0x180;
	v57 =	vld.idx.msk [tilespmem:v35+s25+$0x0], $0xffff;
	vm12 =	vgt.s32 v14, $0x0;
	vm4 =	vgt.s32 v59, $0x0;
	v62 =	vtrunc.f32 v52  }
0x39f: {  	s6 =	sand.u32 $0x7FC0, s14;
	v63 =	vld.idx.msk [tilespmem:v33+s25+$0x0], $0xffff;
	v50 =	vadd.s32 v50, v34;
	v40 =	vnsel vm4, $0x0, v59;
	vm4 =	vle.f32 v9, v60  }
0x3a0: {  	v48 =	vld [tilespmem:s6+$0x80];
	v59 =	vsel vm2, $0xFFFFFFFF, v0;
	v60 =	vsel vm3, $0xFFFFFFFF, v0;
	v58 =	vtrunc.f32 v58  }
0x3a1: {  	v19 =	vld [tilespmem:s10+$0x0];
	v7 =	vmin.u32 v40, $0x9;
	v43 =	vadd.s32 v59, v36;
	v36 =	vcvt.f32.s32 v62  }
0x3a2: {  	v9 =	vld [tilespmem:s10+$0xFFFFFFD0];
	v58 =	vcvt.f32.s32 v58;
	vm5 =	vle.f32 v21, v56;
	v21 =	vsel vm14, $0xFFFFFFFF, v0  }
0x3a3: {  	vm14 =	vle.f32 v23, v57;
	v23 =	vsel vm0, $0xFFFFFFFF, v0;
	v39 =	vld.idx.msk [tilespmem:v39+s24+$0x0], $0xffff;
	v42 =	vadd.s32 v21, v46  }
0x3a4: {  	v21 =	vmin.u32 v11, $0x9;
	v11 =	vnsel vm12, $0x0, v14;
	vm12 =	vle.f32 v18, v63;
	v18 =	vld [tilespmem:s10+$0xFFFFFFF0]  }
0x3a5: {  	v20 =	vsel vm5, $0xFFFFFFFF, v0;
	vm5 =	vgt.s32 v44, $0x0;
	v53 =	vadd.s32 v23, v24;
	v23 =	vld [tilespmem:s10+$0x10]  }
0x3a6: {  	v41 =	vadd.s32 v20, v22;
	v20 =	vnsel vm5, $0x0, v44;
	vm5 =	vle.f32 v10, v61;
	v10 =	vld [tilespmem:s10+$0xFFFFFFC0]  }
0x3a7: {  	v56 =	vnsel vm11, $0x0, v17;
	v24 =	vmul.f32 $1.000000000e+01, v48;
	v44 =	vadd.s32 v60, v25;
	v25 =	vld [tilespmem:s10+$0x40]  }
0x3a8: {  	v14 =	vmin.u32 v13, $0x9;
	v22 =	vmin.u32 v20, $0x9;
	v20 =	vmin.u32 v8, $0x9;
	v8 =	vld [tilespmem:s10+$0xFFFFFFB0]  }
0x3a9: {  	v13 =	vmin.u32 v55, $0x9;
	v61 =	vsel vm4, $0xFFFFFFFF, v0;
	v63 =	vtrunc.f32 v24;
	v24 =	vld [tilespmem:s10+$0x30]  }
0x3aa: {  	v17 =	vmin.u32 v12, $0x9;
	vm0 =	vgt.s32 v36, $0x0;
	v45 =	vadd.s32 v61, v26;
	v26 =	vld [tilespmem:s10+$0xFFFFFFA0]  }
0x3ab: {  	vm8 =	vgt.s32 v58, $0x0;
	v12 =	vmin.u32 v56, $0x9;
	v57 =	vmul.f32 $1.000000000e+01, v9;
	v55 =	vld.idx.msk [tilespmem:v21+s25+$0x0], $0xffff  }
0x3ac: {  	v36 =	vnsel vm0, $0x0, v36;
	v49 =	vsel vm12, $0xFFFFFFFF, v0;
	v46 =	vsel vm5, $0xFFFFFFFF, v0;
	v43 =	vld.idx.msk [tilespmem:v43+s24+$0x0], $0xffff  }
0x3ad: {  	v49 =	vadd.s32 v49, v33;
	v52 =	vcvt.f32.s32 v63;
	v57 =	vtrunc.f32 v57;
	v42 =	vld.idx.msk [tilespmem:v42+s24+$0x0], $0xffff  }
0x3ae: {  	v46 =	vadd.s32 v46, v32;
	v57 =	vcvt.f32.s32 v57;
	v59 =	vmul.f32 $1.000000000e+01, v18;
	v33 =	vld.idx.msk [tilespmem:v13+s25+$0x0], $0xffff  }
0x3af: {  	vm1 =	vgt.s32 v52, $0x0;
	v56 =	vmul.f32 $1.000000000e+01, v10;
	v40 =	vmul.f32 $1.000000000e+01, v8;
	v60 =	vld.idx.msk [tilespmem:v22+s25+$0x0], $0xffff  }
0x3b0: {  	vm0 =	vle.f32 v38, v55;
	v38 =	vld.idx.msk [tilespmem:v28+s24+$0x0], $0xffff;
	v28 =	vnsel vm1, $0x0, v52;
	v52 =	vmin.u32 v36, $0x9  }
0x3b1: {  	v61 =	vld.idx.msk [tilespmem:v20+s25+$0x0], $0xffff;
	v32 =	vmul.f32 $1.000000000e+01, v24;
	v47 =	vtrunc.f32 v59;
	v62 =	vmin.u32 v28, $0x9  }
0x3b2: {  	v54 =	vsel vm14, $0xFFFFFFFF, v0;
	v34 =	vld.idx.msk [tilespmem:v12+s25+$0x0], $0xffff;
	v56 =	vtrunc.f32 v56;
	v36 =	vtrunc.f32 v40  }
0x3b3: {  	v11 =	vmin.u32 v11, $0x9;
	v47 =	vcvt.f32.s32 v47;
	v27 =	vcvt.f32.s32 v36;
	v36 =	vld [tilespmem:$0x1FFB0]  }
0x3b4: {  	v63 =	vtrunc.f32 v32;
	v56 =	vcvt.f32.s32 v56;
	vm1 =	vle.f32 v29, v60;
	v60 =	vld.idx.msk [tilespmem:v17+s25+$0x0], $0xffff  }
0x3b5: {  	v54 =	vadd.s32 v54, v35;
	v55 =	vmul.f32 $1.000000000e+01, v19;
	v40 =	vmul.f32 $1.000000000e+01, v23;
	v59 =	vld.idx.msk [tilespmem:v52+s25+$0x0], $0xffff  }
0x3b6: {  	v29 =	vmul.f32 $1.000000000e+01, v25;
	vm2 =	vle.f32 v30, v61;
	v30 =	vmul.f32 $1.000000000e+01, v26;
	v61 =	vld.idx.msk [tilespmem:v62+s25+$0x0], $0xffff  }
0x3b7: {  	v53 =	vld.idx.msk [tilespmem:v53+s24+$0x0], $0xffff;
	vm7 =	vgt.s32 v57, $0x0;
	v55 =	vtrunc.f32 v55;
	v40 =	vtrunc.f32 v40  }
0x3b8: {  	v41 =	vld.idx.msk [tilespmem:v41+s24+$0x0], $0xffff;
	vm9 =	vgt.s32 v47, $0x0;
	v55 =	vcvt.f32.s32 v55;
	v40 =	vcvt.f32.s32 v40  }
0x3b9: {  	v35 =	vld.idx.msk [tilespmem:v11+s25+$0x0], $0xffff;
	vm6 =	vgt.s32 v56, $0x0;
	v30 =	vtrunc.f32 v30;
	v29 =	vtrunc.f32 v29  }
0x3ba: {  	v32 =	vld.idx.msk [tilespmem:v14+s25+$0x0], $0xffff;
	v30 =	vcvt.f32.s32 v30;
	v29 =	vcvt.f32.s32 v29;
	vm5 =	vle.f32 v51, v59  }
0x3bb: {  	v28 =	vld.idx.msk [tilespmem:v16+s25+$0x0], $0xffff;
	vm3 =	vle.f32 v36, v60;
	vm15 =	vle.f32 v48, v61;
	v60 =	vsel vm5, $0xFFFFFFFF, v0  }
0x3bc: {  	s10 =	simm.s32 $0xC860;
	[tilespmem:s7+$0xC880] =	vst v38;
	v38 =	vld.idx.msk [tilespmem:v44+s24+$0x0], $0xffff;
	vm10 =	vgt.s32 v55, $0x0;
	v61 =	vsel vm15, $0xFFFFFFFF, v0;
	v48 =	vadd.s32 v60, v52  }
0x3bd: {  	[tilespmem:s10+$0x50] =	vst v37;
	vm11 =	vgt.s32 v40, $0x0;
	v36 =	vld.idx.msk [tilespmem:v7+s25+$0x0], $0xffff;
	v51 =	vcvt.f32.s32 v63;
	v63 =	vadd.s32 v61, v62  }
0x3be: {  	[tilespmem:s9+$0xC880] =	vst v42;
	v55 =	vnsel vm10, $0x0, v55;
	vm4 =	vgt.s32 v30, $0x0;
	v59 =	vld.idx.msk [tilespmem:v46+s24+$0x0], $0xffff;
	v46 =	vnsel vm7, $0x0, v57  }
0x3bf: {  	[tilespmem:s10+$0xFFFFFFB0] =	vst v39;
	v30 =	vnsel vm4, $0x0, v30;
	vm4 =	vgt.s32 v29, $0x0;
	v39 =	vmin.u32 v46, $0x9;
	v46 =	vld.idx.msk [tilespmem:v50+s24+$0x0], $0xffff  }
0x3c0: {  	[tilespmem:s10+$0xFFFFFFA0] =	vst v53;
	v42 =	vmin.u32 v30, $0x9;
	vm5 =	vgt.s32 v27, $0x0;
	vm12 =	vgt.s32 v51, $0x0;
	v52 =	vld.idx.msk [tilespmem:v45+s24+$0x0], $0xffff  }
0x3c1: {  	[tilespmem:s10+$0xFFFFFFC0] =	vst v43;
	s7 =	simm.s32 $0xC920;
	v27 =	vnsel vm5, $0x0, v27;
	v45 =	vnsel vm6, $0x0, v56;
	v60 =	vnsel vm8, $0x0, v58;
	v44 =	vld.idx.msk [tilespmem:v48+s24+$0x0], $0xffff  }
0x3c2: {  	[tilespmem:s7+$0x50] =	vst v41;
	v61 =	vnsel vm9, $0x0, v47;
	v62 =	vnsel vm11, $0x0, v40;
	v51 =	vnsel vm12, $0x0, v51;
	v48 =	vld.idx.msk [tilespmem:v63+s24+$0x0], $0xffff  }
0x3c3: {  	[tilespmem:s10+$0xFFFFFFD0] =	vst v38;
	v47 =	vld.idx.msk [tilespmem:v31+s24+$0x0], $0xffff;
	v41 =	vmin.u32 v27, $0x9;
	v40 =	vmin.u32 v45, $0x9;
	v38 =	vmin.u32 v60, $0x9  }
0x3c4: {  	s11 =	simm.s32 $0x18;
	v45 =	vld.idx.msk [tilespmem:v49+s24+$0x0], $0xffff;
	v31 =	vmin.u32 v55, $0x9;
	v37 =	vmin.u32 v61, $0x9;
	[tilespmem:s10+$0xFFFFFFF0] =	vst v59;
	v63 =	vnsel vm4, $0x0, v29  }
0x3c5: {  	s12 =	simm.s32 $0x2A0;
	s13 =	simm.s32 $0x240;
	s9 =	simm.s32 $0xC9E0;
	v49 =	vld.idx.msk [tilespmem:v54+s24+$0x0], $0xffff;
	v30 =	vmin.u32 v62, $0x9;
	[tilespmem:s10+$0xFFFFFFE0] =	vst v52;
	v29 =	vmin.u32 v51, $0x9;
	v27 =	vmin.u32 v63, $0x9  }
.LBB2_18:
0x3c6: {  	s14 =	sand.u32 $0x7FC0, s13;
	v43 =	vld [tilespmem:s12+$0x50];
	s11 =	sadd.s32 $0xC, s11;
	[tilespmem:s9+$0x50] =	vst v44;
	vm4 =	vle.f32 v1, v28;
	vm5 =	vle.f32 v2, v32;
	vm6 =	vle.f32 v4, v33  }
0x3c7: {  	vm7 =	vle.f32 v3, v34;
	vm8 =	vle.f32 v6, v35;
	vm9 =	vle.f32 v5, v36;
	v44 =	vld [tilespmem:s14+$0x80];
	p0 =	slt.u32 s11, $0x630;
	[tilespmem:s6+$0xC880] =	vst v48;
	s6 =	smov.u32 s14  }
0x3c8: {  	v28 =	vsel vm0, $0xFFFFFFFF, v0;
	v32 =	vsel vm1, $0xFFFFFFFF, v0;
	v34 =	vsel vm2, $0xFFFFFFFF, v0;
	v1 =	vmovc v15;
	v2 =	vmovc v18;
	v33 =	vld [tilespmem:s12+$0xFFFFFFB0];
	[tilespmem:s10+$0x0] =	vst v47  }
0x3c9: {  	v36 =	vsel vm3, $0xFFFFFFFF, v0;
	v4 =	vmovc v19;
	v3 =	vmovc v23;
	v48 =	vsel vm5, $0xFFFFFFFF, v0;
	v47 =	vsel vm4, $0xFFFFFFFF, v0;
	v35 =	vld [tilespmem:s12+$0xFFFFFFC0];
	[tilespmem:s10+$0x10] =	vst v45  }
0x3ca: {  	v6 =	vmovc v24;
	v5 =	vmovc v25;
	v50 =	vsel vm6, $0xFFFFFFFF, v0;
	v51 =	vsel vm7, $0xFFFFFFFF, v0;
	v52 =	vsel vm8, $0xFFFFFFFF, v0;
	v45 =	vld [tilespmem:s12+$0xFFFFFFD0];
	[tilespmem:s10+$0x30] =	vst v46  }
0x3cb: {  	v53 =	vsel vm9, $0xFFFFFFFF, v0;
	v46 =	vadd.s32 v28, v21;
	v21 =	vmovc v42;
	v15 =	vld [tilespmem:s12+$0xFFFFFFE0];
	v23 =	vmul.f32 $1.000000000e+01, v43;
	[tilespmem:s10+$0x40] =	vst v49;
	s10 =	smov.u32 s7;
	s7 =	smov.u32 s9  }
0x3cc: {  	v42 =	vadd.s32 v32, v22;
	v22 =	vmovc v41;
	v49 =	vadd.s32 v34, v20;
	v20 =	vmovc v40;
	v18 =	vld [tilespmem:s12+$0xFFFFFFF0];
	v24 =	vmul.f32 $1.000000000e+01, v44  }
0x3cd: {  	v40 =	vadd.s32 v36, v17;
	v17 =	vmovc v39;
	v28 =	vmul.f32 $1.000000000e+01, v33;
	v19 =	vld [tilespmem:s12+$0x0];
	v25 =	vtrunc.f32 v23  }
0x3ce: {  	v39 =	vadd.s32 v47, v16;
	v16 =	vmovc v38;
	v23 =	vld [tilespmem:s12+$0x10];
	v24 =	vtrunc.f32 v24;
	v32 =	vcvt.f32.s32 v25  }
0x3cf: {  	v38 =	vadd.s32 v48, v14;
	v14 =	vmovc v37;
	v34 =	vmul.f32 $1.000000000e+01, v35;
	v36 =	vcvt.f32.s32 v24;
	v24 =	vld [tilespmem:s12+$0x30]  }
0x3d0: {  	v37 =	vmul.f32 $1.000000000e+01, v45;
	v41 =	vmul.f32 $1.000000000e+01, v15;
	v25 =	vld [tilespmem:s12+$0x40];
	vm0 =	vgt.s32 v32, $0x0  }
0x3d1: {  	v47 =	vld [tilespmem:s12+$0xFFFFFFA0];
	v48 =	vmul.f32 $1.000000000e+01, v18;
	vm1 =	vgt.s32 v36, $0x0;
	v32 =	vnsel vm0, $0x0, v32  }
0x3d2: {  	v54 =	vmul.f32 $1.000000000e+01, v19;
	v36 =	vnsel vm1, $0x0, v36;
	v55 =	vmin.u32 v32, $0x9;
	v32 =	vld.idx.msk [tilespmem:v21+s25+$0x0], $0xffff  }
0x3d3: {  	v56 =	vtrunc.f32 v28;
	v57 =	vmul.f32 $1.000000000e+01, v23;
	v58 =	vmin.u32 v36, $0x9;
	v36 =	vld.idx.msk [tilespmem:v22+s25+$0x0], $0xffff  }
0x3d4: {  	v50 =	vadd.s32 v50, v13;
	v13 =	vmovc v31;
	v34 =	vtrunc.f32 v34;
	v59 =	vmul.f32 $1.000000000e+01, v24;
	v60 =	vld.idx.msk [tilespmem:v20+s25+$0x0], $0xffff  }
0x3d5: {  	v51 =	vadd.s32 v51, v12;
	v12 =	vmovc v30;
	v31 =	vtrunc.f32 v37;
	v37 =	vmul.f32 $1.000000000e+01, v25;
	v61 =	vld.idx.msk [tilespmem:v17+s25+$0x0], $0xffff  }
0x3d6: {  	v52 =	vadd.s32 v52, v11;
	v11 =	vmovc v29;
	v41 =	vtrunc.f32 v41;
	v30 =	vmul.f32 $1.000000000e+01, v47;
	v28 =	vld.idx.msk [tilespmem:v16+s25+$0x0], $0xffff  }
0x3d7: {  	v53 =	vadd.s32 v53, v7;
	v7 =	vmovc v27;
	v29 =	vtrunc.f32 v48;
	v48 =	vtrunc.f32 v54;
	v54 =	vld.idx.msk [tilespmem:v55+s25+$0x0], $0xffff  }
0x3d8: {  	vm0 =	vle.f32 v26, v32;
	v26 =	vmovc v47;
	v27 =	vtrunc.f32 v30;
	v30 =	vtrunc.f32 v57;
	v57 =	vld.idx.msk [tilespmem:v58+s25+$0x0], $0xffff  }
0x3d9: {  	v47 =	vtrunc.f32 v59;
	v37 =	vtrunc.f32 v37;
	vm1 =	vle.f32 v8, v36;
	v8 =	vmovc v33;
	v32 =	vld.idx.msk [tilespmem:v14+s25+$0x0], $0xffff  }
0x3da: {  	v56 =	vcvt.f32.s32 v56;
	v27 =	vcvt.f32.s32 v27;
	vm2 =	vle.f32 v10, v60;
	v10 =	vmovc v35;
	v33 =	vld.idx.msk [tilespmem:v13+s25+$0x0], $0xffff  }
0x3db: {  	v31 =	vcvt.f32.s32 v31;
	v59 =	vcvt.f32.s32 v34;
	vm3 =	vle.f32 v9, v61;
	v9 =	vmovc v45;
	v34 =	vld.idx.msk [tilespmem:v12+s25+$0x0], $0xffff  }
0x3dc: {  	v41 =	vcvt.f32.s32 v41;
	v29 =	vcvt.f32.s32 v29;
	vm4 =	vgt.s32 v27, $0x0;
	v35 =	vld.idx.msk [tilespmem:v11+s25+$0x0], $0xffff  }
0x3dd: {  	v30 =	vcvt.f32.s32 v30;
	v45 =	vcvt.f32.s32 v48;
	vm5 =	vle.f32 v43, v54;
	v36 =	vld.idx.msk [tilespmem:v7+s25+$0x0], $0xffff  }
0x3de: {  	v43 =	vcvt.f32.s32 v47;
	vm6 =	vle.f32 v44, v57;
	v44 =	vsel vm5, $0xFFFFFFFF, v0;
	v46 =	vld.idx.msk [tilespmem:v46+s24+$0x0], $0xffff  }
0x3df: {  	v37 =	vcvt.f32.s32 v37;
	v47 =	vsel vm6, $0xFFFFFFFF, v0;
	v44 =	vadd.s32 v44, v55;
	v42 =	vld.idx.msk [tilespmem:v42+s24+$0x0], $0xffff  }
0x3e0: {  	vm5 =	vgt.s32 v56, $0x0;
	vm6 =	vgt.s32 v59, $0x0;
	v47 =	vadd.s32 v47, v58;
	v49 =	vld.idx.msk [tilespmem:v49+s24+$0x0], $0xffff  }
0x3e1: {  	vm7 =	vgt.s32 v31, $0x0;
	vm8 =	vgt.s32 v41, $0x0;
	vm9 =	vgt.s32 v29, $0x0;
	v54 =	vld.idx.msk [tilespmem:v40+s24+$0x0], $0xffff  }
0x3e2: {  	vm11 =	vgt.s32 v30, $0x0;
	vm10 =	vgt.s32 v45, $0x0;
	vm12 =	vgt.s32 v43, $0x0;
	v55 =	vld.idx.msk [tilespmem:v39+s24+$0x0], $0xffff  }
0x3e3: {  	v27 =	vnsel vm4, $0x0, v27;
	vm4 =	vgt.s32 v37, $0x0;
	v39 =	vnsel vm5, $0x0, v56;
	v56 =	vld.idx.msk [tilespmem:v38+s24+$0x0], $0xffff  }
0x3e4: {  	v31 =	vnsel vm7, $0x0, v31;
	v57 =	vnsel vm8, $0x0, v41;
	v38 =	vnsel vm6, $0x0, v59;
	v44 =	vld.idx.msk [tilespmem:v44+s24+$0x0], $0xffff;
	[tilespmem:s10+$0xFFFFFFA0] =	vst v46  }
.Ltmp8:
0x3e5: {  	v29 =	vnsel vm9, $0x0, v29;
	v30 =	vnsel vm11, $0x0, v30;
	v46 =	vnsel vm10, $0x0, v45;
	v48 =	vld.idx.msk [tilespmem:v47+s24+$0x0], $0xffff;
	[tilespmem:s10+$0xFFFFFFB0] =	vst v42;
	(pc) =	sbr.rel @p0 .LBB2_18-.Ltmp8, $4  }
0x3e6: {  	v42 =	vmin.u32 v27, $0x9;
	v27 =	vnsel vm12, $0x0, v43;
	v43 =	vnsel vm4, $0x0, v37;
	[tilespmem:s10+$0xFFFFFFC0] =	vst v49;
	v47 =	vld.idx.msk [tilespmem:v50+s24+$0x0], $0xffff  }
0x3e7: {  	v41 =	vmin.u32 v39, $0x9;
	v39 =	vmin.u32 v31, $0x9;
	v40 =	vmin.u32 v38, $0x9;
	[tilespmem:s10+$0xFFFFFFD0] =	vst v54;
	v45 =	vld.idx.msk [tilespmem:v51+s24+$0x0], $0xffff  }
0x3e8: {  	v38 =	vmin.u32 v57, $0x9;
	v37 =	vmin.u32 v29, $0x9;
	v31 =	vmin.u32 v46, $0x9;
	[tilespmem:s10+$0xFFFFFFE0] =	vst v55;
	v46 =	vld.idx.msk [tilespmem:v52+s24+$0x0], $0xffff  }
0x3e9: {  	s13 =	sadd.s32 $0xC0, s13;
	s9 =	sadd.s32 $0xC0, s9;
	s12 =	sadd.s32 $0xC0, s12;
	v30 =	vmin.u32 v30, $0x9;
	v29 =	vmin.u32 v27, $0x9;
	v27 =	vmin.u32 v43, $0x9;
	[tilespmem:s10+$0xFFFFFFF0] =	vst v56;
	v49 =	vld.idx.msk [tilespmem:v53+s24+$0x0], $0xffff  }
0x3ea: {  	_ =	sdelay $0x3  }
0x3eb: {  	v43 =	vld.idx.msk [tilespmem:v42+s25+$0x0], $0xffff  }
0x3ec: {  	v50 =	vld.idx.msk [tilespmem:v41+s25+$0x0], $0xffff  }
0x3ed: {  	v51 =	vld.idx.msk [tilespmem:v40+s25+$0x0], $0xffff  }
0x3ee: {  	v52 =	vld.idx.msk [tilespmem:v39+s25+$0x0], $0xffff  }
0x3ef: {  	v53 =	vsel vm0, $0xFFFFFFFF, v0;
	v54 =	vld.idx.msk [tilespmem:v38+s25+$0x0], $0xffff  }
0x3f0: {  	v55 =	vsel vm1, $0xFFFFFFFF, v0;
	v56 =	vsel vm2, $0xFFFFFFFF, v0;
	v60 =	vld.idx.msk [tilespmem:v31+s25+$0x0], $0xffff;
	v21 =	vadd.s32 v53, v21  }
0x3f1: {  	vm12 =	vle.f32 v1, v28;
	v1 =	vsel vm3, $0xFFFFFFFF, v0;
	v61 =	vld.idx.msk [tilespmem:v30+s25+$0x0], $0xffff;
	v22 =	vadd.s32 v55, v22  }
0x3f2: {  	vm13 =	vle.f32 v2, v32;
	v62 =	vld.idx.msk [tilespmem:v29+s25+$0x0], $0xffff;
	vm14 =	vle.f32 v4, v33;
	v20 =	vadd.s32 v56, v20  }
0x3f3: {  	v32 =	vld.idx.msk [tilespmem:v27+s25+$0x0], $0xffff;
	vm15 =	vle.f32 v3, v34;
	v2 =	vsel vm12, $0xFFFFFFFF, v0;
	v1 =	vadd.s32 v1, v17  }
0x3f4: {  	[tilespmem:s9+$0x50] =	vst v44;
	vm4 =	vle.f32 v6, v35;
	v53 =	vld.idx.msk [tilespmem:v37+s25+$0x0], $0xffff;
	v63 =	vsel vm13, $0xFFFFFFFF, v0;
	v2 =	vadd.s32 v2, v16  }
0x3f5: {  	[tilespmem:s6+$0xC880] =	vst v48;
	vm5 =	vle.f32 v5, v36;
	v33 =	vsel vm14, $0xFFFFFFFF, v0;
	v3 =	vadd.s32 v63, v14;
	v34 =	vld.idx.msk [tilespmem:v21+s24+$0x0], $0xffff  }
0x3f6: {  	[tilespmem:s10+$0x0] =	vst v47;
	v35 =	vsel vm15, $0xFFFFFFFF, v0;
	v48 =	vsel vm5, $0xFFFFFFFF, v0;
	v4 =	vadd.s32 v33, v13;
	v44 =	vld.idx.msk [tilespmem:v22+s24+$0x0], $0xffff  }
0x3f7: {  	[tilespmem:s10+$0x10] =	vst v45;
	v45 =	vsel vm4, $0xFFFFFFFF, v0;
	v6 =	vadd.s32 v35, v12;
	v7 =	vadd.s32 v48, v7;
	v47 =	vld.idx.msk [tilespmem:v20+s24+$0x0], $0xffff  }
0x3f8: {  	[tilespmem:s10+$0x30] =	vst v46;
	v5 =	vadd.s32 v45, v11;
	vm6 =	vle.f32 v26, v43;
	v1 =	vld.idx.msk [tilespmem:v1+s24+$0x0], $0xffff  }
0x3f9: {  	[tilespmem:s10+$0x40] =	vst v49;
	vm7 =	vle.f32 v8, v50;
	vm8 =	vle.f32 v10, v51;
	v50 =	vsel vm6, $0xFFFFFFFF, v0;
	v2 =	vld.idx.msk [tilespmem:v2+s24+$0x0], $0xffff  }
0x3fa: {  	vm9 =	vle.f32 v9, v52;
	v56 =	vsel vm7, $0xFFFFFFFF, v0;
	v3 =	vld.idx.msk [tilespmem:v3+s24+$0x0], $0xffff;
	v8 =	vadd.s32 v50, v42;
	[tilespmem:s7+$0xFFFFFFA0] =	vst v34  }
0x3fb: {  	vm10 =	vle.f32 v15, v54;
	v57 =	vsel vm8, $0xFFFFFFFF, v0;
	v4 =	vld.idx.msk [tilespmem:v4+s24+$0x0], $0xffff;
	v10 =	vadd.s32 v56, v41;
	[tilespmem:s7+$0xFFFFFFB0] =	vst v44  }
0x3fc: {  	vm12 =	vle.f32 v19, v60;
	v58 =	vsel vm9, $0xFFFFFFFF, v0;
	v6 =	vld.idx.msk [tilespmem:v6+s24+$0x0], $0xffff;
	v9 =	vadd.s32 v57, v40;
	[tilespmem:s7+$0xFFFFFFC0] =	vst v47  }
0x3fd: {  	vm11 =	vle.f32 v18, v53;
	v59 =	vsel vm10, $0xFFFFFFFF, v0;
	v11 =	vadd.s32 v58, v39;
	[tilespmem:s7+$0xFFFFFFD0] =	vst v1;
	v1 =	vld.idx.msk [tilespmem:v5+s24+$0x0], $0xffff  }
0x3fe: {  	vm13 =	vle.f32 v23, v61;
	v60 =	vsel vm11, $0xFFFFFFFF, v0;
	v5 =	vadd.s32 v59, v38;
	[tilespmem:s7+$0xFFFFFFE0] =	vst v2;
	v2 =	vld.idx.msk [tilespmem:v7+s24+$0x0], $0xffff  }
0x3ff: {  	vm14 =	vle.f32 v24, v62;
	v61 =	vsel vm13, $0xFFFFFFFF, v0;
	[tilespmem:s7+$0xFFFFFFF0] =	vst v3;
	v7 =	vadd.s32 v60, v37;
	v8 =	vld.idx.msk [tilespmem:v8+s24+$0x0], $0xffff  }
0x400: {  	v62 =	vsel vm14, $0xFFFFFFFF, v0;
	[tilespmem:s7+$0x0] =	vst v4;
	v10 =	vld.idx.msk [tilespmem:v10+s24+$0x0], $0xffff;
	v4 =	vadd.s32 v61, v30  }
0x401: {  	vm15 =	vle.f32 v25, v32;
	v3 =	vsel vm12, $0xFFFFFFFF, v0;
	[tilespmem:s7+$0x10] =	vst v6;
	v9 =	vld.idx.msk [tilespmem:v9+s24+$0x0], $0xffff;
	v6 =	vadd.s32 v62, v29  }
0x402: {  	v11 =	vld.idx.msk [tilespmem:v11+s24+$0x0], $0xffff;
	v3 =	vadd.s32 v3, v31;
	[tilespmem:s7+$0x30] =	vst v1;
	v1 =	vsel vm15, $0xFFFFFFFF, v0  }
0x403: {  	[tilespmem:s7+$0x40] =	vst v2;
	v1 =	vadd.s32 v1, v27;
	v2 =	vld.idx.msk [tilespmem:v5+s24+$0x0], $0xffff  }
0x404: {  	v63 =	vld.idx.msk [tilespmem:v7+s24+$0x0], $0xffff;
	[tilespmem:s9+$0xFFFFFFA0] =	vst v8  }
0x405: {  	[tilespmem:s9+$0xFFFFFFB0] =	vst v10;
	v4 =	vld.idx.msk [tilespmem:v4+s24+$0x0], $0xffff  }
0x406: {  	[tilespmem:s9+$0xFFFFFFC0] =	vst v9;
	v6 =	vld.idx.msk [tilespmem:v6+s24+$0x0], $0xffff  }
0x407: {  	[tilespmem:s9+$0xFFFFFFD0] =	vst v11;
	v3 =	vld.idx.msk [tilespmem:v3+s24+$0x0], $0xffff  }
0x408: {  	[tilespmem:s9+$0xFFFFFFE0] =	vst v2;
	v1 =	vld.idx.msk [tilespmem:v1+s24+$0x0], $0xffff  }
0x409: {  	[tilespmem:s9+$0xFFFFFFF0] =	vst v63  }
0x40a: {  	[tilespmem:s9+$0x10] =	vst v4  }
0x40b: {  	[tilespmem:s9+$0x30] =	vst v6  }
0x40c: {  	[tilespmem:s9+$0x0] =	vst v3  }
0x40d: {  	[tilespmem:s9+$0x40] =	vst v1  }
.LBB2_20:
0x40e: {  	s6 =	sshra.s32 s5, $0x2  }
0x40f: {  	v1 =	vld [tilespmem:s6+$0x63C0];
	_ =	sdelay $0x4  }
0x410: {  	v2 =	vmul.f32 $1.000000000e+01, v1;
	_ =	sdelay $0x1  }
0x411: {  	v2 =	vtrunc.f32 v2  }
0x412: {  	v2 =	vcvt.f32.s32 v2;
	_ =	sdelay $0x1  }
0x413: {  	vm0 =	vgt.s32 v2, $0x0  }
0x414: {  	v2 =	vnsel vm0, $0x0, v2  }
0x415: {  	v2 =	vmin.u32 v2, $0x9;
	_ =	sdelay $0x4  }
0x416: {  	v3 =	vld.idx.msk [tilespmem:v2+s25+$0x0], $0xffff;
	_ =	sdelay $0x4  }
0x417: {  	vm15 =	vle.f32 v1, v3  }
0x418: {  	v1 =	vsel vm15, $0xFFFFFFFF, v0  }
0x419: {  	v1 =	vadd.s32 v1, v2;
	_ =	sdelay $0x4  }
0x41a: {  	p0 =	sne.s32 s5, $0xC0;
	v1 =	vld.idx.msk [tilespmem:v1+s24+$0x0], $0xffff  }
.Ltmp9:
0x41b: {  	_ = 	snop;
	(pc) =	sbr.rel @p0 .LBB2_20-.Ltmp9, $2  }
0x41c: {  	_ =	sdelay $0x2  }
0x41d: {  	s5 =	sadd.s32 $0x40, s5;
	[tilespmem:s6+$0x12BC0] =	vst v1  }
0x41e: {  	s5 =	simm.s32 $0x0  }
0x41f: {  	[hbm4b:s16+s5] =	stream.linear.scatter [tilespmem:s30], [sflag:$0x3], $0x6400, $0x38;
	[tilespmem:$0x19180] =	vst v63  }
0x420: {  	_ = 	snop  }
0x421: {  	[tilespmem:s5], [sflag:$0x1] =	stream.linear.gather [hbm4b:s17+s5], $0x6400, $0x38;
	[tilespmem:$0x19180] =	vst v63  }
0x422: {  	_ =	swait.ge [sflag:s31], $0x6400  }
0x423: {  	[sflag:s31] =	ssyncset.done $0x0  }
0x424: {  	[sflag:s31] =	ssyncadd.s32 $0xFFFF9C00  }
0x425: {  	_ =	swait.ge [sflag:s3], $0x6400  }
0x426: {  	[sflag:s3] =	ssyncset.done $0x0  }
0x427: {  	s6 =	simm.s32 $0x6460;
	[sflag:s3] =	ssyncadd.s32 $0xFFFF9C00  }
0x428: {  	s7 =	sand.u32 $0x7FC0, s5;
	v1 =	vld [tilespmem:s6+$0x50]  }
0x429: {  	v2 =	vld [tilespmem:s7+$0x6480]  }
0x42a: {  	v11 =	vld [tilespmem:s6+$0xFFFFFFB0]  }
0x42b: {  	v8 =	vld [tilespmem:s6+$0xFFFFFFC0]  }
0x42c: {  	v7 =	vld [tilespmem:s6+$0xFFFFFFD0]  }
0x42d: {  	v9 =	vld [tilespmem:s6+$0xFFFFFFE0]  }
0x42e: {  	v10 =	vld [tilespmem:s6+$0xFFFFFFF0]  }
0x42f: {  	v15 =	vld [tilespmem:s6+$0x0]  }
0x430: {  	v18 =	vld [tilespmem:s6+$0x10]  }
0x431: {  	v19 =	vld [tilespmem:s6+$0x30]  }
0x432: {  	s9 =	simm.s32 $0xC0;
	v23 =	vld [tilespmem:s6+$0x40]  }
0x433: {  	s9 =	sand.u32 $0x7FC0, s9;
	v14 =	vld [tilespmem:s6+$0xFFFFFFA0];
	v3 =	vmul.f32 $1.000000000e+01, v1  }
0x434: {  	s13 =	simm.s32 $0x6520;
	v40 =	vld [tilespmem:s9+$0x6480];
	v4 =	vmul.f32 $1.000000000e+01, v2;
	v5 =	vmul.f32 $1.000000000e+01, v11  }
0x435: {  	v29 =	vld [tilespmem:s13+$0xFFFFFFB0];
	v6 =	vmul.f32 $1.000000000e+01, v8;
	v12 =	vmul.f32 $1.000000000e+01, v7  }
0x436: {  	v13 =	vmul.f32 $1.000000000e+01, v9;
	v16 =	vmul.f32 $1.000000000e+01, v10  }
0x437: {  	v17 =	vmul.f32 $1.000000000e+01, v15;
	v20 =	vmul.f32 $1.000000000e+01, v18  }
0x438: {  	v21 =	vmul.f32 $1.000000000e+01, v19;
	v22 =	vmul.f32 $1.000000000e+01, v23  }
0x439: {  	v24 =	vmul.f32 $1.000000000e+01, v14;
	v31 =	vmul.f32 $1.000000000e+01, v40  }
0x43a: {  	v33 =	vmul.f32 $1.000000000e+01, v29;
	v3 =	vtrunc.f32 v3  }
0x43b: {  	v4 =	vtrunc.f32 v4;
	v3 =	vcvt.f32.s32 v3  }
0x43c: {  	v5 =	vtrunc.f32 v5;
	v4 =	vcvt.f32.s32 v4  }
0x43d: {  	v6 =	vtrunc.f32 v6;
	v12 =	vtrunc.f32 v12;
	vm0 =	vgt.s32 v3, $0x0  }
0x43e: {  	v13 =	vtrunc.f32 v13;
	vm1 =	vgt.s32 v4, $0x0;
	v3 =	vnsel vm0, $0x0, v3  }
0x43f: {  	v16 =	vtrunc.f32 v16;
	v4 =	vnsel vm1, $0x0, v4;
	v3 =	vmin.u32 v3, $0x9  }
0x440: {  	v17 =	vtrunc.f32 v17;
	v24 =	vtrunc.f32 v24;
	v4 =	vmin.u32 v4, $0x9  }
0x441: {  	v20 =	vtrunc.f32 v20;
	v21 =	vtrunc.f32 v21  }
0x442: {  	v22 =	vtrunc.f32 v22;
	v44 =	vtrunc.f32 v33  }
0x443: {  	v24 =	vcvt.f32.s32 v24;
	v5 =	vcvt.f32.s32 v5  }
0x444: {  	v6 =	vcvt.f32.s32 v6;
	v12 =	vcvt.f32.s32 v12;
	v25 =	vld.idx.msk [tilespmem:v3+s25+$0x0], $0xffff  }
0x445: {  	v13 =	vcvt.f32.s32 v13;
	v16 =	vcvt.f32.s32 v16;
	v26 =	vld.idx.msk [tilespmem:v4+s25+$0x0], $0xffff  }
0x446: {  	v17 =	vcvt.f32.s32 v17;
	v20 =	vcvt.f32.s32 v20  }
0x447: {  	v22 =	vcvt.f32.s32 v22;
	v44 =	vcvt.f32.s32 v44;
	vm3 =	vgt.s32 v12, $0x0  }
0x448: {  	v27 =	vld [tilespmem:s13+$0xFFFFFFD0];
	vm4 =	vgt.s32 v13, $0x0;
	vm5 =	vgt.s32 v16, $0x0;
	vm6 =	vgt.s32 v17, $0x0  }
0x449: {  	vm7 =	vgt.s32 v20, $0x0;
	vm0 =	vgt.s32 v24, $0x0;
	vm1 =	vle.f32 v1, v25  }
0x44a: {  	vm2 =	vle.f32 v2, v26;
	v1 =	vcvt.f32.s32 v21;
	v2 =	vsel vm1, $0xFFFFFFFF, v0  }
0x44b: {  	v21 =	vsel vm2, $0xFFFFFFFF, v0;
	vm1 =	vgt.s32 v5, $0x0;
	vm2 =	vgt.s32 v6, $0x0  }
0x44c: {  	v30 =	vld [tilespmem:s13+$0xFFFFFFC0];
	v37 =	vadd.s32 v2, v3;
	v28 =	vadd.s32 v21, v4;
	vm8 =	vgt.s32 v1, $0x0  }
0x44d: {  	v21 =	vld [tilespmem:s13+$0x50];
	v2 =	vnsel vm0, $0x0, v24;
	v3 =	vnsel vm1, $0x0, v5;
	v4 =	vnsel vm2, $0x0, v6;
	[tilespmem:$0x1FFA0] =	vst v27  }
0x44e: {  	v6 =	vnsel vm4, $0x0, v13;
	v13 =	vnsel vm6, $0x0, v17;
	v17 =	vnsel vm8, $0x0, v1;
	v1 =	vld [tilespmem:s13+$0xFFFFFFE0]  }
0x44f: {  	vm0 =	vgt.s32 v22, $0x0;
	v5 =	vnsel vm3, $0x0, v12;
	v24 =	vmin.u32 v2, $0x9;
	v2 =	vld [tilespmem:s13+$0xFFFFFFF0]  }
0x450: {  	v12 =	vnsel vm5, $0x0, v16;
	v39 =	vmin.u32 v3, $0x9;
	v36 =	vmin.u32 v4, $0x9;
	v4 =	vld [tilespmem:s13+$0x0]  }
0x451: {  	v26 =	vmin.u32 v6, $0x9;
	v3 =	vld [tilespmem:s13+$0x10];
	v6 =	vtrunc.f32 v31;
	v32 =	vmin.u32 v12, $0x9  }
0x452: {  	v12 =	vmul.f32 $1.000000000e+01, v30;
	v31 =	vmin.u32 v13, $0x9;
	v13 =	vmul.f32 $1.000000000e+01, v27;
	v38 =	vld [tilespmem:s13+$0xFFFFFFA0]  }
0x453: {  	v16 =	vnsel vm7, $0x0, v20;
	v20 =	vnsel vm0, $0x0, v22;
	v34 =	vcvt.f32.s32 v6;
	v6 =	vld [tilespmem:s13+$0x30]  }
0x454: {  	v25 =	vmin.u32 v5, $0x9;
	v12 =	vtrunc.f32 v12;
	v13 =	vtrunc.f32 v13  }
0x455: {  	v33 =	vmin.u32 v16, $0x9;
	v22 =	vmul.f32 $1.000000000e+01, v21;
	v35 =	vmul.f32 $1.000000000e+01, v1  }
0x456: {  	vm1 =	vgt.s32 v34, $0x0;
	v41 =	vmul.f32 $1.000000000e+01, v2;
	v42 =	vmul.f32 $1.000000000e+01, v4  }
0x457: {  	v34 =	vnsel vm1, $0x0, v34;
	v45 =	vmul.f32 $1.000000000e+01, v3;
	v47 =	vld.idx.msk [tilespmem:v39+s25+$0x0], $0xffff;
	v50 =	vmul.f32 $1.000000000e+01, v38  }
0x458: {  	v46 =	vmin.u32 v34, $0x9;
	v16 =	vld.idx.msk [tilespmem:v36+s25+$0x0], $0xffff;
	v5 =	vtrunc.f32 v22;
	v48 =	vmul.f32 $1.000000000e+01, v6  }
0x459: {  	v34 =	vmin.u32 v17, $0x9;
	v17 =	vld.idx.msk [tilespmem:v25+s25+$0x0], $0xffff;
	v22 =	vcvt.f32.s32 v5;
	v51 =	vtrunc.f32 v35  }
0x45a: {  	v43 =	vld.idx.msk [tilespmem:v24+s25+$0x0], $0xffff;
	v35 =	vmin.u32 v20, $0x9;
	v20 =	vtrunc.f32 v41;
	v55 =	vtrunc.f32 v42  }
0x45b: {  	v62 =	vld.idx.msk [tilespmem:v31+s25+$0x0], $0xffff;
	v50 =	vtrunc.f32 v50;
	v45 =	vtrunc.f32 v45;
	vm0 =	vgt.s32 v22, $0x0  }
0x45c: {  	v5 =	vld [tilespmem:s13+$0x40];
	v57 =	vtrunc.f32 v48;
	v22 =	vnsel vm0, $0x0, v22;
	vm1 =	vle.f32 v11, v47  }
0x45d: {  	v11 =	vcvt.f32.s32 v50;
	vm2 =	vle.f32 v8, v16;
	v8 =	vcvt.f32.s32 v12  }
0x45e: {  	v12 =	vcvt.f32.s32 v13;
	vm3 =	vle.f32 v7, v17;
	v7 =	vcvt.f32.s32 v51  }
0x45f: {  	vm0 =	vle.f32 v14, v43;
	v13 =	vcvt.f32.s32 v20;
	v16 =	vcvt.f32.s32 v55  }
0x460: {  	v17 =	vcvt.f32.s32 v45;
	vm15 =	vle.f32 v15, v62;
	v22 =	vmin.u32 v22, $0x9  }
0x461: {  	v14 =	vld.idx.msk [tilespmem:v46+s25+$0x0], $0xffff;
	v47 =	vsel vm15, $0xFFFFFFFF, v0;
	v49 =	vmul.f32 $1.000000000e+01, v5;
	vm4 =	vgt.s32 v11, $0x0  }
0x462: {  	s10 =	simm.s32 $0x65E0;
	v54 =	vld.idx.msk [tilespmem:v34+s25+$0x0], $0xffff;
	vm6 =	vgt.s32 v8, $0x0;
	vm7 =	vgt.s32 v12, $0x0;
	vm8 =	vgt.s32 v7, $0x0  }
0x463: {  	v51 =	vld [tilespmem:s10+$0x50];
	vm9 =	vgt.s32 v13, $0x0;
	vm10 =	vgt.s32 v16, $0x0;
	vm11 =	vgt.s32 v17, $0x0  }
0x464: {  	v15 =	vld [tilespmem:s10+$0xFFFFFFE0];
	v31 =	vadd.s32 v47, v31;
	v11 =	vnsel vm4, $0x0, v11;
	v8 =	vnsel vm6, $0x0, v8  }
0x465: {  	v12 =	vnsel vm7, $0x0, v12;
	v7 =	vnsel vm8, $0x0, v7;
	v13 =	vnsel vm9, $0x0, v13  }
0x466: {  	v60 =	vld.idx.msk [tilespmem:v26+s25+$0x0], $0xffff;
	v55 =	vnsel vm10, $0x0, v16;
	v58 =	vtrunc.f32 v49;
	v16 =	vmin.u32 v7, $0x9  }
0x467: {  	v37 =	vld.idx.msk [tilespmem:v37+s24+$0x0], $0xffff;
	vm14 =	vle.f32 v40, v14;
	v14 =	vcvt.f32.s32 v57;
	v59 =	vcvt.f32.s32 v58  }
0x468: {  	v61 =	vld.idx.msk [tilespmem:v32+s25+$0x0], $0xffff;
	vm13 =	vle.f32 v19, v54;
	v58 =	vsel vm1, $0xFFFFFFFF, v0;
	v52 =	vmul.f32 $1.000000000e+01, v51  }
0x469: {  	v56 =	vld.idx.msk [tilespmem:v22+s25+$0x0], $0xffff;
	v50 =	vsel vm13, $0xFFFFFFFF, v0;
	v39 =	vadd.s32 v58, v39;
	v58 =	vmul.f32 $1.000000000e+01, v15  }
0x46a: {  	s14 =	simm.s32 $0x180;
	v57 =	vld.idx.msk [tilespmem:v35+s25+$0x0], $0xffff;
	vm12 =	vgt.s32 v14, $0x0;
	vm4 =	vgt.s32 v59, $0x0;
	v62 =	vtrunc.f32 v52  }
0x46b: {  	s6 =	sand.u32 $0x7FC0, s14;
	v63 =	vld.idx.msk [tilespmem:v33+s25+$0x0], $0xffff;
	v50 =	vadd.s32 v50, v34;
	v40 =	vnsel vm4, $0x0, v59;
	vm4 =	vle.f32 v9, v60  }
0x46c: {  	v48 =	vld [tilespmem:s6+$0x6480];
	v59 =	vsel vm2, $0xFFFFFFFF, v0;
	v60 =	vsel vm3, $0xFFFFFFFF, v0;
	v58 =	vtrunc.f32 v58  }
0x46d: {  	v19 =	vld [tilespmem:s10+$0x0];
	v7 =	vmin.u32 v40, $0x9;
	v43 =	vadd.s32 v59, v36;
	v36 =	vcvt.f32.s32 v62  }
0x46e: {  	v9 =	vld [tilespmem:s10+$0xFFFFFFD0];
	v58 =	vcvt.f32.s32 v58;
	vm5 =	vle.f32 v21, v56;
	v21 =	vsel vm14, $0xFFFFFFFF, v0  }
0x46f: {  	vm14 =	vle.f32 v23, v57;
	v23 =	vsel vm0, $0xFFFFFFFF, v0;
	v39 =	vld.idx.msk [tilespmem:v39+s24+$0x0], $0xffff;
	v42 =	vadd.s32 v21, v46  }
0x470: {  	v21 =	vmin.u32 v11, $0x9;
	v11 =	vnsel vm12, $0x0, v14;
	vm12 =	vle.f32 v18, v63;
	v18 =	vld [tilespmem:s10+$0xFFFFFFF0]  }
0x471: {  	v20 =	vsel vm5, $0xFFFFFFFF, v0;
	vm5 =	vgt.s32 v44, $0x0;
	v53 =	vadd.s32 v23, v24;
	v23 =	vld [tilespmem:s10+$0x10]  }
0x472: {  	v41 =	vadd.s32 v20, v22;
	v20 =	vnsel vm5, $0x0, v44;
	vm5 =	vle.f32 v10, v61;
	v10 =	vld [tilespmem:s10+$0xFFFFFFC0]  }
0x473: {  	v56 =	vnsel vm11, $0x0, v17;
	v24 =	vmul.f32 $1.000000000e+01, v48;
	v44 =	vadd.s32 v60, v25;
	v25 =	vld [tilespmem:s10+$0x40]  }
0x474: {  	v14 =	vmin.u32 v13, $0x9;
	v22 =	vmin.u32 v20, $0x9;
	v20 =	vmin.u32 v8, $0x9;
	v8 =	vld [tilespmem:s10+$0xFFFFFFB0]  }
0x475: {  	v13 =	vmin.u32 v55, $0x9;
	v61 =	vsel vm4, $0xFFFFFFFF, v0;
	v63 =	vtrunc.f32 v24;
	v24 =	vld [tilespmem:s10+$0x30]  }
0x476: {  	v17 =	vmin.u32 v12, $0x9;
	vm0 =	vgt.s32 v36, $0x0;
	v45 =	vadd.s32 v61, v26;
	v26 =	vld [tilespmem:s10+$0xFFFFFFA0]  }
0x477: {  	vm8 =	vgt.s32 v58, $0x0;
	v12 =	vmin.u32 v56, $0x9;
	v57 =	vmul.f32 $1.000000000e+01, v9;
	v55 =	vld.idx.msk [tilespmem:v21+s25+$0x0], $0xffff  }
0x478: {  	v36 =	vnsel vm0, $0x0, v36;
	v49 =	vsel vm12, $0xFFFFFFFF, v0;
	v46 =	vsel vm5, $0xFFFFFFFF, v0;
	v43 =	vld.idx.msk [tilespmem:v43+s24+$0x0], $0xffff  }
0x479: {  	v49 =	vadd.s32 v49, v33;
	v52 =	vcvt.f32.s32 v63;
	v57 =	vtrunc.f32 v57;
	v42 =	vld.idx.msk [tilespmem:v42+s24+$0x0], $0xffff  }
0x47a: {  	v46 =	vadd.s32 v46, v32;
	v57 =	vcvt.f32.s32 v57;
	v59 =	vmul.f32 $1.000000000e+01, v18;
	v33 =	vld.idx.msk [tilespmem:v13+s25+$0x0], $0xffff  }
0x47b: {  	vm1 =	vgt.s32 v52, $0x0;
	v56 =	vmul.f32 $1.000000000e+01, v10;
	v40 =	vmul.f32 $1.000000000e+01, v8;
	v60 =	vld.idx.msk [tilespmem:v22+s25+$0x0], $0xffff  }
0x47c: {  	vm0 =	vle.f32 v38, v55;
	v38 =	vld.idx.msk [tilespmem:v28+s24+$0x0], $0xffff;
	v28 =	vnsel vm1, $0x0, v52;
	v52 =	vmin.u32 v36, $0x9  }
0x47d: {  	v61 =	vld.idx.msk [tilespmem:v20+s25+$0x0], $0xffff;
	v32 =	vmul.f32 $1.000000000e+01, v24;
	v47 =	vtrunc.f32 v59;
	v62 =	vmin.u32 v28, $0x9  }
0x47e: {  	v54 =	vsel vm14, $0xFFFFFFFF, v0;
	v34 =	vld.idx.msk [tilespmem:v12+s25+$0x0], $0xffff;
	v56 =	vtrunc.f32 v56;
	v36 =	vtrunc.f32 v40  }
0x47f: {  	v11 =	vmin.u32 v11, $0x9;
	v47 =	vcvt.f32.s32 v47;
	v27 =	vcvt.f32.s32 v36;
	v36 =	vld [tilespmem:$0x1FFA0]  }
0x480: {  	v63 =	vtrunc.f32 v32;
	v56 =	vcvt.f32.s32 v56;
	vm1 =	vle.f32 v29, v60;
	v60 =	vld.idx.msk [tilespmem:v17+s25+$0x0], $0xffff  }
0x481: {  	v54 =	vadd.s32 v54, v35;
	v55 =	vmul.f32 $1.000000000e+01, v19;
	v40 =	vmul.f32 $1.000000000e+01, v23;
	v59 =	vld.idx.msk [tilespmem:v52+s25+$0x0], $0xffff  }
0x482: {  	v29 =	vmul.f32 $1.000000000e+01, v25;
	vm2 =	vle.f32 v30, v61;
	v30 =	vmul.f32 $1.000000000e+01, v26;
	v61 =	vld.idx.msk [tilespmem:v62+s25+$0x0], $0xffff  }
0x483: {  	v53 =	vld.idx.msk [tilespmem:v53+s24+$0x0], $0xffff;
	vm7 =	vgt.s32 v57, $0x0;
	v55 =	vtrunc.f32 v55;
	v40 =	vtrunc.f32 v40  }
0x484: {  	v41 =	vld.idx.msk [tilespmem:v41+s24+$0x0], $0xffff;
	vm9 =	vgt.s32 v47, $0x0;
	v55 =	vcvt.f32.s32 v55;
	v40 =	vcvt.f32.s32 v40  }
0x485: {  	v35 =	vld.idx.msk [tilespmem:v11+s25+$0x0], $0xffff;
	vm6 =	vgt.s32 v56, $0x0;
	v30 =	vtrunc.f32 v30;
	v29 =	vtrunc.f32 v29  }
0x486: {  	v32 =	vld.idx.msk [tilespmem:v14+s25+$0x0], $0xffff;
	v30 =	vcvt.f32.s32 v30;
	v29 =	vcvt.f32.s32 v29;
	vm5 =	vle.f32 v51, v59  }
0x487: {  	v28 =	vld.idx.msk [tilespmem:v16+s25+$0x0], $0xffff;
	vm3 =	vle.f32 v36, v60;
	vm15 =	vle.f32 v48, v61;
	v60 =	vsel vm5, $0xFFFFFFFF, v0  }
0x488: {  	s10 =	simm.s32 $0x12C60;
	[tilespmem:s7+$0x12C80] =	vst v38;
	v38 =	vld.idx.msk [tilespmem:v44+s24+$0x0], $0xffff;
	vm10 =	vgt.s32 v55, $0x0;
	v61 =	vsel vm15, $0xFFFFFFFF, v0;
	v48 =	vadd.s32 v60, v52  }
0x489: {  	[tilespmem:s10+$0x50] =	vst v37;
	vm11 =	vgt.s32 v40, $0x0;
	v36 =	vld.idx.msk [tilespmem:v7+s25+$0x0], $0xffff;
	v51 =	vcvt.f32.s32 v63;
	v63 =	vadd.s32 v61, v62  }
0x48a: {  	[tilespmem:s9+$0x12C80] =	vst v42;
	v55 =	vnsel vm10, $0x0, v55;
	vm4 =	vgt.s32 v30, $0x0;
	v59 =	vld.idx.msk [tilespmem:v46+s24+$0x0], $0xffff;
	v46 =	vnsel vm7, $0x0, v57  }
0x48b: {  	[tilespmem:s10+$0xFFFFFFB0] =	vst v39;
	v30 =	vnsel vm4, $0x0, v30;
	vm4 =	vgt.s32 v29, $0x0;
	v39 =	vmin.u32 v46, $0x9;
	v46 =	vld.idx.msk [tilespmem:v50+s24+$0x0], $0xffff  }
0x48c: {  	[tilespmem:s10+$0xFFFFFFA0] =	vst v53;
	v42 =	vmin.u32 v30, $0x9;
	vm5 =	vgt.s32 v27, $0x0;
	vm12 =	vgt.s32 v51, $0x0;
	v52 =	vld.idx.msk [tilespmem:v45+s24+$0x0], $0xffff  }
0x48d: {  	[tilespmem:s10+$0xFFFFFFC0] =	vst v43;
	s7 =	simm.s32 $0x12D20;
	v27 =	vnsel vm5, $0x0, v27;
	v45 =	vnsel vm6, $0x0, v56;
	v60 =	vnsel vm8, $0x0, v58;
	v44 =	vld.idx.msk [tilespmem:v48+s24+$0x0], $0xffff  }
0x48e: {  	[tilespmem:s7+$0x50] =	vst v41;
	v61 =	vnsel vm9, $0x0, v47;
	v62 =	vnsel vm11, $0x0, v40;
	v51 =	vnsel vm12, $0x0, v51;
	v48 =	vld.idx.msk [tilespmem:v63+s24+$0x0], $0xffff  }
0x48f: {  	[tilespmem:s10+$0xFFFFFFD0] =	vst v38;
	v47 =	vld.idx.msk [tilespmem:v31+s24+$0x0], $0xffff;
	v41 =	vmin.u32 v27, $0x9;
	v40 =	vmin.u32 v45, $0x9;
	v38 =	vmin.u32 v60, $0x9  }
0x490: {  	s11 =	simm.s32 $0x18;
	v45 =	vld.idx.msk [tilespmem:v49+s24+$0x0], $0xffff;
	v31 =	vmin.u32 v55, $0x9;
	v37 =	vmin.u32 v61, $0x9;
	[tilespmem:s10+$0xFFFFFFF0] =	vst v59;
	v63 =	vnsel vm4, $0x0, v29  }
0x491: {  	s12 =	simm.s32 $0x66A0;
	s13 =	simm.s32 $0x240;
	s9 =	simm.s32 $0x12DE0;
	v49 =	vld.idx.msk [tilespmem:v54+s24+$0x0], $0xffff;
	v30 =	vmin.u32 v62, $0x9;
	[tilespmem:s10+$0xFFFFFFE0] =	vst v52;
	v29 =	vmin.u32 v51, $0x9;
	v27 =	vmin.u32 v63, $0x9  }
.LBB2_22:
0x492: {  	s14 =	sand.u32 $0x7FC0, s13;
	v43 =	vld [tilespmem:s12+$0x50];
	s11 =	sadd.s32 $0xC, s11;
	[tilespmem:s9+$0x50] =	vst v44;
	vm4 =	vle.f32 v1, v28;
	vm5 =	vle.f32 v2, v32;
	vm6 =	vle.f32 v4, v33  }
0x493: {  	vm7 =	vle.f32 v3, v34;
	vm8 =	vle.f32 v6, v35;
	vm9 =	vle.f32 v5, v36;
	v44 =	vld [tilespmem:s14+$0x6480];
	p0 =	slt.u32 s11, $0x630;
	[tilespmem:s6+$0x12C80] =	vst v48;
	s6 =	smov.u32 s14  }
0x494: {  	v28 =	vsel vm0, $0xFFFFFFFF, v0;
	v32 =	vsel vm1, $0xFFFFFFFF, v0;
	v34 =	vsel vm2, $0xFFFFFFFF, v0;
	v1 =	vmovc v15;
	v2 =	vmovc v18;
	v33 =	vld [tilespmem:s12+$0xFFFFFFB0];
	[tilespmem:s10+$0x0] =	vst v47  }
0x495: {  	v36 =	vsel vm3, $0xFFFFFFFF, v0;
	v4 =	vmovc v19;
	v3 =	vmovc v23;
	v48 =	vsel vm5, $0xFFFFFFFF, v0;
	v47 =	vsel vm4, $0xFFFFFFFF, v0;
	v35 =	vld [tilespmem:s12+$0xFFFFFFC0];
	[tilespmem:s10+$0x10] =	vst v45  }
0x496: {  	v6 =	vmovc v24;
	v5 =	vmovc v25;
	v50 =	vsel vm6, $0xFFFFFFFF, v0;
	v51 =	vsel vm7, $0xFFFFFFFF, v0;
	v52 =	vsel vm8, $0xFFFFFFFF, v0;
	v45 =	vld [tilespmem:s12+$0xFFFFFFD0];
	[tilespmem:s10+$0x30] =	vst v46  }
0x497: {  	v53 =	vsel vm9, $0xFFFFFFFF, v0;
	v46 =	vadd.s32 v28, v21;
	v21 =	vmovc v42;
	v15 =	vld [tilespmem:s12+$0xFFFFFFE0];
	v23 =	vmul.f32 $1.000000000e+01, v43;
	[tilespmem:s10+$0x40] =	vst v49;
	s10 =	smov.u32 s7;
	s7 =	smov.u32 s9  }
0x498: {  	v42 =	vadd.s32 v32, v22;
	v22 =	vmovc v41;
	v49 =	vadd.s32 v34, v20;
	v20 =	vmovc v40;
	v18 =	vld [tilespmem:s12+$0xFFFFFFF0];
	v24 =	vmul.f32 $1.000000000e+01, v44  }
0x499: {  	v40 =	vadd.s32 v36, v17;
	v17 =	vmovc v39;
	v28 =	vmul.f32 $1.000000000e+01, v33;
	v19 =	vld [tilespmem:s12+$0x0];
	v25 =	vtrunc.f32 v23  }
0x49a: {  	v39 =	vadd.s32 v47, v16;
	v16 =	vmovc v38;
	v23 =	vld [tilespmem:s12+$0x10];
	v24 =	vtrunc.f32 v24;
	v32 =	vcvt.f32.s32 v25  }
0x49b: {  	v38 =	vadd.s32 v48, v14;
	v14 =	vmovc v37;
	v34 =	vmul.f32 $1.000000000e+01, v35;
	v36 =	vcvt.f32.s32 v24;
	v24 =	vld [tilespmem:s12+$0x30]  }
0x49c: {  	v37 =	vmul.f32 $1.000000000e+01, v45;
	v41 =	vmul.f32 $1.000000000e+01, v15;
	v25 =	vld [tilespmem:s12+$0x40];
	vm0 =	vgt.s32 v32, $0x0  }
0x49d: {  	v47 =	vld [tilespmem:s12+$0xFFFFFFA0];
	v48 =	vmul.f32 $1.000000000e+01, v18;
	vm1 =	vgt.s32 v36, $0x0;
	v32 =	vnsel vm0, $0x0, v32  }
0x49e: {  	v54 =	vmul.f32 $1.000000000e+01, v19;
	v36 =	vnsel vm1, $0x0, v36;
	v55 =	vmin.u32 v32, $0x9;
	v32 =	vld.idx.msk [tilespmem:v21+s25+$0x0], $0xffff  }
0x49f: {  	v56 =	vtrunc.f32 v28;
	v57 =	vmul.f32 $1.000000000e+01, v23;
	v58 =	vmin.u32 v36, $0x9;
	v36 =	vld.idx.msk [tilespmem:v22+s25+$0x0], $0xffff  }
0x4a0: {  	v50 =	vadd.s32 v50, v13;
	v13 =	vmovc v31;
	v34 =	vtrunc.f32 v34;
	v59 =	vmul.f32 $1.000000000e+01, v24;
	v60 =	vld.idx.msk [tilespmem:v20+s25+$0x0], $0xffff  }
0x4a1: {  	v51 =	vadd.s32 v51, v12;
	v12 =	vmovc v30;
	v31 =	vtrunc.f32 v37;
	v37 =	vmul.f32 $1.000000000e+01, v25;
	v61 =	vld.idx.msk [tilespmem:v17+s25+$0x0], $0xffff  }
0x4a2: {  	v52 =	vadd.s32 v52, v11;
	v11 =	vmovc v29;
	v41 =	vtrunc.f32 v41;
	v30 =	vmul.f32 $1.000000000e+01, v47;
	v28 =	vld.idx.msk [tilespmem:v16+s25+$0x0], $0xffff  }
0x4a3: {  	v53 =	vadd.s32 v53, v7;
	v7 =	vmovc v27;
	v29 =	vtrunc.f32 v48;
	v48 =	vtrunc.f32 v54;
	v54 =	vld.idx.msk [tilespmem:v55+s25+$0x0], $0xffff  }
0x4a4: {  	vm0 =	vle.f32 v26, v32;
	v26 =	vmovc v47;
	v27 =	vtrunc.f32 v30;
	v30 =	vtrunc.f32 v57;
	v57 =	vld.idx.msk [tilespmem:v58+s25+$0x0], $0xffff  }
0x4a5: {  	v47 =	vtrunc.f32 v59;
	v37 =	vtrunc.f32 v37;
	vm1 =	vle.f32 v8, v36;
	v8 =	vmovc v33;
	v32 =	vld.idx.msk [tilespmem:v14+s25+$0x0], $0xffff  }
0x4a6: {  	v56 =	vcvt.f32.s32 v56;
	v27 =	vcvt.f32.s32 v27;
	vm2 =	vle.f32 v10, v60;
	v10 =	vmovc v35;
	v33 =	vld.idx.msk [tilespmem:v13+s25+$0x0], $0xffff  }
0x4a7: {  	v31 =	vcvt.f32.s32 v31;
	v59 =	vcvt.f32.s32 v34;
	vm3 =	vle.f32 v9, v61;
	v9 =	vmovc v45;
	v34 =	vld.idx.msk [tilespmem:v12+s25+$0x0], $0xffff  }
0x4a8: {  	v41 =	vcvt.f32.s32 v41;
	v29 =	vcvt.f32.s32 v29;
	vm4 =	vgt.s32 v27, $0x0;
	v35 =	vld.idx.msk [tilespmem:v11+s25+$0x0], $0xffff  }
0x4a9: {  	v30 =	vcvt.f32.s32 v30;
	v45 =	vcvt.f32.s32 v48;
	vm5 =	vle.f32 v43, v54;
	v36 =	vld.idx.msk [tilespmem:v7+s25+$0x0], $0xffff  }
0x4aa: {  	v43 =	vcvt.f32.s32 v47;
	vm6 =	vle.f32 v44, v57;
	v44 =	vsel vm5, $0xFFFFFFFF, v0;
	v46 =	vld.idx.msk [tilespmem:v46+s24+$0x0], $0xffff  }
0x4ab: {  	v37 =	vcvt.f32.s32 v37;
	v47 =	vsel vm6, $0xFFFFFFFF, v0;
	v44 =	vadd.s32 v44, v55;
	v42 =	vld.idx.msk [tilespmem:v42+s24+$0x0], $0xffff  }
0x4ac: {  	vm5 =	vgt.s32 v56, $0x0;
	vm6 =	vgt.s32 v59, $0x0;
	v47 =	vadd.s32 v47, v58;
	v49 =	vld.idx.msk [tilespmem:v49+s24+$0x0], $0xffff  }
0x4ad: {  	vm7 =	vgt.s32 v31, $0x0;
	vm8 =	vgt.s32 v41, $0x0;
	vm9 =	vgt.s32 v29, $0x0;
	v54 =	vld.idx.msk [tilespmem:v40+s24+$0x0], $0xffff  }
0x4ae: {  	vm11 =	vgt.s32 v30, $0x0;
	vm10 =	vgt.s32 v45, $0x0;
	vm12 =	vgt.s32 v43, $0x0;
	v55 =	vld.idx.msk [tilespmem:v39+s24+$0x0], $0xffff  }
0x4af: {  	v27 =	vnsel vm4, $0x0, v27;
	vm4 =	vgt.s32 v37, $0x0;
	v39 =	vnsel vm5, $0x0, v56;
	v56 =	vld.idx.msk [tilespmem:v38+s24+$0x0], $0xffff  }
0x4b0: {  	v31 =	vnsel vm7, $0x0, v31;
	v57 =	vnsel vm8, $0x0, v41;
	v38 =	vnsel vm6, $0x0, v59;
	v44 =	vld.idx.msk [tilespmem:v44+s24+$0x0], $0xffff;
	[tilespmem:s10+$0xFFFFFFA0] =	vst v46  }
.Ltmp10:
0x4b1: {  	v29 =	vnsel vm9, $0x0, v29;
	v30 =	vnsel vm11, $0x0, v30;
	v46 =	vnsel vm10, $0x0, v45;
	v48 =	vld.idx.msk [tilespmem:v47+s24+$0x0], $0xffff;
	[tilespmem:s10+$0xFFFFFFB0] =	vst v42;
	(pc) =	sbr.rel @p0 .LBB2_22-.Ltmp10, $4  }
0x4b2: {  	v42 =	vmin.u32 v27, $0x9;
	v27 =	vnsel vm12, $0x0, v43;
	v43 =	vnsel vm4, $0x0, v37;
	[tilespmem:s10+$0xFFFFFFC0] =	vst v49;
	v47 =	vld.idx.msk [tilespmem:v50+s24+$0x0], $0xffff  }
0x4b3: {  	v41 =	vmin.u32 v39, $0x9;
	v39 =	vmin.u32 v31, $0x9;
	v40 =	vmin.u32 v38, $0x9;
	[tilespmem:s10+$0xFFFFFFD0] =	vst v54;
	v45 =	vld.idx.msk [tilespmem:v51+s24+$0x0], $0xffff  }
0x4b4: {  	v38 =	vmin.u32 v57, $0x9;
	v37 =	vmin.u32 v29, $0x9;
	v31 =	vmin.u32 v46, $0x9;
	[tilespmem:s10+$0xFFFFFFE0] =	vst v55;
	v46 =	vld.idx.msk [tilespmem:v52+s24+$0x0], $0xffff  }
0x4b5: {  	s13 =	sadd.s32 $0xC0, s13;
	s9 =	sadd.s32 $0xC0, s9;
	s12 =	sadd.s32 $0xC0, s12;
	v30 =	vmin.u32 v30, $0x9;
	v29 =	vmin.u32 v27, $0x9;
	v27 =	vmin.u32 v43, $0x9;
	[tilespmem:s10+$0xFFFFFFF0] =	vst v56;
	v49 =	vld.idx.msk [tilespmem:v53+s24+$0x0], $0xffff  }
0x4b6: {  	_ =	sdelay $0x3  }
0x4b7: {  	v43 =	vld.idx.msk [tilespmem:v42+s25+$0x0], $0xffff  }
0x4b8: {  	v50 =	vld.idx.msk [tilespmem:v41+s25+$0x0], $0xffff  }
0x4b9: {  	v51 =	vld.idx.msk [tilespmem:v40+s25+$0x0], $0xffff  }
0x4ba: {  	v52 =	vld.idx.msk [tilespmem:v39+s25+$0x0], $0xffff  }
0x4bb: {  	v53 =	vsel vm0, $0xFFFFFFFF, v0;
	v54 =	vld.idx.msk [tilespmem:v38+s25+$0x0], $0xffff  }
0x4bc: {  	v55 =	vsel vm1, $0xFFFFFFFF, v0;
	v56 =	vsel vm2, $0xFFFFFFFF, v0;
	v60 =	vld.idx.msk [tilespmem:v31+s25+$0x0], $0xffff;
	v21 =	vadd.s32 v53, v21  }
0x4bd: {  	vm12 =	vle.f32 v1, v28;
	v1 =	vsel vm3, $0xFFFFFFFF, v0;
	v61 =	vld.idx.msk [tilespmem:v30+s25+$0x0], $0xffff;
	v22 =	vadd.s32 v55, v22  }
0x4be: {  	vm13 =	vle.f32 v2, v32;
	v62 =	vld.idx.msk [tilespmem:v29+s25+$0x0], $0xffff;
	vm14 =	vle.f32 v4, v33;
	v20 =	vadd.s32 v56, v20  }
0x4bf: {  	v32 =	vld.idx.msk [tilespmem:v27+s25+$0x0], $0xffff;
	vm15 =	vle.f32 v3, v34;
	v2 =	vsel vm12, $0xFFFFFFFF, v0;
	v1 =	vadd.s32 v1, v17  }
0x4c0: {  	[tilespmem:s9+$0x50] =	vst v44;
	vm4 =	vle.f32 v6, v35;
	v53 =	vld.idx.msk [tilespmem:v37+s25+$0x0], $0xffff;
	v63 =	vsel vm13, $0xFFFFFFFF, v0;
	v2 =	vadd.s32 v2, v16  }
0x4c1: {  	[tilespmem:s6+$0x12C80] =	vst v48;
	vm5 =	vle.f32 v5, v36;
	v33 =	vsel vm14, $0xFFFFFFFF, v0;
	v3 =	vadd.s32 v63, v14;
	v34 =	vld.idx.msk [tilespmem:v21+s24+$0x0], $0xffff  }
0x4c2: {  	[tilespmem:s10+$0x0] =	vst v47;
	v35 =	vsel vm15, $0xFFFFFFFF, v0;
	v48 =	vsel vm5, $0xFFFFFFFF, v0;
	v4 =	vadd.s32 v33, v13;
	v44 =	vld.idx.msk [tilespmem:v22+s24+$0x0], $0xffff  }
0x4c3: {  	[tilespmem:s10+$0x10] =	vst v45;
	v45 =	vsel vm4, $0xFFFFFFFF, v0;
	v6 =	vadd.s32 v35, v12;
	v7 =	vadd.s32 v48, v7;
	v47 =	vld.idx.msk [tilespmem:v20+s24+$0x0], $0xffff  }
0x4c4: {  	[tilespmem:s10+$0x30] =	vst v46;
	v5 =	vadd.s32 v45, v11;
	vm6 =	vle.f32 v26, v43;
	v1 =	vld.idx.msk [tilespmem:v1+s24+$0x0], $0xffff  }
0x4c5: {  	[tilespmem:s10+$0x40] =	vst v49;
	vm7 =	vle.f32 v8, v50;
	vm8 =	vle.f32 v10, v51;
	v50 =	vsel vm6, $0xFFFFFFFF, v0;
	v2 =	vld.idx.msk [tilespmem:v2+s24+$0x0], $0xffff  }
0x4c6: {  	vm9 =	vle.f32 v9, v52;
	v56 =	vsel vm7, $0xFFFFFFFF, v0;
	v3 =	vld.idx.msk [tilespmem:v3+s24+$0x0], $0xffff;
	v8 =	vadd.s32 v50, v42;
	[tilespmem:s7+$0xFFFFFFA0] =	vst v34  }
0x4c7: {  	vm10 =	vle.f32 v15, v54;
	v57 =	vsel vm8, $0xFFFFFFFF, v0;
	v4 =	vld.idx.msk [tilespmem:v4+s24+$0x0], $0xffff;
	v10 =	vadd.s32 v56, v41;
	[tilespmem:s7+$0xFFFFFFB0] =	vst v44  }
0x4c8: {  	vm12 =	vle.f32 v19, v60;
	v58 =	vsel vm9, $0xFFFFFFFF, v0;
	v6 =	vld.idx.msk [tilespmem:v6+s24+$0x0], $0xffff;
	v9 =	vadd.s32 v57, v40;
	[tilespmem:s7+$0xFFFFFFC0] =	vst v47  }
0x4c9: {  	vm11 =	vle.f32 v18, v53;
	v59 =	vsel vm10, $0xFFFFFFFF, v0;
	v11 =	vadd.s32 v58, v39;
	[tilespmem:s7+$0xFFFFFFD0] =	vst v1;
	v1 =	vld.idx.msk [tilespmem:v5+s24+$0x0], $0xffff  }
0x4ca: {  	vm13 =	vle.f32 v23, v61;
	v60 =	vsel vm11, $0xFFFFFFFF, v0;
	v5 =	vadd.s32 v59, v38;
	[tilespmem:s7+$0xFFFFFFE0] =	vst v2;
	v2 =	vld.idx.msk [tilespmem:v7+s24+$0x0], $0xffff  }
0x4cb: {  	vm14 =	vle.f32 v24, v62;
	v61 =	vsel vm13, $0xFFFFFFFF, v0;
	[tilespmem:s7+$0xFFFFFFF0] =	vst v3;
	v7 =	vadd.s32 v60, v37;
	v8 =	vld.idx.msk [tilespmem:v8+s24+$0x0], $0xffff  }
0x4cc: {  	v62 =	vsel vm14, $0xFFFFFFFF, v0;
	[tilespmem:s7+$0x0] =	vst v4;
	v10 =	vld.idx.msk [tilespmem:v10+s24+$0x0], $0xffff;
	v4 =	vadd.s32 v61, v30  }
0x4cd: {  	vm15 =	vle.f32 v25, v32;
	v3 =	vsel vm12, $0xFFFFFFFF, v0;
	[tilespmem:s7+$0x10] =	vst v6;
	v9 =	vld.idx.msk [tilespmem:v9+s24+$0x0], $0xffff;
	v6 =	vadd.s32 v62, v29  }
0x4ce: {  	v11 =	vld.idx.msk [tilespmem:v11+s24+$0x0], $0xffff;
	v3 =	vadd.s32 v3, v31;
	[tilespmem:s7+$0x30] =	vst v1;
	v1 =	vsel vm15, $0xFFFFFFFF, v0  }
0x4cf: {  	[tilespmem:s7+$0x40] =	vst v2;
	v1 =	vadd.s32 v1, v27;
	v2 =	vld.idx.msk [tilespmem:v5+s24+$0x0], $0xffff  }
0x4d0: {  	v63 =	vld.idx.msk [tilespmem:v7+s24+$0x0], $0xffff;
	[tilespmem:s9+$0xFFFFFFA0] =	vst v8  }
0x4d1: {  	[tilespmem:s9+$0xFFFFFFB0] =	vst v10;
	v4 =	vld.idx.msk [tilespmem:v4+s24+$0x0], $0xffff  }
0x4d2: {  	[tilespmem:s9+$0xFFFFFFC0] =	vst v9;
	v6 =	vld.idx.msk [tilespmem:v6+s24+$0x0], $0xffff  }
0x4d3: {  	[tilespmem:s9+$0xFFFFFFD0] =	vst v11;
	v3 =	vld.idx.msk [tilespmem:v3+s24+$0x0], $0xffff  }
0x4d4: {  	[tilespmem:s9+$0xFFFFFFE0] =	vst v2;
	v1 =	vld.idx.msk [tilespmem:v1+s24+$0x0], $0xffff  }
0x4d5: {  	[tilespmem:s9+$0xFFFFFFF0] =	vst v63  }
0x4d6: {  	[tilespmem:s9+$0x10] =	vst v4  }
0x4d7: {  	[tilespmem:s9+$0x30] =	vst v6  }
0x4d8: {  	[tilespmem:s9+$0x0] =	vst v3  }
0x4d9: {  	[tilespmem:s9+$0x40] =	vst v1  }
.LBB2_24:
0x4da: {  	s6 =	sshra.s32 s5, $0x2  }
0x4db: {  	v1 =	vld [tilespmem:s6+$0xC7C0];
	_ =	sdelay $0x4  }
0x4dc: {  	v2 =	vmul.f32 $1.000000000e+01, v1;
	_ =	sdelay $0x1  }
0x4dd: {  	v2 =	vtrunc.f32 v2  }
0x4de: {  	v2 =	vcvt.f32.s32 v2;
	_ =	sdelay $0x1  }
0x4df: {  	vm0 =	vgt.s32 v2, $0x0  }
0x4e0: {  	v2 =	vnsel vm0, $0x0, v2  }
0x4e1: {  	v2 =	vmin.u32 v2, $0x9;
	_ =	sdelay $0x4  }
0x4e2: {  	v3 =	vld.idx.msk [tilespmem:v2+s25+$0x0], $0xffff;
	_ =	sdelay $0x4  }
0x4e3: {  	vm15 =	vle.f32 v1, v3  }
0x4e4: {  	v1 =	vsel vm15, $0xFFFFFFFF, v0  }
0x4e5: {  	v1 =	vadd.s32 v1, v2;
	_ =	sdelay $0x4  }
0x4e6: {  	p0 =	sne.s32 s5, $0xC0;
	v1 =	vld.idx.msk [tilespmem:v1+s24+$0x0], $0xffff  }
.Ltmp11:
0x4e7: {  	_ = 	snop;
	(pc) =	sbr.rel @p0 .LBB2_24-.Ltmp11, $2  }
0x4e8: {  	_ =	sdelay $0x2  }
0x4e9: {  	s5 =	sadd.s32 $0x40, s5;
	[tilespmem:s6+$0x18FC0] =	vst v1  }
0x4ea: {  	s5 =	simm.s32 $0x0  }
0x4eb: {  	[hbm4b:s18+s5] =	stream.linear.scatter [tilespmem:s0], [sflag:$0x4], $0x6400, $0x38;
	[tilespmem:$0x19180] =	vst v63  }
0x4ec: {  	_ = 	snop  }
0x4ed: {  	[tilespmem:s26], [sflag:$0x2] =	stream.linear.gather [hbm4b:s19+s5], $0x6400, $0x38;
	[tilespmem:$0x19180] =	vst v63  }
0x4ee: {  	_ =	swait.ge [sflag:s29], $0x6400  }
0x4ef: {  	[sflag:s29] =	ssyncset.done $0x0  }
0x4f0: {  	[sflag:s29] =	ssyncadd.s32 $0xFFFF9C00  }
0x4f1: {  	_ =	swait.ge [sflag:s1], $0x6400  }
0x4f2: {  	[sflag:s1] =	ssyncset.done $0x0  }
0x4f3: {  	s6 =	simm.s32 $0x60;
	[sflag:s1] =	ssyncadd.s32 $0xFFFF9C00  }
0x4f4: {  	s7 =	sand.u32 $0x7FC0, s5;
	v1 =	vld [tilespmem:s6+$0x50]  }
0x4f5: {  	v2 =	vld [tilespmem:s7+$0x80]  }
0x4f6: {  	v11 =	vld [tilespmem:s6+$0xFFFFFFB0]  }
0x4f7: {  	v8 =	vld [tilespmem:s6+$0xFFFFFFC0]  }
0x4f8: {  	v7 =	vld [tilespmem:s6+$0xFFFFFFD0]  }
0x4f9: {  	v9 =	vld [tilespmem:s6+$0xFFFFFFE0]  }
0x4fa: {  	v10 =	vld [tilespmem:s6+$0xFFFFFFF0]  }
0x4fb: {  	v15 =	vld [tilespmem:s6+$0x0]  }
0x4fc: {  	v18 =	vld [tilespmem:s6+$0x10]  }
0x4fd: {  	v19 =	vld [tilespmem:s6+$0x30]  }
0x4fe: {  	s9 =	simm.s32 $0xC0;
	v23 =	vld [tilespmem:s6+$0x40]  }
0x4ff: {  	s9 =	sand.u32 $0x7FC0, s9;
	v14 =	vld [tilespmem:s6+$0xFFFFFFA0];
	v3 =	vmul.f32 $1.000000000e+01, v1  }
0x500: {  	s13 =	simm.s32 $0x120;
	v40 =	vld [tilespmem:s9+$0x80];
	v4 =	vmul.f32 $1.000000000e+01, v2;
	v5 =	vmul.f32 $1.000000000e+01, v11  }
0x501: {  	v29 =	vld [tilespmem:s13+$0xFFFFFFB0];
	v6 =	vmul.f32 $1.000000000e+01, v8;
	v12 =	vmul.f32 $1.000000000e+01, v7  }
0x502: {  	v13 =	vmul.f32 $1.000000000e+01, v9;
	v16 =	vmul.f32 $1.000000000e+01, v10  }
0x503: {  	v17 =	vmul.f32 $1.000000000e+01, v15;
	v20 =	vmul.f32 $1.000000000e+01, v18  }
0x504: {  	v21 =	vmul.f32 $1.000000000e+01, v19;
	v22 =	vmul.f32 $1.000000000e+01, v23  }
0x505: {  	v24 =	vmul.f32 $1.000000000e+01, v14;
	v31 =	vmul.f32 $1.000000000e+01, v40  }
0x506: {  	v33 =	vmul.f32 $1.000000000e+01, v29;
	v3 =	vtrunc.f32 v3  }
0x507: {  	v4 =	vtrunc.f32 v4;
	v3 =	vcvt.f32.s32 v3  }
0x508: {  	v5 =	vtrunc.f32 v5;
	v4 =	vcvt.f32.s32 v4  }
0x509: {  	v6 =	vtrunc.f32 v6;
	v12 =	vtrunc.f32 v12;
	vm0 =	vgt.s32 v3, $0x0  }
0x50a: {  	v13 =	vtrunc.f32 v13;
	vm1 =	vgt.s32 v4, $0x0;
	v3 =	vnsel vm0, $0x0, v3  }
0x50b: {  	v16 =	vtrunc.f32 v16;
	v4 =	vnsel vm1, $0x0, v4;
	v3 =	vmin.u32 v3, $0x9  }
0x50c: {  	v17 =	vtrunc.f32 v17;
	v24 =	vtrunc.f32 v24;
	v4 =	vmin.u32 v4, $0x9  }
0x50d: {  	v20 =	vtrunc.f32 v20;
	v21 =	vtrunc.f32 v21  }
0x50e: {  	v22 =	vtrunc.f32 v22;
	v44 =	vtrunc.f32 v33  }
0x50f: {  	v24 =	vcvt.f32.s32 v24;
	v5 =	vcvt.f32.s32 v5  }
0x510: {  	v6 =	vcvt.f32.s32 v6;
	v12 =	vcvt.f32.s32 v12;
	v25 =	vld.idx.msk [tilespmem:v3+s25+$0x0], $0xffff  }
0x511: {  	v13 =	vcvt.f32.s32 v13;
	v16 =	vcvt.f32.s32 v16;
	v26 =	vld.idx.msk [tilespmem:v4+s25+$0x0], $0xffff  }
0x512: {  	v17 =	vcvt.f32.s32 v17;
	v20 =	vcvt.f32.s32 v20  }
0x513: {  	v22 =	vcvt.f32.s32 v22;
	v44 =	vcvt.f32.s32 v44;
	vm3 =	vgt.s32 v12, $0x0  }
0x514: {  	v27 =	vld [tilespmem:s13+$0xFFFFFFD0];
	vm4 =	vgt.s32 v13, $0x0;
	vm5 =	vgt.s32 v16, $0x0;
	vm6 =	vgt.s32 v17, $0x0  }
0x515: {  	vm7 =	vgt.s32 v20, $0x0;
	vm0 =	vgt.s32 v24, $0x0;
	vm1 =	vle.f32 v1, v25  }
0x516: {  	vm2 =	vle.f32 v2, v26;
	v1 =	vcvt.f32.s32 v21;
	v2 =	vsel vm1, $0xFFFFFFFF, v0  }
0x517: {  	v21 =	vsel vm2, $0xFFFFFFFF, v0;
	vm1 =	vgt.s32 v5, $0x0;
	vm2 =	vgt.s32 v6, $0x0  }
0x518: {  	v30 =	vld [tilespmem:s13+$0xFFFFFFC0];
	v37 =	vadd.s32 v2, v3;
	v28 =	vadd.s32 v21, v4;
	vm8 =	vgt.s32 v1, $0x0  }
0x519: {  	v21 =	vld [tilespmem:s13+$0x50];
	v2 =	vnsel vm0, $0x0, v24;
	v3 =	vnsel vm1, $0x0, v5;
	v4 =	vnsel vm2, $0x0, v6;
	[tilespmem:$0x1FF90] =	vst v27  }
0x51a: {  	v6 =	vnsel vm4, $0x0, v13;
	v13 =	vnsel vm6, $0x0, v17;
	v17 =	vnsel vm8, $0x0, v1;
	v1 =	vld [tilespmem:s13+$0xFFFFFFE0]  }
0x51b: {  	vm0 =	vgt.s32 v22, $0x0;
	v5 =	vnsel vm3, $0x0, v12;
	v24 =	vmin.u32 v2, $0x9;
	v2 =	vld [tilespmem:s13+$0xFFFFFFF0]  }
0x51c: {  	v12 =	vnsel vm5, $0x0, v16;
	v39 =	vmin.u32 v3, $0x9;
	v36 =	vmin.u32 v4, $0x9;
	v4 =	vld [tilespmem:s13+$0x0]  }
0x51d: {  	v26 =	vmin.u32 v6, $0x9;
	v3 =	vld [tilespmem:s13+$0x10];
	v6 =	vtrunc.f32 v31;
	v32 =	vmin.u32 v12, $0x9  }
0x51e: {  	v12 =	vmul.f32 $1.000000000e+01, v30;
	v31 =	vmin.u32 v13, $0x9;
	v13 =	vmul.f32 $1.000000000e+01, v27;
	v38 =	vld [tilespmem:s13+$0xFFFFFFA0]  }
0x51f: {  	v16 =	vnsel vm7, $0x0, v20;
	v20 =	vnsel vm0, $0x0, v22;
	v34 =	vcvt.f32.s32 v6;
	v6 =	vld [tilespmem:s13+$0x30]  }
0x520: {  	v25 =	vmin.u32 v5, $0x9;
	v12 =	vtrunc.f32 v12;
	v13 =	vtrunc.f32 v13  }
0x521: {  	v33 =	vmin.u32 v16, $0x9;
	v22 =	vmul.f32 $1.000000000e+01, v21;
	v35 =	vmul.f32 $1.000000000e+01, v1  }
0x522: {  	vm1 =	vgt.s32 v34, $0x0;
	v41 =	vmul.f32 $1.000000000e+01, v2;
	v42 =	vmul.f32 $1.000000000e+01, v4  }
0x523: {  	v34 =	vnsel vm1, $0x0, v34;
	v45 =	vmul.f32 $1.000000000e+01, v3;
	v47 =	vld.idx.msk [tilespmem:v39+s25+$0x0], $0xffff;
	v50 =	vmul.f32 $1.000000000e+01, v38  }
0x524: {  	v46 =	vmin.u32 v34, $0x9;
	v16 =	vld.idx.msk [tilespmem:v36+s25+$0x0], $0xffff;
	v5 =	vtrunc.f32 v22;
	v48 =	vmul.f32 $1.000000000e+01, v6  }
0x525: {  	v34 =	vmin.u32 v17, $0x9;
	v17 =	vld.idx.msk [tilespmem:v25+s25+$0x0], $0xffff;
	v22 =	vcvt.f32.s32 v5;
	v51 =	vtrunc.f32 v35  }
0x526: {  	v43 =	vld.idx.msk [tilespmem:v24+s25+$0x0], $0xffff;
	v35 =	vmin.u32 v20, $0x9;
	v20 =	vtrunc.f32 v41;
	v55 =	vtrunc.f32 v42  }
0x527: {  	v62 =	vld.idx.msk [tilespmem:v31+s25+$0x0], $0xffff;
	v50 =	vtrunc.f32 v50;
	v45 =	vtrunc.f32 v45;
	vm0 =	vgt.s32 v22, $0x0  }
0x528: {  	v5 =	vld [tilespmem:s13+$0x40];
	v57 =	vtrunc.f32 v48;
	v22 =	vnsel vm0, $0x0, v22;
	vm1 =	vle.f32 v11, v47  }
0x529: {  	v11 =	vcvt.f32.s32 v50;
	vm2 =	vle.f32 v8, v16;
	v8 =	vcvt.f32.s32 v12  }
0x52a: {  	v12 =	vcvt.f32.s32 v13;
	vm3 =	vle.f32 v7, v17;
	v7 =	vcvt.f32.s32 v51  }
0x52b: {  	vm0 =	vle.f32 v14, v43;
	v13 =	vcvt.f32.s32 v20;
	v16 =	vcvt.f32.s32 v55  }
0x52c: {  	v17 =	vcvt.f32.s32 v45;
	vm15 =	vle.f32 v15, v62;
	v22 =	vmin.u32 v22, $0x9  }
0x52d: {  	v14 =	vld.idx.msk [tilespmem:v46+s25+$0x0], $0xffff;
	v47 =	vsel vm15, $0xFFFFFFFF, v0;
	v49 =	vmul.f32 $1.000000000e+01, v5;
	vm4 =	vgt.s32 v11, $0x0  }
0x52e: {  	s10 =	simm.s32 $0x1E0;
	v54 =	vld.idx.msk [tilespmem:v34+s25+$0x0], $0xffff;
	vm6 =	vgt.s32 v8, $0x0;
	vm7 =	vgt.s32 v12, $0x0;
	vm8 =	vgt.s32 v7, $0x0  }
0x52f: {  	v51 =	vld [tilespmem:s10+$0x50];
	vm9 =	vgt.s32 v13, $0x0;
	vm10 =	vgt.s32 v16, $0x0;
	vm11 =	vgt.s32 v17, $0x0  }
0x530: {  	v15 =	vld [tilespmem:s10+$0xFFFFFFE0];
	v31 =	vadd.s32 v47, v31;
	v11 =	vnsel vm4, $0x0, v11;
	v8 =	vnsel vm6, $0x0, v8  }
0x531: {  	v12 =	vnsel vm7, $0x0, v12;
	v7 =	vnsel vm8, $0x0, v7;
	v13 =	vnsel vm9, $0x0, v13  }
0x532: {  	v60 =	vld.idx.msk [tilespmem:v26+s25+$0x0], $0xffff;
	v55 =	vnsel vm10, $0x0, v16;
	v58 =	vtrunc.f32 v49;
	v16 =	vmin.u32 v7, $0x9  }
0x533: {  	v37 =	vld.idx.msk [tilespmem:v37+s24+$0x0], $0xffff;
	vm14 =	vle.f32 v40, v14;
	v14 =	vcvt.f32.s32 v57;
	v59 =	vcvt.f32.s32 v58  }
0x534: {  	v61 =	vld.idx.msk [tilespmem:v32+s25+$0x0], $0xffff;
	vm13 =	vle.f32 v19, v54;
	v58 =	vsel vm1, $0xFFFFFFFF, v0;
	v52 =	vmul.f32 $1.000000000e+01, v51  }
0x535: {  	v56 =	vld.idx.msk [tilespmem:v22+s25+$0x0], $0xffff;
	v50 =	vsel vm13, $0xFFFFFFFF, v0;
	v39 =	vadd.s32 v58, v39;
	v58 =	vmul.f32 $1.000000000e+01, v15  }
0x536: {  	s14 =	simm.s32 $0x180;
	v57 =	vld.idx.msk [tilespmem:v35+s25+$0x0], $0xffff;
	vm12 =	vgt.s32 v14, $0x0;
	vm4 =	vgt.s32 v59, $0x0;
	v62 =	vtrunc.f32 v52  }
0x537: {  	s6 =	sand.u32 $0x7FC0, s14;
	v63 =	vld.idx.msk [tilespmem:v33+s25+$0x0], $0xffff;
	v50 =	vadd.s32 v50, v34;
	v40 =	vnsel vm4, $0x0, v59;
	vm4 =	vle.f32 v9, v60  }
0x538: {  	v48 =	vld [tilespmem:s6+$0x80];
	v59 =	vsel vm2, $0xFFFFFFFF, v0;
	v60 =	vsel vm3, $0xFFFFFFFF, v0;
	v58 =	vtrunc.f32 v58  }
0x539: {  	v19 =	vld [tilespmem:s10+$0x0];
	v7 =	vmin.u32 v40, $0x9;
	v43 =	vadd.s32 v59, v36;
	v36 =	vcvt.f32.s32 v62  }
0x53a: {  	v9 =	vld [tilespmem:s10+$0xFFFFFFD0];
	v58 =	vcvt.f32.s32 v58;
	vm5 =	vle.f32 v21, v56;
	v21 =	vsel vm14, $0xFFFFFFFF, v0  }
0x53b: {  	vm14 =	vle.f32 v23, v57;
	v23 =	vsel vm0, $0xFFFFFFFF, v0;
	v39 =	vld.idx.msk [tilespmem:v39+s24+$0x0], $0xffff;
	v42 =	vadd.s32 v21, v46  }
0x53c: {  	v21 =	vmin.u32 v11, $0x9;
	v11 =	vnsel vm12, $0x0, v14;
	vm12 =	vle.f32 v18, v63;
	v18 =	vld [tilespmem:s10+$0xFFFFFFF0]  }
0x53d: {  	v20 =	vsel vm5, $0xFFFFFFFF, v0;
	vm5 =	vgt.s32 v44, $0x0;
	v53 =	vadd.s32 v23, v24;
	v23 =	vld [tilespmem:s10+$0x10]  }
0x53e: {  	v41 =	vadd.s32 v20, v22;
	v20 =	vnsel vm5, $0x0, v44;
	vm5 =	vle.f32 v10, v61;
	v10 =	vld [tilespmem:s10+$0xFFFFFFC0]  }
0x53f: {  	v56 =	vnsel vm11, $0x0, v17;
	v24 =	vmul.f32 $1.000000000e+01, v48;
	v44 =	vadd.s32 v60, v25;
	v25 =	vld [tilespmem:s10+$0x40]  }
0x540: {  	v14 =	vmin.u32 v13, $0x9;
	v22 =	vmin.u32 v20, $0x9;
	v20 =	vmin.u32 v8, $0x9;
	v8 =	vld [tilespmem:s10+$0xFFFFFFB0]  }
0x541: {  	v13 =	vmin.u32 v55, $0x9;
	v61 =	vsel vm4, $0xFFFFFFFF, v0;
	v63 =	vtrunc.f32 v24;
	v24 =	vld [tilespmem:s10+$0x30]  }
0x542: {  	v17 =	vmin.u32 v12, $0x9;
	vm0 =	vgt.s32 v36, $0x0;
	v45 =	vadd.s32 v61, v26;
	v26 =	vld [tilespmem:s10+$0xFFFFFFA0]  }
0x543: {  	vm8 =	vgt.s32 v58, $0x0;
	v12 =	vmin.u32 v56, $0x9;
	v57 =	vmul.f32 $1.000000000e+01, v9;
	v55 =	vld.idx.msk [tilespmem:v21+s25+$0x0], $0xffff  }
0x544: {  	v36 =	vnsel vm0, $0x0, v36;
	v49 =	vsel vm12, $0xFFFFFFFF, v0;
	v46 =	vsel vm5, $0xFFFFFFFF, v0;
	v43 =	vld.idx.msk [tilespmem:v43+s24+$0x0], $0xffff  }
0x545: {  	v49 =	vadd.s32 v49, v33;
	v52 =	vcvt.f32.s32 v63;
	v57 =	vtrunc.f32 v57;
	v42 =	vld.idx.msk [tilespmem:v42+s24+$0x0], $0xffff  }
0x546: {  	v46 =	vadd.s32 v46, v32;
	v57 =	vcvt.f32.s32 v57;
	v59 =	vmul.f32 $1.000000000e+01, v18;
	v33 =	vld.idx.msk [tilespmem:v13+s25+$0x0], $0xffff  }
0x547: {  	vm1 =	vgt.s32 v52, $0x0;
	v56 =	vmul.f32 $1.000000000e+01, v10;
	v40 =	vmul.f32 $1.000000000e+01, v8;
	v60 =	vld.idx.msk [tilespmem:v22+s25+$0x0], $0xffff  }
0x548: {  	vm0 =	vle.f32 v38, v55;
	v38 =	vld.idx.msk [tilespmem:v28+s24+$0x0], $0xffff;
	v28 =	vnsel vm1, $0x0, v52;
	v52 =	vmin.u32 v36, $0x9  }
0x549: {  	v61 =	vld.idx.msk [tilespmem:v20+s25+$0x0], $0xffff;
	v32 =	vmul.f32 $1.000000000e+01, v24;
	v47 =	vtrunc.f32 v59;
	v62 =	vmin.u32 v28, $0x9  }
0x54a: {  	v54 =	vsel vm14, $0xFFFFFFFF, v0;
	v34 =	vld.idx.msk [tilespmem:v12+s25+$0x0], $0xffff;
	v56 =	vtrunc.f32 v56;
	v36 =	vtrunc.f32 v40  }
0x54b: {  	v11 =	vmin.u32 v11, $0x9;
	v47 =	vcvt.f32.s32 v47;
	v27 =	vcvt.f32.s32 v36;
	v36 =	vld [tilespmem:$0x1FF90]  }
0x54c: {  	v63 =	vtrunc.f32 v32;
	v56 =	vcvt.f32.s32 v56;
	vm1 =	vle.f32 v29, v60;
	v60 =	vld.idx.msk [tilespmem:v17+s25+$0x0], $0xffff  }
0x54d: {  	v54 =	vadd.s32 v54, v35;
	v55 =	vmul.f32 $1.000000000e+01, v19;
	v40 =	vmul.f32 $1.000000000e+01, v23;
	v59 =	vld.idx.msk [tilespmem:v52+s25+$0x0], $0xffff  }
0x54e: {  	v29 =	vmul.f32 $1.000000000e+01, v25;
	vm2 =	vle.f32 v30, v61;
	v30 =	vmul.f32 $1.000000000e+01, v26;
	v61 =	vld.idx.msk [tilespmem:v62+s25+$0x0], $0xffff  }
0x54f: {  	v53 =	vld.idx.msk [tilespmem:v53+s24+$0x0], $0xffff;
	vm7 =	vgt.s32 v57, $0x0;
	v55 =	vtrunc.f32 v55;
	v40 =	vtrunc.f32 v40  }
0x550: {  	v41 =	vld.idx.msk [tilespmem:v41+s24+$0x0], $0xffff;
	vm9 =	vgt.s32 v47, $0x0;
	v55 =	vcvt.f32.s32 v55;
	v40 =	vcvt.f32.s32 v40  }
0x551: {  	v35 =	vld.idx.msk [tilespmem:v11+s25+$0x0], $0xffff;
	vm6 =	vgt.s32 v56, $0x0;
	v30 =	vtrunc.f32 v30;
	v29 =	vtrunc.f32 v29  }
0x552: {  	v32 =	vld.idx.msk [tilespmem:v14+s25+$0x0], $0xffff;
	v30 =	vcvt.f32.s32 v30;
	v29 =	vcvt.f32.s32 v29;
	vm5 =	vle.f32 v51, v59  }
0x553: {  	v28 =	vld.idx.msk [tilespmem:v16+s25+$0x0], $0xffff;
	vm3 =	vle.f32 v36, v60;
	vm15 =	vle.f32 v48, v61;
	v60 =	vsel vm5, $0xFFFFFFFF, v0  }
0x554: {  	s10 =	simm.s32 $0xC860;
	[tilespmem:s7+$0xC880] =	vst v38;
	v38 =	vld.idx.msk [tilespmem:v44+s24+$0x0], $0xffff;
	vm10 =	vgt.s32 v55, $0x0;
	v61 =	vsel vm15, $0xFFFFFFFF, v0;
	v48 =	vadd.s32 v60, v52  }
0x555: {  	[tilespmem:s10+$0x50] =	vst v37;
	vm11 =	vgt.s32 v40, $0x0;
	v36 =	vld.idx.msk [tilespmem:v7+s25+$0x0], $0xffff;
	v51 =	vcvt.f32.s32 v63;
	v63 =	vadd.s32 v61, v62  }
0x556: {  	[tilespmem:s9+$0xC880] =	vst v42;
	v55 =	vnsel vm10, $0x0, v55;
	vm4 =	vgt.s32 v30, $0x0;
	v59 =	vld.idx.msk [tilespmem:v46+s24+$0x0], $0xffff;
	v46 =	vnsel vm7, $0x0, v57  }
0x557: {  	[tilespmem:s10+$0xFFFFFFB0] =	vst v39;
	v30 =	vnsel vm4, $0x0, v30;
	vm4 =	vgt.s32 v29, $0x0;
	v39 =	vmin.u32 v46, $0x9;
	v46 =	vld.idx.msk [tilespmem:v50+s24+$0x0], $0xffff  }
0x558: {  	[tilespmem:s10+$0xFFFFFFA0] =	vst v53;
	v42 =	vmin.u32 v30, $0x9;
	vm5 =	vgt.s32 v27, $0x0;
	vm12 =	vgt.s32 v51, $0x0;
	v52 =	vld.idx.msk [tilespmem:v45+s24+$0x0], $0xffff  }
0x559: {  	[tilespmem:s10+$0xFFFFFFC0] =	vst v43;
	s7 =	simm.s32 $0xC920;
	v27 =	vnsel vm5, $0x0, v27;
	v45 =	vnsel vm6, $0x0, v56;
	v60 =	vnsel vm8, $0x0, v58;
	v44 =	vld.idx.msk [tilespmem:v48+s24+$0x0], $0xffff  }
0x55a: {  	[tilespmem:s7+$0x50] =	vst v41;
	v61 =	vnsel vm9, $0x0, v47;
	v62 =	vnsel vm11, $0x0, v40;
	v51 =	vnsel vm12, $0x0, v51;
	v48 =	vld.idx.msk [tilespmem:v63+s24+$0x0], $0xffff  }
0x55b: {  	[tilespmem:s10+$0xFFFFFFD0] =	vst v38;
	v47 =	vld.idx.msk [tilespmem:v31+s24+$0x0], $0xffff;
	v41 =	vmin.u32 v27, $0x9;
	v40 =	vmin.u32 v45, $0x9;
	v38 =	vmin.u32 v60, $0x9  }
0x55c: {  	s11 =	simm.s32 $0x18;
	v45 =	vld.idx.msk [tilespmem:v49+s24+$0x0], $0xffff;
	v31 =	vmin.u32 v55, $0x9;
	v37 =	vmin.u32 v61, $0x9;
	[tilespmem:s10+$0xFFFFFFF0] =	vst v59;
	v63 =	vnsel vm4, $0x0, v29  }
0x55d: {  	s12 =	simm.s32 $0x2A0;
	s13 =	simm.s32 $0x240;
	s9 =	simm.s32 $0xC9E0;
	v49 =	vld.idx.msk [tilespmem:v54+s24+$0x0], $0xffff;
	v30 =	vmin.u32 v62, $0x9;
	[tilespmem:s10+$0xFFFFFFE0] =	vst v52;
	v29 =	vmin.u32 v51, $0x9;
	v27 =	vmin.u32 v63, $0x9  }
.LBB2_26:
0x55e: {  	s14 =	sand.u32 $0x7FC0, s13;
	v43 =	vld [tilespmem:s12+$0x50];
	s11 =	sadd.s32 $0xC, s11;
	[tilespmem:s9+$0x50] =	vst v44;
	vm4 =	vle.f32 v1, v28;
	vm5 =	vle.f32 v2, v32;
	vm6 =	vle.f32 v4, v33  }
0x55f: {  	vm7 =	vle.f32 v3, v34;
	vm8 =	vle.f32 v6, v35;
	vm9 =	vle.f32 v5, v36;
	v44 =	vld [tilespmem:s14+$0x80];
	p0 =	slt.u32 s11, $0x630;
	[tilespmem:s6+$0xC880] =	vst v48;
	s6 =	smov.u32 s14  }
0x560: {  	v28 =	vsel vm0, $0xFFFFFFFF, v0;
	v32 =	vsel vm1, $0xFFFFFFFF, v0;
	v34 =	vsel vm2, $0xFFFFFFFF, v0;
	v1 =	vmovc v15;
	v2 =	vmovc v18;
	v33 =	vld [tilespmem:s12+$0xFFFFFFB0];
	[tilespmem:s10+$0x0] =	vst v47  }
0x561: {  	v36 =	vsel vm3, $0xFFFFFFFF, v0;
	v4 =	vmovc v19;
	v3 =	vmovc v23;
	v48 =	vsel vm5, $0xFFFFFFFF, v0;
	v47 =	vsel vm4, $0xFFFFFFFF, v0;
	v35 =	vld [tilespmem:s12+$0xFFFFFFC0];
	[tilespmem:s10+$0x10] =	vst v45  }
0x562: {  	v6 =	vmovc v24;
	v5 =	vmovc v25;
	v50 =	vsel vm6, $0xFFFFFFFF, v0;
	v51 =	vsel vm7, $0xFFFFFFFF, v0;
	v52 =	vsel vm8, $0xFFFFFFFF, v0;
	v45 =	vld [tilespmem:s12+$0xFFFFFFD0];
	[tilespmem:s10+$0x30] =	vst v46  }
0x563: {  	v53 =	vsel vm9, $0xFFFFFFFF, v0;
	v46 =	vadd.s32 v28, v21;
	v21 =	vmovc v42;
	v15 =	vld [tilespmem:s12+$0xFFFFFFE0];
	v23 =	vmul.f32 $1.000000000e+01, v43;
	[tilespmem:s10+$0x40] =	vst v49;
	s10 =	smov.u32 s7;
	s7 =	smov.u32 s9  }
0x564: {  	v42 =	vadd.s32 v32, v22;
	v22 =	vmovc v41;
	v49 =	vadd.s32 v34, v20;
	v20 =	vmovc v40;
	v18 =	vld [tilespmem:s12+$0xFFFFFFF0];
	v24 =	vmul.f32 $1.000000000e+01, v44  }
0x565: {  	v40 =	vadd.s32 v36, v17;
	v17 =	vmovc v39;
	v28 =	vmul.f32 $1.000000000e+01, v33;
	v19 =	vld [tilespmem:s12+$0x0];
	v25 =	vtrunc.f32 v23  }
0x566: {  	v39 =	vadd.s32 v47, v16;
	v16 =	vmovc v38;
	v23 =	vld [tilespmem:s12+$0x10];
	v24 =	vtrunc.f32 v24;
	v32 =	vcvt.f32.s32 v25  }
0x567: {  	v38 =	vadd.s32 v48, v14;
	v14 =	vmovc v37;
	v34 =	vmul.f32 $1.000000000e+01, v35;
	v36 =	vcvt.f32.s32 v24;
	v24 =	vld [tilespmem:s12+$0x30]  }
0x568: {  	v37 =	vmul.f32 $1.000000000e+01, v45;
	v41 =	vmul.f32 $1.000000000e+01, v15;
	v25 =	vld [tilespmem:s12+$0x40];
	vm0 =	vgt.s32 v32, $0x0  }
0x569: {  	v47 =	vld [tilespmem:s12+$0xFFFFFFA0];
	v48 =	vmul.f32 $1.000000000e+01, v18;
	vm1 =	vgt.s32 v36, $0x0;
	v32 =	vnsel vm0, $0x0, v32  }
0x56a: {  	v54 =	vmul.f32 $1.000000000e+01, v19;
	v36 =	vnsel vm1, $0x0, v36;
	v55 =	vmin.u32 v32, $0x9;
	v32 =	vld.idx.msk [tilespmem:v21+s25+$0x0], $0xffff  }
0x56b: {  	v56 =	vtrunc.f32 v28;
	v57 =	vmul.f32 $1.000000000e+01, v23;
	v58 =	vmin.u32 v36, $0x9;
	v36 =	vld.idx.msk [tilespmem:v22+s25+$0x0], $0xffff  }
0x56c: {  	v50 =	vadd.s32 v50, v13;
	v13 =	vmovc v31;
	v34 =	vtrunc.f32 v34;
	v59 =	vmul.f32 $1.000000000e+01, v24;
	v60 =	vld.idx.msk [tilespmem:v20+s25+$0x0], $0xffff  }
0x56d: {  	v51 =	vadd.s32 v51, v12;
	v12 =	vmovc v30;
	v31 =	vtrunc.f32 v37;
	v37 =	vmul.f32 $1.000000000e+01, v25;
	v61 =	vld.idx.msk [tilespmem:v17+s25+$0x0], $0xffff  }
0x56e: {  	v52 =	vadd.s32 v52, v11;
	v11 =	vmovc v29;
	v41 =	vtrunc.f32 v41;
	v30 =	vmul.f32 $1.000000000e+01, v47;
	v28 =	vld.idx.msk [tilespmem:v16+s25+$0x0], $0xffff  }
0x56f: {  	v53 =	vadd.s32 v53, v7;
	v7 =	vmovc v27;
	v29 =	vtrunc.f32 v48;
	v48 =	vtrunc.f32 v54;
	v54 =	vld.idx.msk [tilespmem:v55+s25+$0x0], $0xffff  }
0x570: {  	vm0 =	vle.f32 v26, v32;
	v26 =	vmovc v47;
	v27 =	vtrunc.f32 v30;
	v30 =	vtrunc.f32 v57;
	v57 =	vld.idx.msk [tilespmem:v58+s25+$0x0], $0xffff  }
0x571: {  	v47 =	vtrunc.f32 v59;
	v37 =	vtrunc.f32 v37;
	vm1 =	vle.f32 v8, v36;
	v8 =	vmovc v33;
	v32 =	vld.idx.msk [tilespmem:v14+s25+$0x0], $0xffff  }
0x572: {  	v56 =	vcvt.f32.s32 v56;
	v27 =	vcvt.f32.s32 v27;
	vm2 =	vle.f32 v10, v60;
	v10 =	vmovc v35;
	v33 =	vld.idx.msk [tilespmem:v13+s25+$0x0], $0xffff  }
0x573: {  	v31 =	vcvt.f32.s32 v31;
	v59 =	vcvt.f32.s32 v34;
	vm3 =	vle.f32 v9, v61;
	v9 =	vmovc v45;
	v34 =	vld.idx.msk [tilespmem:v12+s25+$0x0], $0xffff  }
0x574: {  	v41 =	vcvt.f32.s32 v41;
	v29 =	vcvt.f32.s32 v29;
	vm4 =	vgt.s32 v27, $0x0;
	v35 =	vld.idx.msk [tilespmem:v11+s25+$0x0], $0xffff  }
0x575: {  	v30 =	vcvt.f32.s32 v30;
	v45 =	vcvt.f32.s32 v48;
	vm5 =	vle.f32 v43, v54;
	v36 =	vld.idx.msk [tilespmem:v7+s25+$0x0], $0xffff  }
0x576: {  	v43 =	vcvt.f32.s32 v47;
	vm6 =	vle.f32 v44, v57;
	v44 =	vsel vm5, $0xFFFFFFFF, v0;
	v46 =	vld.idx.msk [tilespmem:v46+s24+$0x0], $0xffff  }
0x577: {  	v37 =	vcvt.f32.s32 v37;
	v47 =	vsel vm6, $0xFFFFFFFF, v0;
	v44 =	vadd.s32 v44, v55;
	v42 =	vld.idx.msk [tilespmem:v42+s24+$0x0], $0xffff  }
0x578: {  	vm5 =	vgt.s32 v56, $0x0;
	vm6 =	vgt.s32 v59, $0x0;
	v47 =	vadd.s32 v47, v58;
	v49 =	vld.idx.msk [tilespmem:v49+s24+$0x0], $0xffff  }
0x579: {  	vm7 =	vgt.s32 v31, $0x0;
	vm8 =	vgt.s32 v41, $0x0;
	vm9 =	vgt.s32 v29, $0x0;
	v54 =	vld.idx.msk [tilespmem:v40+s24+$0x0], $0xffff  }
0x57a: {  	vm11 =	vgt.s32 v30, $0x0;
	vm10 =	vgt.s32 v45, $0x0;
	vm12 =	vgt.s32 v43, $0x0;
	v55 =	vld.idx.msk [tilespmem:v39+s24+$0x0], $0xffff  }
0x57b: {  	v27 =	vnsel vm4, $0x0, v27;
	vm4 =	vgt.s32 v37, $0x0;
	v39 =	vnsel vm5, $0x0, v56;
	v56 =	vld.idx.msk [tilespmem:v38+s24+$0x0], $0xffff  }
0x57c: {  	v31 =	vnsel vm7, $0x0, v31;
	v57 =	vnsel vm8, $0x0, v41;
	v38 =	vnsel vm6, $0x0, v59;
	v44 =	vld.idx.msk [tilespmem:v44+s24+$0x0], $0xffff;
	[tilespmem:s10+$0xFFFFFFA0] =	vst v46  }
.Ltmp12:
0x57d: {  	v29 =	vnsel vm9, $0x0, v29;
	v30 =	vnsel vm11, $0x0, v30;
	v46 =	vnsel vm10, $0x0, v45;
	v48 =	vld.idx.msk [tilespmem:v47+s24+$0x0], $0xffff;
	[tilespmem:s10+$0xFFFFFFB0] =	vst v42;
	(pc) =	sbr.rel @p0 .LBB2_26-.Ltmp12, $4  }
0x57e: {  	v42 =	vmin.u32 v27, $0x9;
	v27 =	vnsel vm12, $0x0, v43;
	v43 =	vnsel vm4, $0x0, v37;
	[tilespmem:s10+$0xFFFFFFC0] =	vst v49;
	v47 =	vld.idx.msk [tilespmem:v50+s24+$0x0], $0xffff  }
0x57f: {  	v41 =	vmin.u32 v39, $0x9;
	v39 =	vmin.u32 v31, $0x9;
	v40 =	vmin.u32 v38, $0x9;
	[tilespmem:s10+$0xFFFFFFD0] =	vst v54;
	v45 =	vld.idx.msk [tilespmem:v51+s24+$0x0], $0xffff  }
0x580: {  	v38 =	vmin.u32 v57, $0x9;
	v37 =	vmin.u32 v29, $0x9;
	v31 =	vmin.u32 v46, $0x9;
	[tilespmem:s10+$0xFFFFFFE0] =	vst v55;
	v46 =	vld.idx.msk [tilespmem:v52+s24+$0x0], $0xffff  }
0x581: {  	s13 =	sadd.s32 $0xC0, s13;
	s9 =	sadd.s32 $0xC0, s9;
	s12 =	sadd.s32 $0xC0, s12;
	v30 =	vmin.u32 v30, $0x9;
	v29 =	vmin.u32 v27, $0x9;
	v27 =	vmin.u32 v43, $0x9;
	[tilespmem:s10+$0xFFFFFFF0] =	vst v56;
	v49 =	vld.idx.msk [tilespmem:v53+s24+$0x0], $0xffff  }
0x582: {  	_ =	sdelay $0x3  }
0x583: {  	v43 =	vld.idx.msk [tilespmem:v42+s25+$0x0], $0xffff  }
0x584: {  	v50 =	vld.idx.msk [tilespmem:v41+s25+$0x0], $0xffff  }
0x585: {  	v51 =	vld.idx.msk [tilespmem:v40+s25+$0x0], $0xffff  }
0x586: {  	v52 =	vld.idx.msk [tilespmem:v39+s25+$0x0], $0xffff  }
0x587: {  	v53 =	vsel vm0, $0xFFFFFFFF, v0;
	v54 =	vld.idx.msk [tilespmem:v38+s25+$0x0], $0xffff  }
0x588: {  	v55 =	vsel vm1, $0xFFFFFFFF, v0;
	v56 =	vsel vm2, $0xFFFFFFFF, v0;
	v60 =	vld.idx.msk [tilespmem:v31+s25+$0x0], $0xffff;
	v21 =	vadd.s32 v53, v21  }
0x589: {  	vm12 =	vle.f32 v1, v28;
	v1 =	vsel vm3, $0xFFFFFFFF, v0;
	v61 =	vld.idx.msk [tilespmem:v30+s25+$0x0], $0xffff;
	v22 =	vadd.s32 v55, v22  }
0x58a: {  	vm13 =	vle.f32 v2, v32;
	v62 =	vld.idx.msk [tilespmem:v29+s25+$0x0], $0xffff;
	vm14 =	vle.f32 v4, v33;
	v20 =	vadd.s32 v56, v20  }
0x58b: {  	v32 =	vld.idx.msk [tilespmem:v27+s25+$0x0], $0xffff;
	vm15 =	vle.f32 v3, v34;
	v2 =	vsel vm12, $0xFFFFFFFF, v0;
	v1 =	vadd.s32 v1, v17  }
0x58c: {  	[tilespmem:s9+$0x50] =	vst v44;
	vm4 =	vle.f32 v6, v35;
	v53 =	vld.idx.msk [tilespmem:v37+s25+$0x0], $0xffff;
	v63 =	vsel vm13, $0xFFFFFFFF, v0;
	v2 =	vadd.s32 v2, v16  }
0x58d: {  	[tilespmem:s6+$0xC880] =	vst v48;
	vm5 =	vle.f32 v5, v36;
	v33 =	vsel vm14, $0xFFFFFFFF, v0;
	v3 =	vadd.s32 v63, v14;
	v34 =	vld.idx.msk [tilespmem:v21+s24+$0x0], $0xffff  }
0x58e: {  	[tilespmem:s10+$0x0] =	vst v47;
	v35 =	vsel vm15, $0xFFFFFFFF, v0;
	v48 =	vsel vm5, $0xFFFFFFFF, v0;
	v4 =	vadd.s32 v33, v13;
	v44 =	vld.idx.msk [tilespmem:v22+s24+$0x0], $0xffff  }
0x58f: {  	[tilespmem:s10+$0x10] =	vst v45;
	v45 =	vsel vm4, $0xFFFFFFFF, v0;
	v6 =	vadd.s32 v35, v12;
	v7 =	vadd.s32 v48, v7;
	v47 =	vld.idx.msk [tilespmem:v20+s24+$0x0], $0xffff  }
0x590: {  	[tilespmem:s10+$0x30] =	vst v46;
	v5 =	vadd.s32 v45, v11;
	vm6 =	vle.f32 v26, v43;
	v1 =	vld.idx.msk [tilespmem:v1+s24+$0x0], $0xffff  }
0x591: {  	[tilespmem:s10+$0x40] =	vst v49;
	vm7 =	vle.f32 v8, v50;
	vm8 =	vle.f32 v10, v51;
	v50 =	vsel vm6, $0xFFFFFFFF, v0;
	v2 =	vld.idx.msk [tilespmem:v2+s24+$0x0], $0xffff  }
0x592: {  	vm9 =	vle.f32 v9, v52;
	v56 =	vsel vm7, $0xFFFFFFFF, v0;
	v3 =	vld.idx.msk [tilespmem:v3+s24+$0x0], $0xffff;
	v8 =	vadd.s32 v50, v42;
	[tilespmem:s7+$0xFFFFFFA0] =	vst v34  }
0x593: {  	vm10 =	vle.f32 v15, v54;
	v57 =	vsel vm8, $0xFFFFFFFF, v0;
	v4 =	vld.idx.msk [tilespmem:v4+s24+$0x0], $0xffff;
	v10 =	vadd.s32 v56, v41;
	[tilespmem:s7+$0xFFFFFFB0] =	vst v44  }
0x594: {  	vm12 =	vle.f32 v19, v60;
	v58 =	vsel vm9, $0xFFFFFFFF, v0;
	v6 =	vld.idx.msk [tilespmem:v6+s24+$0x0], $0xffff;
	v9 =	vadd.s32 v57, v40;
	[tilespmem:s7+$0xFFFFFFC0] =	vst v47  }
0x595: {  	vm11 =	vle.f32 v18, v53;
	v59 =	vsel vm10, $0xFFFFFFFF, v0;
	v11 =	vadd.s32 v58, v39;
	[tilespmem:s7+$0xFFFFFFD0] =	vst v1;
	v1 =	vld.idx.msk [tilespmem:v5+s24+$0x0], $0xffff  }
0x596: {  	vm13 =	vle.f32 v23, v61;
	v60 =	vsel vm11, $0xFFFFFFFF, v0;
	v5 =	vadd.s32 v59, v38;
	[tilespmem:s7+$0xFFFFFFE0] =	vst v2;
	v2 =	vld.idx.msk [tilespmem:v7+s24+$0x0], $0xffff  }
0x597: {  	vm14 =	vle.f32 v24, v62;
	v61 =	vsel vm13, $0xFFFFFFFF, v0;
	[tilespmem:s7+$0xFFFFFFF0] =	vst v3;
	v7 =	vadd.s32 v60, v37;
	v8 =	vld.idx.msk [tilespmem:v8+s24+$0x0], $0xffff  }
0x598: {  	v62 =	vsel vm14, $0xFFFFFFFF, v0;
	[tilespmem:s7+$0x0] =	vst v4;
	v10 =	vld.idx.msk [tilespmem:v10+s24+$0x0], $0xffff;
	v4 =	vadd.s32 v61, v30  }
0x599: {  	vm15 =	vle.f32 v25, v32;
	v3 =	vsel vm12, $0xFFFFFFFF, v0;
	[tilespmem:s7+$0x10] =	vst v6;
	v9 =	vld.idx.msk [tilespmem:v9+s24+$0x0], $0xffff;
	v6 =	vadd.s32 v62, v29  }
0x59a: {  	v11 =	vld.idx.msk [tilespmem:v11+s24+$0x0], $0xffff;
	v3 =	vadd.s32 v3, v31;
	[tilespmem:s7+$0x30] =	vst v1;
	v1 =	vsel vm15, $0xFFFFFFFF, v0  }
0x59b: {  	[tilespmem:s7+$0x40] =	vst v2;
	v1 =	vadd.s32 v1, v27;
	v2 =	vld.idx.msk [tilespmem:v5+s24+$0x0], $0xffff  }
0x59c: {  	v63 =	vld.idx.msk [tilespmem:v7+s24+$0x0], $0xffff;
	[tilespmem:s9+$0xFFFFFFA0] =	vst v8  }
0x59d: {  	[tilespmem:s9+$0xFFFFFFB0] =	vst v10;
	v4 =	vld.idx.msk [tilespmem:v4+s24+$0x0], $0xffff  }
0x59e: {  	[tilespmem:s9+$0xFFFFFFC0] =	vst v9;
	v6 =	vld.idx.msk [tilespmem:v6+s24+$0x0], $0xffff  }
0x59f: {  	[tilespmem:s9+$0xFFFFFFD0] =	vst v11;
	v3 =	vld.idx.msk [tilespmem:v3+s24+$0x0], $0xffff  }
0x5a0: {  	[tilespmem:s9+$0xFFFFFFE0] =	vst v2;
	v1 =	vld.idx.msk [tilespmem:v1+s24+$0x0], $0xffff  }
0x5a1: {  	[tilespmem:s9+$0xFFFFFFF0] =	vst v63  }
0x5a2: {  	[tilespmem:s9+$0x10] =	vst v4  }
0x5a3: {  	[tilespmem:s9+$0x30] =	vst v6  }
0x5a4: {  	[tilespmem:s9+$0x0] =	vst v3  }
0x5a5: {  	[tilespmem:s9+$0x40] =	vst v1  }
.LBB2_28:
0x5a6: {  	s6 =	sshra.s32 s5, $0x2  }
0x5a7: {  	v1 =	vld [tilespmem:s6+$0x63C0];
	_ =	sdelay $0x4  }
0x5a8: {  	v2 =	vmul.f32 $1.000000000e+01, v1;
	_ =	sdelay $0x1  }
0x5a9: {  	v2 =	vtrunc.f32 v2  }
0x5aa: {  	v2 =	vcvt.f32.s32 v2;
	_ =	sdelay $0x1  }
0x5ab: {  	vm0 =	vgt.s32 v2, $0x0  }
0x5ac: {  	v2 =	vnsel vm0, $0x0, v2  }
0x5ad: {  	v2 =	vmin.u32 v2, $0x9;
	_ =	sdelay $0x4  }
0x5ae: {  	v3 =	vld.idx.msk [tilespmem:v2+s25+$0x0], $0xffff;
	_ =	sdelay $0x4  }
0x5af: {  	vm15 =	vle.f32 v1, v3  }
0x5b0: {  	v1 =	vsel vm15, $0xFFFFFFFF, v0  }
0x5b1: {  	v1 =	vadd.s32 v1, v2;
	_ =	sdelay $0x4  }
0x5b2: {  	p0 =	sne.s32 s5, $0xC0;
	v1 =	vld.idx.msk [tilespmem:v1+s24+$0x0], $0xffff  }
.Ltmp13:
0x5b3: {  	_ = 	snop;
	(pc) =	sbr.rel @p0 .LBB2_28-.Ltmp13, $2  }
0x5b4: {  	_ =	sdelay $0x2  }
0x5b5: {  	s5 =	sadd.s32 $0x40, s5;
	[tilespmem:s6+$0x12BC0] =	vst v1  }
0x5b6: {  	s5 =	simm.s32 $0x0  }
0x5b7: {  	[hbm4b:s20+s5] =	stream.linear.scatter [tilespmem:s30], [sflag:$0x3], $0x6400, $0x38;
	[tilespmem:$0x19180] =	vst v63  }
0x5b8: {  	_ =	swait.ge [sflag:s31], $0x6400  }
0x5b9: {  	[sflag:s31] =	ssyncset.done $0x0  }
0x5ba: {  	[sflag:s31] =	ssyncadd.s32 $0xFFFF9C00  }
0x5bb: {  	_ =	swait.ge [sflag:s3], $0x6400  }
0x5bc: {  	[sflag:s3] =	ssyncset.done $0x0  }
0x5bd: {  	s6 =	simm.s32 $0x6460;
	[sflag:s3] =	ssyncadd.s32 $0xFFFF9C00  }
0x5be: {  	s7 =	sand.u32 $0x7FC0, s5;
	v1 =	vld [tilespmem:s6+$0x50]  }
0x5bf: {  	v2 =	vld [tilespmem:s7+$0x6480]  }
0x5c0: {  	v11 =	vld [tilespmem:s6+$0xFFFFFFB0]  }
0x5c1: {  	v8 =	vld [tilespmem:s6+$0xFFFFFFC0]  }
0x5c2: {  	v7 =	vld [tilespmem:s6+$0xFFFFFFD0]  }
0x5c3: {  	v9 =	vld [tilespmem:s6+$0xFFFFFFE0]  }
0x5c4: {  	v10 =	vld [tilespmem:s6+$0xFFFFFFF0]  }
0x5c5: {  	v15 =	vld [tilespmem:s6+$0x0]  }
0x5c6: {  	v18 =	vld [tilespmem:s6+$0x10]  }
0x5c7: {  	v19 =	vld [tilespmem:s6+$0x30]  }
0x5c8: {  	s9 =	simm.s32 $0xC0;
	v23 =	vld [tilespmem:s6+$0x40]  }
0x5c9: {  	s9 =	sand.u32 $0x7FC0, s9;
	v14 =	vld [tilespmem:s6+$0xFFFFFFA0];
	v3 =	vmul.f32 $1.000000000e+01, v1  }
0x5ca: {  	s13 =	simm.s32 $0x6520;
	v40 =	vld [tilespmem:s9+$0x6480];
	v4 =	vmul.f32 $1.000000000e+01, v2;
	v5 =	vmul.f32 $1.000000000e+01, v11  }
0x5cb: {  	v29 =	vld [tilespmem:s13+$0xFFFFFFB0];
	v6 =	vmul.f32 $1.000000000e+01, v8;
	v12 =	vmul.f32 $1.000000000e+01, v7  }
0x5cc: {  	v13 =	vmul.f32 $1.000000000e+01, v9;
	v16 =	vmul.f32 $1.000000000e+01, v10  }
0x5cd: {  	v17 =	vmul.f32 $1.000000000e+01, v15;
	v20 =	vmul.f32 $1.000000000e+01, v18  }
0x5ce: {  	v21 =	vmul.f32 $1.000000000e+01, v19;
	v22 =	vmul.f32 $1.000000000e+01, v23  }
0x5cf: {  	v24 =	vmul.f32 $1.000000000e+01, v14;
	v31 =	vmul.f32 $1.000000000e+01, v40  }
0x5d0: {  	v33 =	vmul.f32 $1.000000000e+01, v29;
	v3 =	vtrunc.f32 v3  }
0x5d1: {  	v4 =	vtrunc.f32 v4;
	v3 =	vcvt.f32.s32 v3  }
0x5d2: {  	v5 =	vtrunc.f32 v5;
	v4 =	vcvt.f32.s32 v4  }
0x5d3: {  	v6 =	vtrunc.f32 v6;
	v12 =	vtrunc.f32 v12;
	vm0 =	vgt.s32 v3, $0x0  }
0x5d4: {  	v13 =	vtrunc.f32 v13;
	vm1 =	vgt.s32 v4, $0x0;
	v3 =	vnsel vm0, $0x0, v3  }
0x5d5: {  	v16 =	vtrunc.f32 v16;
	v4 =	vnsel vm1, $0x0, v4;
	v3 =	vmin.u32 v3, $0x9  }
0x5d6: {  	v17 =	vtrunc.f32 v17;
	v24 =	vtrunc.f32 v24;
	v4 =	vmin.u32 v4, $0x9  }
0x5d7: {  	v20 =	vtrunc.f32 v20;
	v21 =	vtrunc.f32 v21  }
0x5d8: {  	v22 =	vtrunc.f32 v22;
	v44 =	vtrunc.f32 v33  }
0x5d9: {  	v24 =	vcvt.f32.s32 v24;
	v5 =	vcvt.f32.s32 v5  }
0x5da: {  	v6 =	vcvt.f32.s32 v6;
	v12 =	vcvt.f32.s32 v12;
	v25 =	vld.idx.msk [tilespmem:v3+s25+$0x0], $0xffff  }
0x5db: {  	v13 =	vcvt.f32.s32 v13;
	v16 =	vcvt.f32.s32 v16;
	v26 =	vld.idx.msk [tilespmem:v4+s25+$0x0], $0xffff  }
0x5dc: {  	v17 =	vcvt.f32.s32 v17;
	v20 =	vcvt.f32.s32 v20  }
0x5dd: {  	v22 =	vcvt.f32.s32 v22;
	v44 =	vcvt.f32.s32 v44;
	vm3 =	vgt.s32 v12, $0x0  }
0x5de: {  	v27 =	vld [tilespmem:s13+$0xFFFFFFD0];
	vm4 =	vgt.s32 v13, $0x0;
	vm5 =	vgt.s32 v16, $0x0;
	vm6 =	vgt.s32 v17, $0x0  }
0x5df: {  	vm7 =	vgt.s32 v20, $0x0;
	vm0 =	vgt.s32 v24, $0x0;
	vm1 =	vle.f32 v1, v25  }
0x5e0: {  	vm2 =	vle.f32 v2, v26;
	v1 =	vcvt.f32.s32 v21;
	v2 =	vsel vm1, $0xFFFFFFFF, v0  }
0x5e1: {  	v21 =	vsel vm2, $0xFFFFFFFF, v0;
	vm1 =	vgt.s32 v5, $0x0;
	vm2 =	vgt.s32 v6, $0x0  }
0x5e2: {  	v30 =	vld [tilespmem:s13+$0xFFFFFFC0];
	v37 =	vadd.s32 v2, v3;
	v28 =	vadd.s32 v21, v4;
	vm8 =	vgt.s32 v1, $0x0  }
0x5e3: {  	v21 =	vld [tilespmem:s13+$0x50];
	v2 =	vnsel vm0, $0x0, v24;
	v3 =	vnsel vm1, $0x0, v5;
	v4 =	vnsel vm2, $0x0, v6;
	[tilespmem:$0x1FF80] =	vst v27  }
0x5e4: {  	v6 =	vnsel vm4, $0x0, v13;
	v13 =	vnsel vm6, $0x0, v17;
	v17 =	vnsel vm8, $0x0, v1;
	v1 =	vld [tilespmem:s13+$0xFFFFFFE0]  }
0x5e5: {  	vm0 =	vgt.s32 v22, $0x0;
	v5 =	vnsel vm3, $0x0, v12;
	v24 =	vmin.u32 v2, $0x9;
	v2 =	vld [tilespmem:s13+$0xFFFFFFF0]  }
0x5e6: {  	v12 =	vnsel vm5, $0x0, v16;
	v39 =	vmin.u32 v3, $0x9;
	v36 =	vmin.u32 v4, $0x9;
	v4 =	vld [tilespmem:s13+$0x0]  }
0x5e7: {  	v26 =	vmin.u32 v6, $0x9;
	v3 =	vld [tilespmem:s13+$0x10];
	v6 =	vtrunc.f32 v31;
	v32 =	vmin.u32 v12, $0x9  }
0x5e8: {  	v12 =	vmul.f32 $1.000000000e+01, v30;
	v31 =	vmin.u32 v13, $0x9;
	v13 =	vmul.f32 $1.000000000e+01, v27;
	v38 =	vld [tilespmem:s13+$0xFFFFFFA0]  }
0x5e9: {  	v16 =	vnsel vm7, $0x0, v20;
	v20 =	vnsel vm0, $0x0, v22;
	v34 =	vcvt.f32.s32 v6;
	v6 =	vld [tilespmem:s13+$0x30]  }
0x5ea: {  	v25 =	vmin.u32 v5, $0x9;
	v12 =	vtrunc.f32 v12;
	v13 =	vtrunc.f32 v13  }
0x5eb: {  	v33 =	vmin.u32 v16, $0x9;
	v22 =	vmul.f32 $1.000000000e+01, v21;
	v35 =	vmul.f32 $1.000000000e+01, v1  }
0x5ec: {  	vm1 =	vgt.s32 v34, $0x0;
	v41 =	vmul.f32 $1.000000000e+01, v2;
	v42 =	vmul.f32 $1.000000000e+01, v4  }
0x5ed: {  	v34 =	vnsel vm1, $0x0, v34;
	v45 =	vmul.f32 $1.000000000e+01, v3;
	v47 =	vld.idx.msk [tilespmem:v39+s25+$0x0], $0xffff;
	v50 =	vmul.f32 $1.000000000e+01, v38  }
0x5ee: {  	v46 =	vmin.u32 v34, $0x9;
	v16 =	vld.idx.msk [tilespmem:v36+s25+$0x0], $0xffff;
	v5 =	vtrunc.f32 v22;
	v48 =	vmul.f32 $1.000000000e+01, v6  }
0x5ef: {  	v34 =	vmin.u32 v17, $0x9;
	v17 =	vld.idx.msk [tilespmem:v25+s25+$0x0], $0xffff;
	v22 =	vcvt.f32.s32 v5;
	v51 =	vtrunc.f32 v35  }
0x5f0: {  	v43 =	vld.idx.msk [tilespmem:v24+s25+$0x0], $0xffff;
	v35 =	vmin.u32 v20, $0x9;
	v20 =	vtrunc.f32 v41;
	v55 =	vtrunc.f32 v42  }
0x5f1: {  	v62 =	vld.idx.msk [tilespmem:v31+s25+$0x0], $0xffff;
	v50 =	vtrunc.f32 v50;
	v45 =	vtrunc.f32 v45;
	vm0 =	vgt.s32 v22, $0x0  }
0x5f2: {  	v5 =	vld [tilespmem:s13+$0x40];
	v57 =	vtrunc.f32 v48;
	v22 =	vnsel vm0, $0x0, v22;
	vm1 =	vle.f32 v11, v47  }
0x5f3: {  	v11 =	vcvt.f32.s32 v50;
	vm2 =	vle.f32 v8, v16;
	v8 =	vcvt.f32.s32 v12  }
0x5f4: {  	v12 =	vcvt.f32.s32 v13;
	vm3 =	vle.f32 v7, v17;
	v7 =	vcvt.f32.s32 v51  }
0x5f5: {  	vm0 =	vle.f32 v14, v43;
	v13 =	vcvt.f32.s32 v20;
	v16 =	vcvt.f32.s32 v55  }
0x5f6: {  	v17 =	vcvt.f32.s32 v45;
	vm15 =	vle.f32 v15, v62;
	v22 =	vmin.u32 v22, $0x9  }
0x5f7: {  	v14 =	vld.idx.msk [tilespmem:v46+s25+$0x0], $0xffff;
	v47 =	vsel vm15, $0xFFFFFFFF, v0;
	v49 =	vmul.f32 $1.000000000e+01, v5;
	vm4 =	vgt.s32 v11, $0x0  }
0x5f8: {  	s10 =	simm.s32 $0x65E0;
	v54 =	vld.idx.msk [tilespmem:v34+s25+$0x0], $0xffff;
	vm6 =	vgt.s32 v8, $0x0;
	vm7 =	vgt.s32 v12, $0x0;
	vm8 =	vgt.s32 v7, $0x0  }
0x5f9: {  	v51 =	vld [tilespmem:s10+$0x50];
	vm9 =	vgt.s32 v13, $0x0;
	vm10 =	vgt.s32 v16, $0x0;
	vm11 =	vgt.s32 v17, $0x0  }
0x5fa: {  	v15 =	vld [tilespmem:s10+$0xFFFFFFE0];
	v31 =	vadd.s32 v47, v31;
	v11 =	vnsel vm4, $0x0, v11;
	v8 =	vnsel vm6, $0x0, v8  }
0x5fb: {  	v12 =	vnsel vm7, $0x0, v12;
	v7 =	vnsel vm8, $0x0, v7;
	v13 =	vnsel vm9, $0x0, v13  }
0x5fc: {  	v60 =	vld.idx.msk [tilespmem:v26+s25+$0x0], $0xffff;
	v55 =	vnsel vm10, $0x0, v16;
	v58 =	vtrunc.f32 v49;
	v16 =	vmin.u32 v7, $0x9  }
0x5fd: {  	v37 =	vld.idx.msk [tilespmem:v37+s24+$0x0], $0xffff;
	vm14 =	vle.f32 v40, v14;
	v14 =	vcvt.f32.s32 v57;
	v59 =	vcvt.f32.s32 v58  }
0x5fe: {  	v61 =	vld.idx.msk [tilespmem:v32+s25+$0x0], $0xffff;
	vm13 =	vle.f32 v19, v54;
	v58 =	vsel vm1, $0xFFFFFFFF, v0;
	v52 =	vmul.f32 $1.000000000e+01, v51  }
0x5ff: {  	v56 =	vld.idx.msk [tilespmem:v22+s25+$0x0], $0xffff;
	v50 =	vsel vm13, $0xFFFFFFFF, v0;
	v39 =	vadd.s32 v58, v39;
	v58 =	vmul.f32 $1.000000000e+01, v15  }
0x600: {  	s14 =	simm.s32 $0x180;
	v57 =	vld.idx.msk [tilespmem:v35+s25+$0x0], $0xffff;
	vm12 =	vgt.s32 v14, $0x0;
	vm4 =	vgt.s32 v59, $0x0;
	v62 =	vtrunc.f32 v52  }
0x601: {  	s6 =	sand.u32 $0x7FC0, s14;
	v63 =	vld.idx.msk [tilespmem:v33+s25+$0x0], $0xffff;
	v50 =	vadd.s32 v50, v34;
	v40 =	vnsel vm4, $0x0, v59;
	vm4 =	vle.f32 v9, v60  }
0x602: {  	v48 =	vld [tilespmem:s6+$0x6480];
	v59 =	vsel vm2, $0xFFFFFFFF, v0;
	v60 =	vsel vm3, $0xFFFFFFFF, v0;
	v58 =	vtrunc.f32 v58  }
0x603: {  	v19 =	vld [tilespmem:s10+$0x0];
	v7 =	vmin.u32 v40, $0x9;
	v43 =	vadd.s32 v59, v36;
	v36 =	vcvt.f32.s32 v62  }
0x604: {  	v9 =	vld [tilespmem:s10+$0xFFFFFFD0];
	v58 =	vcvt.f32.s32 v58;
	vm5 =	vle.f32 v21, v56;
	v21 =	vsel vm14, $0xFFFFFFFF, v0  }
0x605: {  	vm14 =	vle.f32 v23, v57;
	v23 =	vsel vm0, $0xFFFFFFFF, v0;
	v39 =	vld.idx.msk [tilespmem:v39+s24+$0x0], $0xffff;
	v42 =	vadd.s32 v21, v46  }
0x606: {  	v21 =	vmin.u32 v11, $0x9;
	v11 =	vnsel vm12, $0x0, v14;
	vm12 =	vle.f32 v18, v63;
	v18 =	vld [tilespmem:s10+$0xFFFFFFF0]  }
0x607: {  	v20 =	vsel vm5, $0xFFFFFFFF, v0;
	vm5 =	vgt.s32 v44, $0x0;
	v53 =	vadd.s32 v23, v24;
	v23 =	vld [tilespmem:s10+$0x10]  }
0x608: {  	v41 =	vadd.s32 v20, v22;
	v20 =	vnsel vm5, $0x0, v44;
	vm5 =	vle.f32 v10, v61;
	v10 =	vld [tilespmem:s10+$0xFFFFFFC0]  }
0x609: {  	v56 =	vnsel vm11, $0x0, v17;
	v24 =	vmul.f32 $1.000000000e+01, v48;
	v44 =	vadd.s32 v60, v25;
	v25 =	vld [tilespmem:s10+$0x40]  }
0x60a: {  	v14 =	vmin.u32 v13, $0x9;
	v22 =	vmin.u32 v20, $0x9;
	v20 =	vmin.u32 v8, $0x9;
	v8 =	vld [tilespmem:s10+$0xFFFFFFB0]  }
0x60b: {  	v13 =	vmin.u32 v55, $0x9;
	v61 =	vsel vm4, $0xFFFFFFFF, v0;
	v63 =	vtrunc.f32 v24;
	v24 =	vld [tilespmem:s10+$0x30]  }
0x60c: {  	v17 =	vmin.u32 v12, $0x9;
	vm0 =	vgt.s32 v36, $0x0;
	v45 =	vadd.s32 v61, v26;
	v26 =	vld [tilespmem:s10+$0xFFFFFFA0]  }
0x60d: {  	vm8 =	vgt.s32 v58, $0x0;
	v12 =	vmin.u32 v56, $0x9;
	v57 =	vmul.f32 $1.000000000e+01, v9;
	v55 =	vld.idx.msk [tilespmem:v21+s25+$0x0], $0xffff  }
0x60e: {  	v36 =	vnsel vm0, $0x0, v36;
	v49 =	vsel vm12, $0xFFFFFFFF, v0;
	v46 =	vsel vm5, $0xFFFFFFFF, v0;
	v43 =	vld.idx.msk [tilespmem:v43+s24+$0x0], $0xffff  }
0x60f: {  	v49 =	vadd.s32 v49, v33;
	v52 =	vcvt.f32.s32 v63;
	v57 =	vtrunc.f32 v57;
	v42 =	vld.idx.msk [tilespmem:v42+s24+$0x0], $0xffff  }
0x610: {  	v46 =	vadd.s32 v46, v32;
	v57 =	vcvt.f32.s32 v57;
	v59 =	vmul.f32 $1.000000000e+01, v18;
	v33 =	vld.idx.msk [tilespmem:v13+s25+$0x0], $0xffff  }
0x611: {  	vm1 =	vgt.s32 v52, $0x0;
	v56 =	vmul.f32 $1.000000000e+01, v10;
	v40 =	vmul.f32 $1.000000000e+01, v8;
	v60 =	vld.idx.msk [tilespmem:v22+s25+$0x0], $0xffff  }
0x612: {  	vm0 =	vle.f32 v38, v55;
	v38 =	vld.idx.msk [tilespmem:v28+s24+$0x0], $0xffff;
	v28 =	vnsel vm1, $0x0, v52;
	v52 =	vmin.u32 v36, $0x9  }
0x613: {  	v61 =	vld.idx.msk [tilespmem:v20+s25+$0x0], $0xffff;
	v32 =	vmul.f32 $1.000000000e+01, v24;
	v47 =	vtrunc.f32 v59;
	v62 =	vmin.u32 v28, $0x9  }
0x614: {  	v54 =	vsel vm14, $0xFFFFFFFF, v0;
	v34 =	vld.idx.msk [tilespmem:v12+s25+$0x0], $0xffff;
	v56 =	vtrunc.f32 v56;
	v36 =	vtrunc.f32 v40  }
0x615: {  	v11 =	vmin.u32 v11, $0x9;
	v47 =	vcvt.f32.s32 v47;
	v27 =	vcvt.f32.s32 v36;
	v36 =	vld [tilespmem:$0x1FF80]  }
0x616: {  	v63 =	vtrunc.f32 v32;
	v56 =	vcvt.f32.s32 v56;
	vm1 =	vle.f32 v29, v60;
	v60 =	vld.idx.msk [tilespmem:v17+s25+$0x0], $0xffff  }
0x617: {  	v54 =	vadd.s32 v54, v35;
	v55 =	vmul.f32 $1.000000000e+01, v19;
	v40 =	vmul.f32 $1.000000000e+01, v23;
	v59 =	vld.idx.msk [tilespmem:v52+s25+$0x0], $0xffff  }
0x618: {  	v29 =	vmul.f32 $1.000000000e+01, v25;
	vm2 =	vle.f32 v30, v61;
	v30 =	vmul.f32 $1.000000000e+01, v26;
	v61 =	vld.idx.msk [tilespmem:v62+s25+$0x0], $0xffff  }
0x619: {  	v53 =	vld.idx.msk [tilespmem:v53+s24+$0x0], $0xffff;
	vm7 =	vgt.s32 v57, $0x0;
	v55 =	vtrunc.f32 v55;
	v40 =	vtrunc.f32 v40  }
0x61a: {  	v41 =	vld.idx.msk [tilespmem:v41+s24+$0x0], $0xffff;
	vm9 =	vgt.s32 v47, $0x0;
	v55 =	vcvt.f32.s32 v55;
	v40 =	vcvt.f32.s32 v40  }
0x61b: {  	v35 =	vld.idx.msk [tilespmem:v11+s25+$0x0], $0xffff;
	vm6 =	vgt.s32 v56, $0x0;
	v30 =	vtrunc.f32 v30;
	v29 =	vtrunc.f32 v29  }
0x61c: {  	v32 =	vld.idx.msk [tilespmem:v14+s25+$0x0], $0xffff;
	v30 =	vcvt.f32.s32 v30;
	v29 =	vcvt.f32.s32 v29;
	vm5 =	vle.f32 v51, v59  }
0x61d: {  	v28 =	vld.idx.msk [tilespmem:v16+s25+$0x0], $0xffff;
	vm3 =	vle.f32 v36, v60;
	vm15 =	vle.f32 v48, v61;
	v60 =	vsel vm5, $0xFFFFFFFF, v0  }
0x61e: {  	s10 =	simm.s32 $0x12C60;
	[tilespmem:s7+$0x12C80] =	vst v38;
	v38 =	vld.idx.msk [tilespmem:v44+s24+$0x0], $0xffff;
	vm10 =	vgt.s32 v55, $0x0;
	v61 =	vsel vm15, $0xFFFFFFFF, v0;
	v48 =	vadd.s32 v60, v52  }
0x61f: {  	[tilespmem:s10+$0x50] =	vst v37;
	vm11 =	vgt.s32 v40, $0x0;
	v36 =	vld.idx.msk [tilespmem:v7+s25+$0x0], $0xffff;
	v51 =	vcvt.f32.s32 v63;
	v63 =	vadd.s32 v61, v62  }
0x620: {  	[tilespmem:s9+$0x12C80] =	vst v42;
	v55 =	vnsel vm10, $0x0, v55;
	vm4 =	vgt.s32 v30, $0x0;
	v59 =	vld.idx.msk [tilespmem:v46+s24+$0x0], $0xffff;
	v46 =	vnsel vm7, $0x0, v57  }
0x621: {  	[tilespmem:s10+$0xFFFFFFB0] =	vst v39;
	v30 =	vnsel vm4, $0x0, v30;
	vm4 =	vgt.s32 v29, $0x0;
	v39 =	vmin.u32 v46, $0x9;
	v46 =	vld.idx.msk [tilespmem:v50+s24+$0x0], $0xffff  }
0x622: {  	[tilespmem:s10+$0xFFFFFFA0] =	vst v53;
	v42 =	vmin.u32 v30, $0x9;
	vm5 =	vgt.s32 v27, $0x0;
	vm12 =	vgt.s32 v51, $0x0;
	v52 =	vld.idx.msk [tilespmem:v45+s24+$0x0], $0xffff  }
0x623: {  	[tilespmem:s10+$0xFFFFFFC0] =	vst v43;
	s7 =	simm.s32 $0x12D20;
	v27 =	vnsel vm5, $0x0, v27;
	v45 =	vnsel vm6, $0x0, v56;
	v60 =	vnsel vm8, $0x0, v58;
	v44 =	vld.idx.msk [tilespmem:v48+s24+$0x0], $0xffff  }
0x624: {  	[tilespmem:s7+$0x50] =	vst v41;
	v61 =	vnsel vm9, $0x0, v47;
	v62 =	vnsel vm11, $0x0, v40;
	v51 =	vnsel vm12, $0x0, v51;
	v48 =	vld.idx.msk [tilespmem:v63+s24+$0x0], $0xffff  }
0x625: {  	[tilespmem:s10+$0xFFFFFFD0] =	vst v38;
	v47 =	vld.idx.msk [tilespmem:v31+s24+$0x0], $0xffff;
	v41 =	vmin.u32 v27, $0x9;
	v40 =	vmin.u32 v45, $0x9;
	v38 =	vmin.u32 v60, $0x9  }
0x626: {  	s11 =	simm.s32 $0x18;
	v45 =	vld.idx.msk [tilespmem:v49+s24+$0x0], $0xffff;
	v31 =	vmin.u32 v55, $0x9;
	v37 =	vmin.u32 v61, $0x9;
	[tilespmem:s10+$0xFFFFFFF0] =	vst v59;
	v63 =	vnsel vm4, $0x0, v29  }
0x627: {  	s12 =	simm.s32 $0x66A0;
	s13 =	simm.s32 $0x240;
	s9 =	simm.s32 $0x12DE0;
	v49 =	vld.idx.msk [tilespmem:v54+s24+$0x0], $0xffff;
	v30 =	vmin.u32 v62, $0x9;
	[tilespmem:s10+$0xFFFFFFE0] =	vst v52;
	v29 =	vmin.u32 v51, $0x9;
	v27 =	vmin.u32 v63, $0x9  }
.LBB2_30:
0x628: {  	s14 =	sand.u32 $0x7FC0, s13;
	v43 =	vld [tilespmem:s12+$0x50];
	s11 =	sadd.s32 $0xC, s11;
	[tilespmem:s9+$0x50] =	vst v44;
	vm4 =	vle.f32 v1, v28;
	vm5 =	vle.f32 v2, v32;
	vm6 =	vle.f32 v4, v33  }
0x629: {  	vm7 =	vle.f32 v3, v34;
	vm8 =	vle.f32 v6, v35;
	vm9 =	vle.f32 v5, v36;
	v44 =	vld [tilespmem:s14+$0x6480];
	p0 =	slt.u32 s11, $0x630;
	[tilespmem:s6+$0x12C80] =	vst v48;
	s6 =	smov.u32 s14  }
0x62a: {  	v28 =	vsel vm0, $0xFFFFFFFF, v0;
	v32 =	vsel vm1, $0xFFFFFFFF, v0;
	v34 =	vsel vm2, $0xFFFFFFFF, v0;
	v1 =	vmovc v15;
	v2 =	vmovc v18;
	v33 =	vld [tilespmem:s12+$0xFFFFFFB0];
	[tilespmem:s10+$0x0] =	vst v47  }
0x62b: {  	v36 =	vsel vm3, $0xFFFFFFFF, v0;
	v4 =	vmovc v19;
	v3 =	vmovc v23;
	v48 =	vsel vm5, $0xFFFFFFFF, v0;
	v47 =	vsel vm4, $0xFFFFFFFF, v0;
	v35 =	vld [tilespmem:s12+$0xFFFFFFC0];
	[tilespmem:s10+$0x10] =	vst v45  }
0x62c: {  	v6 =	vmovc v24;
	v5 =	vmovc v25;
	v50 =	vsel vm6, $0xFFFFFFFF, v0;
	v51 =	vsel vm7, $0xFFFFFFFF, v0;
	v52 =	vsel vm8, $0xFFFFFFFF, v0;
	v45 =	vld [tilespmem:s12+$0xFFFFFFD0];
	[tilespmem:s10+$0x30] =	vst v46  }
0x62d: {  	v53 =	vsel vm9, $0xFFFFFFFF, v0;
	v46 =	vadd.s32 v28, v21;
	v21 =	vmovc v42;
	v15 =	vld [tilespmem:s12+$0xFFFFFFE0];
	v23 =	vmul.f32 $1.000000000e+01, v43;
	[tilespmem:s10+$0x40] =	vst v49;
	s10 =	smov.u32 s7;
	s7 =	smov.u32 s9  }
0x62e: {  	v42 =	vadd.s32 v32, v22;
	v22 =	vmovc v41;
	v49 =	vadd.s32 v34, v20;
	v20 =	vmovc v40;
	v18 =	vld [tilespmem:s12+$0xFFFFFFF0];
	v24 =	vmul.f32 $1.000000000e+01, v44  }
0x62f: {  	v40 =	vadd.s32 v36, v17;
	v17 =	vmovc v39;
	v28 =	vmul.f32 $1.000000000e+01, v33;
	v19 =	vld [tilespmem:s12+$0x0];
	v25 =	vtrunc.f32 v23  }
0x630: {  	v39 =	vadd.s32 v47, v16;
	v16 =	vmovc v38;
	v23 =	vld [tilespmem:s12+$0x10];
	v24 =	vtrunc.f32 v24;
	v32 =	vcvt.f32.s32 v25  }
0x631: {  	v38 =	vadd.s32 v48, v14;
	v14 =	vmovc v37;
	v34 =	vmul.f32 $1.000000000e+01, v35;
	v36 =	vcvt.f32.s32 v24;
	v24 =	vld [tilespmem:s12+$0x30]  }
0x632: {  	v37 =	vmul.f32 $1.000000000e+01, v45;
	v41 =	vmul.f32 $1.000000000e+01, v15;
	v25 =	vld [tilespmem:s12+$0x40];
	vm0 =	vgt.s32 v32, $0x0  }
0x633: {  	v47 =	vld [tilespmem:s12+$0xFFFFFFA0];
	v48 =	vmul.f32 $1.000000000e+01, v18;
	vm1 =	vgt.s32 v36, $0x0;
	v32 =	vnsel vm0, $0x0, v32  }
0x634: {  	v54 =	vmul.f32 $1.000000000e+01, v19;
	v36 =	vnsel vm1, $0x0, v36;
	v55 =	vmin.u32 v32, $0x9;
	v32 =	vld.idx.msk [tilespmem:v21+s25+$0x0], $0xffff  }
0x635: {  	v56 =	vtrunc.f32 v28;
	v57 =	vmul.f32 $1.000000000e+01, v23;
	v58 =	vmin.u32 v36, $0x9;
	v36 =	vld.idx.msk [tilespmem:v22+s25+$0x0], $0xffff  }
0x636: {  	v50 =	vadd.s32 v50, v13;
	v13 =	vmovc v31;
	v34 =	vtrunc.f32 v34;
	v59 =	vmul.f32 $1.000000000e+01, v24;
	v60 =	vld.idx.msk [tilespmem:v20+s25+$0x0], $0xffff  }
0x637: {  	v51 =	vadd.s32 v51, v12;
	v12 =	vmovc v30;
	v31 =	vtrunc.f32 v37;
	v37 =	vmul.f32 $1.000000000e+01, v25;
	v61 =	vld.idx.msk [tilespmem:v17+s25+$0x0], $0xffff  }
0x638: {  	v52 =	vadd.s32 v52, v11;
	v11 =	vmovc v29;
	v41 =	vtrunc.f32 v41;
	v30 =	vmul.f32 $1.000000000e+01, v47;
	v28 =	vld.idx.msk [tilespmem:v16+s25+$0x0], $0xffff  }
0x639: {  	v53 =	vadd.s32 v53, v7;
	v7 =	vmovc v27;
	v29 =	vtrunc.f32 v48;
	v48 =	vtrunc.f32 v54;
	v54 =	vld.idx.msk [tilespmem:v55+s25+$0x0], $0xffff  }
0x63a: {  	vm0 =	vle.f32 v26, v32;
	v26 =	vmovc v47;
	v27 =	vtrunc.f32 v30;
	v30 =	vtrunc.f32 v57;
	v57 =	vld.idx.msk [tilespmem:v58+s25+$0x0], $0xffff  }
0x63b: {  	v47 =	vtrunc.f32 v59;
	v37 =	vtrunc.f32 v37;
	vm1 =	vle.f32 v8, v36;
	v8 =	vmovc v33;
	v32 =	vld.idx.msk [tilespmem:v14+s25+$0x0], $0xffff  }
0x63c: {  	v56 =	vcvt.f32.s32 v56;
	v27 =	vcvt.f32.s32 v27;
	vm2 =	vle.f32 v10, v60;
	v10 =	vmovc v35;
	v33 =	vld.idx.msk [tilespmem:v13+s25+$0x0], $0xffff  }
0x63d: {  	v31 =	vcvt.f32.s32 v31;
	v59 =	vcvt.f32.s32 v34;
	vm3 =	vle.f32 v9, v61;
	v9 =	vmovc v45;
	v34 =	vld.idx.msk [tilespmem:v12+s25+$0x0], $0xffff  }
0x63e: {  	v41 =	vcvt.f32.s32 v41;
	v29 =	vcvt.f32.s32 v29;
	vm4 =	vgt.s32 v27, $0x0;
	v35 =	vld.idx.msk [tilespmem:v11+s25+$0x0], $0xffff  }
0x63f: {  	v30 =	vcvt.f32.s32 v30;
	v45 =	vcvt.f32.s32 v48;
	vm5 =	vle.f32 v43, v54;
	v36 =	vld.idx.msk [tilespmem:v7+s25+$0x0], $0xffff  }
0x640: {  	v43 =	vcvt.f32.s32 v47;
	vm6 =	vle.f32 v44, v57;
	v44 =	vsel vm5, $0xFFFFFFFF, v0;
	v46 =	vld.idx.msk [tilespmem:v46+s24+$0x0], $0xffff  }
0x641: {  	v37 =	vcvt.f32.s32 v37;
	v47 =	vsel vm6, $0xFFFFFFFF, v0;
	v44 =	vadd.s32 v44, v55;
	v42 =	vld.idx.msk [tilespmem:v42+s24+$0x0], $0xffff  }
0x642: {  	vm5 =	vgt.s32 v56, $0x0;
	vm6 =	vgt.s32 v59, $0x0;
	v47 =	vadd.s32 v47, v58;
	v49 =	vld.idx.msk [tilespmem:v49+s24+$0x0], $0xffff  }
0x643: {  	vm7 =	vgt.s32 v31, $0x0;
	vm8 =	vgt.s32 v41, $0x0;
	vm9 =	vgt.s32 v29, $0x0;
	v54 =	vld.idx.msk [tilespmem:v40+s24+$0x0], $0xffff  }
0x644: {  	vm11 =	vgt.s32 v30, $0x0;
	vm10 =	vgt.s32 v45, $0x0;
	vm12 =	vgt.s32 v43, $0x0;
	v55 =	vld.idx.msk [tilespmem:v39+s24+$0x0], $0xffff  }
0x645: {  	v27 =	vnsel vm4, $0x0, v27;
	vm4 =	vgt.s32 v37, $0x0;
	v39 =	vnsel vm5, $0x0, v56;
	v56 =	vld.idx.msk [tilespmem:v38+s24+$0x0], $0xffff  }
0x646: {  	v31 =	vnsel vm7, $0x0, v31;
	v57 =	vnsel vm8, $0x0, v41;
	v38 =	vnsel vm6, $0x0, v59;
	v44 =	vld.idx.msk [tilespmem:v44+s24+$0x0], $0xffff;
	[tilespmem:s10+$0xFFFFFFA0] =	vst v46  }
.Ltmp14:
0x647: {  	v29 =	vnsel vm9, $0x0, v29;
	v30 =	vnsel vm11, $0x0, v30;
	v46 =	vnsel vm10, $0x0, v45;
	v48 =	vld.idx.msk [tilespmem:v47+s24+$0x0], $0xffff;
	[tilespmem:s10+$0xFFFFFFB0] =	vst v42;
	(pc) =	sbr.rel @p0 .LBB2_30-.Ltmp14, $4  }
0x648: {  	v42 =	vmin.u32 v27, $0x9;
	v27 =	vnsel vm12, $0x0, v43;
	v43 =	vnsel vm4, $0x0, v37;
	[tilespmem:s10+$0xFFFFFFC0] =	vst v49;
	v47 =	vld.idx.msk [tilespmem:v50+s24+$0x0], $0xffff  }
0x649: {  	v41 =	vmin.u32 v39, $0x9;
	v39 =	vmin.u32 v31, $0x9;
	v40 =	vmin.u32 v38, $0x9;
	[tilespmem:s10+$0xFFFFFFD0] =	vst v54;
	v45 =	vld.idx.msk [tilespmem:v51+s24+$0x0], $0xffff  }
0x64a: {  	v38 =	vmin.u32 v57, $0x9;
	v37 =	vmin.u32 v29, $0x9;
	v31 =	vmin.u32 v46, $0x9;
	[tilespmem:s10+$0xFFFFFFE0] =	vst v55;
	v46 =	vld.idx.msk [tilespmem:v52+s24+$0x0], $0xffff  }
0x64b: {  	s13 =	sadd.s32 $0xC0, s13;
	s9 =	sadd.s32 $0xC0, s9;
	s12 =	sadd.s32 $0xC0, s12;
	v30 =	vmin.u32 v30, $0x9;
	v29 =	vmin.u32 v27, $0x9;
	v27 =	vmin.u32 v43, $0x9;
	[tilespmem:s10+$0xFFFFFFF0] =	vst v56;
	v49 =	vld.idx.msk [tilespmem:v53+s24+$0x0], $0xffff  }
0x64c: {  	_ =	sdelay $0x3  }
0x64d: {  	v43 =	vld.idx.msk [tilespmem:v42+s25+$0x0], $0xffff  }
0x64e: {  	v50 =	vld.idx.msk [tilespmem:v41+s25+$0x0], $0xffff  }
0x64f: {  	v51 =	vld.idx.msk [tilespmem:v40+s25+$0x0], $0xffff  }
0x650: {  	v52 =	vld.idx.msk [tilespmem:v39+s25+$0x0], $0xffff  }
0x651: {  	v53 =	vsel vm0, $0xFFFFFFFF, v0;
	v54 =	vld.idx.msk [tilespmem:v38+s25+$0x0], $0xffff  }
0x652: {  	v55 =	vsel vm1, $0xFFFFFFFF, v0;
	v56 =	vsel vm2, $0xFFFFFFFF, v0;
	v60 =	vld.idx.msk [tilespmem:v31+s25+$0x0], $0xffff;
	v21 =	vadd.s32 v53, v21  }
0x653: {  	vm12 =	vle.f32 v1, v28;
	v1 =	vsel vm3, $0xFFFFFFFF, v0;
	v61 =	vld.idx.msk [tilespmem:v30+s25+$0x0], $0xffff;
	v22 =	vadd.s32 v55, v22  }
0x654: {  	vm13 =	vle.f32 v2, v32;
	v62 =	vld.idx.msk [tilespmem:v29+s25+$0x0], $0xffff;
	vm14 =	vle.f32 v4, v33;
	v20 =	vadd.s32 v56, v20  }
0x655: {  	v32 =	vld.idx.msk [tilespmem:v27+s25+$0x0], $0xffff;
	vm15 =	vle.f32 v3, v34;
	v2 =	vsel vm12, $0xFFFFFFFF, v0;
	v1 =	vadd.s32 v1, v17  }
0x656: {  	[tilespmem:s9+$0x50] =	vst v44;
	vm4 =	vle.f32 v6, v35;
	v53 =	vld.idx.msk [tilespmem:v37+s25+$0x0], $0xffff;
	v63 =	vsel vm13, $0xFFFFFFFF, v0;
	v2 =	vadd.s32 v2, v16  }
0x657: {  	[tilespmem:s6+$0x12C80] =	vst v48;
	vm5 =	vle.f32 v5, v36;
	v33 =	vsel vm14, $0xFFFFFFFF, v0;
	v3 =	vadd.s32 v63, v14;
	v34 =	vld.idx.msk [tilespmem:v21+s24+$0x0], $0xffff  }
0x658: {  	[tilespmem:s10+$0x0] =	vst v47;
	v35 =	vsel vm15, $0xFFFFFFFF, v0;
	v48 =	vsel vm5, $0xFFFFFFFF, v0;
	v4 =	vadd.s32 v33, v13;
	v44 =	vld.idx.msk [tilespmem:v22+s24+$0x0], $0xffff  }
0x659: {  	[tilespmem:s10+$0x10] =	vst v45;
	v45 =	vsel vm4, $0xFFFFFFFF, v0;
	v6 =	vadd.s32 v35, v12;
	v7 =	vadd.s32 v48, v7;
	v47 =	vld.idx.msk [tilespmem:v20+s24+$0x0], $0xffff  }
0x65a: {  	[tilespmem:s10+$0x30] =	vst v46;
	v5 =	vadd.s32 v45, v11;
	vm6 =	vle.f32 v26, v43;
	v1 =	vld.idx.msk [tilespmem:v1+s24+$0x0], $0xffff  }
0x65b: {  	[tilespmem:s10+$0x40] =	vst v49;
	vm7 =	vle.f32 v8, v50;
	vm8 =	vle.f32 v10, v51;
	v50 =	vsel vm6, $0xFFFFFFFF, v0;
	v2 =	vld.idx.msk [tilespmem:v2+s24+$0x0], $0xffff  }
0x65c: {  	vm9 =	vle.f32 v9, v52;
	v56 =	vsel vm7, $0xFFFFFFFF, v0;
	v3 =	vld.idx.msk [tilespmem:v3+s24+$0x0], $0xffff;
	v8 =	vadd.s32 v50, v42;
	[tilespmem:s7+$0xFFFFFFA0] =	vst v34  }
0x65d: {  	vm10 =	vle.f32 v15, v54;
	v57 =	vsel vm8, $0xFFFFFFFF, v0;
	v4 =	vld.idx.msk [tilespmem:v4+s24+$0x0], $0xffff;
	v10 =	vadd.s32 v56, v41;
	[tilespmem:s7+$0xFFFFFFB0] =	vst v44  }
0x65e: {  	vm12 =	vle.f32 v19, v60;
	v58 =	vsel vm9, $0xFFFFFFFF, v0;
	v6 =	vld.idx.msk [tilespmem:v6+s24+$0x0], $0xffff;
	v9 =	vadd.s32 v57, v40;
	[tilespmem:s7+$0xFFFFFFC0] =	vst v47  }
0x65f: {  	vm11 =	vle.f32 v18, v53;
	v59 =	vsel vm10, $0xFFFFFFFF, v0;
	v11 =	vadd.s32 v58, v39;
	[tilespmem:s7+$0xFFFFFFD0] =	vst v1;
	v1 =	vld.idx.msk [tilespmem:v5+s24+$0x0], $0xffff  }
0x660: {  	vm13 =	vle.f32 v23, v61;
	v60 =	vsel vm11, $0xFFFFFFFF, v0;
	v5 =	vadd.s32 v59, v38;
	[tilespmem:s7+$0xFFFFFFE0] =	vst v2;
	v2 =	vld.idx.msk [tilespmem:v7+s24+$0x0], $0xffff  }
0x661: {  	vm14 =	vle.f32 v24, v62;
	v61 =	vsel vm13, $0xFFFFFFFF, v0;
	[tilespmem:s7+$0xFFFFFFF0] =	vst v3;
	v7 =	vadd.s32 v60, v37;
	v8 =	vld.idx.msk [tilespmem:v8+s24+$0x0], $0xffff  }
0x662: {  	v62 =	vsel vm14, $0xFFFFFFFF, v0;
	[tilespmem:s7+$0x0] =	vst v4;
	v10 =	vld.idx.msk [tilespmem:v10+s24+$0x0], $0xffff;
	v4 =	vadd.s32 v61, v30  }
0x663: {  	vm15 =	vle.f32 v25, v32;
	v3 =	vsel vm12, $0xFFFFFFFF, v0;
	[tilespmem:s7+$0x10] =	vst v6;
	v9 =	vld.idx.msk [tilespmem:v9+s24+$0x0], $0xffff;
	v6 =	vadd.s32 v62, v29  }
0x664: {  	v11 =	vld.idx.msk [tilespmem:v11+s24+$0x0], $0xffff;
	v3 =	vadd.s32 v3, v31;
	[tilespmem:s7+$0x30] =	vst v1;
	v1 =	vsel vm15, $0xFFFFFFFF, v0  }
0x665: {  	[tilespmem:s7+$0x40] =	vst v2;
	v1 =	vadd.s32 v1, v27;
	v2 =	vld.idx.msk [tilespmem:v5+s24+$0x0], $0xffff  }
0x666: {  	v63 =	vld.idx.msk [tilespmem:v7+s24+$0x0], $0xffff;
	[tilespmem:s9+$0xFFFFFFA0] =	vst v8  }
0x667: {  	[tilespmem:s9+$0xFFFFFFB0] =	vst v10;
	v4 =	vld.idx.msk [tilespmem:v4+s24+$0x0], $0xffff  }
0x668: {  	[tilespmem:s9+$0xFFFFFFC0] =	vst v9;
	v6 =	vld.idx.msk [tilespmem:v6+s24+$0x0], $0xffff  }
0x669: {  	[tilespmem:s9+$0xFFFFFFD0] =	vst v11;
	v3 =	vld.idx.msk [tilespmem:v3+s24+$0x0], $0xffff  }
0x66a: {  	[tilespmem:s9+$0xFFFFFFE0] =	vst v2;
	v1 =	vld.idx.msk [tilespmem:v1+s24+$0x0], $0xffff  }
0x66b: {  	[tilespmem:s9+$0xFFFFFFF0] =	vst v63  }
0x66c: {  	[tilespmem:s9+$0x10] =	vst v4  }
0x66d: {  	[tilespmem:s9+$0x30] =	vst v6  }
0x66e: {  	[tilespmem:s9+$0x0] =	vst v3  }
0x66f: {  	[tilespmem:s9+$0x40] =	vst v1  }
.LBB2_32:
0x670: {  	s6 =	sshra.s32 s5, $0x2  }
0x671: {  	v1 =	vld [tilespmem:s6+$0xC7C0];
	_ =	sdelay $0x4  }
0x672: {  	v2 =	vmul.f32 $1.000000000e+01, v1;
	_ =	sdelay $0x1  }
0x673: {  	v2 =	vtrunc.f32 v2  }
0x674: {  	v2 =	vcvt.f32.s32 v2;
	_ =	sdelay $0x1  }
0x675: {  	vm0 =	vgt.s32 v2, $0x0  }
0x676: {  	v2 =	vnsel vm0, $0x0, v2  }
0x677: {  	v2 =	vmin.u32 v2, $0x9;
	_ =	sdelay $0x4  }
0x678: {  	v3 =	vld.idx.msk [tilespmem:v2+s25+$0x0], $0xffff;
	_ =	sdelay $0x4  }
0x679: {  	vm15 =	vle.f32 v1, v3  }
0x67a: {  	v1 =	vsel vm15, $0xFFFFFFFF, v0  }
0x67b: {  	v1 =	vadd.s32 v1, v2;
	_ =	sdelay $0x4  }
0x67c: {  	p0 =	sne.s32 s5, $0xC0;
	v1 =	vld.idx.msk [tilespmem:v1+s24+$0x0], $0xffff  }
.Ltmp15:
0x67d: {  	_ = 	snop;
	(pc) =	sbr.rel @p0 .LBB2_32-.Ltmp15, $2  }
0x67e: {  	_ =	sdelay $0x2  }
0x67f: {  	s5 =	sadd.s32 $0x40, s5;
	[tilespmem:s6+$0x18FC0] =	vst v1  }
0x680: {  	[hbm4b:s21+s2] =	stream.linear.scatter [tilespmem:s0], [sflag:$0x4], $0x6400, $0x38;
	[tilespmem:$0x19180] =	vst v63  }
0x681: {  	s4 =	sadd.s32 $0x1, s4  }
0x682: {  	_ =	swait.ge [sflag:s1], $0x6400;
	p0 =	sne.s32 s4, s22  }
.Ltmp16:
0x683: {  	[sflag:s1] =	ssyncset.done $0x0;
	(pc) =	sbr.rel @p0 .LBB2_1-.Ltmp16, $4  }
0x684: {  	[sflag:s1] =	ssyncadd.s32 $0xFFFF9C00  }
0x685: {  	_ =	swait.ge [sflag:s3], $0x6400  }
0x686: {  	[sflag:s3] =	ssyncset.done $0x0  }
0x687: {  	[sflag:s3] =	ssyncadd.s32 $0xFFFF9C00  }
0x688: {  	_ =	sfence.sel $0x180000  }
0x689: {  	[bflag:$0x0] =	sbarrier.arrive $0xFFFF  }
0x68a: {  	_ =	strace $0x90000047  }
0x68b: {  	s0 =	stileid.u32;
	[bflag:$0x2] =	sbarrier.arrive $0xFFFF  }
0x68c: {  	p0 =	sne.s32 s0, $0x0;
	s0 =	rddreg [dreg:$0x4]  }
0x68d: {  	s0 =	sadd.s32 @!p0 $0x100000, s0  }
0x68e: {  	[sflag:s0] =	ssyncadd.tile.s32 @!p0 $0x1;
	_ =	shalt  }
.Lfunc_end2:
_tile_overlayer_lowered:
.L_overlay_start_2:
0x68f: {  	(tag) =	ssettag $0x2  }
0x690: {  	s0 =	rddreg [dreg:$0x0];
	s2 =	stileid.u32  }
0x691: {  	s1 =	rddreg [dreg:$0x1];
	p0 =	sne.s32 s2, $0x0  }
0x692: {  	s3 =	rddreg [dreg:$0x2];
	[bflag:$0x3] =	sbarrier.arrive $0xFFFF;
	s2 =	simm.s32 @!p0 $0x1C06  }
0x693: {  	[timem:s3], [sflag:s2] =	dma.local @!p0 [hbm:s0], s1  }
0x694: {  	s0 =	simm.s32 @!p0 $0x6  }
0x695: {  	_ =	swait.ge @!p0 [sflag:s0], s1  }
0x696: {  	s1 =	ssub.s32 @!p0 $0x0, s1;
	[sflag:s0] =	ssyncset.done @!p0 $0x0  }
0x697: {  	[sflag:s0] =	ssyncadd.s32 @!p0 s1  }
0x698: {  	[bflag:$0x3] =	sbarrier.arrive $0xFFFF  }
0x699: {  	_ =	shalt  }

</sc_bundles>
